<compile_context>
chip_gen: v7x
topology: tpu7x:2x2x1
jax: 0.10.2.dev20260603
libtpu: 0.0.44.dev20260713+nightly
codegen_flags: <defaults>
</compile_context>

<pallas_src>
import functools

import jax
import jax.numpy as jnp
from jax import lax
from jax.experimental import pallas as pl
from jax.experimental.pallas import tpu as pltpu
from jax.experimental.pallas import tpu_sc as plsc

F32 = jnp.float32
BF16 = jnp.bfloat16


def _tables_body(nf_ref, wu_ref, wv_ref, tua_ref, tub_ref, tva_ref, tvb_ref):
    x = nf_ref[...].astype(BF16)
    yu = jnp.dot(x, wu_ref[0].astype(BF16), preferred_element_type=F32)
    yv = jnp.dot(x, wv_ref[0].astype(BF16), preferred_element_type=F32)
    h = yu.shape[1] // 2
    tua_ref[...] = yu[:, :h]
    tub_ref[...] = yu[:, h:]
    tva_ref[...] = yv[:, :h]
    tvb_ref[...] = yv[:, h:]


def _make_tables(nf, Wu, Wv, N, D, BN):
    nb = N // BN
    out = jax.ShapeDtypeStruct((2 * N, D // 2), F32)
    return pl.pallas_call(
        _tables_body,
        grid=(2, nb),
        in_specs=[
            pl.BlockSpec((BN, D), lambda t, i: (i, 0)),
            pl.BlockSpec((1, D, D), lambda t, i: (t, 0, 0)),
            pl.BlockSpec((1, D, D), lambda t, i: (t, 0, 0)),
        ],
        out_specs=[
            pl.BlockSpec((BN, D // 2), lambda t, i: (t * nb + i, 0)),
            pl.BlockSpec((BN, D // 2), lambda t, i: (t * nb + i, 0)),
            pl.BlockSpec((BN, D // 2), lambda t, i: (t * nb + i, 0)),
            pl.BlockSpec((BN, D // 2), lambda t, i: (t * nb + i, 0)),
        ],
        out_shape=[out, out, out, out],
    )(nf, Wu, Wv)


def _edge_body(ef_ref, wef_ref, b_ref, out0_ref, out1_ref):
    x = ef_ref[...].astype(BF16)
    out0_ref[...] = jnp.dot(x, wef_ref[0].astype(BF16),
                            preferred_element_type=F32) + b_ref[0]
    out1_ref[...] = jnp.dot(x, wef_ref[1].astype(BF16),
                            preferred_element_type=F32) + b_ref[1]


def _edge_mlp(ef, Wef, bns, E, D, BE):
    out = jax.ShapeDtypeStruct((E, D), F32)
    return pl.pallas_call(
        _edge_body,
        grid=(E // BE,),
        in_specs=[
            pl.BlockSpec((BE, D), lambda i: (i, 0)),
            pl.BlockSpec((2, D, D), lambda i: (0, 0, 0)),
            pl.BlockSpec((2, 1, D), lambda i: (0, 0, 0)),
        ],
        out_specs=[
            pl.BlockSpec((BE, D), lambda i: (i, 0)),
            pl.BlockSpec((BE, D), lambda i: (i, 0)),
        ],
        out_shape=[out, out],
    )(ef, Wef, bns)


def _sc_edge_body(N, E, D, C, ZR, R,
                  tua, tub, tva, tvb, iu_h, iv_h, efw0_h, efw1_h, mt_h,
                  ef_h, zer_h,
                  uef_h, agga_h, aggb_h,
                  iu_t, iv_t, tu_v, tv_v, ew_v, ew1_v, mk_v, ef_v,
                  msg_v, uef_v, agg_sh,
                  sem_gi0, sem_gi1, sem_ge0, sem_ge1,
                  sem_om0, sem_om1, sem_os0, sem_os1, sem_ix):
    H = D // 2
    cid = lax.axis_index("c")
    sid = lax.axis_index("s")
    ept = E // 16
    nchunk = ept // C
    nz = (2 * N) // ZR
    nzq = (nz + 15) // 16
    sem_gi = (sem_gi0, sem_gi1)
    sem_ge = (sem_ge0, sem_ge1)
    sem_om = (sem_om0, sem_om1)
    sem_os = (sem_os0, sem_os1)

    def zc(q, _):
        qq = sid + q * 16

        @pl.when(qq < nz)
        def _():
            pltpu.sync_copy(zer_h, agg_sh.at[pl.ds(qq * ZR, ZR)])
        return 0
    lax.fori_loop(0, nzq, zc, 0)
    plsc.subcore_barrier()

    def pipeline(tab_u, tab_v, coff):
        row0 = sid * nchunk

        def iblock(b):
            return row0 + b * R, b % 3

        pltpu.sync_copy(iu_h.at[pl.ds(row0, R)], iu_t.at[0])
        pltpu.sync_copy(iv_h.at[pl.ds(row0, R)], iv_t.at[0])
        r1, s1 = iblock(1)
        pltpu.async_copy(iu_h.at[pl.ds(r1, R)], iu_t.at[s1], sem_ix)
        pltpu.async_copy(iv_h.at[pl.ds(r1, R)], iv_t.at[s1], sem_ix)

        def irow(k):
            return (k // R) % 3, k % R

        def gstart(k, p):
            base = sid * ept + k * C
            s, r = irow(k)
            pltpu.async_copy(tab_u.at[iu_t.at[s, r]], tu_v.at[p], sem_gi[p])
            pltpu.async_copy(tab_v.at[iv_t.at[s, r]], tv_v.at[p], sem_gi[p])
            pltpu.async_copy(mt_h.at[iu_t.at[s, r]], mk_v.at[p], sem_gi[p])
            pltpu.async_copy(efw0_h.at[pl.ds(base, C), pl.ds(coff, H)],
                             ew_v.at[p], sem_ge[p])
            pltpu.async_copy(efw1_h.at[pl.ds(base, C), pl.ds(coff, H)],
                             ew1_v.at[p], sem_ge[p])
            pltpu.async_copy(ef_h.at[pl.ds(base, C), pl.ds(coff, H)],
                             ef_v.at[p], sem_ge[p])

        def gdrain(k, p):
            base = sid * ept + k * C
            s, r = irow(k)
            pltpu.make_async_copy(tab_u.at[iu_t.at[s, r]], tu_v.at[p],
                                  sem_gi[p]).wait()
            pltpu.make_async_copy(tab_v.at[iv_t.at[s, r]], tv_v.at[p],
                                  sem_gi[p]).wait()
            pltpu.make_async_copy(mt_h.at[iu_t.at[s, r]], mk_v.at[p],
                                  sem_gi[p]).wait()
            pltpu.make_async_copy(efw0_h.at[pl.ds(base, C), pl.ds(coff, H)],
                                  ew_v.at[p], sem_ge[p]).wait()
            pltpu.make_async_copy(efw1_h.at[pl.ds(base, C), pl.ds(coff, H)],
                                  ew1_v.at[p], sem_ge[p]).wait()
            pltpu.make_async_copy(ef_h.at[pl.ds(base, C), pl.ds(coff, H)],
                                  ef_v.at[p], sem_ge[p]).wait()

        def ostart(k, p):
            base = sid * ept + k * C
            s, r = irow(k)
            pltpu.async_copy(uef_v.at[p],
                             uef_h.at[pl.ds(base, C), pl.ds(coff, H)],
                             sem_om[p])
            pltpu.async_copy(msg_v.at[p], agg_sh.at[iv_t.at[s, r]],
                             sem_os[p], add=True)

        def odrain(k, p):
            base = sid * ept + k * C
            s, r = irow(k)
            pltpu.make_async_copy(uef_v.at[p],
                                  uef_h.at[pl.ds(base, C), pl.ds(coff, H)],
                                  sem_om[p]).wait()
            pltpu.make_async_copy(msg_v.at[p], agg_sh.at[iv_t.at[s, r]],
                                  sem_os[p]).wait()

        def compute(p):
            def row(i, _):
                mb = mk_v[p, i, :] > 0.5
                for j in range(H // 16):
                    sl = pl.ds(j * 16, 16)
                    ew = jnp.where(mb, ew_v[p, i, sl], ew1_v[p, i, sl])
                    m = ew + tu_v[p, i, sl] + tv_v[p, i, sl]
                    msg_v[p, i, sl] = m
                    uef_v[p, i, sl] = m + ef_v[p, i, sl]
                return 0
            lax.fori_loop(0, C, row, 0)

        gstart(0, 0)

        def step(kk, _):
            k0 = kk * 2
            k1 = k0 + 1

            @pl.when(jnp.logical_and(lax.rem(k0, R) == R - 2,
                                     k0 + 2 < nchunk))
            def _():
                rb, sb = iblock((k0 + 2) // R)
                pltpu.make_async_copy(iu_h.at[pl.ds(rb, R)], iu_t.at[sb],
                                      sem_ix).wait()
                pltpu.make_async_copy(iv_h.at[pl.ds(rb, R)], iv_t.at[sb],
                                      sem_ix).wait()

            @pl.when(jnp.logical_and(lax.rem(k0, R) == 0,
                                     k0 + R < nchunk))
            def _():
                rb, sb = iblock(k0 // R + 1)
                pltpu.async_copy(iu_h.at[pl.ds(rb, R)], iu_t.at[sb], sem_ix)
                pltpu.async_copy(iv_h.at[pl.ds(rb, R)], iv_t.at[sb], sem_ix)

            @pl.when(kk >= 1)
            def _():
                odrain(k0 - 2, 0)
            gstart(k1, 1)
            gdrain(k0, 0)
            compute(0)
            ostart(k0, 0)

            @pl.when(kk >= 1)
            def _():
                odrain(k1 - 2, 1)

            @pl.when(kk < nchunk // 2 - 1)
            def _():
                gstart(k1 + 1, 0)
            gdrain(k1, 1)
            compute(1)
            ostart(k1, 1)
            return 0
        lax.fori_loop(0, nchunk // 2, step, 0)
        odrain(nchunk - 2, 0)
        odrain(nchunk - 1, 1)

    @pl.when(cid == 0)
    def _():
        pipeline(tua, tva, 0)

    @pl.when(cid == 1)
    def _():
        pipeline(tub, tvb, H)

    plsc.subcore_barrier()

    def co(q, _):
        qq = sid + q * 16

        @pl.when(qq < nz)
        def _():
            sl = pl.ds(qq * ZR, ZR)

            @pl.when(cid == 0)
            def _():
                pltpu.sync_copy(agg_sh.at[sl], agga_h.at[sl])

            @pl.when(cid == 1)
            def _():
                pltpu.sync_copy(agg_sh.at[sl], aggb_h.at[sl])
        return 0
    lax.fori_loop(0, nzq, co, 0)


def _sc_edges(tua, tub, tva, tvb, iu, iv, efw0, efw1, mt, ef, N, E, D):
    C = 50
    ZR = 200
    R = 10
    H = D // 2
    iu2 = iu.reshape(E // C, C)
    iv2 = iv.reshape(E // C, C)
    zer = jnp.zeros((ZR, H), F32)
    mesh = plsc.VectorSubcoreMesh(core_axis_name="c", subcore_axis_name="s",
                                  num_cores=2, num_subcores=16)
    eh = jax.ShapeDtypeStruct((E, D), F32)
    ah = jax.ShapeDtypeStruct((2 * N, H), F32)
    f = pl.kernel(
        functools.partial(_sc_edge_body, N, E, D, C, ZR, R),
        out_type=[eh, ah, ah],
        mesh=mesh,
        compiler_params=pltpu.CompilerParams(use_tc_tiling_on_sc=False),
        scratch_types=[
            pltpu.VMEM((3, R, C), jnp.int32),
            pltpu.VMEM((3, R, C), jnp.int32),
            pltpu.VMEM((2, C, H), F32),
            pltpu.VMEM((2, C, H), F32),
            pltpu.VMEM((2, C, H), F32),
            pltpu.VMEM((2, C, H), F32),
            pltpu.VMEM((2, C, 16), F32),
            pltpu.VMEM((2, C, H), F32),
            pltpu.VMEM((2, C, H), F32),
            pltpu.VMEM((2, C, H), F32),
            pltpu.VMEM_SHARED((2 * N, H), F32),
            pltpu.SemaphoreType.DMA,
            pltpu.SemaphoreType.DMA,
            pltpu.SemaphoreType.DMA,
            pltpu.SemaphoreType.DMA,
            pltpu.SemaphoreType.DMA,
            pltpu.SemaphoreType.DMA,
            pltpu.SemaphoreType.DMA,
            pltpu.SemaphoreType.DMA,
            pltpu.SemaphoreType.DMA,
        ],
    )
    return f(tua, tub, tva, tvb, iu2, iv2, efw0, efw1, mt, ef, zer)


def _uef_body(ef_ref, m_ref, out_ref):
    out_ref[...] = m_ref[...] + ef_ref[...]


def _uef_add(ef, msg, E, D, BE):
    return pl.pallas_call(
        _uef_body,
        grid=(E // BE,),
        in_specs=[
            pl.BlockSpec((BE, D), lambda i: (i, 0)),
            pl.BlockSpec((BE, D), lambda i: (i, 0)),
        ],
        out_specs=pl.BlockSpec((BE, D), lambda i: (i, 0)),
        out_shape=jax.ShapeDtypeStruct((E, D), F32),
    )(ef, msg)


def _node_body(nf_ref, a0a_ref, a0b_ref, a1a_ref, a1b_ref,
               wc_ref, wd_ref, bc_ref, bd_ref, md_ref, out_ref):
    x = jnp.concatenate([nf_ref[...], a0a_ref[...], a0b_ref[...],
                         a1a_ref[...], a1b_ref[...]], axis=1).astype(BF16)
    yc = jnp.dot(x, wc_ref[...].astype(BF16), preferred_element_type=F32) + bc_ref[...]
    yd = jnp.dot(x, wd_ref[...].astype(BF16), preferred_element_type=F32) + bd_ref[...]
    m = md_ref[...]
    out_ref[...] = m * yc + (1.0 - m) * yd + nf_ref[...]


def _node_mlp(nf, agga, aggb, Wc, Wd, bc, bd, md, N, D, BN):
    nb = N // BN
    h = D // 2
    return pl.pallas_call(
        _node_body,
        grid=(nb,),
        in_specs=[
            pl.BlockSpec((BN, D), lambda i: (i, 0)),
            pl.BlockSpec((BN, h), lambda i: (i, 0)),
            pl.BlockSpec((BN, h), lambda i: (i, 0)),
            pl.BlockSpec((BN, h), lambda i: (i + nb, 0)),
            pl.BlockSpec((BN, h), lambda i: (i + nb, 0)),
            pl.BlockSpec((3 * D, D), lambda i: (0, 0)),
            pl.BlockSpec((3 * D, D), lambda i: (0, 0)),
            pl.BlockSpec((1, D), lambda i: (0, 0)),
            pl.BlockSpec((1, D), lambda i: (0, 0)),
            pl.BlockSpec((BN, 1), lambda i: (i, 0)),
        ],
        out_specs=pl.BlockSpec((BN, D), lambda i: (i, 0)),
        out_shape=jax.ShapeDtypeStruct((N, D), F32),
    )(nf, agga, aggb, agga, aggb, Wc, Wd, bc, bd, md)


def kernel(nf, ef, edge_index, etypes, is_dummy,
           W_outer, b_outer, W_inter, b_inter,
           W_cust, b_cust, W_dummy, b_dummy):
    N, D = nf.shape
    E = ef.shape[0]

    src = edge_index[0]
    dst = edge_index[1]
    iu = etypes * N + src
    iv = etypes * N + dst
    md = (is_dummy == 0).astype(F32).reshape(N, 1)
    mt = jnp.broadcast_to((jnp.arange(2 * N) < N).astype(F32).reshape(-1, 1),
                          (2 * N, 16))

    Wef = jnp.stack([W_outer[:D], W_inter[:D]])
    Wu = jnp.stack([W_outer[D:2 * D], W_inter[D:2 * D]])
    Wv = jnp.stack([W_outer[2 * D:], W_inter[2 * D:]])
    bns = jnp.stack([b_outer, b_inter]).reshape(2, 1, D)

    tua, tub, tva, tvb = _make_tables(nf, Wu, Wv, N, D, BN=N // 10)
    efw0, efw1 = _edge_mlp(ef, Wef, bns, E, D, BE=3200)
    uef, agga, aggb = _sc_edges(tua, tub, tva, tvb, iu, iv,
                                efw0, efw1, mt, ef, N, E, D)
    unf = _node_mlp(nf, agga, aggb, W_cust, W_dummy,
                    b_cust.reshape(1, D), b_dummy.reshape(1, D),
                    md, N, D, BN=N // 5)
    return (unf, uef)

# --- scband reference (transcript-rebuilt; emitter-appended) ---
"""Pipeline reference for scband-hetero-gn-2396591751321 (READ-ONLY COPY).

The authoritative reference and input builder live on the scoring server;
editing this copy changes nothing except your own understanding.
"""

import jax, jax.numpy as jnp
import numpy as np

N = 10000
E = 320000
D = 128
NUM_ETYPES = 2


def setup_inputs(seed: int = 0) -> dict:
    key = jax.random.key(seed)
    ks = jax.random.split(key, 16)
    nf = jax.random.normal(ks[0], (N, D), dtype=jnp.float32)
    ef = jax.random.normal(ks[1], (E, D), dtype=jnp.float32)
    edge_index = jax.random.randint(ks[2], (2, E), 0, N, dtype=jnp.int32)
    etypes = jax.random.randint(ks[3], (E,), 0, NUM_ETYPES, dtype=jnp.int32)
    is_dummy = jax.random.randint(ks[4], (N,), 0, 2, dtype=jnp.int32)
    s = 0.05
    # MLP assumed to be a single Linear(input_dim, output_dim) since updater_params={}
    W_outer = jax.random.normal(ks[5], (3 * D, D), dtype=jnp.float32) * s
    b_outer = jnp.zeros((D,), dtype=jnp.float32)
    W_inter = jax.random.normal(ks[6], (3 * D, D), dtype=jnp.float32) * s
    b_inter = jnp.zeros((D,), dtype=jnp.float32)
    W_cust = jax.random.normal(ks[7], ((1 + NUM_ETYPES) * D, D), dtype=jnp.float32) * s
    b_cust = jnp.zeros((D,), dtype=jnp.float32)
    W_dummy = jax.random.normal(ks[8], ((1 + NUM_ETYPES) * D, D), dtype=jnp.float32) * s
    b_dummy = jnp.zeros((D,), dtype=jnp.float32)
    return {
        "nf": nf, "ef": ef, "edge_index": edge_index, "etypes": etypes,
        "is_dummy": is_dummy,
        "W_outer": W_outer, "b_outer": b_outer,
        "W_inter": W_inter, "b_inter": b_inter,
        "W_cust": W_cust, "b_cust": b_cust,
        "W_dummy": W_dummy, "b_dummy": b_dummy,
    }


def reference(nf, ef, edge_index, etypes, is_dummy,
              W_outer, b_outer, W_inter, b_inter,
              W_cust, b_cust, W_dummy, b_dummy):
    src = edge_index[0]
    dst = edge_index[1]
    u_nf = jnp.take(nf, src, axis=0)
    v_nf = jnp.take(nf, dst, axis=0)
    # edge_update: per-etype MLP on [ef, u, v]
    edge_input = jnp.concatenate([ef, u_nf, v_nf], axis=-1)
    msg_outer = edge_input @ W_outer + b_outer
    msg_inter = edge_input @ W_inter + b_inter
    msg = jnp.where((etypes == 0)[:, None], msg_outer, msg_inter)
    # reduce: scatter-sum messages by (dst node, etype) -> [N, num_etypes, D] -> flatten
    seg = dst * NUM_ETYPES + etypes
    agg = jax.ops.segment_sum(msg, seg, num_segments=N * NUM_ETYPES)
    agg_m = agg.reshape(N, NUM_ETYPES * D)
    # node_update: per-ntype (is_dummy) MLP on [nf, agg_m]
    node_input = jnp.concatenate([nf, agg_m], axis=-1)
    unf_cust = node_input @ W_cust + b_cust
    unf_dummy = node_input @ W_dummy + b_dummy
    unf = jnp.where((is_dummy == 0)[:, None], unf_cust, unf_dummy)
    # residual
    unf = unf + nf
    uef = msg + ef
    return (unf, uef)

if __name__ == "__main__":
    import jax
    _d = setup_inputs()
    print(jax.jit(kernel)(*tuple(_d.values())))

</pallas_src>

<mosaic_0001>
#map = affine_map<(d0, d1) -> (0, 0)>
module attributes {stable_mosaic.version = 14 : i64} {
  func.func @_sc_edge_body(%arg0: i32, %arg1: i32, %arg2: memref<20000x64xf32, #tpu.memory_space<hbm>>, %arg3: memref<20000x64xf32, #tpu.memory_space<hbm>>, %arg4: memref<20000x64xf32, #tpu.memory_space<hbm>>, %arg5: memref<20000x64xf32, #tpu.memory_space<hbm>>, %arg6: memref<6400x50xi32, #tpu.memory_space<hbm>>, %arg7: memref<6400x50xi32, #tpu.memory_space<hbm>>, %arg8: memref<320000x128xf32, #tpu.memory_space<hbm>>, %arg9: memref<320000x128xf32, #tpu.memory_space<hbm>>, %arg10: memref<20000x16xf32, #tpu.memory_space<hbm>>, %arg11: memref<320000x128xf32, #tpu.memory_space<hbm>>, %arg12: memref<200x64xf32, #tpu.memory_space<hbm>>, %arg13: memref<320000x128xf32, #tpu.memory_space<hbm>>, %arg14: memref<20000x64xf32, #tpu.memory_space<hbm>>, %arg15: memref<20000x64xf32, #tpu.memory_space<hbm>>, %arg16: memref<3x10x50xi32, #tpu.memory_space<vmem>>, %arg17: memref<3x10x50xi32, #tpu.memory_space<vmem>>, %arg18: memref<2x50x64xf32, #tpu.memory_space<vmem>>, %arg19: memref<2x50x64xf32, #tpu.memory_space<vmem>>, %arg20: memref<2x50x64xf32, #tpu.memory_space<vmem>>, %arg21: memref<2x50x64xf32, #tpu.memory_space<vmem>>, %arg22: memref<2x50x16xf32, #tpu.memory_space<vmem>>, %arg23: memref<2x50x64xf32, #tpu.memory_space<vmem>>, %arg24: memref<2x50x64xf32, #tpu.memory_space<vmem>>, %arg25: memref<2x50x64xf32, #tpu.memory_space<vmem>>, %arg26: memref<20000x64xf32, #tpu.memory_space<vmem_shared>>, %arg27: memref<!tpu.dma_semaphore, #tpu.memory_space<semaphore_mem>>, %arg28: memref<!tpu.dma_semaphore, #tpu.memory_space<semaphore_mem>>, %arg29: memref<!tpu.dma_semaphore, #tpu.memory_space<semaphore_mem>>, %arg30: memref<!tpu.dma_semaphore, #tpu.memory_space<semaphore_mem>>, %arg31: memref<!tpu.dma_semaphore, #tpu.memory_space<semaphore_mem>>, %arg32: memref<!tpu.dma_semaphore, #tpu.memory_space<semaphore_mem>>, %arg33: memref<!tpu.dma_semaphore, #tpu.memory_space<semaphore_mem>>, %arg34: memref<!tpu.dma_semaphore, #tpu.memory_space<semaphore_mem>>, %arg35: memref<!tpu.dma_semaphore, #tpu.memory_space<semaphore_mem>>) attributes {dimension_semantics = [#tpu.dimension_semantics<core_parallel>, #tpu.dimension_semantics<subcore_parallel>], iteration_bounds = array<i64: 2, 16>, scalar_prefetch = 0 : i64, scratch_operands = 20 : i64, tpu.core_type = #tpu.core_type<sc_vector_subcore>, window_params = [{transform_indices = #map}, {transform_indices = #map}, {transform_indices = #map}, {transform_indices = #map}, {transform_indices = #map}, {transform_indices = #map}, {transform_indices = #map}, {transform_indices = #map}, {transform_indices = #map}, {transform_indices = #map}, {transform_indices = #map}, {transform_indices = #map}, {transform_indices = #map}, {transform_indices = #map}]} {
    %scan3A = arith.constant 0 : i32
    %scan3A_0 = arith.constant 0 : i32
    %scan3A_1 = arith.constant 7 : i32
    %scan3A_2 = arith.addi %scan3A_0, %scan3A_1 : i32
    %scan3A_3 = arith.constant 1 : i32
    %scan3A_4 = scf.for %scan3A_21 = %scan3A_0 to %scan3A_2 step %scan3A_3 iter_args(%scan3A_22 = %scan3A) -> (i32)  : i32 {
      %mul3A = arith.constant 16 : i32
      %mul3A_23 = arith.muli %scan3A_21, %mul3A : i32
      %add3A = arith.addi %arg1, %mul3A_23 : i32
      %lt3A = arith.constant 100 : i32
      %lt3A_24 = arith.cmpi slt, %add3A, %lt3A : i32
      %convert_element_type3A_25 = arith.extui %lt3A_24 : i1 to i32
      %cond3A_26 = arith.constant 0 : i32
      %cond3A_27 = arith.cmpi ne, %convert_element_type3A_25, %cond3A_26 : i32
      scf.if %cond3A_27 {
        %mul3A_29 = arith.constant 200 : i32
        %mul3A_30 = arith.muli %add3A, %mul3A_29 : i32
        "tpu.region"() ({
          %run_scoped3A = tpu.sem_alloc : memref<!tpu.dma_semaphore, #tpu.memory_space<semaphore_mem>>
          %dma_start3A = arith.constant 0 : i32
          %dma_start3A_31 = tpu.memref_slice %arg26[%mul3A_30, %dma_start3A] : memref<20000x64xf32, #tpu.memory_space<vmem_shared>> -> memref<200x64xf32, #tpu.memory_space<vmem_shared>>
          tpu.enqueue_dma source(%arg12 : memref<200x64xf32, #tpu.memory_space<hbm>>) target(%dma_start3A_31 : memref<200x64xf32, #tpu.memory_space<vmem_shared>>) target_semaphore(%run_scoped3A : memref<!tpu.dma_semaphore, #tpu.memory_space<semaphore_mem>>)
          %dma_wait3A = arith.constant 0 : i32
          %dma_wait3A_32 = tpu.memref_slice %arg26[%mul3A_30, %dma_wait3A] : memref<20000x64xf32, #tpu.memory_space<vmem_shared>> -> memref<200x64xf32, #tpu.memory_space<vmem_shared>>
          tpu.wait_dma2 semaphore(%run_scoped3A : memref<!tpu.dma_semaphore, #tpu.memory_space<semaphore_mem>>) src(%arg12 : memref<200x64xf32, #tpu.memory_space<hbm>>) dst(%dma_wait3A_32 : memref<200x64xf32, #tpu.memory_space<vmem_shared>>)
          tpu.yield
        }) : () -> ()
      } else {
      }
      %scan3A_28 = arith.constant 0 : i32
      scf.yield %scan3A_28 : i32
    }
    %scan3A_5 = arith.constant 7 : i32
    %barrier3A = arith.constant 0 : index
    tpu.barrier barrier_id(%barrier3A)
    %eq3A = arith.constant 0 : i32
    %eq3A_6 = arith.cmpi eq, %arg0, %eq3A : i32
    %convert_element_type3A = arith.extui %eq3A_6 : i1 to i32
    %cond3A = arith.constant 0 : i32
    %cond3A_7 = arith.cmpi ne, %convert_element_type3A, %cond3A : i32
    scf.if %cond3A_7 {
      %mul3A = arith.constant 400 : i32
      %mul3A_21 = arith.muli %arg1, %mul3A : i32
      %run_scoped3A = arith.constant 0 : i32
      "tpu.region"() ({
        %run_scoped3A_197 = tpu.sem_alloc : memref<!tpu.dma_semaphore, #tpu.memory_space<semaphore_mem>>
        %dma_start3A_198 = arith.constant 0 : i32
        %dma_start3A_199 = arith.constant 0 : i32
        %dma_start3A_200 = tpu.memref_slice %arg16[%run_scoped3A, %dma_start3A_198, %dma_start3A_199] : memref<3x10x50xi32, #tpu.memory_space<vmem>> -> memref<1x10x50xi32, #tpu.memory_space<vmem>>
        %dma_start3A_201 = tpu.memref_squeeze %dma_start3A_200 : memref<1x10x50xi32, #tpu.memory_space<vmem>> -> memref<10x50xi32, #tpu.memory_space<vmem>>
        %dma_start3A_202 = arith.constant 0 : i32
        %dma_start3A_203 = tpu.memref_slice %arg6[%mul3A_21, %dma_start3A_202] : memref<6400x50xi32, #tpu.memory_space<hbm>> -> memref<10x50xi32, #tpu.memory_space<hbm>>
        %dma_start3A_204 = arith.constant 0 : i32
        %dma_start3A_205 = arith.constant 0 : i32
        %dma_start3A_206 = tpu.memref_slice %arg16[%run_scoped3A, %dma_start3A_204, %dma_start3A_205] : memref<3x10x50xi32, #tpu.memory_space<vmem>> -> memref<1x10x50xi32, #tpu.memory_space<vmem>>
        %dma_start3A_207 = tpu.memref_squeeze %dma_start3A_206 : memref<1x10x50xi32, #tpu.memory_space<vmem>> -> memref<10x50xi32, #tpu.memory_space<vmem>>
        %dma_start3A_208 = arith.constant 0 : i32
        %dma_start3A_209 = tpu.memref_slice %arg6[%mul3A_21, %dma_start3A_208] : memref<6400x50xi32, #tpu.memory_space<hbm>> -> memref<10x50xi32, #tpu.memory_space<hbm>>
        tpu.enqueue_dma source(%dma_start3A_209 : memref<10x50xi32, #tpu.memory_space<hbm>>) target(%dma_start3A_207 : memref<10x50xi32, #tpu.memory_space<vmem>>) target_semaphore(%run_scoped3A_197 : memref<!tpu.dma_semaphore, #tpu.memory_space<semaphore_mem>>)
        %dma_wait3A_210 = arith.constant 0 : i32
        %dma_wait3A_211 = arith.constant 0 : i32
        %dma_wait3A_212 = tpu.memref_slice %arg16[%run_scoped3A, %dma_wait3A_210, %dma_wait3A_211] : memref<3x10x50xi32, #tpu.memory_space<vmem>> -> memref<1x10x50xi32, #tpu.memory_space<vmem>>
        %dma_wait3A_213 = tpu.memref_squeeze %dma_wait3A_212 : memref<1x10x50xi32, #tpu.memory_space<vmem>> -> memref<10x50xi32, #tpu.memory_space<vmem>>
        %dma_wait3A_214 = arith.constant 0 : i32
        %dma_wait3A_215 = tpu.memref_slice %arg6[%mul3A_21, %dma_wait3A_214] : memref<6400x50xi32, #tpu.memory_space<hbm>> -> memref<10x50xi32, #tpu.memory_space<hbm>>
        %dma_wait3A_216 = arith.constant 0 : i32
        %dma_wait3A_217 = arith.constant 0 : i32
        %dma_wait3A_218 = tpu.memref_slice %arg16[%run_scoped3A, %dma_wait3A_216, %dma_wait3A_217] : memref<3x10x50xi32, #tpu.memory_space<vmem>> -> memref<1x10x50xi32, #tpu.memory_space<vmem>>
        %dma_wait3A_219 = tpu.memref_squeeze %dma_wait3A_218 : memref<1x10x50xi32, #tpu.memory_space<vmem>> -> memref<10x50xi32, #tpu.memory_space<vmem>>
        %dma_wait3A_220 = arith.constant 0 : i32
        %dma_wait3A_221 = tpu.memref_slice %arg6[%mul3A_21, %dma_wait3A_220] : memref<6400x50xi32, #tpu.memory_space<hbm>> -> memref<10x50xi32, #tpu.memory_space<hbm>>
        tpu.wait_dma2 semaphore(%run_scoped3A_197 : memref<!tpu.dma_semaphore, #tpu.memory_space<semaphore_mem>>) src(%dma_wait3A_221 : memref<10x50xi32, #tpu.memory_space<hbm>>) dst(%dma_wait3A_219 : memref<10x50xi32, #tpu.memory_space<vmem>>)
        tpu.yield
      }) : () -> ()
      %run_scoped3A_22 = arith.constant 0 : i32
      "tpu.region"() ({
        %run_scoped3A_197 = tpu.sem_alloc : memref<!tpu.dma_semaphore, #tpu.memory_space<semaphore_mem>>
        %dma_start3A_198 = arith.constant 0 : i32
        %dma_start3A_199 = arith.constant 0 : i32
        %dma_start3A_200 = tpu.memref_slice %arg17[%run_scoped3A_22, %dma_start3A_198, %dma_start3A_199] : memref<3x10x50xi32, #tpu.memory_space<vmem>> -> memref<1x10x50xi32, #tpu.memory_space<vmem>>
        %dma_start3A_201 = tpu.memref_squeeze %dma_start3A_200 : memref<1x10x50xi32, #tpu.memory_space<vmem>> -> memref<10x50xi32, #tpu.memory_space<vmem>>
        %dma_start3A_202 = arith.constant 0 : i32
        %dma_start3A_203 = tpu.memref_slice %arg7[%mul3A_21, %dma_start3A_202] : memref<6400x50xi32, #tpu.memory_space<hbm>> -> memref<10x50xi32, #tpu.memory_space<hbm>>
        %dma_start3A_204 = arith.constant 0 : i32
        %dma_start3A_205 = arith.constant 0 : i32
        %dma_start3A_206 = tpu.memref_slice %arg17[%run_scoped3A_22, %dma_start3A_204, %dma_start3A_205] : memref<3x10x50xi32, #tpu.memory_space<vmem>> -> memref<1x10x50xi32, #tpu.memory_space<vmem>>
        %dma_start3A_207 = tpu.memref_squeeze %dma_start3A_206 : memref<1x10x50xi32, #tpu.memory_space<vmem>> -> memref<10x50xi32, #tpu.memory_space<vmem>>
        %dma_start3A_208 = arith.constant 0 : i32
        %dma_start3A_209 = tpu.memref_slice %arg7[%mul3A_21, %dma_start3A_208] : memref<6400x50xi32, #tpu.memory_space<hbm>> -> memref<10x50xi32, #tpu.memory_space<hbm>>
        tpu.enqueue_dma source(%dma_start3A_209 : memref<10x50xi32, #tpu.memory_space<hbm>>) target(%dma_start3A_207 : memref<10x50xi32, #tpu.memory_space<vmem>>) target_semaphore(%run_scoped3A_197 : memref<!tpu.dma_semaphore, #tpu.memory_space<semaphore_mem>>)
        %dma_wait3A_210 = arith.constant 0 : i32
        %dma_wait3A_211 = arith.constant 0 : i32
        %dma_wait3A_212 = tpu.memref_slice %arg17[%run_scoped3A_22, %dma_wait3A_210, %dma_wait3A_211] : memref<3x10x50xi32, #tpu.memory_space<vmem>> -> memref<1x10x50xi32, #tpu.memory_space<vmem>>
        %dma_wait3A_213 = tpu.memref_squeeze %dma_wait3A_212 : memref<1x10x50xi32, #tpu.memory_space<vmem>> -> memref<10x50xi32, #tpu.memory_space<vmem>>
        %dma_wait3A_214 = arith.constant 0 : i32
        %dma_wait3A_215 = tpu.memref_slice %arg7[%mul3A_21, %dma_wait3A_214] : memref<6400x50xi32, #tpu.memory_space<hbm>> -> memref<10x50xi32, #tpu.memory_space<hbm>>
        %dma_wait3A_216 = arith.constant 0 : i32
        %dma_wait3A_217 = arith.constant 0 : i32
        %dma_wait3A_218 = tpu.memref_slice %arg17[%run_scoped3A_22, %dma_wait3A_216, %dma_wait3A_217] : memref<3x10x50xi32, #tpu.memory_space<vmem>> -> memref<1x10x50xi32, #tpu.memory_space<vmem>>
        %dma_wait3A_219 = tpu.memref_squeeze %dma_wait3A_218 : memref<1x10x50xi32, #tpu.memory_space<vmem>> -> memref<10x50xi32, #tpu.memory_space<vmem>>
        %dma_wait3A_220 = arith.constant 0 : i32
        %dma_wait3A_221 = tpu.memref_slice %arg7[%mul3A_21, %dma_wait3A_220] : memref<6400x50xi32, #tpu.memory_space<hbm>> -> memref<10x50xi32, #tpu.memory_space<hbm>>
        tpu.wait_dma2 semaphore(%run_scoped3A_197 : memref<!tpu.dma_semaphore, #tpu.memory_space<semaphore_mem>>) src(%dma_wait3A_221 : memref<10x50xi32, #tpu.memory_space<hbm>>) dst(%dma_wait3A_219 : memref<10x50xi32, #tpu.memory_space<vmem>>)
        tpu.yield
      }) : () -> ()
      %add3A = arith.constant 10 : i32
      %add3A_23 = arith.addi %mul3A_21, %add3A : i32
      %dma_start3A = arith.constant 1 : i32
      %dma_start3A_24 = arith.constant 0 : i32
      %dma_start3A_25 = arith.constant 0 : i32
      %dma_start3A_26 = tpu.memref_slice %arg16[%dma_start3A, %dma_start3A_24, %dma_start3A_25] : memref<3x10x50xi32, #tpu.memory_space<vmem>> -> memref<1x10x50xi32, #tpu.memory_space<vmem>>
      %dma_start3A_27 = tpu.memref_squeeze %dma_start3A_26 : memref<1x10x50xi32, #tpu.memory_space<vmem>> -> memref<10x50xi32, #tpu.memory_space<vmem>>
      %dma_start3A_28 = arith.constant 0 : i32
      %dma_start3A_29 = tpu.memref_slice %arg6[%add3A_23, %dma_start3A_28] : memref<6400x50xi32, #tpu.memory_space<hbm>> -> memref<10x50xi32, #tpu.memory_space<hbm>>
      %dma_start3A_30 = arith.constant 0 : i32
      %dma_start3A_31 = arith.constant 0 : i32
      %dma_start3A_32 = tpu.memref_slice %arg16[%dma_start3A, %dma_start3A_30, %dma_start3A_31] : memref<3x10x50xi32, #tpu.memory_space<vmem>> -> memref<1x10x50xi32, #tpu.memory_space<vmem>>
      %dma_start3A_33 = tpu.memref_squeeze %dma_start3A_32 : memref<1x10x50xi32, #tpu.memory_space<vmem>> -> memref<10x50xi32, #tpu.memory_space<vmem>>
      %dma_start3A_34 = arith.constant 0 : i32
      %dma_start3A_35 = tpu.memref_slice %arg6[%add3A_23, %dma_start3A_34] : memref<6400x50xi32, #tpu.memory_space<hbm>> -> memref<10x50xi32, #tpu.memory_space<hbm>>
      tpu.enqueue_dma source(%dma_start3A_35 : memref<10x50xi32, #tpu.memory_space<hbm>>) target(%dma_start3A_33 : memref<10x50xi32, #tpu.memory_space<vmem>>) target_semaphore(%arg35 : memref<!tpu.dma_semaphore, #tpu.memory_space<semaphore_mem>>)
      %dma_start3A_36 = arith.constant 1 : i32
      %dma_start3A_37 = arith.constant 0 : i32
      %dma_start3A_38 = arith.constant 0 : i32
      %dma_start3A_39 = tpu.memref_slice %arg17[%dma_start3A_36, %dma_start3A_37, %dma_start3A_38] : memref<3x10x50xi32, #tpu.memory_space<vmem>> -> memref<1x10x50xi32, #tpu.memory_space<vmem>>
      %dma_start3A_40 = tpu.memref_squeeze %dma_start3A_39 : memref<1x10x50xi32, #tpu.memory_space<vmem>> -> memref<10x50xi32, #tpu.memory_space<vmem>>
      %dma_start3A_41 = arith.constant 0 : i32
      %dma_start3A_42 = tpu.memref_slice %arg7[%add3A_23, %dma_start3A_41] : memref<6400x50xi32, #tpu.memory_space<hbm>> -> memref<10x50xi32, #tpu.memory_space<hbm>>
      %dma_start3A_43 = arith.constant 0 : i32
      %dma_start3A_44 = arith.constant 0 : i32
      %dma_start3A_45 = tpu.memref_slice %arg17[%dma_start3A_36, %dma_start3A_43, %dma_start3A_44] : memref<3x10x50xi32, #tpu.memory_space<vmem>> -> memref<1x10x50xi32, #tpu.memory_space<vmem>>
      %dma_start3A_46 = tpu.memref_squeeze %dma_start3A_45 : memref<1x10x50xi32, #tpu.memory_space<vmem>> -> memref<10x50xi32, #tpu.memory_space<vmem>>
      %dma_start3A_47 = arith.constant 0 : i32
      %dma_start3A_48 = tpu.memref_slice %arg7[%add3A_23, %dma_start3A_47] : memref<6400x50xi32, #tpu.memory_space<hbm>> -> memref<10x50xi32, #tpu.memory_space<hbm>>
      tpu.enqueue_dma source(%dma_start3A_48 : memref<10x50xi32, #tpu.memory_space<hbm>>) target(%dma_start3A_46 : memref<10x50xi32, #tpu.memory_space<vmem>>) target_semaphore(%arg35 : memref<!tpu.dma_semaphore, #tpu.memory_space<semaphore_mem>>)
      %mul3A_49 = arith.constant 20000 : i32
      %mul3A_50 = arith.muli %arg1, %mul3A_49 : i32
      %add3A_51 = arith.constant 0 : i32
      %add3A_52 = arith.addi %mul3A_50, %add3A_51 : i32
      %dma_start3A_53 = arith.constant 0 : i32
      %dma_start3A_54 = arith.constant 0 : i32
      %dma_start3A_55 = arith.constant 0 : i32
      %dma_start3A_56 = arith.constant 0 : i32
      %dma_start3A_57 = arith.constant 0 : i32
      %dma_start3A_58 = tpu.memref_slice %arg18[%dma_start3A_55, %dma_start3A_56, %dma_start3A_57] : memref<2x50x64xf32, #tpu.memory_space<vmem>> -> memref<1x50x64xf32, #tpu.memory_space<vmem>>
      %dma_start3A_59 = tpu.memref_squeeze %dma_start3A_58 : memref<1x50x64xf32, #tpu.memory_space<vmem>> -> memref<50x64xf32, #tpu.memory_space<vmem>>
      %dma_start3A_60 = arith.constant 0 : i32
      %dma_start3A_61 = tpu.memref_slice %arg16[%dma_start3A_53, %dma_start3A_54, %dma_start3A_60] : memref<3x10x50xi32, #tpu.memory_space<vmem>> -> memref<1x1x50xi32, #tpu.memory_space<vmem>>
      %dma_start3A_62 = tpu.memref_squeeze %dma_start3A_61 : memref<1x1x50xi32, #tpu.memory_space<vmem>> -> memref<50xi32, #tpu.memory_space<vmem>>
      %dma_start3A_63 = arith.constant 0 : i32
      %dma_start3A_64 = arith.constant 0 : i32
      %dma_start3A_65 = tpu.memref_slice %arg2[%dma_start3A_63, %dma_start3A_64] : memref<20000x64xf32, #tpu.memory_space<hbm>> -> memref<20000x64xf32, #tpu.memory_space<hbm>>
      tpu.enqueue_indirect_dma source(%dma_start3A_65 : memref<20000x64xf32, #tpu.memory_space<hbm>>) target(%dma_start3A_59 : memref<50x64xf32, #tpu.memory_space<vmem>>) offsets(%dma_start3A_62 : memref<50xi32, #tpu.memory_space<vmem>>) semaphore(%arg27 : memref<!tpu.dma_semaphore, #tpu.memory_space<semaphore_mem>>)
      %dma_start3A_66 = arith.constant 0 : i32
      %dma_start3A_67 = arith.constant 0 : i32
      %dma_start3A_68 = arith.constant 0 : i32
      %dma_start3A_69 = arith.constant 0 : i32
      %dma_start3A_70 = arith.constant 0 : i32
      %dma_start3A_71 = tpu.memref_slice %arg19[%dma_start3A_68, %dma_start3A_69, %dma_start3A_70] : memref<2x50x64xf32, #tpu.memory_space<vmem>> -> memref<1x50x64xf32, #tpu.memory_space<vmem>>
      %dma_start3A_72 = tpu.memref_squeeze %dma_start3A_71 : memref<1x50x64xf32, #tpu.memory_space<vmem>> -> memref<50x64xf32, #tpu.memory_space<vmem>>
      %dma_start3A_73 = arith.constant 0 : i32
      %dma_start3A_74 = tpu.memref_slice %arg17[%dma_start3A_66, %dma_start3A_67, %dma_start3A_73] : memref<3x10x50xi32, #tpu.memory_space<vmem>> -> memref<1x1x50xi32, #tpu.memory_space<vmem>>
      %dma_start3A_75 = tpu.memref_squeeze %dma_start3A_74 : memref<1x1x50xi32, #tpu.memory_space<vmem>> -> memref<50xi32, #tpu.memory_space<vmem>>
      %dma_start3A_76 = arith.constant 0 : i32
      %dma_start3A_77 = arith.constant 0 : i32
      %dma_start3A_78 = tpu.memref_slice %arg4[%dma_start3A_76, %dma_start3A_77] : memref<20000x64xf32, #tpu.memory_space<hbm>> -> memref<20000x64xf32, #tpu.memory_space<hbm>>
      tpu.enqueue_indirect_dma source(%dma_start3A_78 : memref<20000x64xf32, #tpu.memory_space<hbm>>) target(%dma_start3A_72 : memref<50x64xf32, #tpu.memory_space<vmem>>) offsets(%dma_start3A_75 : memref<50xi32, #tpu.memory_space<vmem>>) semaphore(%arg27 : memref<!tpu.dma_semaphore, #tpu.memory_space<semaphore_mem>>)
      %dma_start3A_79 = arith.constant 0 : i32
      %dma_start3A_80 = arith.constant 0 : i32
      %dma_start3A_81 = arith.constant 0 : i32
      %dma_start3A_82 = arith.constant 0 : i32
      %dma_start3A_83 = arith.constant 0 : i32
      %dma_start3A_84 = tpu.memref_slice %arg22[%dma_start3A_81, %dma_start3A_82, %dma_start3A_83] : memref<2x50x16xf32, #tpu.memory_space<vmem>> -> memref<1x50x16xf32, #tpu.memory_space<vmem>>
      %dma_start3A_85 = tpu.memref_squeeze %dma_start3A_84 : memref<1x50x16xf32, #tpu.memory_space<vmem>> -> memref<50x16xf32, #tpu.memory_space<vmem>>
      %dma_start3A_86 = arith.constant 0 : i32
      %dma_start3A_87 = tpu.memref_slice %arg16[%dma_start3A_79, %dma_start3A_80, %dma_start3A_86] : memref<3x10x50xi32, #tpu.memory_space<vmem>> -> memref<1x1x50xi32, #tpu.memory_space<vmem>>
      %dma_start3A_88 = tpu.memref_squeeze %dma_start3A_87 : memref<1x1x50xi32, #tpu.memory_space<vmem>> -> memref<50xi32, #tpu.memory_space<vmem>>
      %dma_start3A_89 = arith.constant 0 : i32
      %dma_start3A_90 = arith.constant 0 : i32
      %dma_start3A_91 = tpu.memref_slice %arg10[%dma_start3A_89, %dma_start3A_90] : memref<20000x16xf32, #tpu.memory_space<hbm>> -> memref<20000x16xf32, #tpu.memory_space<hbm>>
      tpu.enqueue_indirect_dma source(%dma_start3A_91 : memref<20000x16xf32, #tpu.memory_space<hbm>>) target(%dma_start3A_85 : memref<50x16xf32, #tpu.memory_space<vmem>>) offsets(%dma_start3A_88 : memref<50xi32, #tpu.memory_space<vmem>>) semaphore(%arg27 : memref<!tpu.dma_semaphore, #tpu.memory_space<semaphore_mem>>)
      %dma_start3A_92 = arith.constant 0 : i32
      %dma_start3A_93 = arith.constant 0 : i32
      %dma_start3A_94 = arith.constant 0 : i32
      %dma_start3A_95 = tpu.memref_slice %arg20[%dma_start3A_92, %dma_start3A_93, %dma_start3A_94] : memref<2x50x64xf32, #tpu.memory_space<vmem>> -> memref<1x50x64xf32, #tpu.memory_space<vmem>>
      %dma_start3A_96 = tpu.memref_squeeze %dma_start3A_95 : memref<1x50x64xf32, #tpu.memory_space<vmem>> -> memref<50x64xf32, #tpu.memory_space<vmem>>
      %dma_start3A_97 = arith.constant 0 : i32
      %dma_start3A_98 = tpu.memref_slice %arg8[%add3A_52, %dma_start3A_97] : memref<320000x128xf32, #tpu.memory_space<hbm>> -> memref<50x64xf32, #tpu.memory_space<hbm>>
      %dma_start3A_99 = arith.constant 0 : i32
      %dma_start3A_100 = arith.constant 0 : i32
      %dma_start3A_101 = tpu.memref_slice %arg20[%dma_start3A_92, %dma_start3A_99, %dma_start3A_100] : memref<2x50x64xf32, #tpu.memory_space<vmem>> -> memref<1x50x64xf32, #tpu.memory_space<vmem>>
      %dma_start3A_102 = tpu.memref_squeeze %dma_start3A_101 : memref<1x50x64xf32, #tpu.memory_space<vmem>> -> memref<50x64xf32, #tpu.memory_space<vmem>>
      %dma_start3A_103 = arith.constant 0 : i32
      %dma_start3A_104 = tpu.memref_slice %arg8[%add3A_52, %dma_start3A_103] : memref<320000x128xf32, #tpu.memory_space<hbm>> -> memref<50x64xf32, #tpu.memory_space<hbm>>
      tpu.enqueue_dma source(%dma_start3A_104 : memref<50x64xf32, #tpu.memory_space<hbm>>) target(%dma_start3A_102 : memref<50x64xf32, #tpu.memory_space<vmem>>) target_semaphore(%arg29 : memref<!tpu.dma_semaphore, #tpu.memory_space<semaphore_mem>>)
      %dma_start3A_105 = arith.constant 0 : i32
      %dma_start3A_106 = arith.constant 0 : i32
      %dma_start3A_107 = arith.constant 0 : i32
      %dma_start3A_108 = tpu.memref_slice %arg21[%dma_start3A_105, %dma_start3A_106, %dma_start3A_107] : memref<2x50x64xf32, #tpu.memory_space<vmem>> -> memref<1x50x64xf32, #tpu.memory_space<vmem>>
      %dma_start3A_109 = tpu.memref_squeeze %dma_start3A_108 : memref<1x50x64xf32, #tpu.memory_space<vmem>> -> memref<50x64xf32, #tpu.memory_space<vmem>>
      %dma_start3A_110 = arith.constant 0 : i32
      %dma_start3A_111 = tpu.memref_slice %arg9[%add3A_52, %dma_start3A_110] : memref<320000x128xf32, #tpu.memory_space<hbm>> -> memref<50x64xf32, #tpu.memory_space<hbm>>
      %dma_start3A_112 = arith.constant 0 : i32
      %dma_start3A_113 = arith.constant 0 : i32
      %dma_start3A_114 = tpu.memref_slice %arg21[%dma_start3A_105, %dma_start3A_112, %dma_start3A_113] : memref<2x50x64xf32, #tpu.memory_space<vmem>> -> memref<1x50x64xf32, #tpu.memory_space<vmem>>
      %dma_start3A_115 = tpu.memref_squeeze %dma_start3A_114 : memref<1x50x64xf32, #tpu.memory_space<vmem>> -> memref<50x64xf32, #tpu.memory_space<vmem>>
      %dma_start3A_116 = arith.constant 0 : i32
      %dma_start3A_117 = tpu.memref_slice %arg9[%add3A_52, %dma_start3A_116] : memref<320000x128xf32, #tpu.memory_space<hbm>> -> memref<50x64xf32, #tpu.memory_space<hbm>>
      tpu.enqueue_dma source(%dma_start3A_117 : memref<50x64xf32, #tpu.memory_space<hbm>>) target(%dma_start3A_115 : memref<50x64xf32, #tpu.memory_space<vmem>>) target_semaphore(%arg29 : memref<!tpu.dma_semaphore, #tpu.memory_space<semaphore_mem>>)
      %dma_start3A_118 = arith.constant 0 : i32
      %dma_start3A_119 = arith.constant 0 : i32
      %dma_start3A_120 = arith.constant 0 : i32
      %dma_start3A_121 = tpu.memref_slice %arg23[%dma_start3A_118, %dma_start3A_119, %dma_start3A_120] : memref<2x50x64xf32, #tpu.memory_space<vmem>> -> memref<1x50x64xf32, #tpu.memory_space<vmem>>
      %dma_start3A_122 = tpu.memref_squeeze %dma_start3A_121 : memref<1x50x64xf32, #tpu.memory_space<vmem>> -> memref<50x64xf32, #tpu.memory_space<vmem>>
      %dma_start3A_123 = arith.constant 0 : i32
      %dma_start3A_124 = tpu.memref_slice %arg11[%add3A_52, %dma_start3A_123] : memref<320000x128xf32, #tpu.memory_space<hbm>> -> memref<50x64xf32, #tpu.memory_space<hbm>>
      %dma_start3A_125 = arith.constant 0 : i32
      %dma_start3A_126 = arith.constant 0 : i32
      %dma_start3A_127 = tpu.memref_slice %arg23[%dma_start3A_118, %dma_start3A_125, %dma_start3A_126] : memref<2x50x64xf32, #tpu.memory_space<vmem>> -> memref<1x50x64xf32, #tpu.memory_space<vmem>>
      %dma_start3A_128 = tpu.memref_squeeze %dma_start3A_127 : memref<1x50x64xf32, #tpu.memory_space<vmem>> -> memref<50x64xf32, #tpu.memory_space<vmem>>
      %dma_start3A_129 = arith.constant 0 : i32
      %dma_start3A_130 = tpu.memref_slice %arg11[%add3A_52, %dma_start3A_129] : memref<320000x128xf32, #tpu.memory_space<hbm>> -> memref<50x64xf32, #tpu.memory_space<hbm>>
      tpu.enqueue_dma source(%dma_start3A_130 : memref<50x64xf32, #tpu.memory_space<hbm>>) target(%dma_start3A_128 : memref<50x64xf32, #tpu.memory_space<vmem>>) target_semaphore(%arg29 : memref<!tpu.dma_semaphore, #tpu.memory_space<semaphore_mem>>)
      %scan3A_131 = arith.constant 0 : i32
      %scan3A_132 = arith.constant 0 : i32
      %scan3A_133 = arith.constant 200 : i32
      %scan3A_134 = arith.addi %scan3A_132, %scan3A_133 : i32
      %scan3A_135 = arith.constant 1 : i32
      %scan3A_136 = scf.for %scan3A_197 = %scan3A_132 to %scan3A_134 step %scan3A_135 iter_args(%scan3A_198 = %scan3A_131) -> (i32)  : i32 {
        %mul3A_199 = arith.constant 2 : i32
        %mul3A_200 = arith.muli %scan3A_197, %mul3A_199 : i32
        %add3A_201 = arith.constant 1 : i32
        %add3A_202 = arith.addi %mul3A_200, %add3A_201 : i32
        %rem3A = arith.constant 10 : i32
        %rem3A_203 = arith.remsi %mul3A_200, %rem3A : i32
        %eq3A_204 = arith.constant 8 : i32
        %eq3A_205 = arith.cmpi eq, %rem3A_203, %eq3A_204 : i32
        %add3A_206 = arith.constant 2 : i32
        %add3A_207 = arith.addi %mul3A_200, %add3A_206 : i32
        %lt3A = arith.constant 400 : i32
        %lt3A_208 = arith.cmpi slt, %add3A_207, %lt3A : i32
        %and3A = arith.andi %eq3A_205, %lt3A_208 : i1
        %convert_element_type3A_209 = arith.extui %and3A : i1 to i32
        %cond3A_210 = arith.constant 0 : i32
        %cond3A_211 = arith.cmpi ne, %convert_element_type3A_209, %cond3A_210 : i32
        scf.if %cond3A_211 {
          %add3A_816 = arith.constant 2 : i32
          %add3A_817 = arith.addi %mul3A_200, %add3A_816 : i32
          %jit3A_818 = arith.constant 10 : i32
          %div3A_819 = arith.divsi %add3A_817, %jit3A_818 : i32
          %sign3A_820 = arith.constant 0 : i32
          %sign3A_821 = arith.cmpi sgt, %add3A_817, %sign3A_820 : i32
          %sign3A_822 = arith.extui %sign3A_821 : i1 to i32
          %sign3A_823 = arith.constant 0 : i32
          %sign3A_824 = arith.cmpi slt, %add3A_817, %sign3A_823 : i32
          %sign3A_825 = arith.extui %sign3A_824 : i1 to i32
          %sign3A_826 = arith.subi %sign3A_822, %sign3A_825 : i32
          %sign3A_827 = arith.constant 0 : i32
          %sign3A_828 = arith.cmpi sgt, %jit3A_818, %sign3A_827 : i32
          %sign3A_829 = arith.extui %sign3A_828 : i1 to i32
          %sign3A_830 = arith.constant 0 : i32
          %sign3A_831 = arith.cmpi slt, %jit3A_818, %sign3A_830 : i32
          %sign3A_832 = arith.extui %sign3A_831 : i1 to i32
          %sign3A_833 = arith.subi %sign3A_829, %sign3A_832 : i32
          %ne3A_834 = arith.cmpi ne, %sign3A_826, %sign3A_833 : i32
          %rem3A_835 = arith.remsi %add3A_817, %jit3A_818 : i32
          %ne3A_836 = arith.constant 0 : i32
          %ne3A_837 = arith.cmpi ne, %rem3A_835, %ne3A_836 : i32
          %and3A_838 = arith.andi %ne3A_834, %ne3A_837 : i1
          %sub3A_839 = arith.constant 1 : i32
          %sub3A_840 = arith.subi %div3A_819, %sub3A_839 : i32
          %select_n3A_841 = arith.select %and3A_838, %sub3A_840, %div3A_819 : i32
          %mul3A_842 = arith.constant 10 : i32
          %mul3A_843 = arith.muli %select_n3A_841, %mul3A_842 : i32
          %add3A_844 = arith.addi %mul3A_21, %mul3A_843 : i32
          %jit3A_845 = arith.constant 3 : i32
          %eq3A_846 = arith.constant 0 : i32
          %eq3A_847 = arith.cmpi eq, %jit3A_845, %eq3A_846 : i32
          %jit3A_848 = arith.constant 1 : i32
          %select_n3A_849 = arith.select %eq3A_847, %jit3A_848, %jit3A_845 : i32
          %rem3A_850 = arith.remsi %select_n3A_841, %select_n3A_849 : i32
          %ne3A_851 = arith.constant 0 : i32
          %ne3A_852 = arith.cmpi ne, %rem3A_850, %ne3A_851 : i32
          %lt3A_853 = arith.constant 0 : i32
          %lt3A_854 = arith.cmpi slt, %rem3A_850, %lt3A_853 : i32
          %lt3A_855 = arith.constant 0 : i32
          %lt3A_856 = arith.cmpi slt, %select_n3A_849, %lt3A_855 : i32
          %ne3A_857 = arith.xori %lt3A_854, %lt3A_856 : i1
          %and3A_858 = arith.andi %ne3A_857, %ne3A_852 : i1
          %add3A_859 = arith.addi %rem3A_850, %select_n3A_849 : i32
          %select_n3A_860 = arith.select %and3A_858, %add3A_859, %rem3A_850 : i32
          %dma_wait3A_861 = arith.constant 0 : i32
          %dma_wait3A_862 = arith.constant 0 : i32
          %dma_wait3A_863 = tpu.memref_slice %arg16[%select_n3A_860, %dma_wait3A_861, %dma_wait3A_862] : memref<3x10x50xi32, #tpu.memory_space<vmem>> -> memref<1x10x50xi32, #tpu.memory_space<vmem>>
          %dma_wait3A_864 = tpu.memref_squeeze %dma_wait3A_863 : memref<1x10x50xi32, #tpu.memory_space<vmem>> -> memref<10x50xi32, #tpu.memory_space<vmem>>
          %dma_wait3A_865 = arith.constant 0 : i32
          %dma_wait3A_866 = tpu.memref_slice %arg6[%add3A_844, %dma_wait3A_865] : memref<6400x50xi32, #tpu.memory_space<hbm>> -> memref<10x50xi32, #tpu.memory_space<hbm>>
          %dma_wait3A_867 = arith.constant 0 : i32
          %dma_wait3A_868 = arith.constant 0 : i32
          %dma_wait3A_869 = tpu.memref_slice %arg16[%select_n3A_860, %dma_wait3A_867, %dma_wait3A_868] : memref<3x10x50xi32, #tpu.memory_space<vmem>> -> memref<1x10x50xi32, #tpu.memory_space<vmem>>
          %dma_wait3A_870 = tpu.memref_squeeze %dma_wait3A_869 : memref<1x10x50xi32, #tpu.memory_space<vmem>> -> memref<10x50xi32, #tpu.memory_space<vmem>>
          %dma_wait3A_871 = arith.constant 0 : i32
          %dma_wait3A_872 = tpu.memref_slice %arg6[%add3A_844, %dma_wait3A_871] : memref<6400x50xi32, #tpu.memory_space<hbm>> -> memref<10x50xi32, #tpu.memory_space<hbm>>
          tpu.wait_dma2 semaphore(%arg35 : memref<!tpu.dma_semaphore, #tpu.memory_space<semaphore_mem>>) src(%dma_wait3A_872 : memref<10x50xi32, #tpu.memory_space<hbm>>) dst(%dma_wait3A_870 : memref<10x50xi32, #tpu.memory_space<vmem>>)
          %dma_wait3A_873 = arith.constant 0 : i32
          %dma_wait3A_874 = arith.constant 0 : i32
          %dma_wait3A_875 = tpu.memref_slice %arg17[%select_n3A_860, %dma_wait3A_873, %dma_wait3A_874] : memref<3x10x50xi32, #tpu.memory_space<vmem>> -> memref<1x10x50xi32, #tpu.memory_space<vmem>>
          %dma_wait3A_876 = tpu.memref_squeeze %dma_wait3A_875 : memref<1x10x50xi32, #tpu.memory_space<vmem>> -> memref<10x50xi32, #tpu.memory_space<vmem>>
          %dma_wait3A_877 = arith.constant 0 : i32
          %dma_wait3A_878 = tpu.memref_slice %arg7[%add3A_844, %dma_wait3A_877] : memref<6400x50xi32, #tpu.memory_space<hbm>> -> memref<10x50xi32, #tpu.memory_space<hbm>>
          %dma_wait3A_879 = arith.constant 0 : i32
          %dma_wait3A_880 = arith.constant 0 : i32
          %dma_wait3A_881 = tpu.memref_slice %arg17[%select_n3A_860, %dma_wait3A_879, %dma_wait3A_880] : memref<3x10x50xi32, #tpu.memory_space<vmem>> -> memref<1x10x50xi32, #tpu.memory_space<vmem>>
          %dma_wait3A_882 = tpu.memref_squeeze %dma_wait3A_881 : memref<1x10x50xi32, #tpu.memory_space<vmem>> -> memref<10x50xi32, #tpu.memory_space<vmem>>
          %dma_wait3A_883 = arith.constant 0 : i32
          %dma_wait3A_884 = tpu.memref_slice %arg7[%add3A_844, %dma_wait3A_883] : memref<6400x50xi32, #tpu.memory_space<hbm>> -> memref<10x50xi32, #tpu.memory_space<hbm>>
          tpu.wait_dma2 semaphore(%arg35 : memref<!tpu.dma_semaphore, #tpu.memory_space<semaphore_mem>>) src(%dma_wait3A_884 : memref<10x50xi32, #tpu.memory_space<hbm>>) dst(%dma_wait3A_882 : memref<10x50xi32, #tpu.memory_space<vmem>>)
        } else {
        }
        %rem3A_212 = arith.constant 10 : i32
        %rem3A_213 = arith.remsi %mul3A_200, %rem3A_212 : i32
        %eq3A_214 = arith.constant 0 : i32
        %eq3A_215 = arith.cmpi eq, %rem3A_213, %eq3A_214 : i32
        %add3A_216 = arith.constant 10 : i32
        %add3A_217 = arith.addi %mul3A_200, %add3A_216 : i32
        %lt3A_218 = arith.constant 400 : i32
        %lt3A_219 = arith.cmpi slt, %add3A_217, %lt3A_218 : i32
        %and3A_220 = arith.andi %eq3A_215, %lt3A_219 : i1
        %convert_element_type3A_221 = arith.extui %and3A_220 : i1 to i32
        %cond3A_222 = arith.constant 0 : i32
        %cond3A_223 = arith.cmpi ne, %convert_element_type3A_221, %cond3A_222 : i32
        scf.if %cond3A_223 {
          %jit3A_816 = arith.constant 10 : i32
          %div3A_817 = arith.divsi %mul3A_200, %jit3A_816 : i32
          %sign3A_818 = arith.constant 0 : i32
          %sign3A_819 = arith.cmpi sgt, %mul3A_200, %sign3A_818 : i32
          %sign3A_820 = arith.extui %sign3A_819 : i1 to i32
          %sign3A_821 = arith.constant 0 : i32
          %sign3A_822 = arith.cmpi slt, %mul3A_200, %sign3A_821 : i32
          %sign3A_823 = arith.extui %sign3A_822 : i1 to i32
          %sign3A_824 = arith.subi %sign3A_820, %sign3A_823 : i32
          %sign3A_825 = arith.constant 0 : i32
          %sign3A_826 = arith.cmpi sgt, %jit3A_816, %sign3A_825 : i32
          %sign3A_827 = arith.extui %sign3A_826 : i1 to i32
          %sign3A_828 = arith.constant 0 : i32
          %sign3A_829 = arith.cmpi slt, %jit3A_816, %sign3A_828 : i32
          %sign3A_830 = arith.extui %sign3A_829 : i1 to i32
          %sign3A_831 = arith.subi %sign3A_827, %sign3A_830 : i32
          %ne3A_832 = arith.cmpi ne, %sign3A_824, %sign3A_831 : i32
          %rem3A_833 = arith.remsi %mul3A_200, %jit3A_816 : i32
          %ne3A_834 = arith.constant 0 : i32
          %ne3A_835 = arith.cmpi ne, %rem3A_833, %ne3A_834 : i32
          %and3A_836 = arith.andi %ne3A_832, %ne3A_835 : i1
          %sub3A_837 = arith.constant 1 : i32
          %sub3A_838 = arith.subi %div3A_817, %sub3A_837 : i32
          %select_n3A_839 = arith.select %and3A_836, %sub3A_838, %div3A_817 : i32
          %add3A_840 = arith.constant 1 : i32
          %add3A_841 = arith.addi %select_n3A_839, %add3A_840 : i32
          %mul3A_842 = arith.constant 10 : i32
          %mul3A_843 = arith.muli %add3A_841, %mul3A_842 : i32
          %add3A_844 = arith.addi %mul3A_21, %mul3A_843 : i32
          %jit3A_845 = arith.constant 3 : i32
          %eq3A_846 = arith.constant 0 : i32
          %eq3A_847 = arith.cmpi eq, %jit3A_845, %eq3A_846 : i32
          %jit3A_848 = arith.constant 1 : i32
          %select_n3A_849 = arith.select %eq3A_847, %jit3A_848, %jit3A_845 : i32
          %rem3A_850 = arith.remsi %add3A_841, %select_n3A_849 : i32
          %ne3A_851 = arith.constant 0 : i32
          %ne3A_852 = arith.cmpi ne, %rem3A_850, %ne3A_851 : i32
          %lt3A_853 = arith.constant 0 : i32
          %lt3A_854 = arith.cmpi slt, %rem3A_850, %lt3A_853 : i32
          %lt3A_855 = arith.constant 0 : i32
          %lt3A_856 = arith.cmpi slt, %select_n3A_849, %lt3A_855 : i32
          %ne3A_857 = arith.xori %lt3A_854, %lt3A_856 : i1
          %and3A_858 = arith.andi %ne3A_857, %ne3A_852 : i1
          %add3A_859 = arith.addi %rem3A_850, %select_n3A_849 : i32
          %select_n3A_860 = arith.select %and3A_858, %add3A_859, %rem3A_850 : i32
          %dma_start3A_861 = arith.constant 0 : i32
          %dma_start3A_862 = arith.constant 0 : i32
          %dma_start3A_863 = tpu.memref_slice %arg16[%select_n3A_860, %dma_start3A_861, %dma_start3A_862] : memref<3x10x50xi32, #tpu.memory_space<vmem>> -> memref<1x10x50xi32, #tpu.memory_space<vmem>>
          %dma_start3A_864 = tpu.memref_squeeze %dma_start3A_863 : memref<1x10x50xi32, #tpu.memory_space<vmem>> -> memref<10x50xi32, #tpu.memory_space<vmem>>
          %dma_start3A_865 = arith.constant 0 : i32
          %dma_start3A_866 = tpu.memref_slice %arg6[%add3A_844, %dma_start3A_865] : memref<6400x50xi32, #tpu.memory_space<hbm>> -> memref<10x50xi32, #tpu.memory_space<hbm>>
          %dma_start3A_867 = arith.constant 0 : i32
          %dma_start3A_868 = arith.constant 0 : i32
          %dma_start3A_869 = tpu.memref_slice %arg16[%select_n3A_860, %dma_start3A_867, %dma_start3A_868] : memref<3x10x50xi32, #tpu.memory_space<vmem>> -> memref<1x10x50xi32, #tpu.memory_space<vmem>>
          %dma_start3A_870 = tpu.memref_squeeze %dma_start3A_869 : memref<1x10x50xi32, #tpu.memory_space<vmem>> -> memref<10x50xi32, #tpu.memory_space<vmem>>
          %dma_start3A_871 = arith.constant 0 : i32
          %dma_start3A_872 = tpu.memref_slice %arg6[%add3A_844, %dma_start3A_871] : memref<6400x50xi32, #tpu.memory_space<hbm>> -> memref<10x50xi32, #tpu.memory_space<hbm>>
          tpu.enqueue_dma source(%dma_start3A_872 : memref<10x50xi32, #tpu.memory_space<hbm>>) target(%dma_start3A_870 : memref<10x50xi32, #tpu.memory_space<vmem>>) target_semaphore(%arg35 : memref<!tpu.dma_semaphore, #tpu.memory_space<semaphore_mem>>)
          %dma_start3A_873 = arith.constant 0 : i32
          %dma_start3A_874 = arith.constant 0 : i32
          %dma_start3A_875 = tpu.memref_slice %arg17[%select_n3A_860, %dma_start3A_873, %dma_start3A_874] : memref<3x10x50xi32, #tpu.memory_space<vmem>> -> memref<1x10x50xi32, #tpu.memory_space<vmem>>
          %dma_start3A_876 = tpu.memref_squeeze %dma_start3A_875 : memref<1x10x50xi32, #tpu.memory_space<vmem>> -> memref<10x50xi32, #tpu.memory_space<vmem>>
          %dma_start3A_877 = arith.constant 0 : i32
          %dma_start3A_878 = tpu.memref_slice %arg7[%add3A_844, %dma_start3A_877] : memref<6400x50xi32, #tpu.memory_space<hbm>> -> memref<10x50xi32, #tpu.memory_space<hbm>>
          %dma_start3A_879 = arith.constant 0 : i32
          %dma_start3A_880 = arith.constant 0 : i32
          %dma_start3A_881 = tpu.memref_slice %arg17[%select_n3A_860, %dma_start3A_879, %dma_start3A_880] : memref<3x10x50xi32, #tpu.memory_space<vmem>> -> memref<1x10x50xi32, #tpu.memory_space<vmem>>
          %dma_start3A_882 = tpu.memref_squeeze %dma_start3A_881 : memref<1x10x50xi32, #tpu.memory_space<vmem>> -> memref<10x50xi32, #tpu.memory_space<vmem>>
          %dma_start3A_883 = arith.constant 0 : i32
          %dma_start3A_884 = tpu.memref_slice %arg7[%add3A_844, %dma_start3A_883] : memref<6400x50xi32, #tpu.memory_space<hbm>> -> memref<10x50xi32, #tpu.memory_space<hbm>>
          tpu.enqueue_dma source(%dma_start3A_884 : memref<10x50xi32, #tpu.memory_space<hbm>>) target(%dma_start3A_882 : memref<10x50xi32, #tpu.memory_space<vmem>>) target_semaphore(%arg35 : memref<!tpu.dma_semaphore, #tpu.memory_space<semaphore_mem>>)
        } else {
        }
        %ge3A = arith.constant 1 : i32
        %ge3A_224 = arith.cmpi sge, %scan3A_197, %ge3A : i32
        %convert_element_type3A_225 = arith.extui %ge3A_224 : i1 to i32
        %cond3A_226 = arith.constant 0 : i32
        %cond3A_227 = arith.cmpi ne, %convert_element_type3A_225, %cond3A_226 : i32
        scf.if %cond3A_227 {
          %sub3A_816 = arith.constant 2 : i32
          %sub3A_817 = arith.subi %mul3A_200, %sub3A_816 : i32
          %mul3A_818 = arith.constant 20000 : i32
          %mul3A_819 = arith.muli %arg1, %mul3A_818 : i32
          %mul3A_820 = arith.constant 50 : i32
          %mul3A_821 = arith.muli %sub3A_817, %mul3A_820 : i32
          %add3A_822 = arith.addi %mul3A_819, %mul3A_821 : i32
          %jit3A_823 = arith.constant 10 : i32
          %div3A_824 = arith.divsi %sub3A_817, %jit3A_823 : i32
          %sign3A_825 = arith.constant 0 : i32
          %sign3A_826 = arith.cmpi sgt, %sub3A_817, %sign3A_825 : i32
          %sign3A_827 = arith.extui %sign3A_826 : i1 to i32
          %sign3A_828 = arith.constant 0 : i32
          %sign3A_829 = arith.cmpi slt, %sub3A_817, %sign3A_828 : i32
          %sign3A_830 = arith.extui %sign3A_829 : i1 to i32
          %sign3A_831 = arith.subi %sign3A_827, %sign3A_830 : i32
          %sign3A_832 = arith.constant 0 : i32
          %sign3A_833 = arith.cmpi sgt, %jit3A_823, %sign3A_832 : i32
          %sign3A_834 = arith.extui %sign3A_833 : i1 to i32
          %sign3A_835 = arith.constant 0 : i32
          %sign3A_836 = arith.cmpi slt, %jit3A_823, %sign3A_835 : i32
          %sign3A_837 = arith.extui %sign3A_836 : i1 to i32
          %sign3A_838 = arith.subi %sign3A_834, %sign3A_837 : i32
          %ne3A_839 = arith.cmpi ne, %sign3A_831, %sign3A_838 : i32
          %rem3A_840 = arith.remsi %sub3A_817, %jit3A_823 : i32
          %ne3A_841 = arith.constant 0 : i32
          %ne3A_842 = arith.cmpi ne, %rem3A_840, %ne3A_841 : i32
          %and3A_843 = arith.andi %ne3A_839, %ne3A_842 : i1
          %sub3A_844 = arith.constant 1 : i32
          %sub3A_845 = arith.subi %div3A_824, %sub3A_844 : i32
          %select_n3A_846 = arith.select %and3A_843, %sub3A_845, %div3A_824 : i32
          %jit3A_847 = arith.constant 3 : i32
          %eq3A_848 = arith.constant 0 : i32
          %eq3A_849 = arith.cmpi eq, %jit3A_847, %eq3A_848 : i32
          %jit3A_850 = arith.constant 1 : i32
          %select_n3A_851 = arith.select %eq3A_849, %jit3A_850, %jit3A_847 : i32
          %rem3A_852 = arith.remsi %select_n3A_846, %select_n3A_851 : i32
          %ne3A_853 = arith.constant 0 : i32
          %ne3A_854 = arith.cmpi ne, %rem3A_852, %ne3A_853 : i32
          %lt3A_855 = arith.constant 0 : i32
          %lt3A_856 = arith.cmpi slt, %rem3A_852, %lt3A_855 : i32
          %lt3A_857 = arith.constant 0 : i32
          %lt3A_858 = arith.cmpi slt, %select_n3A_851, %lt3A_857 : i32
          %ne3A_859 = arith.xori %lt3A_856, %lt3A_858 : i1
          %and3A_860 = arith.andi %ne3A_859, %ne3A_854 : i1
          %add3A_861 = arith.addi %rem3A_852, %select_n3A_851 : i32
          %select_n3A_862 = arith.select %and3A_860, %add3A_861, %rem3A_852 : i32
          %jit3A_863 = arith.constant 10 : i32
          %eq3A_864 = arith.constant 0 : i32
          %eq3A_865 = arith.cmpi eq, %jit3A_863, %eq3A_864 : i32
          %jit3A_866 = arith.constant 1 : i32
          %select_n3A_867 = arith.select %eq3A_865, %jit3A_866, %jit3A_863 : i32
          %rem3A_868 = arith.remsi %sub3A_817, %select_n3A_867 : i32
          %ne3A_869 = arith.constant 0 : i32
          %ne3A_870 = arith.cmpi ne, %rem3A_868, %ne3A_869 : i32
          %lt3A_871 = arith.constant 0 : i32
          %lt3A_872 = arith.cmpi slt, %rem3A_868, %lt3A_871 : i32
          %lt3A_873 = arith.constant 0 : i32
          %lt3A_874 = arith.cmpi slt, %select_n3A_867, %lt3A_873 : i32
          %ne3A_875 = arith.xori %lt3A_872, %lt3A_874 : i1
          %and3A_876 = arith.andi %ne3A_875, %ne3A_870 : i1
          %add3A_877 = arith.addi %rem3A_868, %select_n3A_867 : i32
          %select_n3A_878 = arith.select %and3A_876, %add3A_877, %rem3A_868 : i32
          %dma_wait3A_879 = arith.constant 0 : i32
          %dma_wait3A_880 = arith.constant 0 : i32
          %dma_wait3A_881 = arith.constant 0 : i32
          %dma_wait3A_882 = tpu.memref_slice %arg25[%dma_wait3A_879, %dma_wait3A_880, %dma_wait3A_881] : memref<2x50x64xf32, #tpu.memory_space<vmem>> -> memref<1x50x64xf32, #tpu.memory_space<vmem>>
          %dma_wait3A_883 = tpu.memref_squeeze %dma_wait3A_882 : memref<1x50x64xf32, #tpu.memory_space<vmem>> -> memref<50x64xf32, #tpu.memory_space<vmem>>
          %dma_wait3A_884 = arith.constant 0 : i32
          %dma_wait3A_885 = tpu.memref_slice %arg13[%add3A_822, %dma_wait3A_884] : memref<320000x128xf32, #tpu.memory_space<hbm>> -> memref<50x64xf32, #tpu.memory_space<hbm>>
          %dma_wait3A_886 = arith.constant 0 : i32
          %dma_wait3A_887 = tpu.memref_slice %arg13[%add3A_822, %dma_wait3A_886] : memref<320000x128xf32, #tpu.memory_space<hbm>> -> memref<50x64xf32, #tpu.memory_space<hbm>>
          %dma_wait3A_888 = arith.constant 0 : i32
          %dma_wait3A_889 = arith.constant 0 : i32
          %dma_wait3A_890 = tpu.memref_slice %arg25[%dma_wait3A_879, %dma_wait3A_888, %dma_wait3A_889] : memref<2x50x64xf32, #tpu.memory_space<vmem>> -> memref<1x50x64xf32, #tpu.memory_space<vmem>>
          %dma_wait3A_891 = tpu.memref_squeeze %dma_wait3A_890 : memref<1x50x64xf32, #tpu.memory_space<vmem>> -> memref<50x64xf32, #tpu.memory_space<vmem>>
          tpu.wait_dma2 semaphore(%arg31 : memref<!tpu.dma_semaphore, #tpu.memory_space<semaphore_mem>>) src(%dma_wait3A_891 : memref<50x64xf32, #tpu.memory_space<vmem>>) dst(%dma_wait3A_887 : memref<50x64xf32, #tpu.memory_space<hbm>>)
          %dma_wait3A_892 = arith.constant 0 : i32
          %dma_wait3A_893 = arith.constant 0 : i32
          %dma_wait3A_894 = arith.constant 0 : i32
          %dma_wait3A_895 = tpu.memref_slice %arg24[%dma_wait3A_892, %dma_wait3A_893, %dma_wait3A_894] : memref<2x50x64xf32, #tpu.memory_space<vmem>> -> memref<1x50x64xf32, #tpu.memory_space<vmem>>
          %dma_wait3A_896 = tpu.memref_squeeze %dma_wait3A_895 : memref<1x50x64xf32, #tpu.memory_space<vmem>> -> memref<50x64xf32, #tpu.memory_space<vmem>>
          %dma_wait3A_897 = arith.constant 0 : i32
          %dma_wait3A_898 = tpu.memref_slice %arg17[%select_n3A_862, %select_n3A_878, %dma_wait3A_897] : memref<3x10x50xi32, #tpu.memory_space<vmem>> -> memref<1x1x50xi32, #tpu.memory_space<vmem>>
          %dma_wait3A_899 = tpu.memref_squeeze %dma_wait3A_898 : memref<1x1x50xi32, #tpu.memory_space<vmem>> -> memref<50xi32, #tpu.memory_space<vmem>>
          %dma_wait3A_900 = arith.constant 0 : i32
          %dma_wait3A_901 = arith.constant 0 : i32
          %dma_wait3A_902 = tpu.memref_slice %arg26[%dma_wait3A_900, %dma_wait3A_901] : memref<20000x64xf32, #tpu.memory_space<vmem_shared>> -> memref<20000x64xf32, #tpu.memory_space<vmem_shared>>
          tpu.wait_indirect_dma semaphore(%arg33 : memref<!tpu.dma_semaphore, #tpu.memory_space<semaphore_mem>>) src(%dma_wait3A_896 : memref<50x64xf32, #tpu.memory_space<vmem>>) dst(%dma_wait3A_902 : memref<20000x64xf32, #tpu.memory_space<vmem_shared>>)
        } else {
        }
        %mul3A_228 = arith.constant 20000 : i32
        %mul3A_229 = arith.muli %arg1, %mul3A_228 : i32
        %mul3A_230 = arith.constant 50 : i32
        %mul3A_231 = arith.muli %add3A_202, %mul3A_230 : i32
        %add3A_232 = arith.addi %mul3A_229, %mul3A_231 : i32
        %jit3A = arith.constant 10 : i32
        %div3A = arith.divsi %add3A_202, %jit3A : i32
        %sign3A = arith.constant 0 : i32
        %sign3A_233 = arith.cmpi sgt, %add3A_202, %sign3A : i32
        %sign3A_234 = arith.extui %sign3A_233 : i1 to i32
        %sign3A_235 = arith.constant 0 : i32
        %sign3A_236 = arith.cmpi slt, %add3A_202, %sign3A_235 : i32
        %sign3A_237 = arith.extui %sign3A_236 : i1 to i32
        %sign3A_238 = arith.subi %sign3A_234, %sign3A_237 : i32
        %sign3A_239 = arith.constant 0 : i32
        %sign3A_240 = arith.cmpi sgt, %jit3A, %sign3A_239 : i32
        %sign3A_241 = arith.extui %sign3A_240 : i1 to i32
        %sign3A_242 = arith.constant 0 : i32
        %sign3A_243 = arith.cmpi slt, %jit3A, %sign3A_242 : i32
        %sign3A_244 = arith.extui %sign3A_243 : i1 to i32
        %sign3A_245 = arith.subi %sign3A_241, %sign3A_244 : i32
        %ne3A = arith.cmpi ne, %sign3A_238, %sign3A_245 : i32
        %rem3A_246 = arith.remsi %add3A_202, %jit3A : i32
        %ne3A_247 = arith.constant 0 : i32
        %ne3A_248 = arith.cmpi ne, %rem3A_246, %ne3A_247 : i32
        %and3A_249 = arith.andi %ne3A, %ne3A_248 : i1
        %sub3A = arith.constant 1 : i32
        %sub3A_250 = arith.subi %div3A, %sub3A : i32
        %select_n3A = arith.select %and3A_249, %sub3A_250, %div3A : i32
        %jit3A_251 = arith.constant 3 : i32
        %eq3A_252 = arith.constant 0 : i32
        %eq3A_253 = arith.cmpi eq, %jit3A_251, %eq3A_252 : i32
        %jit3A_254 = arith.constant 1 : i32
        %select_n3A_255 = arith.select %eq3A_253, %jit3A_254, %jit3A_251 : i32
        %rem3A_256 = arith.remsi %select_n3A, %select_n3A_255 : i32
        %ne3A_257 = arith.constant 0 : i32
        %ne3A_258 = arith.cmpi ne, %rem3A_256, %ne3A_257 : i32
        %lt3A_259 = arith.constant 0 : i32
        %lt3A_260 = arith.cmpi slt, %rem3A_256, %lt3A_259 : i32
        %lt3A_261 = arith.constant 0 : i32
        %lt3A_262 = arith.cmpi slt, %select_n3A_255, %lt3A_261 : i32
        %ne3A_263 = arith.xori %lt3A_260, %lt3A_262 : i1
        %and3A_264 = arith.andi %ne3A_263, %ne3A_258 : i1
        %add3A_265 = arith.addi %rem3A_256, %select_n3A_255 : i32
        %select_n3A_266 = arith.select %and3A_264, %add3A_265, %rem3A_256 : i32
        %jit3A_267 = arith.constant 10 : i32
        %eq3A_268 = arith.constant 0 : i32
        %eq3A_269 = arith.cmpi eq, %jit3A_267, %eq3A_268 : i32
        %jit3A_270 = arith.constant 1 : i32
        %select_n3A_271 = arith.select %eq3A_269, %jit3A_270, %jit3A_267 : i32
        %rem3A_272 = arith.remsi %add3A_202, %select_n3A_271 : i32
        %ne3A_273 = arith.constant 0 : i32
        %ne3A_274 = arith.cmpi ne, %rem3A_272, %ne3A_273 : i32
        %lt3A_275 = arith.constant 0 : i32
        %lt3A_276 = arith.cmpi slt, %rem3A_272, %lt3A_275 : i32
        %lt3A_277 = arith.constant 0 : i32
        %lt3A_278 = arith.cmpi slt, %select_n3A_271, %lt3A_277 : i32
        %ne3A_279 = arith.xori %lt3A_276, %lt3A_278 : i1
        %and3A_280 = arith.andi %ne3A_279, %ne3A_274 : i1
        %add3A_281 = arith.addi %rem3A_272, %select_n3A_271 : i32
        %select_n3A_282 = arith.select %and3A_280, %add3A_281, %rem3A_272 : i32
        %dma_start3A_283 = arith.constant 1 : i32
        %dma_start3A_284 = arith.constant 0 : i32
        %dma_start3A_285 = arith.constant 0 : i32
        %dma_start3A_286 = tpu.memref_slice %arg18[%dma_start3A_283, %dma_start3A_284, %dma_start3A_285] : memref<2x50x64xf32, #tpu.memory_space<vmem>> -> memref<1x50x64xf32, #tpu.memory_space<vmem>>
        %dma_start3A_287 = tpu.memref_squeeze %dma_start3A_286 : memref<1x50x64xf32, #tpu.memory_space<vmem>> -> memref<50x64xf32, #tpu.memory_space<vmem>>
        %dma_start3A_288 = arith.constant 0 : i32
        %dma_start3A_289 = tpu.memref_slice %arg16[%select_n3A_266, %select_n3A_282, %dma_start3A_288] : memref<3x10x50xi32, #tpu.memory_space<vmem>> -> memref<1x1x50xi32, #tpu.memory_space<vmem>>
        %dma_start3A_290 = tpu.memref_squeeze %dma_start3A_289 : memref<1x1x50xi32, #tpu.memory_space<vmem>> -> memref<50xi32, #tpu.memory_space<vmem>>
        %dma_start3A_291 = arith.constant 0 : i32
        %dma_start3A_292 = arith.constant 0 : i32
        %dma_start3A_293 = tpu.memref_slice %arg2[%dma_start3A_291, %dma_start3A_292] : memref<20000x64xf32, #tpu.memory_space<hbm>> -> memref<20000x64xf32, #tpu.memory_space<hbm>>
        tpu.enqueue_indirect_dma source(%dma_start3A_293 : memref<20000x64xf32, #tpu.memory_space<hbm>>) target(%dma_start3A_287 : memref<50x64xf32, #tpu.memory_space<vmem>>) offsets(%dma_start3A_290 : memref<50xi32, #tpu.memory_space<vmem>>) semaphore(%arg28 : memref<!tpu.dma_semaphore, #tpu.memory_space<semaphore_mem>>)
        %dma_start3A_294 = arith.constant 1 : i32
        %dma_start3A_295 = arith.constant 0 : i32
        %dma_start3A_296 = arith.constant 0 : i32
        %dma_start3A_297 = tpu.memref_slice %arg19[%dma_start3A_294, %dma_start3A_295, %dma_start3A_296] : memref<2x50x64xf32, #tpu.memory_space<vmem>> -> memref<1x50x64xf32, #tpu.memory_space<vmem>>
        %dma_start3A_298 = tpu.memref_squeeze %dma_start3A_297 : memref<1x50x64xf32, #tpu.memory_space<vmem>> -> memref<50x64xf32, #tpu.memory_space<vmem>>
        %dma_start3A_299 = arith.constant 0 : i32
        %dma_start3A_300 = tpu.memref_slice %arg17[%select_n3A_266, %select_n3A_282, %dma_start3A_299] : memref<3x10x50xi32, #tpu.memory_space<vmem>> -> memref<1x1x50xi32, #tpu.memory_space<vmem>>
        %dma_start3A_301 = tpu.memref_squeeze %dma_start3A_300 : memref<1x1x50xi32, #tpu.memory_space<vmem>> -> memref<50xi32, #tpu.memory_space<vmem>>
        %dma_start3A_302 = arith.constant 0 : i32
        %dma_start3A_303 = arith.constant 0 : i32
        %dma_start3A_304 = tpu.memref_slice %arg4[%dma_start3A_302, %dma_start3A_303] : memref<20000x64xf32, #tpu.memory_space<hbm>> -> memref<20000x64xf32, #tpu.memory_space<hbm>>
        tpu.enqueue_indirect_dma source(%dma_start3A_304 : memref<20000x64xf32, #tpu.memory_space<hbm>>) target(%dma_start3A_298 : memref<50x64xf32, #tpu.memory_space<vmem>>) offsets(%dma_start3A_301 : memref<50xi32, #tpu.memory_space<vmem>>) semaphore(%arg28 : memref<!tpu.dma_semaphore, #tpu.memory_space<semaphore_mem>>)
        %dma_start3A_305 = arith.constant 1 : i32
        %dma_start3A_306 = arith.constant 0 : i32
        %dma_start3A_307 = arith.constant 0 : i32
        %dma_start3A_308 = tpu.memref_slice %arg22[%dma_start3A_305, %dma_start3A_306, %dma_start3A_307] : memref<2x50x16xf32, #tpu.memory_space<vmem>> -> memref<1x50x16xf32, #tpu.memory_space<vmem>>
        %dma_start3A_309 = tpu.memref_squeeze %dma_start3A_308 : memref<1x50x16xf32, #tpu.memory_space<vmem>> -> memref<50x16xf32, #tpu.memory_space<vmem>>
        %dma_start3A_310 = arith.constant 0 : i32
        %dma_start3A_311 = tpu.memref_slice %arg16[%select_n3A_266, %select_n3A_282, %dma_start3A_310] : memref<3x10x50xi32, #tpu.memory_space<vmem>> -> memref<1x1x50xi32, #tpu.memory_space<vmem>>
        %dma_start3A_312 = tpu.memref_squeeze %dma_start3A_311 : memref<1x1x50xi32, #tpu.memory_space<vmem>> -> memref<50xi32, #tpu.memory_space<vmem>>
        %dma_start3A_313 = arith.constant 0 : i32
        %dma_start3A_314 = arith.constant 0 : i32
        %dma_start3A_315 = tpu.memref_slice %arg10[%dma_start3A_313, %dma_start3A_314] : memref<20000x16xf32, #tpu.memory_space<hbm>> -> memref<20000x16xf32, #tpu.memory_space<hbm>>
        tpu.enqueue_indirect_dma source(%dma_start3A_315 : memref<20000x16xf32, #tpu.memory_space<hbm>>) target(%dma_start3A_309 : memref<50x16xf32, #tpu.memory_space<vmem>>) offsets(%dma_start3A_312 : memref<50xi32, #tpu.memory_space<vmem>>) semaphore(%arg28 : memref<!tpu.dma_semaphore, #tpu.memory_space<semaphore_mem>>)
        %dma_start3A_316 = arith.constant 1 : i32
        %dma_start3A_317 = arith.constant 0 : i32
        %dma_start3A_318 = arith.constant 0 : i32
        %dma_start3A_319 = tpu.memref_slice %arg20[%dma_start3A_316, %dma_start3A_317, %dma_start3A_318] : memref<2x50x64xf32, #tpu.memory_space<vmem>> -> memref<1x50x64xf32, #tpu.memory_space<vmem>>
        %dma_start3A_320 = tpu.memref_squeeze %dma_start3A_319 : memref<1x50x64xf32, #tpu.memory_space<vmem>> -> memref<50x64xf32, #tpu.memory_space<vmem>>
        %dma_start3A_321 = arith.constant 0 : i32
        %dma_start3A_322 = tpu.memref_slice %arg8[%add3A_232, %dma_start3A_321] : memref<320000x128xf32, #tpu.memory_space<hbm>> -> memref<50x64xf32, #tpu.memory_space<hbm>>
        %dma_start3A_323 = arith.constant 0 : i32
        %dma_start3A_324 = arith.constant 0 : i32
        %dma_start3A_325 = tpu.memref_slice %arg20[%dma_start3A_316, %dma_start3A_323, %dma_start3A_324] : memref<2x50x64xf32, #tpu.memory_space<vmem>> -> memref<1x50x64xf32, #tpu.memory_space<vmem>>
        %dma_start3A_326 = tpu.memref_squeeze %dma_start3A_325 : memref<1x50x64xf32, #tpu.memory_space<vmem>> -> memref<50x64xf32, #tpu.memory_space<vmem>>
        %dma_start3A_327 = arith.constant 0 : i32
        %dma_start3A_328 = tpu.memref_slice %arg8[%add3A_232, %dma_start3A_327] : memref<320000x128xf32, #tpu.memory_space<hbm>> -> memref<50x64xf32, #tpu.memory_space<hbm>>
        tpu.enqueue_dma source(%dma_start3A_328 : memref<50x64xf32, #tpu.memory_space<hbm>>) target(%dma_start3A_326 : memref<50x64xf32, #tpu.memory_space<vmem>>) target_semaphore(%arg30 : memref<!tpu.dma_semaphore, #tpu.memory_space<semaphore_mem>>)
        %dma_start3A_329 = arith.constant 1 : i32
        %dma_start3A_330 = arith.constant 0 : i32
        %dma_start3A_331 = arith.constant 0 : i32
        %dma_start3A_332 = tpu.memref_slice %arg21[%dma_start3A_329, %dma_start3A_330, %dma_start3A_331] : memref<2x50x64xf32, #tpu.memory_space<vmem>> -> memref<1x50x64xf32, #tpu.memory_space<vmem>>
        %dma_start3A_333 = tpu.memref_squeeze %dma_start3A_332 : memref<1x50x64xf32, #tpu.memory_space<vmem>> -> memref<50x64xf32, #tpu.memory_space<vmem>>
        %dma_start3A_334 = arith.constant 0 : i32
        %dma_start3A_335 = tpu.memref_slice %arg9[%add3A_232, %dma_start3A_334] : memref<320000x128xf32, #tpu.memory_space<hbm>> -> memref<50x64xf32, #tpu.memory_space<hbm>>
        %dma_start3A_336 = arith.constant 0 : i32
        %dma_start3A_337 = arith.constant 0 : i32
        %dma_start3A_338 = tpu.memref_slice %arg21[%dma_start3A_329, %dma_start3A_336, %dma_start3A_337] : memref<2x50x64xf32, #tpu.memory_space<vmem>> -> memref<1x50x64xf32, #tpu.memory_space<vmem>>
        %dma_start3A_339 = tpu.memref_squeeze %dma_start3A_338 : memref<1x50x64xf32, #tpu.memory_space<vmem>> -> memref<50x64xf32, #tpu.memory_space<vmem>>
        %dma_start3A_340 = arith.constant 0 : i32
        %dma_start3A_341 = tpu.memref_slice %arg9[%add3A_232, %dma_start3A_340] : memref<320000x128xf32, #tpu.memory_space<hbm>> -> memref<50x64xf32, #tpu.memory_space<hbm>>
        tpu.enqueue_dma source(%dma_start3A_341 : memref<50x64xf32, #tpu.memory_space<hbm>>) target(%dma_start3A_339 : memref<50x64xf32, #tpu.memory_space<vmem>>) target_semaphore(%arg30 : memref<!tpu.dma_semaphore, #tpu.memory_space<semaphore_mem>>)
        %dma_start3A_342 = arith.constant 1 : i32
        %dma_start3A_343 = arith.constant 0 : i32
        %dma_start3A_344 = arith.constant 0 : i32
        %dma_start3A_345 = tpu.memref_slice %arg23[%dma_start3A_342, %dma_start3A_343, %dma_start3A_344] : memref<2x50x64xf32, #tpu.memory_space<vmem>> -> memref<1x50x64xf32, #tpu.memory_space<vmem>>
        %dma_start3A_346 = tpu.memref_squeeze %dma_start3A_345 : memref<1x50x64xf32, #tpu.memory_space<vmem>> -> memref<50x64xf32, #tpu.memory_space<vmem>>
        %dma_start3A_347 = arith.constant 0 : i32
        %dma_start3A_348 = tpu.memref_slice %arg11[%add3A_232, %dma_start3A_347] : memref<320000x128xf32, #tpu.memory_space<hbm>> -> memref<50x64xf32, #tpu.memory_space<hbm>>
        %dma_start3A_349 = arith.constant 0 : i32
        %dma_start3A_350 = arith.constant 0 : i32
        %dma_start3A_351 = tpu.memref_slice %arg23[%dma_start3A_342, %dma_start3A_349, %dma_start3A_350] : memref<2x50x64xf32, #tpu.memory_space<vmem>> -> memref<1x50x64xf32, #tpu.memory_space<vmem>>
        %dma_start3A_352 = tpu.memref_squeeze %dma_start3A_351 : memref<1x50x64xf32, #tpu.memory_space<vmem>> -> memref<50x64xf32, #tpu.memory_space<vmem>>
        %dma_start3A_353 = arith.constant 0 : i32
        %dma_start3A_354 = tpu.memref_slice %arg11[%add3A_232, %dma_start3A_353] : memref<320000x128xf32, #tpu.memory_space<hbm>> -> memref<50x64xf32, #tpu.memory_space<hbm>>
        tpu.enqueue_dma source(%dma_start3A_354 : memref<50x64xf32, #tpu.memory_space<hbm>>) target(%dma_start3A_352 : memref<50x64xf32, #tpu.memory_space<vmem>>) target_semaphore(%arg30 : memref<!tpu.dma_semaphore, #tpu.memory_space<semaphore_mem>>)
        %mul3A_355 = arith.constant 20000 : i32
        %mul3A_356 = arith.muli %arg1, %mul3A_355 : i32
        %mul3A_357 = arith.constant 50 : i32
        %mul3A_358 = arith.muli %mul3A_200, %mul3A_357 : i32
        %add3A_359 = arith.addi %mul3A_356, %mul3A_358 : i32
        %jit3A_360 = arith.constant 10 : i32
        %div3A_361 = arith.divsi %mul3A_200, %jit3A_360 : i32
        %sign3A_362 = arith.constant 0 : i32
        %sign3A_363 = arith.cmpi sgt, %mul3A_200, %sign3A_362 : i32
        %sign3A_364 = arith.extui %sign3A_363 : i1 to i32
        %sign3A_365 = arith.constant 0 : i32
        %sign3A_366 = arith.cmpi slt, %mul3A_200, %sign3A_365 : i32
        %sign3A_367 = arith.extui %sign3A_366 : i1 to i32
        %sign3A_368 = arith.subi %sign3A_364, %sign3A_367 : i32
        %sign3A_369 = arith.constant 0 : i32
        %sign3A_370 = arith.cmpi sgt, %jit3A_360, %sign3A_369 : i32
        %sign3A_371 = arith.extui %sign3A_370 : i1 to i32
        %sign3A_372 = arith.constant 0 : i32
        %sign3A_373 = arith.cmpi slt, %jit3A_360, %sign3A_372 : i32
        %sign3A_374 = arith.extui %sign3A_373 : i1 to i32
        %sign3A_375 = arith.subi %sign3A_371, %sign3A_374 : i32
        %ne3A_376 = arith.cmpi ne, %sign3A_368, %sign3A_375 : i32
        %rem3A_377 = arith.remsi %mul3A_200, %jit3A_360 : i32
        %ne3A_378 = arith.constant 0 : i32
        %ne3A_379 = arith.cmpi ne, %rem3A_377, %ne3A_378 : i32
        %and3A_380 = arith.andi %ne3A_376, %ne3A_379 : i1
        %sub3A_381 = arith.constant 1 : i32
        %sub3A_382 = arith.subi %div3A_361, %sub3A_381 : i32
        %select_n3A_383 = arith.select %and3A_380, %sub3A_382, %div3A_361 : i32
        %jit3A_384 = arith.constant 3 : i32
        %eq3A_385 = arith.constant 0 : i32
        %eq3A_386 = arith.cmpi eq, %jit3A_384, %eq3A_385 : i32
        %jit3A_387 = arith.constant 1 : i32
        %select_n3A_388 = arith.select %eq3A_386, %jit3A_387, %jit3A_384 : i32
        %rem3A_389 = arith.remsi %select_n3A_383, %select_n3A_388 : i32
        %ne3A_390 = arith.constant 0 : i32
        %ne3A_391 = arith.cmpi ne, %rem3A_389, %ne3A_390 : i32
        %lt3A_392 = arith.constant 0 : i32
        %lt3A_393 = arith.cmpi slt, %rem3A_389, %lt3A_392 : i32
        %lt3A_394 = arith.constant 0 : i32
        %lt3A_395 = arith.cmpi slt, %select_n3A_388, %lt3A_394 : i32
        %ne3A_396 = arith.xori %lt3A_393, %lt3A_395 : i1
        %and3A_397 = arith.andi %ne3A_396, %ne3A_391 : i1
        %add3A_398 = arith.addi %rem3A_389, %select_n3A_388 : i32
        %select_n3A_399 = arith.select %and3A_397, %add3A_398, %rem3A_389 : i32
        %jit3A_400 = arith.constant 10 : i32
        %eq3A_401 = arith.constant 0 : i32
        %eq3A_402 = arith.cmpi eq, %jit3A_400, %eq3A_401 : i32
        %jit3A_403 = arith.constant 1 : i32
        %select_n3A_404 = arith.select %eq3A_402, %jit3A_403, %jit3A_400 : i32
        %rem3A_405 = arith.remsi %mul3A_200, %select_n3A_404 : i32
        %ne3A_406 = arith.constant 0 : i32
        %ne3A_407 = arith.cmpi ne, %rem3A_405, %ne3A_406 : i32
        %lt3A_408 = arith.constant 0 : i32
        %lt3A_409 = arith.cmpi slt, %rem3A_405, %lt3A_408 : i32
        %lt3A_410 = arith.constant 0 : i32
        %lt3A_411 = arith.cmpi slt, %select_n3A_404, %lt3A_410 : i32
        %ne3A_412 = arith.xori %lt3A_409, %lt3A_411 : i1
        %and3A_413 = arith.andi %ne3A_412, %ne3A_407 : i1
        %add3A_414 = arith.addi %rem3A_405, %select_n3A_404 : i32
        %select_n3A_415 = arith.select %and3A_413, %add3A_414, %rem3A_405 : i32
        %dma_wait3A_416 = arith.constant 0 : i32
        %dma_wait3A_417 = arith.constant 0 : i32
        %dma_wait3A_418 = arith.constant 0 : i32
        %dma_wait3A_419 = tpu.memref_slice %arg18[%dma_wait3A_416, %dma_wait3A_417, %dma_wait3A_418] : memref<2x50x64xf32, #tpu.memory_space<vmem>> -> memref<1x50x64xf32, #tpu.memory_space<vmem>>
        %dma_wait3A_420 = tpu.memref_squeeze %dma_wait3A_419 : memref<1x50x64xf32, #tpu.memory_space<vmem>> -> memref<50x64xf32, #tpu.memory_space<vmem>>
        %dma_wait3A_421 = arith.constant 0 : i32
        %dma_wait3A_422 = tpu.memref_slice %arg16[%select_n3A_399, %select_n3A_415, %dma_wait3A_421] : memref<3x10x50xi32, #tpu.memory_space<vmem>> -> memref<1x1x50xi32, #tpu.memory_space<vmem>>
        %dma_wait3A_423 = tpu.memref_squeeze %dma_wait3A_422 : memref<1x1x50xi32, #tpu.memory_space<vmem>> -> memref<50xi32, #tpu.memory_space<vmem>>
        %dma_wait3A_424 = arith.constant 0 : i32
        %dma_wait3A_425 = arith.constant 0 : i32
        %dma_wait3A_426 = tpu.memref_slice %arg2[%dma_wait3A_424, %dma_wait3A_425] : memref<20000x64xf32, #tpu.memory_space<hbm>> -> memref<20000x64xf32, #tpu.memory_space<hbm>>
        tpu.wait_indirect_dma semaphore(%arg27 : memref<!tpu.dma_semaphore, #tpu.memory_space<semaphore_mem>>) src(%dma_wait3A_426 : memref<20000x64xf32, #tpu.memory_space<hbm>>) dst(%dma_wait3A_420 : memref<50x64xf32, #tpu.memory_space<vmem>>)
        %dma_wait3A_427 = arith.constant 0 : i32
        %dma_wait3A_428 = arith.constant 0 : i32
        %dma_wait3A_429 = arith.constant 0 : i32
        %dma_wait3A_430 = tpu.memref_slice %arg19[%dma_wait3A_427, %dma_wait3A_428, %dma_wait3A_429] : memref<2x50x64xf32, #tpu.memory_space<vmem>> -> memref<1x50x64xf32, #tpu.memory_space<vmem>>
        %dma_wait3A_431 = tpu.memref_squeeze %dma_wait3A_430 : memref<1x50x64xf32, #tpu.memory_space<vmem>> -> memref<50x64xf32, #tpu.memory_space<vmem>>
        %dma_wait3A_432 = arith.constant 0 : i32
        %dma_wait3A_433 = tpu.memref_slice %arg17[%select_n3A_399, %select_n3A_415, %dma_wait3A_432] : memref<3x10x50xi32, #tpu.memory_space<vmem>> -> memref<1x1x50xi32, #tpu.memory_space<vmem>>
        %dma_wait3A_434 = tpu.memref_squeeze %dma_wait3A_433 : memref<1x1x50xi32, #tpu.memory_space<vmem>> -> memref<50xi32, #tpu.memory_space<vmem>>
        %dma_wait3A_435 = arith.constant 0 : i32
        %dma_wait3A_436 = arith.constant 0 : i32
        %dma_wait3A_437 = tpu.memref_slice %arg4[%dma_wait3A_435, %dma_wait3A_436] : memref<20000x64xf32, #tpu.memory_space<hbm>> -> memref<20000x64xf32, #tpu.memory_space<hbm>>
        tpu.wait_indirect_dma semaphore(%arg27 : memref<!tpu.dma_semaphore, #tpu.memory_space<semaphore_mem>>) src(%dma_wait3A_437 : memref<20000x64xf32, #tpu.memory_space<hbm>>) dst(%dma_wait3A_431 : memref<50x64xf32, #tpu.memory_space<vmem>>)
        %dma_wait3A_438 = arith.constant 0 : i32
        %dma_wait3A_439 = arith.constant 0 : i32
        %dma_wait3A_440 = arith.constant 0 : i32
        %dma_wait3A_441 = tpu.memref_slice %arg22[%dma_wait3A_438, %dma_wait3A_439, %dma_wait3A_440] : memref<2x50x16xf32, #tpu.memory_space<vmem>> -> memref<1x50x16xf32, #tpu.memory_space<vmem>>
        %dma_wait3A_442 = tpu.memref_squeeze %dma_wait3A_441 : memref<1x50x16xf32, #tpu.memory_space<vmem>> -> memref<50x16xf32, #tpu.memory_space<vmem>>
        %dma_wait3A_443 = arith.constant 0 : i32
        %dma_wait3A_444 = tpu.memref_slice %arg16[%select_n3A_399, %select_n3A_415, %dma_wait3A_443] : memref<3x10x50xi32, #tpu.memory_space<vmem>> -> memref<1x1x50xi32, #tpu.memory_space<vmem>>
        %dma_wait3A_445 = tpu.memref_squeeze %dma_wait3A_444 : memref<1x1x50xi32, #tpu.memory_space<vmem>> -> memref<50xi32, #tpu.memory_space<vmem>>
        %dma_wait3A_446 = arith.constant 0 : i32
        %dma_wait3A_447 = arith.constant 0 : i32
        %dma_wait3A_448 = tpu.memref_slice %arg10[%dma_wait3A_446, %dma_wait3A_447] : memref<20000x16xf32, #tpu.memory_space<hbm>> -> memref<20000x16xf32, #tpu.memory_space<hbm>>
        tpu.wait_indirect_dma semaphore(%arg27 : memref<!tpu.dma_semaphore, #tpu.memory_space<semaphore_mem>>) src(%dma_wait3A_448 : memref<20000x16xf32, #tpu.memory_space<hbm>>) dst(%dma_wait3A_442 : memref<50x16xf32, #tpu.memory_space<vmem>>)
        %dma_wait3A_449 = arith.constant 0 : i32
        %dma_wait3A_450 = arith.constant 0 : i32
        %dma_wait3A_451 = arith.constant 0 : i32
        %dma_wait3A_452 = tpu.memref_slice %arg20[%dma_wait3A_449, %dma_wait3A_450, %dma_wait3A_451] : memref<2x50x64xf32, #tpu.memory_space<vmem>> -> memref<1x50x64xf32, #tpu.memory_space<vmem>>
        %dma_wait3A_453 = tpu.memref_squeeze %dma_wait3A_452 : memref<1x50x64xf32, #tpu.memory_space<vmem>> -> memref<50x64xf32, #tpu.memory_space<vmem>>
        %dma_wait3A_454 = arith.constant 0 : i32
        %dma_wait3A_455 = tpu.memref_slice %arg8[%add3A_359, %dma_wait3A_454] : memref<320000x128xf32, #tpu.memory_space<hbm>> -> memref<50x64xf32, #tpu.memory_space<hbm>>
        %dma_wait3A_456 = arith.constant 0 : i32
        %dma_wait3A_457 = arith.constant 0 : i32
        %dma_wait3A_458 = tpu.memref_slice %arg20[%dma_wait3A_449, %dma_wait3A_456, %dma_wait3A_457] : memref<2x50x64xf32, #tpu.memory_space<vmem>> -> memref<1x50x64xf32, #tpu.memory_space<vmem>>
        %dma_wait3A_459 = tpu.memref_squeeze %dma_wait3A_458 : memref<1x50x64xf32, #tpu.memory_space<vmem>> -> memref<50x64xf32, #tpu.memory_space<vmem>>
        %dma_wait3A_460 = arith.constant 0 : i32
        %dma_wait3A_461 = tpu.memref_slice %arg8[%add3A_359, %dma_wait3A_460] : memref<320000x128xf32, #tpu.memory_space<hbm>> -> memref<50x64xf32, #tpu.memory_space<hbm>>
        tpu.wait_dma2 semaphore(%arg29 : memref<!tpu.dma_semaphore, #tpu.memory_space<semaphore_mem>>) src(%dma_wait3A_461 : memref<50x64xf32, #tpu.memory_space<hbm>>) dst(%dma_wait3A_459 : memref<50x64xf32, #tpu.memory_space<vmem>>)
        %dma_wait3A_462 = arith.constant 0 : i32
        %dma_wait3A_463 = arith.constant 0 : i32
        %dma_wait3A_464 = arith.constant 0 : i32
        %dma_wait3A_465 = tpu.memref_slice %arg21[%dma_wait3A_462, %dma_wait3A_463, %dma_wait3A_464] : memref<2x50x64xf32, #tpu.memory_space<vmem>> -> memref<1x50x64xf32, #tpu.memory_space<vmem>>
        %dma_wait3A_466 = tpu.memref_squeeze %dma_wait3A_465 : memref<1x50x64xf32, #tpu.memory_space<vmem>> -> memref<50x64xf32, #tpu.memory_space<vmem>>
        %dma_wait3A_467 = arith.constant 0 : i32
        %dma_wait3A_468 = tpu.memref_slice %arg9[%add3A_359, %dma_wait3A_467] : memref<320000x128xf32, #tpu.memory_space<hbm>> -> memref<50x64xf32, #tpu.memory_space<hbm>>
        %dma_wait3A_469 = arith.constant 0 : i32
        %dma_wait3A_470 = arith.constant 0 : i32
        %dma_wait3A_471 = tpu.memref_slice %arg21[%dma_wait3A_462, %dma_wait3A_469, %dma_wait3A_470] : memref<2x50x64xf32, #tpu.memory_space<vmem>> -> memref<1x50x64xf32, #tpu.memory_space<vmem>>
        %dma_wait3A_472 = tpu.memref_squeeze %dma_wait3A_471 : memref<1x50x64xf32, #tpu.memory_space<vmem>> -> memref<50x64xf32, #tpu.memory_space<vmem>>
        %dma_wait3A_473 = arith.constant 0 : i32
        %dma_wait3A_474 = tpu.memref_slice %arg9[%add3A_359, %dma_wait3A_473] : memref<320000x128xf32, #tpu.memory_space<hbm>> -> memref<50x64xf32, #tpu.memory_space<hbm>>
        tpu.wait_dma2 semaphore(%arg29 : memref<!tpu.dma_semaphore, #tpu.memory_space<semaphore_mem>>) src(%dma_wait3A_474 : memref<50x64xf32, #tpu.memory_space<hbm>>) dst(%dma_wait3A_472 : memref<50x64xf32, #tpu.memory_space<vmem>>)
        %dma_wait3A_475 = arith.constant 0 : i32
        %dma_wait3A_476 = arith.constant 0 : i32
        %dma_wait3A_477 = arith.constant 0 : i32
        %dma_wait3A_478 = tpu.memref_slice %arg23[%dma_wait3A_475, %dma_wait3A_476, %dma_wait3A_477] : memref<2x50x64xf32, #tpu.memory_space<vmem>> -> memref<1x50x64xf32, #tpu.memory_space<vmem>>
        %dma_wait3A_479 = tpu.memref_squeeze %dma_wait3A_478 : memref<1x50x64xf32, #tpu.memory_space<vmem>> -> memref<50x64xf32, #tpu.memory_space<vmem>>
        %dma_wait3A_480 = arith.constant 0 : i32
        %dma_wait3A_481 = tpu.memref_slice %arg11[%add3A_359, %dma_wait3A_480] : memref<320000x128xf32, #tpu.memory_space<hbm>> -> memref<50x64xf32, #tpu.memory_space<hbm>>
        %dma_wait3A_482 = arith.constant 0 : i32
        %dma_wait3A_483 = arith.constant 0 : i32
        %dma_wait3A_484 = tpu.memref_slice %arg23[%dma_wait3A_475, %dma_wait3A_482, %dma_wait3A_483] : memref<2x50x64xf32, #tpu.memory_space<vmem>> -> memref<1x50x64xf32, #tpu.memory_space<vmem>>
        %dma_wait3A_485 = tpu.memref_squeeze %dma_wait3A_484 : memref<1x50x64xf32, #tpu.memory_space<vmem>> -> memref<50x64xf32, #tpu.memory_space<vmem>>
        %dma_wait3A_486 = arith.constant 0 : i32
        %dma_wait3A_487 = tpu.memref_slice %arg11[%add3A_359, %dma_wait3A_486] : memref<320000x128xf32, #tpu.memory_space<hbm>> -> memref<50x64xf32, #tpu.memory_space<hbm>>
        tpu.wait_dma2 semaphore(%arg29 : memref<!tpu.dma_semaphore, #tpu.memory_space<semaphore_mem>>) src(%dma_wait3A_487 : memref<50x64xf32, #tpu.memory_space<hbm>>) dst(%dma_wait3A_485 : memref<50x64xf32, #tpu.memory_space<vmem>>)
        %scan3A_488 = arith.constant 0 : i32
        %scan3A_489 = arith.constant 0 : i32
        %scan3A_490 = arith.constant 50 : i32
        %scan3A_491 = arith.addi %scan3A_489, %scan3A_490 : i32
        %scan3A_492 = arith.constant 1 : i32
        %scan3A_493 = scf.for %scan3A_816 = %scan3A_489 to %scan3A_491 step %scan3A_492 iter_args(%scan3A_817 = %scan3A_488) -> (i32)  : i32 {
          %get3A = arith.constant 0 : i32
          %get3A_818 = arith.index_cast %get3A : i32 to index
          %get3A_819 = arith.index_cast %scan3A_816 : i32 to index
          %get3A_820 = arith.constant 0 : index
          %get3A_821 = tpu.vector_load %arg22[%get3A_818, %get3A_819, %get3A_820] {strides = array<i32>} : memref<2x50x16xf32, #tpu.memory_space<vmem>>, vector<1x1x16xf32>,
          %get3A_822 = vector.shape_cast %get3A_821 : vector<1x1x16xf32> to vector<16xf32>
          %gt3A = arith.constant 5.000000e-01 : f32
          %gt3A_823 = vector.broadcast %gt3A : f32 to vector<16xf32>
          %gt3A_824 = arith.cmpf ogt, %get3A_822, %gt3A_823 : vector<16xf32>
          %get3A_825 = arith.constant 0 : i32
          %get3A_826 = arith.index_cast %get3A_825 : i32 to index
          %get3A_827 = arith.index_cast %scan3A_816 : i32 to index
          %get3A_828 = arith.constant 0 : index
          %get3A_829 = tpu.vector_load %arg20[%get3A_826, %get3A_827, %get3A_828] {strides = array<i32>} : memref<2x50x64xf32, #tpu.memory_space<vmem>>, vector<1x1x16xf32>,
          %get3A_830 = vector.shape_cast %get3A_829 : vector<1x1x16xf32> to vector<16xf32>
          %get3A_831 = arith.constant 0 : i32
          %get3A_832 = arith.index_cast %get3A_831 : i32 to index
          %get3A_833 = arith.index_cast %scan3A_816 : i32 to index
          %get3A_834 = arith.constant 0 : index
          %get3A_835 = tpu.vector_load %arg21[%get3A_832, %get3A_833, %get3A_834] {strides = array<i32>} : memref<2x50x64xf32, #tpu.memory_space<vmem>>, vector<1x1x16xf32>,
          %get3A_836 = vector.shape_cast %get3A_835 : vector<1x1x16xf32> to vector<16xf32>
          %select_n3A_837 = arith.select %gt3A_824, %get3A_830, %get3A_836 : vector<16xi1>, vector<16xf32>
          %get3A_838 = arith.constant 0 : i32
          %get3A_839 = arith.index_cast %get3A_838 : i32 to index
          %get3A_840 = arith.index_cast %scan3A_816 : i32 to index
          %get3A_841 = arith.constant 0 : index
          %get3A_842 = tpu.vector_load %arg18[%get3A_839, %get3A_840, %get3A_841] {strides = array<i32>} : memref<2x50x64xf32, #tpu.memory_space<vmem>>, vector<1x1x16xf32>,
          %get3A_843 = vector.shape_cast %get3A_842 : vector<1x1x16xf32> to vector<16xf32>
          %add3A_844 = arith.addf %select_n3A_837, %get3A_843 : vector<16xf32>
          %get3A_845 = arith.constant 0 : i32
          %get3A_846 = arith.index_cast %get3A_845 : i32 to index
          %get3A_847 = arith.index_cast %scan3A_816 : i32 to index
          %get3A_848 = arith.constant 0 : index
          %get3A_849 = tpu.vector_load %arg19[%get3A_846, %get3A_847, %get3A_848] {strides = array<i32>} : memref<2x50x64xf32, #tpu.memory_space<vmem>>, vector<1x1x16xf32>,
          %get3A_850 = vector.shape_cast %get3A_849 : vector<1x1x16xf32> to vector<16xf32>
          %add3A_851 = arith.addf %add3A_844, %get3A_850 : vector<16xf32>
          %swap3A = arith.constant 0 : i32
          %swap3A_852 = arith.index_cast %swap3A : i32 to index
          %swap3A_853 = arith.index_cast %scan3A_816 : i32 to index
          %swap3A_854 = arith.constant 0 : index
          %swap3A_855 = tpu.vector_load %arg24[%swap3A_852, %swap3A_853, %swap3A_854] {strides = array<i32>} : memref<2x50x64xf32, #tpu.memory_space<vmem>>, vector<1x1x16xf32>,
          %swap3A_856 = vector.shape_cast %swap3A_855 : vector<1x1x16xf32> to vector<16xf32>
          %swap3A_857 = vector.shape_cast %add3A_851 : vector<16xf32> to vector<1x1x16xf32>
          tpu.vector_store %arg24[%swap3A_852, %swap3A_853, %swap3A_854], %swap3A_857 {strides = array<i32>} : memref<2x50x64xf32, #tpu.memory_space<vmem>>, vector<1x1x16xf32>,
          %get3A_858 = arith.constant 0 : i32
          %get3A_859 = arith.index_cast %get3A_858 : i32 to index
          %get3A_860 = arith.index_cast %scan3A_816 : i32 to index
          %get3A_861 = arith.constant 0 : index
          %get3A_862 = tpu.vector_load %arg23[%get3A_859, %get3A_860, %get3A_861] {strides = array<i32>} : memref<2x50x64xf32, #tpu.memory_space<vmem>>, vector<1x1x16xf32>,
          %get3A_863 = vector.shape_cast %get3A_862 : vector<1x1x16xf32> to vector<16xf32>
          %add3A_864 = arith.addf %add3A_851, %get3A_863 : vector<16xf32>
          %swap3A_865 = arith.constant 0 : i32
          %swap3A_866 = arith.index_cast %swap3A_865 : i32 to index
          %swap3A_867 = arith.index_cast %scan3A_816 : i32 to index
          %swap3A_868 = arith.constant 0 : index
          %swap3A_869 = tpu.vector_load %arg25[%swap3A_866, %swap3A_867, %swap3A_868] {strides = array<i32>} : memref<2x50x64xf32, #tpu.memory_space<vmem>>, vector<1x1x16xf32>,
          %swap3A_870 = vector.shape_cast %swap3A_869 : vector<1x1x16xf32> to vector<16xf32>
          %swap3A_871 = vector.shape_cast %add3A_864 : vector<16xf32> to vector<1x1x16xf32>
          tpu.vector_store %arg25[%swap3A_866, %swap3A_867, %swap3A_868], %swap3A_871 {strides = array<i32>} : memref<2x50x64xf32, #tpu.memory_space<vmem>>, vector<1x1x16xf32>,
          %get3A_872 = arith.constant 0 : i32
          %get3A_873 = arith.index_cast %get3A_872 : i32 to index
          %get3A_874 = arith.index_cast %scan3A_816 : i32 to index
          %get3A_875 = arith.constant 16 : index
          %get3A_876 = tpu.vector_load %arg20[%get3A_873, %get3A_874, %get3A_875] {strides = array<i32>} : memref<2x50x64xf32, #tpu.memory_space<vmem>>, vector<1x1x16xf32>,
          %get3A_877 = vector.shape_cast %get3A_876 : vector<1x1x16xf32> to vector<16xf32>
          %get3A_878 = arith.constant 0 : i32
          %get3A_879 = arith.index_cast %get3A_878 : i32 to index
          %get3A_880 = arith.index_cast %scan3A_816 : i32 to index
          %get3A_881 = arith.constant 16 : index
          %get3A_882 = tpu.vector_load %arg21[%get3A_879, %get3A_880, %get3A_881] {strides = array<i32>} : memref<2x50x64xf32, #tpu.memory_space<vmem>>, vector<1x1x16xf32>,
          %get3A_883 = vector.shape_cast %get3A_882 : vector<1x1x16xf32> to vector<16xf32>
          %select_n3A_884 = arith.select %gt3A_824, %get3A_877, %get3A_883 : vector<16xi1>, vector<16xf32>
          %get3A_885 = arith.constant 0 : i32
          %get3A_886 = arith.index_cast %get3A_885 : i32 to index
          %get3A_887 = arith.index_cast %scan3A_816 : i32 to index
          %get3A_888 = arith.constant 16 : index
          %get3A_889 = tpu.vector_load %arg18[%get3A_886, %get3A_887, %get3A_888] {strides = array<i32>} : memref<2x50x64xf32, #tpu.memory_space<vmem>>, vector<1x1x16xf32>,
          %get3A_890 = vector.shape_cast %get3A_889 : vector<1x1x16xf32> to vector<16xf32>
          %add3A_891 = arith.addf %select_n3A_884, %get3A_890 : vector<16xf32>
          %get3A_892 = arith.constant 0 : i32
          %get3A_893 = arith.index_cast %get3A_892 : i32 to index
          %get3A_894 = arith.index_cast %scan3A_816 : i32 to index
          %get3A_895 = arith.constant 16 : index
          %get3A_896 = tpu.vector_load %arg19[%get3A_893, %get3A_894, %get3A_895] {strides = array<i32>} : memref<2x50x64xf32, #tpu.memory_space<vmem>>, vector<1x1x16xf32>,
          %get3A_897 = vector.shape_cast %get3A_896 : vector<1x1x16xf32> to vector<16xf32>
          %add3A_898 = arith.addf %add3A_891, %get3A_897 : vector<16xf32>
          %swap3A_899 = arith.constant 0 : i32
          %swap3A_900 = arith.index_cast %swap3A_899 : i32 to index
          %swap3A_901 = arith.index_cast %scan3A_816 : i32 to index
          %swap3A_902 = arith.constant 16 : index
          %swap3A_903 = tpu.vector_load %arg24[%swap3A_900, %swap3A_901, %swap3A_902] {strides = array<i32>} : memref<2x50x64xf32, #tpu.memory_space<vmem>>, vector<1x1x16xf32>,
          %swap3A_904 = vector.shape_cast %swap3A_903 : vector<1x1x16xf32> to vector<16xf32>
          %swap3A_905 = vector.shape_cast %add3A_898 : vector<16xf32> to vector<1x1x16xf32>
          tpu.vector_store %arg24[%swap3A_900, %swap3A_901, %swap3A_902], %swap3A_905 {strides = array<i32>} : memref<2x50x64xf32, #tpu.memory_space<vmem>>, vector<1x1x16xf32>,
          %get3A_906 = arith.constant 0 : i32
          %get3A_907 = arith.index_cast %get3A_906 : i32 to index
          %get3A_908 = arith.index_cast %scan3A_816 : i32 to index
          %get3A_909 = arith.constant 16 : index
          %get3A_910 = tpu.vector_load %arg23[%get3A_907, %get3A_908, %get3A_909] {strides = array<i32>} : memref<2x50x64xf32, #tpu.memory_space<vmem>>, vector<1x1x16xf32>,
          %get3A_911 = vector.shape_cast %get3A_910 : vector<1x1x16xf32> to vector<16xf32>
          %add3A_912 = arith.addf %add3A_898, %get3A_911 : vector<16xf32>
          %swap3A_913 = arith.constant 0 : i32
          %swap3A_914 = arith.index_cast %swap3A_913 : i32 to index
          %swap3A_915 = arith.index_cast %scan3A_816 : i32 to index
          %swap3A_916 = arith.constant 16 : index
          %swap3A_917 = tpu.vector_load %arg25[%swap3A_914, %swap3A_915, %swap3A_916] {strides = array<i32>} : memref<2x50x64xf32, #tpu.memory_space<vmem>>, vector<1x1x16xf32>,
          %swap3A_918 = vector.shape_cast %swap3A_917 : vector<1x1x16xf32> to vector<16xf32>
          %swap3A_919 = vector.shape_cast %add3A_912 : vector<16xf32> to vector<1x1x16xf32>
          tpu.vector_store %arg25[%swap3A_914, %swap3A_915, %swap3A_916], %swap3A_919 {strides = array<i32>} : memref<2x50x64xf32, #tpu.memory_space<vmem>>, vector<1x1x16xf32>,
          %get3A_920 = arith.constant 0 : i32
          %get3A_921 = arith.index_cast %get3A_920 : i32 to index
          %get3A_922 = arith.index_cast %scan3A_816 : i32 to index
          %get3A_923 = arith.constant 32 : index
          %get3A_924 = tpu.vector_load %arg20[%get3A_921, %get3A_922, %get3A_923] {strides = array<i32>} : memref<2x50x64xf32, #tpu.memory_space<vmem>>, vector<1x1x16xf32>,
          %get3A_925 = vector.shape_cast %get3A_924 : vector<1x1x16xf32> to vector<16xf32>
          %get3A_926 = arith.constant 0 : i32
          %get3A_927 = arith.index_cast %get3A_926 : i32 to index
          %get3A_928 = arith.index_cast %scan3A_816 : i32 to index
          %get3A_929 = arith.constant 32 : index
          %get3A_930 = tpu.vector_load %arg21[%get3A_927, %get3A_928, %get3A_929] {strides = array<i32>} : memref<2x50x64xf32, #tpu.memory_space<vmem>>, vector<1x1x16xf32>,
          %get3A_931 = vector.shape_cast %get3A_930 : vector<1x1x16xf32> to vector<16xf32>
          %select_n3A_932 = arith.select %gt3A_824, %get3A_925, %get3A_931 : vector<16xi1>, vector<16xf32>
          %get3A_933 = arith.constant 0 : i32
          %get3A_934 = arith.index_cast %get3A_933 : i32 to index
          %get3A_935 = arith.index_cast %scan3A_816 : i32 to index
          %get3A_936 = arith.constant 32 : index
          %get3A_937 = tpu.vector_load %arg18[%get3A_934, %get3A_935, %get3A_936] {strides = array<i32>} : memref<2x50x64xf32, #tpu.memory_space<vmem>>, vector<1x1x16xf32>,
          %get3A_938 = vector.shape_cast %get3A_937 : vector<1x1x16xf32> to vector<16xf32>
          %add3A_939 = arith.addf %select_n3A_932, %get3A_938 : vector<16xf32>
          %get3A_940 = arith.constant 0 : i32
          %get3A_941 = arith.index_cast %get3A_940 : i32 to index
          %get3A_942 = arith.index_cast %scan3A_816 : i32 to index
          %get3A_943 = arith.constant 32 : index
          %get3A_944 = tpu.vector_load %arg19[%get3A_941, %get3A_942, %get3A_943] {strides = array<i32>} : memref<2x50x64xf32, #tpu.memory_space<vmem>>, vector<1x1x16xf32>,
          %get3A_945 = vector.shape_cast %get3A_944 : vector<1x1x16xf32> to vector<16xf32>
          %add3A_946 = arith.addf %add3A_939, %get3A_945 : vector<16xf32>
          %swap3A_947 = arith.constant 0 : i32
          %swap3A_948 = arith.index_cast %swap3A_947 : i32 to index
          %swap3A_949 = arith.index_cast %scan3A_816 : i32 to index
          %swap3A_950 = arith.constant 32 : index
          %swap3A_951 = tpu.vector_load %arg24[%swap3A_948, %swap3A_949, %swap3A_950] {strides = array<i32>} : memref<2x50x64xf32, #tpu.memory_space<vmem>>, vector<1x1x16xf32>,
          %swap3A_952 = vector.shape_cast %swap3A_951 : vector<1x1x16xf32> to vector<16xf32>
          %swap3A_953 = vector.shape_cast %add3A_946 : vector<16xf32> to vector<1x1x16xf32>
          tpu.vector_store %arg24[%swap3A_948, %swap3A_949, %swap3A_950], %swap3A_953 {strides = array<i32>} : memref<2x50x64xf32, #tpu.memory_space<vmem>>, vector<1x1x16xf32>,
          %get3A_954 = arith.constant 0 : i32
          %get3A_955 = arith.index_cast %get3A_954 : i32 to index
          %get3A_956 = arith.index_cast %scan3A_816 : i32 to index
          %get3A_957 = arith.constant 32 : index
          %get3A_958 = tpu.vector_load %arg23[%get3A_955, %get3A_956, %get3A_957] {strides = array<i32>} : memref<2x50x64xf32, #tpu.memory_space<vmem>>, vector<1x1x16xf32>,
          %get3A_959 = vector.shape_cast %get3A_958 : vector<1x1x16xf32> to vector<16xf32>
          %add3A_960 = arith.addf %add3A_946, %get3A_959 : vector<16xf32>
          %swap3A_961 = arith.constant 0 : i32
          %swap3A_962 = arith.index_cast %swap3A_961 : i32 to index
          %swap3A_963 = arith.index_cast %scan3A_816 : i32 to index
          %swap3A_964 = arith.constant 32 : index
          %swap3A_965 = tpu.vector_load %arg25[%swap3A_962, %swap3A_963, %swap3A_964] {strides = array<i32>} : memref<2x50x64xf32, #tpu.memory_space<vmem>>, vector<1x1x16xf32>,
          %swap3A_966 = vector.shape_cast %swap3A_965 : vector<1x1x16xf32> to vector<16xf32>
          %swap3A_967 = vector.shape_cast %add3A_960 : vector<16xf32> to vector<1x1x16xf32>
          tpu.vector_store %arg25[%swap3A_962, %swap3A_963, %swap3A_964], %swap3A_967 {strides = array<i32>} : memref<2x50x64xf32, #tpu.memory_space<vmem>>, vector<1x1x16xf32>,
          %get3A_968 = arith.constant 0 : i32
          %get3A_969 = arith.index_cast %get3A_968 : i32 to index
          %get3A_970 = arith.index_cast %scan3A_816 : i32 to index
          %get3A_971 = arith.constant 48 : index
          %get3A_972 = tpu.vector_load %arg20[%get3A_969, %get3A_970, %get3A_971] {strides = array<i32>} : memref<2x50x64xf32, #tpu.memory_space<vmem>>, vector<1x1x16xf32>,
          %get3A_973 = vector.shape_cast %get3A_972 : vector<1x1x16xf32> to vector<16xf32>
          %get3A_974 = arith.constant 0 : i32
          %get3A_975 = arith.index_cast %get3A_974 : i32 to index
          %get3A_976 = arith.index_cast %scan3A_816 : i32 to index
          %get3A_977 = arith.constant 48 : index
          %get3A_978 = tpu.vector_load %arg21[%get3A_975, %get3A_976, %get3A_977] {strides = array<i32>} : memref<2x50x64xf32, #tpu.memory_space<vmem>>, vector<1x1x16xf32>,
          %get3A_979 = vector.shape_cast %get3A_978 : vector<1x1x16xf32> to vector<16xf32>
          %select_n3A_980 = arith.select %gt3A_824, %get3A_973, %get3A_979 : vector<16xi1>, vector<16xf32>
          %get3A_981 = arith.constant 0 : i32
          %get3A_982 = arith.index_cast %get3A_981 : i32 to index
          %get3A_983 = arith.index_cast %scan3A_816 : i32 to index
          %get3A_984 = arith.constant 48 : index
          %get3A_985 = tpu.vector_load %arg18[%get3A_982, %get3A_983, %get3A_984] {strides = array<i32>} : memref<2x50x64xf32, #tpu.memory_space<vmem>>, vector<1x1x16xf32>,
          %get3A_986 = vector.shape_cast %get3A_985 : vector<1x1x16xf32> to vector<16xf32>
          %add3A_987 = arith.addf %select_n3A_980, %get3A_986 : vector<16xf32>
          %get3A_988 = arith.constant 0 : i32
          %get3A_989 = arith.index_cast %get3A_988 : i32 to index
          %get3A_990 = arith.index_cast %scan3A_816 : i32 to index
          %get3A_991 = arith.constant 48 : index
          %get3A_992 = tpu.vector_load %arg19[%get3A_989, %get3A_990, %get3A_991] {strides = array<i32>} : memref<2x50x64xf32, #tpu.memory_space<vmem>>, vector<1x1x16xf32>,
          %get3A_993 = vector.shape_cast %get3A_992 : vector<1x1x16xf32> to vector<16xf32>
          %add3A_994 = arith.addf %add3A_987, %get3A_993 : vector<16xf32>
          %swap3A_995 = arith.constant 0 : i32
          %swap3A_996 = arith.index_cast %swap3A_995 : i32 to index
          %swap3A_997 = arith.index_cast %scan3A_816 : i32 to index
          %swap3A_998 = arith.constant 48 : index
          %swap3A_999 = tpu.vector_load %arg24[%swap3A_996, %swap3A_997, %swap3A_998] {strides = array<i32>} : memref<2x50x64xf32, #tpu.memory_space<vmem>>, vector<1x1x16xf32>,
          %swap3A_1000 = vector.shape_cast %swap3A_999 : vector<1x1x16xf32> to vector<16xf32>
          %swap3A_1001 = vector.shape_cast %add3A_994 : vector<16xf32> to vector<1x1x16xf32>
          tpu.vector_store %arg24[%swap3A_996, %swap3A_997, %swap3A_998], %swap3A_1001 {strides = array<i32>} : memref<2x50x64xf32, #tpu.memory_space<vmem>>, vector<1x1x16xf32>,
          %get3A_1002 = arith.constant 0 : i32
          %get3A_1003 = arith.index_cast %get3A_1002 : i32 to index
          %get3A_1004 = arith.index_cast %scan3A_816 : i32 to index
          %get3A_1005 = arith.constant 48 : index
          %get3A_1006 = tpu.vector_load %arg23[%get3A_1003, %get3A_1004, %get3A_1005] {strides = array<i32>} : memref<2x50x64xf32, #tpu.memory_space<vmem>>, vector<1x1x16xf32>,
          %get3A_1007 = vector.shape_cast %get3A_1006 : vector<1x1x16xf32> to vector<16xf32>
          %add3A_1008 = arith.addf %add3A_994, %get3A_1007 : vector<16xf32>
          %swap3A_1009 = arith.constant 0 : i32
          %swap3A_1010 = arith.index_cast %swap3A_1009 : i32 to index
          %swap3A_1011 = arith.index_cast %scan3A_816 : i32 to index
          %swap3A_1012 = arith.constant 48 : index
          %swap3A_1013 = tpu.vector_load %arg25[%swap3A_1010, %swap3A_1011, %swap3A_1012] {strides = array<i32>} : memref<2x50x64xf32, #tpu.memory_space<vmem>>, vector<1x1x16xf32>,
          %swap3A_1014 = vector.shape_cast %swap3A_1013 : vector<1x1x16xf32> to vector<16xf32>
          %swap3A_1015 = vector.shape_cast %add3A_1008 : vector<16xf32> to vector<1x1x16xf32>
          tpu.vector_store %arg25[%swap3A_1010, %swap3A_1011, %swap3A_1012], %swap3A_1015 {strides = array<i32>} : memref<2x50x64xf32, #tpu.memory_space<vmem>>, vector<1x1x16xf32>,
          %scan3A_1016 = arith.constant 0 : i32
          scf.yield %scan3A_1016 : i32
        }
        %scan3A_494 = arith.constant 50 : i32
        %mul3A_495 = arith.constant 20000 : i32
        %mul3A_496 = arith.muli %arg1, %mul3A_495 : i32
        %mul3A_497 = arith.constant 50 : i32
        %mul3A_498 = arith.muli %mul3A_200, %mul3A_497 : i32
        %add3A_499 = arith.addi %mul3A_496, %mul3A_498 : i32
        %jit3A_500 = arith.constant 10 : i32
        %div3A_501 = arith.divsi %mul3A_200, %jit3A_500 : i32
        %sign3A_502 = arith.constant 0 : i32
        %sign3A_503 = arith.cmpi sgt, %mul3A_200, %sign3A_502 : i32
        %sign3A_504 = arith.extui %sign3A_503 : i1 to i32
        %sign3A_505 = arith.constant 0 : i32
        %sign3A_506 = arith.cmpi slt, %mul3A_200, %sign3A_505 : i32
        %sign3A_507 = arith.extui %sign3A_506 : i1 to i32
        %sign3A_508 = arith.subi %sign3A_504, %sign3A_507 : i32
        %sign3A_509 = arith.constant 0 : i32
        %sign3A_510 = arith.cmpi sgt, %jit3A_500, %sign3A_509 : i32
        %sign3A_511 = arith.extui %sign3A_510 : i1 to i32
        %sign3A_512 = arith.constant 0 : i32
        %sign3A_513 = arith.cmpi slt, %jit3A_500, %sign3A_512 : i32
        %sign3A_514 = arith.extui %sign3A_513 : i1 to i32
        %sign3A_515 = arith.subi %sign3A_511, %sign3A_514 : i32
        %ne3A_516 = arith.cmpi ne, %sign3A_508, %sign3A_515 : i32
        %rem3A_517 = arith.remsi %mul3A_200, %jit3A_500 : i32
        %ne3A_518 = arith.constant 0 : i32
        %ne3A_519 = arith.cmpi ne, %rem3A_517, %ne3A_518 : i32
        %and3A_520 = arith.andi %ne3A_516, %ne3A_519 : i1
        %sub3A_521 = arith.constant 1 : i32
        %sub3A_522 = arith.subi %div3A_501, %sub3A_521 : i32
        %select_n3A_523 = arith.select %and3A_520, %sub3A_522, %div3A_501 : i32
        %jit3A_524 = arith.constant 3 : i32
        %eq3A_525 = arith.constant 0 : i32
        %eq3A_526 = arith.cmpi eq, %jit3A_524, %eq3A_525 : i32
        %jit3A_527 = arith.constant 1 : i32
        %select_n3A_528 = arith.select %eq3A_526, %jit3A_527, %jit3A_524 : i32
        %rem3A_529 = arith.remsi %select_n3A_523, %select_n3A_528 : i32
        %ne3A_530 = arith.constant 0 : i32
        %ne3A_531 = arith.cmpi ne, %rem3A_529, %ne3A_530 : i32
        %lt3A_532 = arith.constant 0 : i32
        %lt3A_533 = arith.cmpi slt, %rem3A_529, %lt3A_532 : i32
        %lt3A_534 = arith.constant 0 : i32
        %lt3A_535 = arith.cmpi slt, %select_n3A_528, %lt3A_534 : i32
        %ne3A_536 = arith.xori %lt3A_533, %lt3A_535 : i1
        %and3A_537 = arith.andi %ne3A_536, %ne3A_531 : i1
        %add3A_538 = arith.addi %rem3A_529, %select_n3A_528 : i32
        %select_n3A_539 = arith.select %and3A_537, %add3A_538, %rem3A_529 : i32
        %jit3A_540 = arith.constant 10 : i32
        %eq3A_541 = arith.constant 0 : i32
        %eq3A_542 = arith.cmpi eq, %jit3A_540, %eq3A_541 : i32
        %jit3A_543 = arith.constant 1 : i32
        %select_n3A_544 = arith.select %eq3A_542, %jit3A_543, %jit3A_540 : i32
        %rem3A_545 = arith.remsi %mul3A_200, %select_n3A_544 : i32
        %ne3A_546 = arith.constant 0 : i32
        %ne3A_547 = arith.cmpi ne, %rem3A_545, %ne3A_546 : i32
        %lt3A_548 = arith.constant 0 : i32
        %lt3A_549 = arith.cmpi slt, %rem3A_545, %lt3A_548 : i32
        %lt3A_550 = arith.constant 0 : i32
        %lt3A_551 = arith.cmpi slt, %select_n3A_544, %lt3A_550 : i32
        %ne3A_552 = arith.xori %lt3A_549, %lt3A_551 : i1
        %and3A_553 = arith.andi %ne3A_552, %ne3A_547 : i1
        %add3A_554 = arith.addi %rem3A_545, %select_n3A_544 : i32
        %select_n3A_555 = arith.select %and3A_553, %add3A_554, %rem3A_545 : i32
        %dma_start3A_556 = arith.constant 0 : i32
        %dma_start3A_557 = arith.constant 0 : i32
        %dma_start3A_558 = arith.constant 0 : i32
        %dma_start3A_559 = tpu.memref_slice %arg25[%dma_start3A_556, %dma_start3A_557, %dma_start3A_558] : memref<2x50x64xf32, #tpu.memory_space<vmem>> -> memref<1x50x64xf32, #tpu.memory_space<vmem>>
        %dma_start3A_560 = tpu.memref_squeeze %dma_start3A_559 : memref<1x50x64xf32, #tpu.memory_space<vmem>> -> memref<50x64xf32, #tpu.memory_space<vmem>>
        %dma_start3A_561 = arith.constant 0 : i32
        %dma_start3A_562 = tpu.memref_slice %arg13[%add3A_499, %dma_start3A_561] : memref<320000x128xf32, #tpu.memory_space<hbm>> -> memref<50x64xf32, #tpu.memory_space<hbm>>
        %dma_start3A_563 = arith.constant 0 : i32
        %dma_start3A_564 = tpu.memref_slice %arg13[%add3A_499, %dma_start3A_563] : memref<320000x128xf32, #tpu.memory_space<hbm>> -> memref<50x64xf32, #tpu.memory_space<hbm>>
        %dma_start3A_565 = arith.constant 0 : i32
        %dma_start3A_566 = arith.constant 0 : i32
        %dma_start3A_567 = tpu.memref_slice %arg25[%dma_start3A_556, %dma_start3A_565, %dma_start3A_566] : memref<2x50x64xf32, #tpu.memory_space<vmem>> -> memref<1x50x64xf32, #tpu.memory_space<vmem>>
        %dma_start3A_568 = tpu.memref_squeeze %dma_start3A_567 : memref<1x50x64xf32, #tpu.memory_space<vmem>> -> memref<50x64xf32, #tpu.memory_space<vmem>>
        tpu.enqueue_dma source(%dma_start3A_568 : memref<50x64xf32, #tpu.memory_space<vmem>>) target(%dma_start3A_564 : memref<50x64xf32, #tpu.memory_space<hbm>>) target_semaphore(%arg31 : memref<!tpu.dma_semaphore, #tpu.memory_space<semaphore_mem>>)
        %dma_start3A_569 = arith.constant 0 : i32
        %dma_start3A_570 = arith.constant 0 : i32
        %dma_start3A_571 = arith.constant 0 : i32
        %dma_start3A_572 = tpu.memref_slice %arg24[%dma_start3A_569, %dma_start3A_570, %dma_start3A_571] : memref<2x50x64xf32, #tpu.memory_space<vmem>> -> memref<1x50x64xf32, #tpu.memory_space<vmem>>
        %dma_start3A_573 = tpu.memref_squeeze %dma_start3A_572 : memref<1x50x64xf32, #tpu.memory_space<vmem>> -> memref<50x64xf32, #tpu.memory_space<vmem>>
        %dma_start3A_574 = arith.constant 0 : i32
        %dma_start3A_575 = tpu.memref_slice %arg17[%select_n3A_539, %select_n3A_555, %dma_start3A_574] : memref<3x10x50xi32, #tpu.memory_space<vmem>> -> memref<1x1x50xi32, #tpu.memory_space<vmem>>
        %dma_start3A_576 = tpu.memref_squeeze %dma_start3A_575 : memref<1x1x50xi32, #tpu.memory_space<vmem>> -> memref<50xi32, #tpu.memory_space<vmem>>
        %dma_start3A_577 = arith.constant 0 : i32
        %dma_start3A_578 = arith.constant 0 : i32
        %dma_start3A_579 = tpu.memref_slice %arg26[%dma_start3A_577, %dma_start3A_578] : memref<20000x64xf32, #tpu.memory_space<vmem_shared>> -> memref<20000x64xf32, #tpu.memory_space<vmem_shared>>
        tpu.enqueue_indirect_dma source(%dma_start3A_573 : memref<50x64xf32, #tpu.memory_space<vmem>>) target(%dma_start3A_579 : memref<20000x64xf32, #tpu.memory_space<vmem_shared>>) offsets(%dma_start3A_576 : memref<50xi32, #tpu.memory_space<vmem>>) semaphore(%arg33 : memref<!tpu.dma_semaphore, #tpu.memory_space<semaphore_mem>>) {add = true}
        %ge3A_580 = arith.constant 1 : i32
        %ge3A_581 = arith.cmpi sge, %scan3A_197, %ge3A_580 : i32
        %convert_element_type3A_582 = arith.extui %ge3A_581 : i1 to i32
        %cond3A_583 = arith.constant 0 : i32
        %cond3A_584 = arith.cmpi ne, %convert_element_type3A_582, %cond3A_583 : i32
        scf.if %cond3A_584 {
          %sub3A_816 = arith.constant 2 : i32
          %sub3A_817 = arith.subi %add3A_202, %sub3A_816 : i32
          %mul3A_818 = arith.constant 20000 : i32
          %mul3A_819 = arith.muli %arg1, %mul3A_818 : i32
          %mul3A_820 = arith.constant 50 : i32
          %mul3A_821 = arith.muli %sub3A_817, %mul3A_820 : i32
          %add3A_822 = arith.addi %mul3A_819, %mul3A_821 : i32
          %jit3A_823 = arith.constant 10 : i32
          %div3A_824 = arith.divsi %sub3A_817, %jit3A_823 : i32
          %sign3A_825 = arith.constant 0 : i32
          %sign3A_826 = arith.cmpi sgt, %sub3A_817, %sign3A_825 : i32
          %sign3A_827 = arith.extui %sign3A_826 : i1 to i32
          %sign3A_828 = arith.constant 0 : i32
          %sign3A_829 = arith.cmpi slt, %sub3A_817, %sign3A_828 : i32
          %sign3A_830 = arith.extui %sign3A_829 : i1 to i32
          %sign3A_831 = arith.subi %sign3A_827, %sign3A_830 : i32
          %sign3A_832 = arith.constant 0 : i32
          %sign3A_833 = arith.cmpi sgt, %jit3A_823, %sign3A_832 : i32
          %sign3A_834 = arith.extui %sign3A_833 : i1 to i32
          %sign3A_835 = arith.constant 0 : i32
          %sign3A_836 = arith.cmpi slt, %jit3A_823, %sign3A_835 : i32
          %sign3A_837 = arith.extui %sign3A_836 : i1 to i32
          %sign3A_838 = arith.subi %sign3A_834, %sign3A_837 : i32
          %ne3A_839 = arith.cmpi ne, %sign3A_831, %sign3A_838 : i32
          %rem3A_840 = arith.remsi %sub3A_817, %jit3A_823 : i32
          %ne3A_841 = arith.constant 0 : i32
          %ne3A_842 = arith.cmpi ne, %rem3A_840, %ne3A_841 : i32
          %and3A_843 = arith.andi %ne3A_839, %ne3A_842 : i1
          %sub3A_844 = arith.constant 1 : i32
          %sub3A_845 = arith.subi %div3A_824, %sub3A_844 : i32
          %select_n3A_846 = arith.select %and3A_843, %sub3A_845, %div3A_824 : i32
          %jit3A_847 = arith.constant 3 : i32
          %eq3A_848 = arith.constant 0 : i32
          %eq3A_849 = arith.cmpi eq, %jit3A_847, %eq3A_848 : i32
          %jit3A_850 = arith.constant 1 : i32
          %select_n3A_851 = arith.select %eq3A_849, %jit3A_850, %jit3A_847 : i32
          %rem3A_852 = arith.remsi %select_n3A_846, %select_n3A_851 : i32
          %ne3A_853 = arith.constant 0 : i32
          %ne3A_854 = arith.cmpi ne, %rem3A_852, %ne3A_853 : i32
          %lt3A_855 = arith.constant 0 : i32
          %lt3A_856 = arith.cmpi slt, %rem3A_852, %lt3A_855 : i32
          %lt3A_857 = arith.constant 0 : i32
          %lt3A_858 = arith.cmpi slt, %select_n3A_851, %lt3A_857 : i32
          %ne3A_859 = arith.xori %lt3A_856, %lt3A_858 : i1
          %and3A_860 = arith.andi %ne3A_859, %ne3A_854 : i1
          %add3A_861 = arith.addi %rem3A_852, %select_n3A_851 : i32
          %select_n3A_862 = arith.select %and3A_860, %add3A_861, %rem3A_852 : i32
          %jit3A_863 = arith.constant 10 : i32
          %eq3A_864 = arith.constant 0 : i32
          %eq3A_865 = arith.cmpi eq, %jit3A_863, %eq3A_864 : i32
          %jit3A_866 = arith.constant 1 : i32
          %select_n3A_867 = arith.select %eq3A_865, %jit3A_866, %jit3A_863 : i32
          %rem3A_868 = arith.remsi %sub3A_817, %select_n3A_867 : i32
          %ne3A_869 = arith.constant 0 : i32
          %ne3A_870 = arith.cmpi ne, %rem3A_868, %ne3A_869 : i32
          %lt3A_871 = arith.constant 0 : i32
          %lt3A_872 = arith.cmpi slt, %rem3A_868, %lt3A_871 : i32
          %lt3A_873 = arith.constant 0 : i32
          %lt3A_874 = arith.cmpi slt, %select_n3A_867, %lt3A_873 : i32
          %ne3A_875 = arith.xori %lt3A_872, %lt3A_874 : i1
          %and3A_876 = arith.andi %ne3A_875, %ne3A_870 : i1
          %add3A_877 = arith.addi %rem3A_868, %select_n3A_867 : i32
          %select_n3A_878 = arith.select %and3A_876, %add3A_877, %rem3A_868 : i32
          %dma_wait3A_879 = arith.constant 1 : i32
          %dma_wait3A_880 = arith.constant 0 : i32
          %dma_wait3A_881 = arith.constant 0 : i32
          %dma_wait3A_882 = tpu.memref_slice %arg25[%dma_wait3A_879, %dma_wait3A_880, %dma_wait3A_881] : memref<2x50x64xf32, #tpu.memory_space<vmem>> -> memref<1x50x64xf32, #tpu.memory_space<vmem>>
          %dma_wait3A_883 = tpu.memref_squeeze %dma_wait3A_882 : memref<1x50x64xf32, #tpu.memory_space<vmem>> -> memref<50x64xf32, #tpu.memory_space<vmem>>
          %dma_wait3A_884 = arith.constant 0 : i32
          %dma_wait3A_885 = tpu.memref_slice %arg13[%add3A_822, %dma_wait3A_884] : memref<320000x128xf32, #tpu.memory_space<hbm>> -> memref<50x64xf32, #tpu.memory_space<hbm>>
          %dma_wait3A_886 = arith.constant 0 : i32
          %dma_wait3A_887 = tpu.memref_slice %arg13[%add3A_822, %dma_wait3A_886] : memref<320000x128xf32, #tpu.memory_space<hbm>> -> memref<50x64xf32, #tpu.memory_space<hbm>>
          %dma_wait3A_888 = arith.constant 0 : i32
          %dma_wait3A_889 = arith.constant 0 : i32
          %dma_wait3A_890 = tpu.memref_slice %arg25[%dma_wait3A_879, %dma_wait3A_888, %dma_wait3A_889] : memref<2x50x64xf32, #tpu.memory_space<vmem>> -> memref<1x50x64xf32, #tpu.memory_space<vmem>>
          %dma_wait3A_891 = tpu.memref_squeeze %dma_wait3A_890 : memref<1x50x64xf32, #tpu.memory_space<vmem>> -> memref<50x64xf32, #tpu.memory_space<vmem>>
          tpu.wait_dma2 semaphore(%arg32 : memref<!tpu.dma_semaphore, #tpu.memory_space<semaphore_mem>>) src(%dma_wait3A_891 : memref<50x64xf32, #tpu.memory_space<vmem>>) dst(%dma_wait3A_887 : memref<50x64xf32, #tpu.memory_space<hbm>>)
          %dma_wait3A_892 = arith.constant 1 : i32
          %dma_wait3A_893 = arith.constant 0 : i32
          %dma_wait3A_894 = arith.constant 0 : i32
          %dma_wait3A_895 = tpu.memref_slice %arg24[%dma_wait3A_892, %dma_wait3A_893, %dma_wait3A_894] : memref<2x50x64xf32, #tpu.memory_space<vmem>> -> memref<1x50x64xf32, #tpu.memory_space<vmem>>
          %dma_wait3A_896 = tpu.memref_squeeze %dma_wait3A_895 : memref<1x50x64xf32, #tpu.memory_space<vmem>> -> memref<50x64xf32, #tpu.memory_space<vmem>>
          %dma_wait3A_897 = arith.constant 0 : i32
          %dma_wait3A_898 = tpu.memref_slice %arg17[%select_n3A_862, %select_n3A_878, %dma_wait3A_897] : memref<3x10x50xi32, #tpu.memory_space<vmem>> -> memref<1x1x50xi32, #tpu.memory_space<vmem>>
          %dma_wait3A_899 = tpu.memref_squeeze %dma_wait3A_898 : memref<1x1x50xi32, #tpu.memory_space<vmem>> -> memref<50xi32, #tpu.memory_space<vmem>>
          %dma_wait3A_900 = arith.constant 0 : i32
          %dma_wait3A_901 = arith.constant 0 : i32
          %dma_wait3A_902 = tpu.memref_slice %arg26[%dma_wait3A_900, %dma_wait3A_901] : memref<20000x64xf32, #tpu.memory_space<vmem_shared>> -> memref<20000x64xf32, #tpu.memory_space<vmem_shared>>
          tpu.wait_indirect_dma semaphore(%arg34 : memref<!tpu.dma_semaphore, #tpu.memory_space<semaphore_mem>>) src(%dma_wait3A_896 : memref<50x64xf32, #tpu.memory_space<vmem>>) dst(%dma_wait3A_902 : memref<20000x64xf32, #tpu.memory_space<vmem_shared>>)
        } else {
        }
        %lt3A_585 = arith.constant 199 : i32
        %lt3A_586 = arith.cmpi slt, %scan3A_197, %lt3A_585 : i32
        %convert_element_type3A_587 = arith.extui %lt3A_586 : i1 to i32
        %cond3A_588 = arith.constant 0 : i32
        %cond3A_589 = arith.cmpi ne, %convert_element_type3A_587, %cond3A_588 : i32
        scf.if %cond3A_589 {
          %add3A_816 = arith.constant 1 : i32
          %add3A_817 = arith.addi %add3A_202, %add3A_816 : i32
          %mul3A_818 = arith.constant 20000 : i32
          %mul3A_819 = arith.muli %arg1, %mul3A_818 : i32
          %mul3A_820 = arith.constant 50 : i32
          %mul3A_821 = arith.muli %add3A_817, %mul3A_820 : i32
          %add3A_822 = arith.addi %mul3A_819, %mul3A_821 : i32
          %jit3A_823 = arith.constant 10 : i32
          %div3A_824 = arith.divsi %add3A_817, %jit3A_823 : i32
          %sign3A_825 = arith.constant 0 : i32
          %sign3A_826 = arith.cmpi sgt, %add3A_817, %sign3A_825 : i32
          %sign3A_827 = arith.extui %sign3A_826 : i1 to i32
          %sign3A_828 = arith.constant 0 : i32
          %sign3A_829 = arith.cmpi slt, %add3A_817, %sign3A_828 : i32
          %sign3A_830 = arith.extui %sign3A_829 : i1 to i32
          %sign3A_831 = arith.subi %sign3A_827, %sign3A_830 : i32
          %sign3A_832 = arith.constant 0 : i32
          %sign3A_833 = arith.cmpi sgt, %jit3A_823, %sign3A_832 : i32
          %sign3A_834 = arith.extui %sign3A_833 : i1 to i32
          %sign3A_835 = arith.constant 0 : i32
          %sign3A_836 = arith.cmpi slt, %jit3A_823, %sign3A_835 : i32
          %sign3A_837 = arith.extui %sign3A_836 : i1 to i32
          %sign3A_838 = arith.subi %sign3A_834, %sign3A_837 : i32
          %ne3A_839 = arith.cmpi ne, %sign3A_831, %sign3A_838 : i32
          %rem3A_840 = arith.remsi %add3A_817, %jit3A_823 : i32
          %ne3A_841 = arith.constant 0 : i32
          %ne3A_842 = arith.cmpi ne, %rem3A_840, %ne3A_841 : i32
          %and3A_843 = arith.andi %ne3A_839, %ne3A_842 : i1
          %sub3A_844 = arith.constant 1 : i32
          %sub3A_845 = arith.subi %div3A_824, %sub3A_844 : i32
          %select_n3A_846 = arith.select %and3A_843, %sub3A_845, %div3A_824 : i32
          %jit3A_847 = arith.constant 3 : i32
          %eq3A_848 = arith.constant 0 : i32
          %eq3A_849 = arith.cmpi eq, %jit3A_847, %eq3A_848 : i32
          %jit3A_850 = arith.constant 1 : i32
          %select_n3A_851 = arith.select %eq3A_849, %jit3A_850, %jit3A_847 : i32
          %rem3A_852 = arith.remsi %select_n3A_846, %select_n3A_851 : i32
          %ne3A_853 = arith.constant 0 : i32
          %ne3A_854 = arith.cmpi ne, %rem3A_852, %ne3A_853 : i32
          %lt3A_855 = arith.constant 0 : i32
          %lt3A_856 = arith.cmpi slt, %rem3A_852, %lt3A_855 : i32
          %lt3A_857 = arith.constant 0 : i32
          %lt3A_858 = arith.cmpi slt, %select_n3A_851, %lt3A_857 : i32
          %ne3A_859 = arith.xori %lt3A_856, %lt3A_858 : i1
          %and3A_860 = arith.andi %ne3A_859, %ne3A_854 : i1
          %add3A_861 = arith.addi %rem3A_852, %select_n3A_851 : i32
          %select_n3A_862 = arith.select %and3A_860, %add3A_861, %rem3A_852 : i32
          %jit3A_863 = arith.constant 10 : i32
          %eq3A_864 = arith.constant 0 : i32
          %eq3A_865 = arith.cmpi eq, %jit3A_863, %eq3A_864 : i32
          %jit3A_866 = arith.constant 1 : i32
          %select_n3A_867 = arith.select %eq3A_865, %jit3A_866, %jit3A_863 : i32
          %rem3A_868 = arith.remsi %add3A_817, %select_n3A_867 : i32
          %ne3A_869 = arith.constant 0 : i32
          %ne3A_870 = arith.cmpi ne, %rem3A_868, %ne3A_869 : i32
          %lt3A_871 = arith.constant 0 : i32
          %lt3A_872 = arith.cmpi slt, %rem3A_868, %lt3A_871 : i32
          %lt3A_873 = arith.constant 0 : i32
          %lt3A_874 = arith.cmpi slt, %select_n3A_867, %lt3A_873 : i32
          %ne3A_875 = arith.xori %lt3A_872, %lt3A_874 : i1
          %and3A_876 = arith.andi %ne3A_875, %ne3A_870 : i1
          %add3A_877 = arith.addi %rem3A_868, %select_n3A_867 : i32
          %select_n3A_878 = arith.select %and3A_876, %add3A_877, %rem3A_868 : i32
          %dma_start3A_879 = arith.constant 0 : i32
          %dma_start3A_880 = arith.constant 0 : i32
          %dma_start3A_881 = arith.constant 0 : i32
          %dma_start3A_882 = tpu.memref_slice %arg18[%dma_start3A_879, %dma_start3A_880, %dma_start3A_881] : memref<2x50x64xf32, #tpu.memory_space<vmem>> -> memref<1x50x64xf32, #tpu.memory_space<vmem>>
          %dma_start3A_883 = tpu.memref_squeeze %dma_start3A_882 : memref<1x50x64xf32, #tpu.memory_space<vmem>> -> memref<50x64xf32, #tpu.memory_space<vmem>>
          %dma_start3A_884 = arith.constant 0 : i32
          %dma_start3A_885 = tpu.memref_slice %arg16[%select_n3A_862, %select_n3A_878, %dma_start3A_884] : memref<3x10x50xi32, #tpu.memory_space<vmem>> -> memref<1x1x50xi32, #tpu.memory_space<vmem>>
          %dma_start3A_886 = tpu.memref_squeeze %dma_start3A_885 : memref<1x1x50xi32, #tpu.memory_space<vmem>> -> memref<50xi32, #tpu.memory_space<vmem>>
          %dma_start3A_887 = arith.constant 0 : i32
          %dma_start3A_888 = arith.constant 0 : i32
          %dma_start3A_889 = tpu.memref_slice %arg2[%dma_start3A_887, %dma_start3A_888] : memref<20000x64xf32, #tpu.memory_space<hbm>> -> memref<20000x64xf32, #tpu.memory_space<hbm>>
          tpu.enqueue_indirect_dma source(%dma_start3A_889 : memref<20000x64xf32, #tpu.memory_space<hbm>>) target(%dma_start3A_883 : memref<50x64xf32, #tpu.memory_space<vmem>>) offsets(%dma_start3A_886 : memref<50xi32, #tpu.memory_space<vmem>>) semaphore(%arg27 : memref<!tpu.dma_semaphore, #tpu.memory_space<semaphore_mem>>)
          %dma_start3A_890 = arith.constant 0 : i32
          %dma_start3A_891 = arith.constant 0 : i32
          %dma_start3A_892 = arith.constant 0 : i32
          %dma_start3A_893 = tpu.memref_slice %arg19[%dma_start3A_890, %dma_start3A_891, %dma_start3A_892] : memref<2x50x64xf32, #tpu.memory_space<vmem>> -> memref<1x50x64xf32, #tpu.memory_space<vmem>>
          %dma_start3A_894 = tpu.memref_squeeze %dma_start3A_893 : memref<1x50x64xf32, #tpu.memory_space<vmem>> -> memref<50x64xf32, #tpu.memory_space<vmem>>
          %dma_start3A_895 = arith.constant 0 : i32
          %dma_start3A_896 = tpu.memref_slice %arg17[%select_n3A_862, %select_n3A_878, %dma_start3A_895] : memref<3x10x50xi32, #tpu.memory_space<vmem>> -> memref<1x1x50xi32, #tpu.memory_space<vmem>>
          %dma_start3A_897 = tpu.memref_squeeze %dma_start3A_896 : memref<1x1x50xi32, #tpu.memory_space<vmem>> -> memref<50xi32, #tpu.memory_space<vmem>>
          %dma_start3A_898 = arith.constant 0 : i32
          %dma_start3A_899 = arith.constant 0 : i32
          %dma_start3A_900 = tpu.memref_slice %arg4[%dma_start3A_898, %dma_start3A_899] : memref<20000x64xf32, #tpu.memory_space<hbm>> -> memref<20000x64xf32, #tpu.memory_space<hbm>>
          tpu.enqueue_indirect_dma source(%dma_start3A_900 : memref<20000x64xf32, #tpu.memory_space<hbm>>) target(%dma_start3A_894 : memref<50x64xf32, #tpu.memory_space<vmem>>) offsets(%dma_start3A_897 : memref<50xi32, #tpu.memory_space<vmem>>) semaphore(%arg27 : memref<!tpu.dma_semaphore, #tpu.memory_space<semaphore_mem>>)
          %dma_start3A_901 = arith.constant 0 : i32
          %dma_start3A_902 = arith.constant 0 : i32
          %dma_start3A_903 = arith.constant 0 : i32
          %dma_start3A_904 = tpu.memref_slice %arg22[%dma_start3A_901, %dma_start3A_902, %dma_start3A_903] : memref<2x50x16xf32, #tpu.memory_space<vmem>> -> memref<1x50x16xf32, #tpu.memory_space<vmem>>
          %dma_start3A_905 = tpu.memref_squeeze %dma_start3A_904 : memref<1x50x16xf32, #tpu.memory_space<vmem>> -> memref<50x16xf32, #tpu.memory_space<vmem>>
          %dma_start3A_906 = arith.constant 0 : i32
          %dma_start3A_907 = tpu.memref_slice %arg16[%select_n3A_862, %select_n3A_878, %dma_start3A_906] : memref<3x10x50xi32, #tpu.memory_space<vmem>> -> memref<1x1x50xi32, #tpu.memory_space<vmem>>
          %dma_start3A_908 = tpu.memref_squeeze %dma_start3A_907 : memref<1x1x50xi32, #tpu.memory_space<vmem>> -> memref<50xi32, #tpu.memory_space<vmem>>
          %dma_start3A_909 = arith.constant 0 : i32
          %dma_start3A_910 = arith.constant 0 : i32
          %dma_start3A_911 = tpu.memref_slice %arg10[%dma_start3A_909, %dma_start3A_910] : memref<20000x16xf32, #tpu.memory_space<hbm>> -> memref<20000x16xf32, #tpu.memory_space<hbm>>
          tpu.enqueue_indirect_dma source(%dma_start3A_911 : memref<20000x16xf32, #tpu.memory_space<hbm>>) target(%dma_start3A_905 : memref<50x16xf32, #tpu.memory_space<vmem>>) offsets(%dma_start3A_908 : memref<50xi32, #tpu.memory_space<vmem>>) semaphore(%arg27 : memref<!tpu.dma_semaphore, #tpu.memory_space<semaphore_mem>>)
          %dma_start3A_912 = arith.constant 0 : i32
          %dma_start3A_913 = arith.constant 0 : i32
          %dma_start3A_914 = arith.constant 0 : i32
          %dma_start3A_915 = tpu.memref_slice %arg20[%dma_start3A_912, %dma_start3A_913, %dma_start3A_914] : memref<2x50x64xf32, #tpu.memory_space<vmem>> -> memref<1x50x64xf32, #tpu.memory_space<vmem>>
          %dma_start3A_916 = tpu.memref_squeeze %dma_start3A_915 : memref<1x50x64xf32, #tpu.memory_space<vmem>> -> memref<50x64xf32, #tpu.memory_space<vmem>>
          %dma_start3A_917 = arith.constant 0 : i32
          %dma_start3A_918 = tpu.memref_slice %arg8[%add3A_822, %dma_start3A_917] : memref<320000x128xf32, #tpu.memory_space<hbm>> -> memref<50x64xf32, #tpu.memory_space<hbm>>
          %dma_start3A_919 = arith.constant 0 : i32
          %dma_start3A_920 = arith.constant 0 : i32
          %dma_start3A_921 = tpu.memref_slice %arg20[%dma_start3A_912, %dma_start3A_919, %dma_start3A_920] : memref<2x50x64xf32, #tpu.memory_space<vmem>> -> memref<1x50x64xf32, #tpu.memory_space<vmem>>
          %dma_start3A_922 = tpu.memref_squeeze %dma_start3A_921 : memref<1x50x64xf32, #tpu.memory_space<vmem>> -> memref<50x64xf32, #tpu.memory_space<vmem>>
          %dma_start3A_923 = arith.constant 0 : i32
          %dma_start3A_924 = tpu.memref_slice %arg8[%add3A_822, %dma_start3A_923] : memref<320000x128xf32, #tpu.memory_space<hbm>> -> memref<50x64xf32, #tpu.memory_space<hbm>>
          tpu.enqueue_dma source(%dma_start3A_924 : memref<50x64xf32, #tpu.memory_space<hbm>>) target(%dma_start3A_922 : memref<50x64xf32, #tpu.memory_space<vmem>>) target_semaphore(%arg29 : memref<!tpu.dma_semaphore, #tpu.memory_space<semaphore_mem>>)
          %dma_start3A_925 = arith.constant 0 : i32
          %dma_start3A_926 = arith.constant 0 : i32
          %dma_start3A_927 = arith.constant 0 : i32
          %dma_start3A_928 = tpu.memref_slice %arg21[%dma_start3A_925, %dma_start3A_926, %dma_start3A_927] : memref<2x50x64xf32, #tpu.memory_space<vmem>> -> memref<1x50x64xf32, #tpu.memory_space<vmem>>
          %dma_start3A_929 = tpu.memref_squeeze %dma_start3A_928 : memref<1x50x64xf32, #tpu.memory_space<vmem>> -> memref<50x64xf32, #tpu.memory_space<vmem>>
          %dma_start3A_930 = arith.constant 0 : i32
          %dma_start3A_931 = tpu.memref_slice %arg9[%add3A_822, %dma_start3A_930] : memref<320000x128xf32, #tpu.memory_space<hbm>> -> memref<50x64xf32, #tpu.memory_space<hbm>>
          %dma_start3A_932 = arith.constant 0 : i32
          %dma_start3A_933 = arith.constant 0 : i32
          %dma_start3A_934 = tpu.memref_slice %arg21[%dma_start3A_925, %dma_start3A_932, %dma_start3A_933] : memref<2x50x64xf32, #tpu.memory_space<vmem>> -> memref<1x50x64xf32, #tpu.memory_space<vmem>>
          %dma_start3A_935 = tpu.memref_squeeze %dma_start3A_934 : memref<1x50x64xf32, #tpu.memory_space<vmem>> -> memref<50x64xf32, #tpu.memory_space<vmem>>
          %dma_start3A_936 = arith.constant 0 : i32
          %dma_start3A_937 = tpu.memref_slice %arg9[%add3A_822, %dma_start3A_936] : memref<320000x128xf32, #tpu.memory_space<hbm>> -> memref<50x64xf32, #tpu.memory_space<hbm>>
          tpu.enqueue_dma source(%dma_start3A_937 : memref<50x64xf32, #tpu.memory_space<hbm>>) target(%dma_start3A_935 : memref<50x64xf32, #tpu.memory_space<vmem>>) target_semaphore(%arg29 : memref<!tpu.dma_semaphore, #tpu.memory_space<semaphore_mem>>)
          %dma_start3A_938 = arith.constant 0 : i32
          %dma_start3A_939 = arith.constant 0 : i32
          %dma_start3A_940 = arith.constant 0 : i32
          %dma_start3A_941 = tpu.memref_slice %arg23[%dma_start3A_938, %dma_start3A_939, %dma_start3A_940] : memref<2x50x64xf32, #tpu.memory_space<vmem>> -> memref<1x50x64xf32, #tpu.memory_space<vmem>>
          %dma_start3A_942 = tpu.memref_squeeze %dma_start3A_941 : memref<1x50x64xf32, #tpu.memory_space<vmem>> -> memref<50x64xf32, #tpu.memory_space<vmem>>
          %dma_start3A_943 = arith.constant 0 : i32
          %dma_start3A_944 = tpu.memref_slice %arg11[%add3A_822, %dma_start3A_943] : memref<320000x128xf32, #tpu.memory_space<hbm>> -> memref<50x64xf32, #tpu.memory_space<hbm>>
          %dma_start3A_945 = arith.constant 0 : i32
          %dma_start3A_946 = arith.constant 0 : i32
          %dma_start3A_947 = tpu.memref_slice %arg23[%dma_start3A_938, %dma_start3A_945, %dma_start3A_946] : memref<2x50x64xf32, #tpu.memory_space<vmem>> -> memref<1x50x64xf32, #tpu.memory_space<vmem>>
          %dma_start3A_948 = tpu.memref_squeeze %dma_start3A_947 : memref<1x50x64xf32, #tpu.memory_space<vmem>> -> memref<50x64xf32, #tpu.memory_space<vmem>>
          %dma_start3A_949 = arith.constant 0 : i32
          %dma_start3A_950 = tpu.memref_slice %arg11[%add3A_822, %dma_start3A_949] : memref<320000x128xf32, #tpu.memory_space<hbm>> -> memref<50x64xf32, #tpu.memory_space<hbm>>
          tpu.enqueue_dma source(%dma_start3A_950 : memref<50x64xf32, #tpu.memory_space<hbm>>) target(%dma_start3A_948 : memref<50x64xf32, #tpu.memory_space<vmem>>) target_semaphore(%arg29 : memref<!tpu.dma_semaphore, #tpu.memory_space<semaphore_mem>>)
        } else {
        }
        %mul3A_590 = arith.constant 20000 : i32
        %mul3A_591 = arith.muli %arg1, %mul3A_590 : i32
        %mul3A_592 = arith.constant 50 : i32
        %mul3A_593 = arith.muli %add3A_202, %mul3A_592 : i32
        %add3A_594 = arith.addi %mul3A_591, %mul3A_593 : i32
        %jit3A_595 = arith.constant 10 : i32
        %div3A_596 = arith.divsi %add3A_202, %jit3A_595 : i32
        %sign3A_597 = arith.constant 0 : i32
        %sign3A_598 = arith.cmpi sgt, %add3A_202, %sign3A_597 : i32
        %sign3A_599 = arith.extui %sign3A_598 : i1 to i32
        %sign3A_600 = arith.constant 0 : i32
        %sign3A_601 = arith.cmpi slt, %add3A_202, %sign3A_600 : i32
        %sign3A_602 = arith.extui %sign3A_601 : i1 to i32
        %sign3A_603 = arith.subi %sign3A_599, %sign3A_602 : i32
        %sign3A_604 = arith.constant 0 : i32
        %sign3A_605 = arith.cmpi sgt, %jit3A_595, %sign3A_604 : i32
        %sign3A_606 = arith.extui %sign3A_605 : i1 to i32
        %sign3A_607 = arith.constant 0 : i32
        %sign3A_608 = arith.cmpi slt, %jit3A_595, %sign3A_607 : i32
        %sign3A_609 = arith.extui %sign3A_608 : i1 to i32
        %sign3A_610 = arith.subi %sign3A_606, %sign3A_609 : i32
        %ne3A_611 = arith.cmpi ne, %sign3A_603, %sign3A_610 : i32
        %rem3A_612 = arith.remsi %add3A_202, %jit3A_595 : i32
        %ne3A_613 = arith.constant 0 : i32
        %ne3A_614 = arith.cmpi ne, %rem3A_612, %ne3A_613 : i32
        %and3A_615 = arith.andi %ne3A_611, %ne3A_614 : i1
        %sub3A_616 = arith.constant 1 : i32
        %sub3A_617 = arith.subi %div3A_596, %sub3A_616 : i32
        %select_n3A_618 = arith.select %and3A_615, %sub3A_617, %div3A_596 : i32
        %jit3A_619 = arith.constant 3 : i32
        %eq3A_620 = arith.constant 0 : i32
        %eq3A_621 = arith.cmpi eq, %jit3A_619, %eq3A_620 : i32
        %jit3A_622 = arith.constant 1 : i32
        %select_n3A_623 = arith.select %eq3A_621, %jit3A_622, %jit3A_619 : i32
        %rem3A_624 = arith.remsi %select_n3A_618, %select_n3A_623 : i32
        %ne3A_625 = arith.constant 0 : i32
        %ne3A_626 = arith.cmpi ne, %rem3A_624, %ne3A_625 : i32
        %lt3A_627 = arith.constant 0 : i32
        %lt3A_628 = arith.cmpi slt, %rem3A_624, %lt3A_627 : i32
        %lt3A_629 = arith.constant 0 : i32
        %lt3A_630 = arith.cmpi slt, %select_n3A_623, %lt3A_629 : i32
        %ne3A_631 = arith.xori %lt3A_628, %lt3A_630 : i1
        %and3A_632 = arith.andi %ne3A_631, %ne3A_626 : i1
        %add3A_633 = arith.addi %rem3A_624, %select_n3A_623 : i32
        %select_n3A_634 = arith.select %and3A_632, %add3A_633, %rem3A_624 : i32
        %jit3A_635 = arith.constant 10 : i32
        %eq3A_636 = arith.constant 0 : i32
        %eq3A_637 = arith.cmpi eq, %jit3A_635, %eq3A_636 : i32
        %jit3A_638 = arith.constant 1 : i32
        %select_n3A_639 = arith.select %eq3A_637, %jit3A_638, %jit3A_635 : i32
        %rem3A_640 = arith.remsi %add3A_202, %select_n3A_639 : i32
        %ne3A_641 = arith.constant 0 : i32
        %ne3A_642 = arith.cmpi ne, %rem3A_640, %ne3A_641 : i32
        %lt3A_643 = arith.constant 0 : i32
        %lt3A_644 = arith.cmpi slt, %rem3A_640, %lt3A_643 : i32
        %lt3A_645 = arith.constant 0 : i32
        %lt3A_646 = arith.cmpi slt, %select_n3A_639, %lt3A_645 : i32
        %ne3A_647 = arith.xori %lt3A_644, %lt3A_646 : i1
        %and3A_648 = arith.andi %ne3A_647, %ne3A_642 : i1
        %add3A_649 = arith.addi %rem3A_640, %select_n3A_639 : i32
        %select_n3A_650 = arith.select %and3A_648, %add3A_649, %rem3A_640 : i32
        %dma_wait3A_651 = arith.constant 1 : i32
        %dma_wait3A_652 = arith.constant 0 : i32
        %dma_wait3A_653 = arith.constant 0 : i32
        %dma_wait3A_654 = tpu.memref_slice %arg18[%dma_wait3A_651, %dma_wait3A_652, %dma_wait3A_653] : memref<2x50x64xf32, #tpu.memory_space<vmem>> -> memref<1x50x64xf32, #tpu.memory_space<vmem>>
        %dma_wait3A_655 = tpu.memref_squeeze %dma_wait3A_654 : memref<1x50x64xf32, #tpu.memory_space<vmem>> -> memref<50x64xf32, #tpu.memory_space<vmem>>
        %dma_wait3A_656 = arith.constant 0 : i32
        %dma_wait3A_657 = tpu.memref_slice %arg16[%select_n3A_634, %select_n3A_650, %dma_wait3A_656] : memref<3x10x50xi32, #tpu.memory_space<vmem>> -> memref<1x1x50xi32, #tpu.memory_space<vmem>>
        %dma_wait3A_658 = tpu.memref_squeeze %dma_wait3A_657 : memref<1x1x50xi32, #tpu.memory_space<vmem>> -> memref<50xi32, #tpu.memory_space<vmem>>
        %dma_wait3A_659 = arith.constant 0 : i32
        %dma_wait3A_660 = arith.constant 0 : i32
        %dma_wait3A_661 = tpu.memref_slice %arg2[%dma_wait3A_659, %dma_wait3A_660] : memref<20000x64xf32, #tpu.memory_space<hbm>> -> memref<20000x64xf32, #tpu.memory_space<hbm>>
        tpu.wait_indirect_dma semaphore(%arg28 : memref<!tpu.dma_semaphore, #tpu.memory_space<semaphore_mem>>) src(%dma_wait3A_661 : memref<20000x64xf32, #tpu.memory_space<hbm>>) dst(%dma_wait3A_655 : memref<50x64xf32, #tpu.memory_space<vmem>>)
        %dma_wait3A_662 = arith.constant 1 : i32
        %dma_wait3A_663 = arith.constant 0 : i32
        %dma_wait3A_664 = arith.constant 0 : i32
        %dma_wait3A_665 = tpu.memref_slice %arg19[%dma_wait3A_662, %dma_wait3A_663, %dma_wait3A_664] : memref<2x50x64xf32, #tpu.memory_space<vmem>> -> memref<1x50x64xf32, #tpu.memory_space<vmem>>
        %dma_wait3A_666 = tpu.memref_squeeze %dma_wait3A_665 : memref<1x50x64xf32, #tpu.memory_space<vmem>> -> memref<50x64xf32, #tpu.memory_space<vmem>>
        %dma_wait3A_667 = arith.constant 0 : i32
        %dma_wait3A_668 = tpu.memref_slice %arg17[%select_n3A_634, %select_n3A_650, %dma_wait3A_667] : memref<3x10x50xi32, #tpu.memory_space<vmem>> -> memref<1x1x50xi32, #tpu.memory_space<vmem>>
        %dma_wait3A_669 = tpu.memref_squeeze %dma_wait3A_668 : memref<1x1x50xi32, #tpu.memory_space<vmem>> -> memref<50xi32, #tpu.memory_space<vmem>>
        %dma_wait3A_670 = arith.constant 0 : i32
        %dma_wait3A_671 = arith.constant 0 : i32
        %dma_wait3A_672 = tpu.memref_slice %arg4[%dma_wait3A_670, %dma_wait3A_671] : memref<20000x64xf32, #tpu.memory_space<hbm>> -> memref<20000x64xf32, #tpu.memory_space<hbm>>
        tpu.wait_indirect_dma semaphore(%arg28 : memref<!tpu.dma_semaphore, #tpu.memory_space<semaphore_mem>>) src(%dma_wait3A_672 : memref<20000x64xf32, #tpu.memory_space<hbm>>) dst(%dma_wait3A_666 : memref<50x64xf32, #tpu.memory_space<vmem>>)
        %dma_wait3A_673 = arith.constant 1 : i32
        %dma_wait3A_674 = arith.constant 0 : i32
        %dma_wait3A_675 = arith.constant 0 : i32
        %dma_wait3A_676 = tpu.memref_slice %arg22[%dma_wait3A_673, %dma_wait3A_674, %dma_wait3A_675] : memref<2x50x16xf32, #tpu.memory_space<vmem>> -> memref<1x50x16xf32, #tpu.memory_space<vmem>>
        %dma_wait3A_677 = tpu.memref_squeeze %dma_wait3A_676 : memref<1x50x16xf32, #tpu.memory_space<vmem>> -> memref<50x16xf32, #tpu.memory_space<vmem>>
        %dma_wait3A_678 = arith.constant 0 : i32
        %dma_wait3A_679 = tpu.memref_slice %arg16[%select_n3A_634, %select_n3A_650, %dma_wait3A_678] : memref<3x10x50xi32, #tpu.memory_space<vmem>> -> memref<1x1x50xi32, #tpu.memory_space<vmem>>
        %dma_wait3A_680 = tpu.memref_squeeze %dma_wait3A_679 : memref<1x1x50xi32, #tpu.memory_space<vmem>> -> memref<50xi32, #tpu.memory_space<vmem>>
        %dma_wait3A_681 = arith.constant 0 : i32
        %dma_wait3A_682 = arith.constant 0 : i32
        %dma_wait3A_683 = tpu.memref_slice %arg10[%dma_wait3A_681, %dma_wait3A_682] : memref<20000x16xf32, #tpu.memory_space<hbm>> -> memref<20000x16xf32, #tpu.memory_space<hbm>>
        tpu.wait_indirect_dma semaphore(%arg28 : memref<!tpu.dma_semaphore, #tpu.memory_space<semaphore_mem>>) src(%dma_wait3A_683 : memref<20000x16xf32, #tpu.memory_space<hbm>>) dst(%dma_wait3A_677 : memref<50x16xf32, #tpu.memory_space<vmem>>)
        %dma_wait3A_684 = arith.constant 1 : i32
        %dma_wait3A_685 = arith.constant 0 : i32
        %dma_wait3A_686 = arith.constant 0 : i32
        %dma_wait3A_687 = tpu.memref_slice %arg20[%dma_wait3A_684, %dma_wait3A_685, %dma_wait3A_686] : memref<2x50x64xf32, #tpu.memory_space<vmem>> -> memref<1x50x64xf32, #tpu.memory_space<vmem>>
        %dma_wait3A_688 = tpu.memref_squeeze %dma_wait3A_687 : memref<1x50x64xf32, #tpu.memory_space<vmem>> -> memref<50x64xf32, #tpu.memory_space<vmem>>
        %dma_wait3A_689 = arith.constant 0 : i32
        %dma_wait3A_690 = tpu.memref_slice %arg8[%add3A_594, %dma_wait3A_689] : memref<320000x128xf32, #tpu.memory_space<hbm>> -> memref<50x64xf32, #tpu.memory_space<hbm>>
        %dma_wait3A_691 = arith.constant 0 : i32
        %dma_wait3A_692 = arith.constant 0 : i32
        %dma_wait3A_693 = tpu.memref_slice %arg20[%dma_wait3A_684, %dma_wait3A_691, %dma_wait3A_692] : memref<2x50x64xf32, #tpu.memory_space<vmem>> -> memref<1x50x64xf32, #tpu.memory_space<vmem>>
        %dma_wait3A_694 = tpu.memref_squeeze %dma_wait3A_693 : memref<1x50x64xf32, #tpu.memory_space<vmem>> -> memref<50x64xf32, #tpu.memory_space<vmem>>
        %dma_wait3A_695 = arith.constant 0 : i32
        %dma_wait3A_696 = tpu.memref_slice %arg8[%add3A_594, %dma_wait3A_695] : memref<320000x128xf32, #tpu.memory_space<hbm>> -> memref<50x64xf32, #tpu.memory_space<hbm>>
        tpu.wait_dma2 semaphore(%arg30 : memref<!tpu.dma_semaphore, #tpu.memory_space<semaphore_mem>>) src(%dma_wait3A_696 : memref<50x64xf32, #tpu.memory_space<hbm>>) dst(%dma_wait3A_694 : memref<50x64xf32, #tpu.memory_space<vmem>>)
        %dma_wait3A_697 = arith.constant 1 : i32
        %dma_wait3A_698 = arith.constant 0 : i32
        %dma_wait3A_699 = arith.constant 0 : i32
        %dma_wait3A_700 = tpu.memref_slice %arg21[%dma_wait3A_697, %dma_wait3A_698, %dma_wait3A_699] : memref<2x50x64xf32, #tpu.memory_space<vmem>> -> memref<1x50x64xf32, #tpu.memory_space<vmem>>
        %dma_wait3A_701 = tpu.memref_squeeze %dma_wait3A_700 : memref<1x50x64xf32, #tpu.memory_space<vmem>> -> memref<50x64xf32, #tpu.memory_space<vmem>>
        %dma_wait3A_702 = arith.constant 0 : i32
        %dma_wait3A_703 = tpu.memref_slice %arg9[%add3A_594, %dma_wait3A_702] : memref<320000x128xf32, #tpu.memory_space<hbm>> -> memref<50x64xf32, #tpu.memory_space<hbm>>
        %dma_wait3A_704 = arith.constant 0 : i32
        %dma_wait3A_705 = arith.constant 0 : i32
        %dma_wait3A_706 = tpu.memref_slice %arg21[%dma_wait3A_697, %dma_wait3A_704, %dma_wait3A_705] : memref<2x50x64xf32, #tpu.memory_space<vmem>> -> memref<1x50x64xf32, #tpu.memory_space<vmem>>
        %dma_wait3A_707 = tpu.memref_squeeze %dma_wait3A_706 : memref<1x50x64xf32, #tpu.memory_space<vmem>> -> memref<50x64xf32, #tpu.memory_space<vmem>>
        %dma_wait3A_708 = arith.constant 0 : i32
        %dma_wait3A_709 = tpu.memref_slice %arg9[%add3A_594, %dma_wait3A_708] : memref<320000x128xf32, #tpu.memory_space<hbm>> -> memref<50x64xf32, #tpu.memory_space<hbm>>
        tpu.wait_dma2 semaphore(%arg30 : memref<!tpu.dma_semaphore, #tpu.memory_space<semaphore_mem>>) src(%dma_wait3A_709 : memref<50x64xf32, #tpu.memory_space<hbm>>) dst(%dma_wait3A_707 : memref<50x64xf32, #tpu.memory_space<vmem>>)
        %dma_wait3A_710 = arith.constant 1 : i32
        %dma_wait3A_711 = arith.constant 0 : i32
        %dma_wait3A_712 = arith.constant 0 : i32
        %dma_wait3A_713 = tpu.memref_slice %arg23[%dma_wait3A_710, %dma_wait3A_711, %dma_wait3A_712] : memref<2x50x64xf32, #tpu.memory_space<vmem>> -> memref<1x50x64xf32, #tpu.memory_space<vmem>>
        %dma_wait3A_714 = tpu.memref_squeeze %dma_wait3A_713 : memref<1x50x64xf32, #tpu.memory_space<vmem>> -> memref<50x64xf32, #tpu.memory_space<vmem>>
        %dma_wait3A_715 = arith.constant 0 : i32
        %dma_wait3A_716 = tpu.memref_slice %arg11[%add3A_594, %dma_wait3A_715] : memref<320000x128xf32, #tpu.memory_space<hbm>> -> memref<50x64xf32, #tpu.memory_space<hbm>>
        %dma_wait3A_717 = arith.constant 0 : i32
        %dma_wait3A_718 = arith.constant 0 : i32
        %dma_wait3A_719 = tpu.memref_slice %arg23[%dma_wait3A_710, %dma_wait3A_717, %dma_wait3A_718] : memref<2x50x64xf32, #tpu.memory_space<vmem>> -> memref<1x50x64xf32, #tpu.memory_space<vmem>>
        %dma_wait3A_720 = tpu.memref_squeeze %dma_wait3A_719 : memref<1x50x64xf32, #tpu.memory_space<vmem>> -> memref<50x64xf32, #tpu.memory_space<vmem>>
        %dma_wait3A_721 = arith.constant 0 : i32
        %dma_wait3A_722 = tpu.memref_slice %arg11[%add3A_594, %dma_wait3A_721] : memref<320000x128xf32, #tpu.memory_space<hbm>> -> memref<50x64xf32, #tpu.memory_space<hbm>>
        tpu.wait_dma2 semaphore(%arg30 : memref<!tpu.dma_semaphore, #tpu.memory_space<semaphore_mem>>) src(%dma_wait3A_722 : memref<50x64xf32, #tpu.memory_space<hbm>>) dst(%dma_wait3A_720 : memref<50x64xf32, #tpu.memory_space<vmem>>)
        %scan3A_723 = arith.constant 0 : i32
        %scan3A_724 = arith.constant 0 : i32
        %scan3A_725 = arith.constant 50 : i32
        %scan3A_726 = arith.addi %scan3A_724, %scan3A_725 : i32
        %scan3A_727 = arith.constant 1 : i32
        %scan3A_728 = scf.for %scan3A_816 = %scan3A_724 to %scan3A_726 step %scan3A_727 iter_args(%scan3A_817 = %scan3A_723) -> (i32)  : i32 {
          %get3A = arith.constant 1 : i32
          %get3A_818 = arith.index_cast %get3A : i32 to index
          %get3A_819 = arith.index_cast %scan3A_816 : i32 to index
          %get3A_820 = arith.constant 0 : index
          %get3A_821 = tpu.vector_load %arg22[%get3A_818, %get3A_819, %get3A_820] {strides = array<i32>} : memref<2x50x16xf32, #tpu.memory_space<vmem>>, vector<1x1x16xf32>,
          %get3A_822 = vector.shape_cast %get3A_821 : vector<1x1x16xf32> to vector<16xf32>
          %gt3A = arith.constant 5.000000e-01 : f32
          %gt3A_823 = vector.broadcast %gt3A : f32 to vector<16xf32>
          %gt3A_824 = arith.cmpf ogt, %get3A_822, %gt3A_823 : vector<16xf32>
          %get3A_825 = arith.constant 1 : i32
          %get3A_826 = arith.index_cast %get3A_825 : i32 to index
          %get3A_827 = arith.index_cast %scan3A_816 : i32 to index
          %get3A_828 = arith.constant 0 : index
          %get3A_829 = tpu.vector_load %arg20[%get3A_826, %get3A_827, %get3A_828] {strides = array<i32>} : memref<2x50x64xf32, #tpu.memory_space<vmem>>, vector<1x1x16xf32>,
          %get3A_830 = vector.shape_cast %get3A_829 : vector<1x1x16xf32> to vector<16xf32>
          %get3A_831 = arith.constant 1 : i32
          %get3A_832 = arith.index_cast %get3A_831 : i32 to index
          %get3A_833 = arith.index_cast %scan3A_816 : i32 to index
          %get3A_834 = arith.constant 0 : index
          %get3A_835 = tpu.vector_load %arg21[%get3A_832, %get3A_833, %get3A_834] {strides = array<i32>} : memref<2x50x64xf32, #tpu.memory_space<vmem>>, vector<1x1x16xf32>,
          %get3A_836 = vector.shape_cast %get3A_835 : vector<1x1x16xf32> to vector<16xf32>
          %select_n3A_837 = arith.select %gt3A_824, %get3A_830, %get3A_836 : vector<16xi1>, vector<16xf32>
          %get3A_838 = arith.constant 1 : i32
          %get3A_839 = arith.index_cast %get3A_838 : i32 to index
          %get3A_840 = arith.index_cast %scan3A_816 : i32 to index
          %get3A_841 = arith.constant 0 : index
          %get3A_842 = tpu.vector_load %arg18[%get3A_839, %get3A_840, %get3A_841] {strides = array<i32>} : memref<2x50x64xf32, #tpu.memory_space<vmem>>, vector<1x1x16xf32>,
          %get3A_843 = vector.shape_cast %get3A_842 : vector<1x1x16xf32> to vector<16xf32>
          %add3A_844 = arith.addf %select_n3A_837, %get3A_843 : vector<16xf32>
          %get3A_845 = arith.constant 1 : i32
          %get3A_846 = arith.index_cast %get3A_845 : i32 to index
          %get3A_847 = arith.index_cast %scan3A_816 : i32 to index
          %get3A_848 = arith.constant 0 : index
          %get3A_849 = tpu.vector_load %arg19[%get3A_846, %get3A_847, %get3A_848] {strides = array<i32>} : memref<2x50x64xf32, #tpu.memory_space<vmem>>, vector<1x1x16xf32>,
          %get3A_850 = vector.shape_cast %get3A_849 : vector<1x1x16xf32> to vector<16xf32>
          %add3A_851 = arith.addf %add3A_844, %get3A_850 : vector<16xf32>
          %swap3A = arith.constant 1 : i32
          %swap3A_852 = arith.index_cast %swap3A : i32 to index
          %swap3A_853 = arith.index_cast %scan3A_816 : i32 to index
          %swap3A_854 = arith.constant 0 : index
          %swap3A_855 = tpu.vector_load %arg24[%swap3A_852, %swap3A_853, %swap3A_854] {strides = array<i32>} : memref<2x50x64xf32, #tpu.memory_space<vmem>>, vector<1x1x16xf32>,
          %swap3A_856 = vector.shape_cast %swap3A_855 : vector<1x1x16xf32> to vector<16xf32>
          %swap3A_857 = vector.shape_cast %add3A_851 : vector<16xf32> to vector<1x1x16xf32>
          tpu.vector_store %arg24[%swap3A_852, %swap3A_853, %swap3A_854], %swap3A_857 {strides = array<i32>} : memref<2x50x64xf32, #tpu.memory_space<vmem>>, vector<1x1x16xf32>,
          %get3A_858 = arith.constant 1 : i32
          %get3A_859 = arith.index_cast %get3A_858 : i32 to index
          %get3A_860 = arith.index_cast %scan3A_816 : i32 to index
          %get3A_861 = arith.constant 0 : index
          %get3A_862 = tpu.vector_load %arg23[%get3A_859, %get3A_860, %get3A_861] {strides = array<i32>} : memref<2x50x64xf32, #tpu.memory_space<vmem>>, vector<1x1x16xf32>,
          %get3A_863 = vector.shape_cast %get3A_862 : vector<1x1x16xf32> to vector<16xf32>
          %add3A_864 = arith.addf %add3A_851, %get3A_863 : vector<16xf32>
          %swap3A_865 = arith.constant 1 : i32
          %swap3A_866 = arith.index_cast %swap3A_865 : i32 to index
          %swap3A_867 = arith.index_cast %scan3A_816 : i32 to index
          %swap3A_868 = arith.constant 0 : index
          %swap3A_869 = tpu.vector_load %arg25[%swap3A_866, %swap3A_867, %swap3A_868] {strides = array<i32>} : memref<2x50x64xf32, #tpu.memory_space<vmem>>, vector<1x1x16xf32>,
          %swap3A_870 = vector.shape_cast %swap3A_869 : vector<1x1x16xf32> to vector<16xf32>
          %swap3A_871 = vector.shape_cast %add3A_864 : vector<16xf32> to vector<1x1x16xf32>
          tpu.vector_store %arg25[%swap3A_866, %swap3A_867, %swap3A_868], %swap3A_871 {strides = array<i32>} : memref<2x50x64xf32, #tpu.memory_space<vmem>>, vector<1x1x16xf32>,
          %get3A_872 = arith.constant 1 : i32
          %get3A_873 = arith.index_cast %get3A_872 : i32 to index
          %get3A_874 = arith.index_cast %scan3A_816 : i32 to index
          %get3A_875 = arith.constant 16 : index
          %get3A_876 = tpu.vector_load %arg20[%get3A_873, %get3A_874, %get3A_875] {strides = array<i32>} : memref<2x50x64xf32, #tpu.memory_space<vmem>>, vector<1x1x16xf32>,
          %get3A_877 = vector.shape_cast %get3A_876 : vector<1x1x16xf32> to vector<16xf32>
          %get3A_878 = arith.constant 1 : i32
          %get3A_879 = arith.index_cast %get3A_878 : i32 to index
          %get3A_880 = arith.index_cast %scan3A_816 : i32 to index
          %get3A_881 = arith.constant 16 : index
          %get3A_882 = tpu.vector_load %arg21[%get3A_879, %get3A_880, %get3A_881] {strides = array<i32>} : memref<2x50x64xf32, #tpu.memory_space<vmem>>, vector<1x1x16xf32>,
          %get3A_883 = vector.shape_cast %get3A_882 : vector<1x1x16xf32> to vector<16xf32>
          %select_n3A_884 = arith.select %gt3A_824, %get3A_877, %get3A_883 : vector<16xi1>, vector<16xf32>
          %get3A_885 = arith.constant 1 : i32
          %get3A_886 = arith.index_cast %get3A_885 : i32 to index
          %get3A_887 = arith.index_cast %scan3A_816 : i32 to index
          %get3A_888 = arith.constant 16 : index
          %get3A_889 = tpu.vector_load %arg18[%get3A_886, %get3A_887, %get3A_888] {strides = array<i32>} : memref<2x50x64xf32, #tpu.memory_space<vmem>>, vector<1x1x16xf32>,
          %get3A_890 = vector.shape_cast %get3A_889 : vector<1x1x16xf32> to vector<16xf32>
          %add3A_891 = arith.addf %select_n3A_884, %get3A_890 : vector<16xf32>
          %get3A_892 = arith.constant 1 : i32
          %get3A_893 = arith.index_cast %get3A_892 : i32 to index
          %get3A_894 = arith.index_cast %scan3A_816 : i32 to index
          %get3A_895 = arith.constant 16 : index
          %get3A_896 = tpu.vector_load %arg19[%get3A_893, %get3A_894, %get3A_895] {strides = array<i32>} : memref<2x50x64xf32, #tpu.memory_space<vmem>>, vector<1x1x16xf32>,
          %get3A_897 = vector.shape_cast %get3A_896 : vector<1x1x16xf32> to vector<16xf32>
          %add3A_898 = arith.addf %add3A_891, %get3A_897 : vector<16xf32>
          %swap3A_899 = arith.constant 1 : i32
          %swap3A_900 = arith.index_cast %swap3A_899 : i32 to index
          %swap3A_901 = arith.index_cast %scan3A_816 : i32 to index
          %swap3A_902 = arith.constant 16 : index
          %swap3A_903 = tpu.vector_load %arg24[%swap3A_900, %swap3A_901, %swap3A_902] {strides = array<i32>} : memref<2x50x64xf32, #tpu.memory_space<vmem>>, vector<1x1x16xf32>,
          %swap3A_904 = vector.shape_cast %swap3A_903 : vector<1x1x16xf32> to vector<16xf32>
          %swap3A_905 = vector.shape_cast %add3A_898 : vector<16xf32> to vector<1x1x16xf32>
          tpu.vector_store %arg24[%swap3A_900, %swap3A_901, %swap3A_902], %swap3A_905 {strides = array<i32>} : memref<2x50x64xf32, #tpu.memory_space<vmem>>, vector<1x1x16xf32>,
          %get3A_906 = arith.constant 1 : i32
          %get3A_907 = arith.index_cast %get3A_906 : i32 to index
          %get3A_908 = arith.index_cast %scan3A_816 : i32 to index
          %get3A_909 = arith.constant 16 : index
          %get3A_910 = tpu.vector_load %arg23[%get3A_907, %get3A_908, %get3A_909] {strides = array<i32>} : memref<2x50x64xf32, #tpu.memory_space<vmem>>, vector<1x1x16xf32>,
          %get3A_911 = vector.shape_cast %get3A_910 : vector<1x1x16xf32> to vector<16xf32>
          %add3A_912 = arith.addf %add3A_898, %get3A_911 : vector<16xf32>
          %swap3A_913 = arith.constant 1 : i32
          %swap3A_914 = arith.index_cast %swap3A_913 : i32 to index
          %swap3A_915 = arith.index_cast %scan3A_816 : i32 to index
          %swap3A_916 = arith.constant 16 : index
          %swap3A_917 = tpu.vector_load %arg25[%swap3A_914, %swap3A_915, %swap3A_916] {strides = array<i32>} : memref<2x50x64xf32, #tpu.memory_space<vmem>>, vector<1x1x16xf32>,
          %swap3A_918 = vector.shape_cast %swap3A_917 : vector<1x1x16xf32> to vector<16xf32>
          %swap3A_919 = vector.shape_cast %add3A_912 : vector<16xf32> to vector<1x1x16xf32>
          tpu.vector_store %arg25[%swap3A_914, %swap3A_915, %swap3A_916], %swap3A_919 {strides = array<i32>} : memref<2x50x64xf32, #tpu.memory_space<vmem>>, vector<1x1x16xf32>,
          %get3A_920 = arith.constant 1 : i32
          %get3A_921 = arith.index_cast %get3A_920 : i32 to index
          %get3A_922 = arith.index_cast %scan3A_816 : i32 to index
          %get3A_923 = arith.constant 32 : index
          %get3A_924 = tpu.vector_load %arg20[%get3A_921, %get3A_922, %get3A_923] {strides = array<i32>} : memref<2x50x64xf32, #tpu.memory_space<vmem>>, vector<1x1x16xf32>,
          %get3A_925 = vector.shape_cast %get3A_924 : vector<1x1x16xf32> to vector<16xf32>
          %get3A_926 = arith.constant 1 : i32
          %get3A_927 = arith.index_cast %get3A_926 : i32 to index
          %get3A_928 = arith.index_cast %scan3A_816 : i32 to index
          %get3A_929 = arith.constant 32 : index
          %get3A_930 = tpu.vector_load %arg21[%get3A_927, %get3A_928, %get3A_929] {strides = array<i32>} : memref<2x50x64xf32, #tpu.memory_space<vmem>>, vector<1x1x16xf32>,
          %get3A_931 = vector.shape_cast %get3A_930 : vector<1x1x16xf32> to vector<16xf32>
          %select_n3A_932 = arith.select %gt3A_824, %get3A_925, %get3A_931 : vector<16xi1>, vector<16xf32>
          %get3A_933 = arith.constant 1 : i32
          %get3A_934 = arith.index_cast %get3A_933 : i32 to index
          %get3A_935 = arith.index_cast %scan3A_816 : i32 to index
          %get3A_936 = arith.constant 32 : index
          %get3A_937 = tpu.vector_load %arg18[%get3A_934, %get3A_935, %get3A_936] {strides = array<i32>} : memref<2x50x64xf32, #tpu.memory_space<vmem>>, vector<1x1x16xf32>,
          %get3A_938 = vector.shape_cast %get3A_937 : vector<1x1x16xf32> to vector<16xf32>
          %add3A_939 = arith.addf %select_n3A_932, %get3A_938 : vector<16xf32>
          %get3A_940 = arith.constant 1 : i32
          %get3A_941 = arith.index_cast %get3A_940 : i32 to index
          %get3A_942 = arith.index_cast %scan3A_816 : i32 to index
          %get3A_943 = arith.constant 32 : index
          %get3A_944 = tpu.vector_load %arg19[%get3A_941, %get3A_942, %get3A_943] {strides = array<i32>} : memref<2x50x64xf32, #tpu.memory_space<vmem>>, vector<1x1x16xf32>,
          %get3A_945 = vector.shape_cast %get3A_944 : vector<1x1x16xf32> to vector<16xf32>
          %add3A_946 = arith.addf %add3A_939, %get3A_945 : vector<16xf32>
          %swap3A_947 = arith.constant 1 : i32
          %swap3A_948 = arith.index_cast %swap3A_947 : i32 to index
          %swap3A_949 = arith.index_cast %scan3A_816 : i32 to index
          %swap3A_950 = arith.constant 32 : index
          %swap3A_951 = tpu.vector_load %arg24[%swap3A_948, %swap3A_949, %swap3A_950] {strides = array<i32>} : memref<2x50x64xf32, #tpu.memory_space<vmem>>, vector<1x1x16xf32>,
          %swap3A_952 = vector.shape_cast %swap3A_951 : vector<1x1x16xf32> to vector<16xf32>
          %swap3A_953 = vector.shape_cast %add3A_946 : vector<16xf32> to vector<1x1x16xf32>
          tpu.vector_store %arg24[%swap3A_948, %swap3A_949, %swap3A_950], %swap3A_953 {strides = array<i32>} : memref<2x50x64xf32, #tpu.memory_space<vmem>>, vector<1x1x16xf32>,
          %get3A_954 = arith.constant 1 : i32
          %get3A_955 = arith.index_cast %get3A_954 : i32 to index
          %get3A_956 = arith.index_cast %scan3A_816 : i32 to index
          %get3A_957 = arith.constant 32 : index
          %get3A_958 = tpu.vector_load %arg23[%get3A_955, %get3A_956, %get3A_957] {strides = array<i32>} : memref<2x50x64xf32, #tpu.memory_space<vmem>>, vector<1x1x16xf32>,
          %get3A_959 = vector.shape_cast %get3A_958 : vector<1x1x16xf32> to vector<16xf32>
          %add3A_960 = arith.addf %add3A_946, %get3A_959 : vector<16xf32>
          %swap3A_961 = arith.constant 1 : i32
          %swap3A_962 = arith.index_cast %swap3A_961 : i32 to index
          %swap3A_963 = arith.index_cast %scan3A_816 : i32 to index
          %swap3A_964 = arith.constant 32 : index
          %swap3A_965 = tpu.vector_load %arg25[%swap3A_962, %swap3A_963, %swap3A_964] {strides = array<i32>} : memref<2x50x64xf32, #tpu.memory_space<vmem>>, vector<1x1x16xf32>,
          %swap3A_966 = vector.shape_cast %swap3A_965 : vector<1x1x16xf32> to vector<16xf32>
          %swap3A_967 = vector.shape_cast %add3A_960 : vector<16xf32> to vector<1x1x16xf32>
          tpu.vector_store %arg25[%swap3A_962, %swap3A_963, %swap3A_964], %swap3A_967 {strides = array<i32>} : memref<2x50x64xf32, #tpu.memory_space<vmem>>, vector<1x1x16xf32>,
          %get3A_968 = arith.constant 1 : i32
          %get3A_969 = arith.index_cast %get3A_968 : i32 to index
          %get3A_970 = arith.index_cast %scan3A_816 : i32 to index
          %get3A_971 = arith.constant 48 : index
          %get3A_972 = tpu.vector_load %arg20[%get3A_969, %get3A_970, %get3A_971] {strides = array<i32>} : memref<2x50x64xf32, #tpu.memory_space<vmem>>, vector<1x1x16xf32>,
          %get3A_973 = vector.shape_cast %get3A_972 : vector<1x1x16xf32> to vector<16xf32>
          %get3A_974 = arith.constant 1 : i32
          %get3A_975 = arith.index_cast %get3A_974 : i32 to index
          %get3A_976 = arith.index_cast %scan3A_816 : i32 to index
          %get3A_977 = arith.constant 48 : index
          %get3A_978 = tpu.vector_load %arg21[%get3A_975, %get3A_976, %get3A_977] {strides = array<i32>} : memref<2x50x64xf32, #tpu.memory_space<vmem>>, vector<1x1x16xf32>,
          %get3A_979 = vector.shape_cast %get3A_978 : vector<1x1x16xf32> to vector<16xf32>
          %select_n3A_980 = arith.select %gt3A_824, %get3A_973, %get3A_979 : vector<16xi1>, vector<16xf32>
          %get3A_981 = arith.constant 1 : i32
          %get3A_982 = arith.index_cast %get3A_981 : i32 to index
          %get3A_983 = arith.index_cast %scan3A_816 : i32 to index
          %get3A_984 = arith.constant 48 : index
          %get3A_985 = tpu.vector_load %arg18[%get3A_982, %get3A_983, %get3A_984] {strides = array<i32>} : memref<2x50x64xf32, #tpu.memory_space<vmem>>, vector<1x1x16xf32>,
          %get3A_986 = vector.shape_cast %get3A_985 : vector<1x1x16xf32> to vector<16xf32>
          %add3A_987 = arith.addf %select_n3A_980, %get3A_986 : vector<16xf32>
          %get3A_988 = arith.constant 1 : i32
          %get3A_989 = arith.index_cast %get3A_988 : i32 to index
          %get3A_990 = arith.index_cast %scan3A_816 : i32 to index
          %get3A_991 = arith.constant 48 : index
          %get3A_992 = tpu.vector_load %arg19[%get3A_989, %get3A_990, %get3A_991] {strides = array<i32>} : memref<2x50x64xf32, #tpu.memory_space<vmem>>, vector<1x1x16xf32>,
          %get3A_993 = vector.shape_cast %get3A_992 : vector<1x1x16xf32> to vector<16xf32>
          %add3A_994 = arith.addf %add3A_987, %get3A_993 : vector<16xf32>
          %swap3A_995 = arith.constant 1 : i32
          %swap3A_996 = arith.index_cast %swap3A_995 : i32 to index
          %swap3A_997 = arith.index_cast %scan3A_816 : i32 to index
          %swap3A_998 = arith.constant 48 : index
          %swap3A_999 = tpu.vector_load %arg24[%swap3A_996, %swap3A_997, %swap3A_998] {strides = array<i32>} : memref<2x50x64xf32, #tpu.memory_space<vmem>>, vector<1x1x16xf32>,
          %swap3A_1000 = vector.shape_cast %swap3A_999 : vector<1x1x16xf32> to vector<16xf32>
          %swap3A_1001 = vector.shape_cast %add3A_994 : vector<16xf32> to vector<1x1x16xf32>
          tpu.vector_store %arg24[%swap3A_996, %swap3A_997, %swap3A_998], %swap3A_1001 {strides = array<i32>} : memref<2x50x64xf32, #tpu.memory_space<vmem>>, vector<1x1x16xf32>,
          %get3A_1002 = arith.constant 1 : i32
          %get3A_1003 = arith.index_cast %get3A_1002 : i32 to index
          %get3A_1004 = arith.index_cast %scan3A_816 : i32 to index
          %get3A_1005 = arith.constant 48 : index
          %get3A_1006 = tpu.vector_load %arg23[%get3A_1003, %get3A_1004, %get3A_1005] {strides = array<i32>} : memref<2x50x64xf32, #tpu.memory_space<vmem>>, vector<1x1x16xf32>,
          %get3A_1007 = vector.shape_cast %get3A_1006 : vector<1x1x16xf32> to vector<16xf32>
          %add3A_1008 = arith.addf %add3A_994, %get3A_1007 : vector<16xf32>
          %swap3A_1009 = arith.constant 1 : i32
          %swap3A_1010 = arith.index_cast %swap3A_1009 : i32 to index
          %swap3A_1011 = arith.index_cast %scan3A_816 : i32 to index
          %swap3A_1012 = arith.constant 48 : index
          %swap3A_1013 = tpu.vector_load %arg25[%swap3A_1010, %swap3A_1011, %swap3A_1012] {strides = array<i32>} : memref<2x50x64xf32, #tpu.memory_space<vmem>>, vector<1x1x16xf32>,
          %swap3A_1014 = vector.shape_cast %swap3A_1013 : vector<1x1x16xf32> to vector<16xf32>
          %swap3A_1015 = vector.shape_cast %add3A_1008 : vector<16xf32> to vector<1x1x16xf32>
          tpu.vector_store %arg25[%swap3A_1010, %swap3A_1011, %swap3A_1012], %swap3A_1015 {strides = array<i32>} : memref<2x50x64xf32, #tpu.memory_space<vmem>>, vector<1x1x16xf32>,
          %scan3A_1016 = arith.constant 0 : i32
          scf.yield %scan3A_1016 : i32
        }
        %scan3A_729 = arith.constant 50 : i32
        %mul3A_730 = arith.constant 20000 : i32
        %mul3A_731 = arith.muli %arg1, %mul3A_730 : i32
        %mul3A_732 = arith.constant 50 : i32
        %mul3A_733 = arith.muli %add3A_202, %mul3A_732 : i32
        %add3A_734 = arith.addi %mul3A_731, %mul3A_733 : i32
        %jit3A_735 = arith.constant 10 : i32
        %div3A_736 = arith.divsi %add3A_202, %jit3A_735 : i32
        %sign3A_737 = arith.constant 0 : i32
        %sign3A_738 = arith.cmpi sgt, %add3A_202, %sign3A_737 : i32
        %sign3A_739 = arith.extui %sign3A_738 : i1 to i32
        %sign3A_740 = arith.constant 0 : i32
        %sign3A_741 = arith.cmpi slt, %add3A_202, %sign3A_740 : i32
        %sign3A_742 = arith.extui %sign3A_741 : i1 to i32
        %sign3A_743 = arith.subi %sign3A_739, %sign3A_742 : i32
        %sign3A_744 = arith.constant 0 : i32
        %sign3A_745 = arith.cmpi sgt, %jit3A_735, %sign3A_744 : i32
        %sign3A_746 = arith.extui %sign3A_745 : i1 to i32
        %sign3A_747 = arith.constant 0 : i32
        %sign3A_748 = arith.cmpi slt, %jit3A_735, %sign3A_747 : i32
        %sign3A_749 = arith.extui %sign3A_748 : i1 to i32
        %sign3A_750 = arith.subi %sign3A_746, %sign3A_749 : i32
        %ne3A_751 = arith.cmpi ne, %sign3A_743, %sign3A_750 : i32
        %rem3A_752 = arith.remsi %add3A_202, %jit3A_735 : i32
        %ne3A_753 = arith.constant 0 : i32
        %ne3A_754 = arith.cmpi ne, %rem3A_752, %ne3A_753 : i32
        %and3A_755 = arith.andi %ne3A_751, %ne3A_754 : i1
        %sub3A_756 = arith.constant 1 : i32
        %sub3A_757 = arith.subi %div3A_736, %sub3A_756 : i32
        %select_n3A_758 = arith.select %and3A_755, %sub3A_757, %div3A_736 : i32
        %jit3A_759 = arith.constant 3 : i32
        %eq3A_760 = arith.constant 0 : i32
        %eq3A_761 = arith.cmpi eq, %jit3A_759, %eq3A_760 : i32
        %jit3A_762 = arith.constant 1 : i32
        %select_n3A_763 = arith.select %eq3A_761, %jit3A_762, %jit3A_759 : i32
        %rem3A_764 = arith.remsi %select_n3A_758, %select_n3A_763 : i32
        %ne3A_765 = arith.constant 0 : i32
        %ne3A_766 = arith.cmpi ne, %rem3A_764, %ne3A_765 : i32
        %lt3A_767 = arith.constant 0 : i32
        %lt3A_768 = arith.cmpi slt, %rem3A_764, %lt3A_767 : i32
        %lt3A_769 = arith.constant 0 : i32
        %lt3A_770 = arith.cmpi slt, %select_n3A_763, %lt3A_769 : i32
        %ne3A_771 = arith.xori %lt3A_768, %lt3A_770 : i1
        %and3A_772 = arith.andi %ne3A_771, %ne3A_766 : i1
        %add3A_773 = arith.addi %rem3A_764, %select_n3A_763 : i32
        %select_n3A_774 = arith.select %and3A_772, %add3A_773, %rem3A_764 : i32
        %jit3A_775 = arith.constant 10 : i32
        %eq3A_776 = arith.constant 0 : i32
        %eq3A_777 = arith.cmpi eq, %jit3A_775, %eq3A_776 : i32
        %jit3A_778 = arith.constant 1 : i32
        %select_n3A_779 = arith.select %eq3A_777, %jit3A_778, %jit3A_775 : i32
        %rem3A_780 = arith.remsi %add3A_202, %select_n3A_779 : i32
        %ne3A_781 = arith.constant 0 : i32
        %ne3A_782 = arith.cmpi ne, %rem3A_780, %ne3A_781 : i32
        %lt3A_783 = arith.constant 0 : i32
        %lt3A_784 = arith.cmpi slt, %rem3A_780, %lt3A_783 : i32
        %lt3A_785 = arith.constant 0 : i32
        %lt3A_786 = arith.cmpi slt, %select_n3A_779, %lt3A_785 : i32
        %ne3A_787 = arith.xori %lt3A_784, %lt3A_786 : i1
        %and3A_788 = arith.andi %ne3A_787, %ne3A_782 : i1
        %add3A_789 = arith.addi %rem3A_780, %select_n3A_779 : i32
        %select_n3A_790 = arith.select %and3A_788, %add3A_789, %rem3A_780 : i32
        %dma_start3A_791 = arith.constant 1 : i32
        %dma_start3A_792 = arith.constant 0 : i32
        %dma_start3A_793 = arith.constant 0 : i32
        %dma_start3A_794 = tpu.memref_slice %arg25[%dma_start3A_791, %dma_start3A_792, %dma_start3A_793] : memref<2x50x64xf32, #tpu.memory_space<vmem>> -> memref<1x50x64xf32, #tpu.memory_space<vmem>>
        %dma_start3A_795 = tpu.memref_squeeze %dma_start3A_794 : memref<1x50x64xf32, #tpu.memory_space<vmem>> -> memref<50x64xf32, #tpu.memory_space<vmem>>
        %dma_start3A_796 = arith.constant 0 : i32
        %dma_start3A_797 = tpu.memref_slice %arg13[%add3A_734, %dma_start3A_796] : memref<320000x128xf32, #tpu.memory_space<hbm>> -> memref<50x64xf32, #tpu.memory_space<hbm>>
        %dma_start3A_798 = arith.constant 0 : i32
        %dma_start3A_799 = tpu.memref_slice %arg13[%add3A_734, %dma_start3A_798] : memref<320000x128xf32, #tpu.memory_space<hbm>> -> memref<50x64xf32, #tpu.memory_space<hbm>>
        %dma_start3A_800 = arith.constant 0 : i32
        %dma_start3A_801 = arith.constant 0 : i32
        %dma_start3A_802 = tpu.memref_slice %arg25[%dma_start3A_791, %dma_start3A_800, %dma_start3A_801] : memref<2x50x64xf32, #tpu.memory_space<vmem>> -> memref<1x50x64xf32, #tpu.memory_space<vmem>>
        %dma_start3A_803 = tpu.memref_squeeze %dma_start3A_802 : memref<1x50x64xf32, #tpu.memory_space<vmem>> -> memref<50x64xf32, #tpu.memory_space<vmem>>
        tpu.enqueue_dma source(%dma_start3A_803 : memref<50x64xf32, #tpu.memory_space<vmem>>) target(%dma_start3A_799 : memref<50x64xf32, #tpu.memory_space<hbm>>) target_semaphore(%arg32 : memref<!tpu.dma_semaphore, #tpu.memory_space<semaphore_mem>>)
        %dma_start3A_804 = arith.constant 1 : i32
        %dma_start3A_805 = arith.constant 0 : i32
        %dma_start3A_806 = arith.constant 0 : i32
        %dma_start3A_807 = tpu.memref_slice %arg24[%dma_start3A_804, %dma_start3A_805, %dma_start3A_806] : memref<2x50x64xf32, #tpu.memory_space<vmem>> -> memref<1x50x64xf32, #tpu.memory_space<vmem>>
        %dma_start3A_808 = tpu.memref_squeeze %dma_start3A_807 : memref<1x50x64xf32, #tpu.memory_space<vmem>> -> memref<50x64xf32, #tpu.memory_space<vmem>>
        %dma_start3A_809 = arith.constant 0 : i32
        %dma_start3A_810 = tpu.memref_slice %arg17[%select_n3A_774, %select_n3A_790, %dma_start3A_809] : memref<3x10x50xi32, #tpu.memory_space<vmem>> -> memref<1x1x50xi32, #tpu.memory_space<vmem>>
        %dma_start3A_811 = tpu.memref_squeeze %dma_start3A_810 : memref<1x1x50xi32, #tpu.memory_space<vmem>> -> memref<50xi32, #tpu.memory_space<vmem>>
        %dma_start3A_812 = arith.constant 0 : i32
        %dma_start3A_813 = arith.constant 0 : i32
        %dma_start3A_814 = tpu.memref_slice %arg26[%dma_start3A_812, %dma_start3A_813] : memref<20000x64xf32, #tpu.memory_space<vmem_shared>> -> memref<20000x64xf32, #tpu.memory_space<vmem_shared>>
        tpu.enqueue_indirect_dma source(%dma_start3A_808 : memref<50x64xf32, #tpu.memory_space<vmem>>) target(%dma_start3A_814 : memref<20000x64xf32, #tpu.memory_space<vmem_shared>>) offsets(%dma_start3A_811 : memref<50xi32, #tpu.memory_space<vmem>>) semaphore(%arg34 : memref<!tpu.dma_semaphore, #tpu.memory_space<semaphore_mem>>) {add = true}
        %scan3A_815 = arith.constant 0 : i32
        scf.yield %scan3A_815 : i32
      }
      %scan3A_137 = arith.constant 200 : i32
      %mul3A_138 = arith.constant 20000 : i32
      %mul3A_139 = arith.muli %arg1, %mul3A_138 : i32
      %add3A_140 = arith.constant 19900 : i32
      %add3A_141 = arith.addi %mul3A_139, %add3A_140 : i32
      %dma_wait3A = arith.constant 0 : i32
      %dma_wait3A_142 = arith.constant 0 : i32
      %dma_wait3A_143 = arith.constant 0 : i32
      %dma_wait3A_144 = tpu.memref_slice %arg25[%dma_wait3A, %dma_wait3A_142, %dma_wait3A_143] : memref<2x50x64xf32, #tpu.memory_space<vmem>> -> memref<1x50x64xf32, #tpu.memory_space<vmem>>
      %dma_wait3A_145 = tpu.memref_squeeze %dma_wait3A_144 : memref<1x50x64xf32, #tpu.memory_space<vmem>> -> memref<50x64xf32, #tpu.memory_space<vmem>>
      %dma_wait3A_146 = arith.constant 0 : i32
      %dma_wait3A_147 = tpu.memref_slice %arg13[%add3A_141, %dma_wait3A_146] : memref<320000x128xf32, #tpu.memory_space<hbm>> -> memref<50x64xf32, #tpu.memory_space<hbm>>
      %dma_wait3A_148 = arith.constant 0 : i32
      %dma_wait3A_149 = tpu.memref_slice %arg13[%add3A_141, %dma_wait3A_148] : memref<320000x128xf32, #tpu.memory_space<hbm>> -> memref<50x64xf32, #tpu.memory_space<hbm>>
      %dma_wait3A_150 = arith.constant 0 : i32
      %dma_wait3A_151 = arith.constant 0 : i32
      %dma_wait3A_152 = tpu.memref_slice %arg25[%dma_wait3A, %dma_wait3A_150, %dma_wait3A_151] : memref<2x50x64xf32, #tpu.memory_space<vmem>> -> memref<1x50x64xf32, #tpu.memory_space<vmem>>
      %dma_wait3A_153 = tpu.memref_squeeze %dma_wait3A_152 : memref<1x50x64xf32, #tpu.memory_space<vmem>> -> memref<50x64xf32, #tpu.memory_space<vmem>>
      tpu.wait_dma2 semaphore(%arg31 : memref<!tpu.dma_semaphore, #tpu.memory_space<semaphore_mem>>) src(%dma_wait3A_153 : memref<50x64xf32, #tpu.memory_space<vmem>>) dst(%dma_wait3A_149 : memref<50x64xf32, #tpu.memory_space<hbm>>)
      %dma_wait3A_154 = arith.constant 0 : i32
      %dma_wait3A_155 = arith.constant 0 : i32
      %dma_wait3A_156 = arith.constant 8 : i32
      %dma_wait3A_157 = arith.constant 0 : i32
      %dma_wait3A_158 = arith.constant 0 : i32
      %dma_wait3A_159 = tpu.memref_slice %arg24[%dma_wait3A_154, %dma_wait3A_157, %dma_wait3A_158] : memref<2x50x64xf32, #tpu.memory_space<vmem>> -> memref<1x50x64xf32, #tpu.memory_space<vmem>>
      %dma_wait3A_160 = tpu.memref_squeeze %dma_wait3A_159 : memref<1x50x64xf32, #tpu.memory_space<vmem>> -> memref<50x64xf32, #tpu.memory_space<vmem>>
      %dma_wait3A_161 = arith.constant 0 : i32
      %dma_wait3A_162 = tpu.memref_slice %arg17[%dma_wait3A_155, %dma_wait3A_156, %dma_wait3A_161] : memref<3x10x50xi32, #tpu.memory_space<vmem>> -> memref<1x1x50xi32, #tpu.memory_space<vmem>>
      %dma_wait3A_163 = tpu.memref_squeeze %dma_wait3A_162 : memref<1x1x50xi32, #tpu.memory_space<vmem>> -> memref<50xi32, #tpu.memory_space<vmem>>
      %dma_wait3A_164 = arith.constant 0 : i32
      %dma_wait3A_165 = arith.constant 0 : i32
      %dma_wait3A_166 = tpu.memref_slice %arg26[%dma_wait3A_164, %dma_wait3A_165] : memref<20000x64xf32, #tpu.memory_space<vmem_shared>> -> memref<20000x64xf32, #tpu.memory_space<vmem_shared>>
      tpu.wait_indirect_dma semaphore(%arg33 : memref<!tpu.dma_semaphore, #tpu.memory_space<semaphore_mem>>) src(%dma_wait3A_160 : memref<50x64xf32, #tpu.memory_space<vmem>>) dst(%dma_wait3A_166 : memref<20000x64xf32, #tpu.memory_space<vmem_shared>>)
      %mul3A_167 = arith.constant 20000 : i32
      %mul3A_168 = arith.muli %arg1, %mul3A_167 : i32
      %add3A_169 = arith.constant 19950 : i32
      %add3A_170 = arith.addi %mul3A_168, %add3A_169 : i32
      %dma_wait3A_171 = arith.constant 1 : i32
      %dma_wait3A_172 = arith.constant 0 : i32
      %dma_wait3A_173 = arith.constant 0 : i32
      %dma_wait3A_174 = tpu.memref_slice %arg25[%dma_wait3A_171, %dma_wait3A_172, %dma_wait3A_173] : memref<2x50x64xf32, #tpu.memory_space<vmem>> -> memref<1x50x64xf32, #tpu.memory_space<vmem>>
      %dma_wait3A_175 = tpu.memref_squeeze %dma_wait3A_174 : memref<1x50x64xf32, #tpu.memory_space<vmem>> -> memref<50x64xf32, #tpu.memory_space<vmem>>
      %dma_wait3A_176 = arith.constant 0 : i32
      %dma_wait3A_177 = tpu.memref_slice %arg13[%add3A_170, %dma_wait3A_176] : memref<320000x128xf32, #tpu.memory_space<hbm>> -> memref<50x64xf32, #tpu.memory_space<hbm>>
      %dma_wait3A_178 = arith.constant 0 : i32
      %dma_wait3A_179 = tpu.memref_slice %arg13[%add3A_170, %dma_wait3A_178] : memref<320000x128xf32, #tpu.memory_space<hbm>> -> memref<50x64xf32, #tpu.memory_space<hbm>>
      %dma_wait3A_180 = arith.constant 0 : i32
      %dma_wait3A_181 = arith.constant 0 : i32
      %dma_wait3A_182 = tpu.memref_slice %arg25[%dma_wait3A_171, %dma_wait3A_180, %dma_wait3A_181] : memref<2x50x64xf32, #tpu.memory_space<vmem>> -> memref<1x50x64xf32, #tpu.memory_space<vmem>>
      %dma_wait3A_183 = tpu.memref_squeeze %dma_wait3A_182 : memref<1x50x64xf32, #tpu.memory_space<vmem>> -> memref<50x64xf32, #tpu.memory_space<vmem>>
      tpu.wait_dma2 semaphore(%arg32 : memref<!tpu.dma_semaphore, #tpu.memory_space<semaphore_mem>>) src(%dma_wait3A_183 : memref<50x64xf32, #tpu.memory_space<vmem>>) dst(%dma_wait3A_179 : memref<50x64xf32, #tpu.memory_space<hbm>>)
      %dma_wait3A_184 = arith.constant 1 : i32
      %dma_wait3A_185 = arith.constant 0 : i32
      %dma_wait3A_186 = arith.constant 9 : i32
      %dma_wait3A_187 = arith.constant 0 : i32
      %dma_wait3A_188 = arith.constant 0 : i32
      %dma_wait3A_189 = tpu.memref_slice %arg24[%dma_wait3A_184, %dma_wait3A_187, %dma_wait3A_188] : memref<2x50x64xf32, #tpu.memory_space<vmem>> -> memref<1x50x64xf32, #tpu.memory_space<vmem>>
      %dma_wait3A_190 = tpu.memref_squeeze %dma_wait3A_189 : memref<1x50x64xf32, #tpu.memory_space<vmem>> -> memref<50x64xf32, #tpu.memory_space<vmem>>
      %dma_wait3A_191 = arith.constant 0 : i32
      %dma_wait3A_192 = tpu.memref_slice %arg17[%dma_wait3A_185, %dma_wait3A_186, %dma_wait3A_191] : memref<3x10x50xi32, #tpu.memory_space<vmem>> -> memref<1x1x50xi32, #tpu.memory_space<vmem>>
      %dma_wait3A_193 = tpu.memref_squeeze %dma_wait3A_192 : memref<1x1x50xi32, #tpu.memory_space<vmem>> -> memref<50xi32, #tpu.memory_space<vmem>>
      %dma_wait3A_194 = arith.constant 0 : i32
      %dma_wait3A_195 = arith.constant 0 : i32
      %dma_wait3A_196 = tpu.memref_slice %arg26[%dma_wait3A_194, %dma_wait3A_195] : memref<20000x64xf32, #tpu.memory_space<vmem_shared>> -> memref<20000x64xf32, #tpu.memory_space<vmem_shared>>
      tpu.wait_indirect_dma semaphore(%arg34 : memref<!tpu.dma_semaphore, #tpu.memory_space<semaphore_mem>>) src(%dma_wait3A_190 : memref<50x64xf32, #tpu.memory_space<vmem>>) dst(%dma_wait3A_196 : memref<20000x64xf32, #tpu.memory_space<vmem_shared>>)
    } else {
    }
    %eq3A_8 = arith.constant 1 : i32
    %eq3A_9 = arith.cmpi eq, %arg0, %eq3A_8 : i32
    %convert_element_type3A_10 = arith.extui %eq3A_9 : i1 to i32
    %cond3A_11 = arith.constant 0 : i32
    %cond3A_12 = arith.cmpi ne, %convert_element_type3A_10, %cond3A_11 : i32
    scf.if %cond3A_12 {
      %mul3A = arith.constant 400 : i32
      %mul3A_21 = arith.muli %arg1, %mul3A : i32
      %run_scoped3A = arith.constant 0 : i32
      "tpu.region"() ({
        %run_scoped3A_197 = tpu.sem_alloc : memref<!tpu.dma_semaphore, #tpu.memory_space<semaphore_mem>>
        %dma_start3A_198 = arith.constant 0 : i32
        %dma_start3A_199 = arith.constant 0 : i32
        %dma_start3A_200 = tpu.memref_slice %arg16[%run_scoped3A, %dma_start3A_198, %dma_start3A_199] : memref<3x10x50xi32, #tpu.memory_space<vmem>> -> memref<1x10x50xi32, #tpu.memory_space<vmem>>
        %dma_start3A_201 = tpu.memref_squeeze %dma_start3A_200 : memref<1x10x50xi32, #tpu.memory_space<vmem>> -> memref<10x50xi32, #tpu.memory_space<vmem>>
        %dma_start3A_202 = arith.constant 0 : i32
        %dma_start3A_203 = tpu.memref_slice %arg6[%mul3A_21, %dma_start3A_202] : memref<6400x50xi32, #tpu.memory_space<hbm>> -> memref<10x50xi32, #tpu.memory_space<hbm>>
        %dma_start3A_204 = arith.constant 0 : i32
        %dma_start3A_205 = arith.constant 0 : i32
        %dma_start3A_206 = tpu.memref_slice %arg16[%run_scoped3A, %dma_start3A_204, %dma_start3A_205] : memref<3x10x50xi32, #tpu.memory_space<vmem>> -> memref<1x10x50xi32, #tpu.memory_space<vmem>>
        %dma_start3A_207 = tpu.memref_squeeze %dma_start3A_206 : memref<1x10x50xi32, #tpu.memory_space<vmem>> -> memref<10x50xi32, #tpu.memory_space<vmem>>
        %dma_start3A_208 = arith.constant 0 : i32
        %dma_start3A_209 = tpu.memref_slice %arg6[%mul3A_21, %dma_start3A_208] : memref<6400x50xi32, #tpu.memory_space<hbm>> -> memref<10x50xi32, #tpu.memory_space<hbm>>
        tpu.enqueue_dma source(%dma_start3A_209 : memref<10x50xi32, #tpu.memory_space<hbm>>) target(%dma_start3A_207 : memref<10x50xi32, #tpu.memory_space<vmem>>) target_semaphore(%run_scoped3A_197 : memref<!tpu.dma_semaphore, #tpu.memory_space<semaphore_mem>>)
        %dma_wait3A_210 = arith.constant 0 : i32
        %dma_wait3A_211 = arith.constant 0 : i32
        %dma_wait3A_212 = tpu.memref_slice %arg16[%run_scoped3A, %dma_wait3A_210, %dma_wait3A_211] : memref<3x10x50xi32, #tpu.memory_space<vmem>> -> memref<1x10x50xi32, #tpu.memory_space<vmem>>
        %dma_wait3A_213 = tpu.memref_squeeze %dma_wait3A_212 : memref<1x10x50xi32, #tpu.memory_space<vmem>> -> memref<10x50xi32, #tpu.memory_space<vmem>>
        %dma_wait3A_214 = arith.constant 0 : i32
        %dma_wait3A_215 = tpu.memref_slice %arg6[%mul3A_21, %dma_wait3A_214] : memref<6400x50xi32, #tpu.memory_space<hbm>> -> memref<10x50xi32, #tpu.memory_space<hbm>>
        %dma_wait3A_216 = arith.constant 0 : i32
        %dma_wait3A_217 = arith.constant 0 : i32
        %dma_wait3A_218 = tpu.memref_slice %arg16[%run_scoped3A, %dma_wait3A_216, %dma_wait3A_217] : memref<3x10x50xi32, #tpu.memory_space<vmem>> -> memref<1x10x50xi32, #tpu.memory_space<vmem>>
        %dma_wait3A_219 = tpu.memref_squeeze %dma_wait3A_218 : memref<1x10x50xi32, #tpu.memory_space<vmem>> -> memref<10x50xi32, #tpu.memory_space<vmem>>
        %dma_wait3A_220 = arith.constant 0 : i32
        %dma_wait3A_221 = tpu.memref_slice %arg6[%mul3A_21, %dma_wait3A_220] : memref<6400x50xi32, #tpu.memory_space<hbm>> -> memref<10x50xi32, #tpu.memory_space<hbm>>
        tpu.wait_dma2 semaphore(%run_scoped3A_197 : memref<!tpu.dma_semaphore, #tpu.memory_space<semaphore_mem>>) src(%dma_wait3A_221 : memref<10x50xi32, #tpu.memory_space<hbm>>) dst(%dma_wait3A_219 : memref<10x50xi32, #tpu.memory_space<vmem>>)
        tpu.yield
      }) : () -> ()
      %run_scoped3A_22 = arith.constant 0 : i32
      "tpu.region"() ({
        %run_scoped3A_197 = tpu.sem_alloc : memref<!tpu.dma_semaphore, #tpu.memory_space<semaphore_mem>>
        %dma_start3A_198 = arith.constant 0 : i32
        %dma_start3A_199 = arith.constant 0 : i32
        %dma_start3A_200 = tpu.memref_slice %arg17[%run_scoped3A_22, %dma_start3A_198, %dma_start3A_199] : memref<3x10x50xi32, #tpu.memory_space<vmem>> -> memref<1x10x50xi32, #tpu.memory_space<vmem>>
        %dma_start3A_201 = tpu.memref_squeeze %dma_start3A_200 : memref<1x10x50xi32, #tpu.memory_space<vmem>> -> memref<10x50xi32, #tpu.memory_space<vmem>>
        %dma_start3A_202 = arith.constant 0 : i32
        %dma_start3A_203 = tpu.memref_slice %arg7[%mul3A_21, %dma_start3A_202] : memref<6400x50xi32, #tpu.memory_space<hbm>> -> memref<10x50xi32, #tpu.memory_space<hbm>>
        %dma_start3A_204 = arith.constant 0 : i32
        %dma_start3A_205 = arith.constant 0 : i32
        %dma_start3A_206 = tpu.memref_slice %arg17[%run_scoped3A_22, %dma_start3A_204, %dma_start3A_205] : memref<3x10x50xi32, #tpu.memory_space<vmem>> -> memref<1x10x50xi32, #tpu.memory_space<vmem>>
        %dma_start3A_207 = tpu.memref_squeeze %dma_start3A_206 : memref<1x10x50xi32, #tpu.memory_space<vmem>> -> memref<10x50xi32, #tpu.memory_space<vmem>>
        %dma_start3A_208 = arith.constant 0 : i32
        %dma_start3A_209 = tpu.memref_slice %arg7[%mul3A_21, %dma_start3A_208] : memref<6400x50xi32, #tpu.memory_space<hbm>> -> memref<10x50xi32, #tpu.memory_space<hbm>>
        tpu.enqueue_dma source(%dma_start3A_209 : memref<10x50xi32, #tpu.memory_space<hbm>>) target(%dma_start3A_207 : memref<10x50xi32, #tpu.memory_space<vmem>>) target_semaphore(%run_scoped3A_197 : memref<!tpu.dma_semaphore, #tpu.memory_space<semaphore_mem>>)
        %dma_wait3A_210 = arith.constant 0 : i32
        %dma_wait3A_211 = arith.constant 0 : i32
        %dma_wait3A_212 = tpu.memref_slice %arg17[%run_scoped3A_22, %dma_wait3A_210, %dma_wait3A_211] : memref<3x10x50xi32, #tpu.memory_space<vmem>> -> memref<1x10x50xi32, #tpu.memory_space<vmem>>
        %dma_wait3A_213 = tpu.memref_squeeze %dma_wait3A_212 : memref<1x10x50xi32, #tpu.memory_space<vmem>> -> memref<10x50xi32, #tpu.memory_space<vmem>>
        %dma_wait3A_214 = arith.constant 0 : i32
        %dma_wait3A_215 = tpu.memref_slice %arg7[%mul3A_21, %dma_wait3A_214] : memref<6400x50xi32, #tpu.memory_space<hbm>> -> memref<10x50xi32, #tpu.memory_space<hbm>>
        %dma_wait3A_216 = arith.constant 0 : i32
        %dma_wait3A_217 = arith.constant 0 : i32
        %dma_wait3A_218 = tpu.memref_slice %arg17[%run_scoped3A_22, %dma_wait3A_216, %dma_wait3A_217] : memref<3x10x50xi32, #tpu.memory_space<vmem>> -> memref<1x10x50xi32, #tpu.memory_space<vmem>>
        %dma_wait3A_219 = tpu.memref_squeeze %dma_wait3A_218 : memref<1x10x50xi32, #tpu.memory_space<vmem>> -> memref<10x50xi32, #tpu.memory_space<vmem>>
        %dma_wait3A_220 = arith.constant 0 : i32
        %dma_wait3A_221 = tpu.memref_slice %arg7[%mul3A_21, %dma_wait3A_220] : memref<6400x50xi32, #tpu.memory_space<hbm>> -> memref<10x50xi32, #tpu.memory_space<hbm>>
        tpu.wait_dma2 semaphore(%run_scoped3A_197 : memref<!tpu.dma_semaphore, #tpu.memory_space<semaphore_mem>>) src(%dma_wait3A_221 : memref<10x50xi32, #tpu.memory_space<hbm>>) dst(%dma_wait3A_219 : memref<10x50xi32, #tpu.memory_space<vmem>>)
        tpu.yield
      }) : () -> ()
      %add3A = arith.constant 10 : i32
      %add3A_23 = arith.addi %mul3A_21, %add3A : i32
      %dma_start3A = arith.constant 1 : i32
      %dma_start3A_24 = arith.constant 0 : i32
      %dma_start3A_25 = arith.constant 0 : i32
      %dma_start3A_26 = tpu.memref_slice %arg16[%dma_start3A, %dma_start3A_24, %dma_start3A_25] : memref<3x10x50xi32, #tpu.memory_space<vmem>> -> memref<1x10x50xi32, #tpu.memory_space<vmem>>
      %dma_start3A_27 = tpu.memref_squeeze %dma_start3A_26 : memref<1x10x50xi32, #tpu.memory_space<vmem>> -> memref<10x50xi32, #tpu.memory_space<vmem>>
      %dma_start3A_28 = arith.constant 0 : i32
      %dma_start3A_29 = tpu.memref_slice %arg6[%add3A_23, %dma_start3A_28] : memref<6400x50xi32, #tpu.memory_space<hbm>> -> memref<10x50xi32, #tpu.memory_space<hbm>>
      %dma_start3A_30 = arith.constant 0 : i32
      %dma_start3A_31 = arith.constant 0 : i32
      %dma_start3A_32 = tpu.memref_slice %arg16[%dma_start3A, %dma_start3A_30, %dma_start3A_31] : memref<3x10x50xi32, #tpu.memory_space<vmem>> -> memref<1x10x50xi32, #tpu.memory_space<vmem>>
      %dma_start3A_33 = tpu.memref_squeeze %dma_start3A_32 : memref<1x10x50xi32, #tpu.memory_space<vmem>> -> memref<10x50xi32, #tpu.memory_space<vmem>>
      %dma_start3A_34 = arith.constant 0 : i32
      %dma_start3A_35 = tpu.memref_slice %arg6[%add3A_23, %dma_start3A_34] : memref<6400x50xi32, #tpu.memory_space<hbm>> -> memref<10x50xi32, #tpu.memory_space<hbm>>
      tpu.enqueue_dma source(%dma_start3A_35 : memref<10x50xi32, #tpu.memory_space<hbm>>) target(%dma_start3A_33 : memref<10x50xi32, #tpu.memory_space<vmem>>) target_semaphore(%arg35 : memref<!tpu.dma_semaphore, #tpu.memory_space<semaphore_mem>>)
      %dma_start3A_36 = arith.constant 1 : i32
      %dma_start3A_37 = arith.constant 0 : i32
      %dma_start3A_38 = arith.constant 0 : i32
      %dma_start3A_39 = tpu.memref_slice %arg17[%dma_start3A_36, %dma_start3A_37, %dma_start3A_38] : memref<3x10x50xi32, #tpu.memory_space<vmem>> -> memref<1x10x50xi32, #tpu.memory_space<vmem>>
      %dma_start3A_40 = tpu.memref_squeeze %dma_start3A_39 : memref<1x10x50xi32, #tpu.memory_space<vmem>> -> memref<10x50xi32, #tpu.memory_space<vmem>>
      %dma_start3A_41 = arith.constant 0 : i32
      %dma_start3A_42 = tpu.memref_slice %arg7[%add3A_23, %dma_start3A_41] : memref<6400x50xi32, #tpu.memory_space<hbm>> -> memref<10x50xi32, #tpu.memory_space<hbm>>
      %dma_start3A_43 = arith.constant 0 : i32
      %dma_start3A_44 = arith.constant 0 : i32
      %dma_start3A_45 = tpu.memref_slice %arg17[%dma_start3A_36, %dma_start3A_43, %dma_start3A_44] : memref<3x10x50xi32, #tpu.memory_space<vmem>> -> memref<1x10x50xi32, #tpu.memory_space<vmem>>
      %dma_start3A_46 = tpu.memref_squeeze %dma_start3A_45 : memref<1x10x50xi32, #tpu.memory_space<vmem>> -> memref<10x50xi32, #tpu.memory_space<vmem>>
      %dma_start3A_47 = arith.constant 0 : i32
      %dma_start3A_48 = tpu.memref_slice %arg7[%add3A_23, %dma_start3A_47] : memref<6400x50xi32, #tpu.memory_space<hbm>> -> memref<10x50xi32, #tpu.memory_space<hbm>>
      tpu.enqueue_dma source(%dma_start3A_48 : memref<10x50xi32, #tpu.memory_space<hbm>>) target(%dma_start3A_46 : memref<10x50xi32, #tpu.memory_space<vmem>>) target_semaphore(%arg35 : memref<!tpu.dma_semaphore, #tpu.memory_space<semaphore_mem>>)
      %mul3A_49 = arith.constant 20000 : i32
      %mul3A_50 = arith.muli %arg1, %mul3A_49 : i32
      %add3A_51 = arith.constant 0 : i32
      %add3A_52 = arith.addi %mul3A_50, %add3A_51 : i32
      %dma_start3A_53 = arith.constant 0 : i32
      %dma_start3A_54 = arith.constant 0 : i32
      %dma_start3A_55 = arith.constant 0 : i32
      %dma_start3A_56 = arith.constant 0 : i32
      %dma_start3A_57 = arith.constant 0 : i32
      %dma_start3A_58 = tpu.memref_slice %arg18[%dma_start3A_55, %dma_start3A_56, %dma_start3A_57] : memref<2x50x64xf32, #tpu.memory_space<vmem>> -> memref<1x50x64xf32, #tpu.memory_space<vmem>>
      %dma_start3A_59 = tpu.memref_squeeze %dma_start3A_58 : memref<1x50x64xf32, #tpu.memory_space<vmem>> -> memref<50x64xf32, #tpu.memory_space<vmem>>
      %dma_start3A_60 = arith.constant 0 : i32
      %dma_start3A_61 = tpu.memref_slice %arg16[%dma_start3A_53, %dma_start3A_54, %dma_start3A_60] : memref<3x10x50xi32, #tpu.memory_space<vmem>> -> memref<1x1x50xi32, #tpu.memory_space<vmem>>
      %dma_start3A_62 = tpu.memref_squeeze %dma_start3A_61 : memref<1x1x50xi32, #tpu.memory_space<vmem>> -> memref<50xi32, #tpu.memory_space<vmem>>
      %dma_start3A_63 = arith.constant 0 : i32
      %dma_start3A_64 = arith.constant 0 : i32
      %dma_start3A_65 = tpu.memref_slice %arg3[%dma_start3A_63, %dma_start3A_64] : memref<20000x64xf32, #tpu.memory_space<hbm>> -> memref<20000x64xf32, #tpu.memory_space<hbm>>
      tpu.enqueue_indirect_dma source(%dma_start3A_65 : memref<20000x64xf32, #tpu.memory_space<hbm>>) target(%dma_start3A_59 : memref<50x64xf32, #tpu.memory_space<vmem>>) offsets(%dma_start3A_62 : memref<50xi32, #tpu.memory_space<vmem>>) semaphore(%arg27 : memref<!tpu.dma_semaphore, #tpu.memory_space<semaphore_mem>>)
      %dma_start3A_66 = arith.constant 0 : i32
      %dma_start3A_67 = arith.constant 0 : i32
      %dma_start3A_68 = arith.constant 0 : i32
      %dma_start3A_69 = arith.constant 0 : i32
      %dma_start3A_70 = arith.constant 0 : i32
      %dma_start3A_71 = tpu.memref_slice %arg19[%dma_start3A_68, %dma_start3A_69, %dma_start3A_70] : memref<2x50x64xf32, #tpu.memory_space<vmem>> -> memref<1x50x64xf32, #tpu.memory_space<vmem>>
      %dma_start3A_72 = tpu.memref_squeeze %dma_start3A_71 : memref<1x50x64xf32, #tpu.memory_space<vmem>> -> memref<50x64xf32, #tpu.memory_space<vmem>>
      %dma_start3A_73 = arith.constant 0 : i32
      %dma_start3A_74 = tpu.memref_slice %arg17[%dma_start3A_66, %dma_start3A_67, %dma_start3A_73] : memref<3x10x50xi32, #tpu.memory_space<vmem>> -> memref<1x1x50xi32, #tpu.memory_space<vmem>>
      %dma_start3A_75 = tpu.memref_squeeze %dma_start3A_74 : memref<1x1x50xi32, #tpu.memory_space<vmem>> -> memref<50xi32, #tpu.memory_space<vmem>>
      %dma_start3A_76 = arith.constant 0 : i32
      %dma_start3A_77 = arith.constant 0 : i32
      %dma_start3A_78 = tpu.memref_slice %arg5[%dma_start3A_76, %dma_start3A_77] : memref<20000x64xf32, #tpu.memory_space<hbm>> -> memref<20000x64xf32, #tpu.memory_space<hbm>>
      tpu.enqueue_indirect_dma source(%dma_start3A_78 : memref<20000x64xf32, #tpu.memory_space<hbm>>) target(%dma_start3A_72 : memref<50x64xf32, #tpu.memory_space<vmem>>) offsets(%dma_start3A_75 : memref<50xi32, #tpu.memory_space<vmem>>) semaphore(%arg27 : memref<!tpu.dma_semaphore, #tpu.memory_space<semaphore_mem>>)
      %dma_start3A_79 = arith.constant 0 : i32
      %dma_start3A_80 = arith.constant 0 : i32
      %dma_start3A_81 = arith.constant 0 : i32
      %dma_start3A_82 = arith.constant 0 : i32
      %dma_start3A_83 = arith.constant 0 : i32
      %dma_start3A_84 = tpu.memref_slice %arg22[%dma_start3A_81, %dma_start3A_82, %dma_start3A_83] : memref<2x50x16xf32, #tpu.memory_space<vmem>> -> memref<1x50x16xf32, #tpu.memory_space<vmem>>
      %dma_start3A_85 = tpu.memref_squeeze %dma_start3A_84 : memref<1x50x16xf32, #tpu.memory_space<vmem>> -> memref<50x16xf32, #tpu.memory_space<vmem>>
      %dma_start3A_86 = arith.constant 0 : i32
      %dma_start3A_87 = tpu.memref_slice %arg16[%dma_start3A_79, %dma_start3A_80, %dma_start3A_86] : memref<3x10x50xi32, #tpu.memory_space<vmem>> -> memref<1x1x50xi32, #tpu.memory_space<vmem>>
      %dma_start3A_88 = tpu.memref_squeeze %dma_start3A_87 : memref<1x1x50xi32, #tpu.memory_space<vmem>> -> memref<50xi32, #tpu.memory_space<vmem>>
      %dma_start3A_89 = arith.constant 0 : i32
      %dma_start3A_90 = arith.constant 0 : i32
      %dma_start3A_91 = tpu.memref_slice %arg10[%dma_start3A_89, %dma_start3A_90] : memref<20000x16xf32, #tpu.memory_space<hbm>> -> memref<20000x16xf32, #tpu.memory_space<hbm>>
      tpu.enqueue_indirect_dma source(%dma_start3A_91 : memref<20000x16xf32, #tpu.memory_space<hbm>>) target(%dma_start3A_85 : memref<50x16xf32, #tpu.memory_space<vmem>>) offsets(%dma_start3A_88 : memref<50xi32, #tpu.memory_space<vmem>>) semaphore(%arg27 : memref<!tpu.dma_semaphore, #tpu.memory_space<semaphore_mem>>)
      %dma_start3A_92 = arith.constant 0 : i32
      %dma_start3A_93 = arith.constant 0 : i32
      %dma_start3A_94 = arith.constant 0 : i32
      %dma_start3A_95 = tpu.memref_slice %arg20[%dma_start3A_92, %dma_start3A_93, %dma_start3A_94] : memref<2x50x64xf32, #tpu.memory_space<vmem>> -> memref<1x50x64xf32, #tpu.memory_space<vmem>>
      %dma_start3A_96 = tpu.memref_squeeze %dma_start3A_95 : memref<1x50x64xf32, #tpu.memory_space<vmem>> -> memref<50x64xf32, #tpu.memory_space<vmem>>
      %dma_start3A_97 = arith.constant 64 : i32
      %dma_start3A_98 = tpu.memref_slice %arg8[%add3A_52, %dma_start3A_97] : memref<320000x128xf32, #tpu.memory_space<hbm>> -> memref<50x64xf32, #tpu.memory_space<hbm>>
      %dma_start3A_99 = arith.constant 0 : i32
      %dma_start3A_100 = arith.constant 0 : i32
      %dma_start3A_101 = tpu.memref_slice %arg20[%dma_start3A_92, %dma_start3A_99, %dma_start3A_100] : memref<2x50x64xf32, #tpu.memory_space<vmem>> -> memref<1x50x64xf32, #tpu.memory_space<vmem>>
      %dma_start3A_102 = tpu.memref_squeeze %dma_start3A_101 : memref<1x50x64xf32, #tpu.memory_space<vmem>> -> memref<50x64xf32, #tpu.memory_space<vmem>>
      %dma_start3A_103 = arith.constant 64 : i32
      %dma_start3A_104 = tpu.memref_slice %arg8[%add3A_52, %dma_start3A_103] : memref<320000x128xf32, #tpu.memory_space<hbm>> -> memref<50x64xf32, #tpu.memory_space<hbm>>
      tpu.enqueue_dma source(%dma_start3A_104 : memref<50x64xf32, #tpu.memory_space<hbm>>) target(%dma_start3A_102 : memref<50x64xf32, #tpu.memory_space<vmem>>) target_semaphore(%arg29 : memref<!tpu.dma_semaphore, #tpu.memory_space<semaphore_mem>>)
      %dma_start3A_105 = arith.constant 0 : i32
      %dma_start3A_106 = arith.constant 0 : i32
      %dma_start3A_107 = arith.constant 0 : i32
      %dma_start3A_108 = tpu.memref_slice %arg21[%dma_start3A_105, %dma_start3A_106, %dma_start3A_107] : memref<2x50x64xf32, #tpu.memory_space<vmem>> -> memref<1x50x64xf32, #tpu.memory_space<vmem>>
      %dma_start3A_109 = tpu.memref_squeeze %dma_start3A_108 : memref<1x50x64xf32, #tpu.memory_space<vmem>> -> memref<50x64xf32, #tpu.memory_space<vmem>>
      %dma_start3A_110 = arith.constant 64 : i32
      %dma_start3A_111 = tpu.memref_slice %arg9[%add3A_52, %dma_start3A_110] : memref<320000x128xf32, #tpu.memory_space<hbm>> -> memref<50x64xf32, #tpu.memory_space<hbm>>
      %dma_start3A_112 = arith.constant 0 : i32
      %dma_start3A_113 = arith.constant 0 : i32
      %dma_start3A_114 = tpu.memref_slice %arg21[%dma_start3A_105, %dma_start3A_112, %dma_start3A_113] : memref<2x50x64xf32, #tpu.memory_space<vmem>> -> memref<1x50x64xf32, #tpu.memory_space<vmem>>
      %dma_start3A_115 = tpu.memref_squeeze %dma_start3A_114 : memref<1x50x64xf32, #tpu.memory_space<vmem>> -> memref<50x64xf32, #tpu.memory_space<vmem>>
      %dma_start3A_116 = arith.constant 64 : i32
      %dma_start3A_117 = tpu.memref_slice %arg9[%add3A_52, %dma_start3A_116] : memref<320000x128xf32, #tpu.memory_space<hbm>> -> memref<50x64xf32, #tpu.memory_space<hbm>>
      tpu.enqueue_dma source(%dma_start3A_117 : memref<50x64xf32, #tpu.memory_space<hbm>>) target(%dma_start3A_115 : memref<50x64xf32, #tpu.memory_space<vmem>>) target_semaphore(%arg29 : memref<!tpu.dma_semaphore, #tpu.memory_space<semaphore_mem>>)
      %dma_start3A_118 = arith.constant 0 : i32
      %dma_start3A_119 = arith.constant 0 : i32
      %dma_start3A_120 = arith.constant 0 : i32
      %dma_start3A_121 = tpu.memref_slice %arg23[%dma_start3A_118, %dma_start3A_119, %dma_start3A_120] : memref<2x50x64xf32, #tpu.memory_space<vmem>> -> memref<1x50x64xf32, #tpu.memory_space<vmem>>
      %dma_start3A_122 = tpu.memref_squeeze %dma_start3A_121 : memref<1x50x64xf32, #tpu.memory_space<vmem>> -> memref<50x64xf32, #tpu.memory_space<vmem>>
      %dma_start3A_123 = arith.constant 64 : i32
      %dma_start3A_124 = tpu.memref_slice %arg11[%add3A_52, %dma_start3A_123] : memref<320000x128xf32, #tpu.memory_space<hbm>> -> memref<50x64xf32, #tpu.memory_space<hbm>>
      %dma_start3A_125 = arith.constant 0 : i32
      %dma_start3A_126 = arith.constant 0 : i32
      %dma_start3A_127 = tpu.memref_slice %arg23[%dma_start3A_118, %dma_start3A_125, %dma_start3A_126] : memref<2x50x64xf32, #tpu.memory_space<vmem>> -> memref<1x50x64xf32, #tpu.memory_space<vmem>>
      %dma_start3A_128 = tpu.memref_squeeze %dma_start3A_127 : memref<1x50x64xf32, #tpu.memory_space<vmem>> -> memref<50x64xf32, #tpu.memory_space<vmem>>
      %dma_start3A_129 = arith.constant 64 : i32
      %dma_start3A_130 = tpu.memref_slice %arg11[%add3A_52, %dma_start3A_129] : memref<320000x128xf32, #tpu.memory_space<hbm>> -> memref<50x64xf32, #tpu.memory_space<hbm>>
      tpu.enqueue_dma source(%dma_start3A_130 : memref<50x64xf32, #tpu.memory_space<hbm>>) target(%dma_start3A_128 : memref<50x64xf32, #tpu.memory_space<vmem>>) target_semaphore(%arg29 : memref<!tpu.dma_semaphore, #tpu.memory_space<semaphore_mem>>)
      %scan3A_131 = arith.constant 0 : i32
      %scan3A_132 = arith.constant 0 : i32
      %scan3A_133 = arith.constant 200 : i32
      %scan3A_134 = arith.addi %scan3A_132, %scan3A_133 : i32
      %scan3A_135 = arith.constant 1 : i32
      %scan3A_136 = scf.for %scan3A_197 = %scan3A_132 to %scan3A_134 step %scan3A_135 iter_args(%scan3A_198 = %scan3A_131) -> (i32)  : i32 {
        %mul3A_199 = arith.constant 2 : i32
        %mul3A_200 = arith.muli %scan3A_197, %mul3A_199 : i32
        %add3A_201 = arith.constant 1 : i32
        %add3A_202 = arith.addi %mul3A_200, %add3A_201 : i32
        %rem3A = arith.constant 10 : i32
        %rem3A_203 = arith.remsi %mul3A_200, %rem3A : i32
        %eq3A_204 = arith.constant 8 : i32
        %eq3A_205 = arith.cmpi eq, %rem3A_203, %eq3A_204 : i32
        %add3A_206 = arith.constant 2 : i32
        %add3A_207 = arith.addi %mul3A_200, %add3A_206 : i32
        %lt3A = arith.constant 400 : i32
        %lt3A_208 = arith.cmpi slt, %add3A_207, %lt3A : i32
        %and3A = arith.andi %eq3A_205, %lt3A_208 : i1
        %convert_element_type3A_209 = arith.extui %and3A : i1 to i32
        %cond3A_210 = arith.constant 0 : i32
        %cond3A_211 = arith.cmpi ne, %convert_element_type3A_209, %cond3A_210 : i32
        scf.if %cond3A_211 {
          %add3A_816 = arith.constant 2 : i32
          %add3A_817 = arith.addi %mul3A_200, %add3A_816 : i32
          %jit3A_818 = arith.constant 10 : i32
          %div3A_819 = arith.divsi %add3A_817, %jit3A_818 : i32
          %sign3A_820 = arith.constant 0 : i32
          %sign3A_821 = arith.cmpi sgt, %add3A_817, %sign3A_820 : i32
          %sign3A_822 = arith.extui %sign3A_821 : i1 to i32
          %sign3A_823 = arith.constant 0 : i32
          %sign3A_824 = arith.cmpi slt, %add3A_817, %sign3A_823 : i32
          %sign3A_825 = arith.extui %sign3A_824 : i1 to i32
          %sign3A_826 = arith.subi %sign3A_822, %sign3A_825 : i32
          %sign3A_827 = arith.constant 0 : i32
          %sign3A_828 = arith.cmpi sgt, %jit3A_818, %sign3A_827 : i32
          %sign3A_829 = arith.extui %sign3A_828 : i1 to i32
          %sign3A_830 = arith.constant 0 : i32
          %sign3A_831 = arith.cmpi slt, %jit3A_818, %sign3A_830 : i32
          %sign3A_832 = arith.extui %sign3A_831 : i1 to i32
          %sign3A_833 = arith.subi %sign3A_829, %sign3A_832 : i32
          %ne3A_834 = arith.cmpi ne, %sign3A_826, %sign3A_833 : i32
          %rem3A_835 = arith.remsi %add3A_817, %jit3A_818 : i32
          %ne3A_836 = arith.constant 0 : i32
          %ne3A_837 = arith.cmpi ne, %rem3A_835, %ne3A_836 : i32
          %and3A_838 = arith.andi %ne3A_834, %ne3A_837 : i1
          %sub3A_839 = arith.constant 1 : i32
          %sub3A_840 = arith.subi %div3A_819, %sub3A_839 : i32
          %select_n3A_841 = arith.select %and3A_838, %sub3A_840, %div3A_819 : i32
          %mul3A_842 = arith.constant 10 : i32
          %mul3A_843 = arith.muli %select_n3A_841, %mul3A_842 : i32
          %add3A_844 = arith.addi %mul3A_21, %mul3A_843 : i32
          %jit3A_845 = arith.constant 3 : i32
          %eq3A_846 = arith.constant 0 : i32
          %eq3A_847 = arith.cmpi eq, %jit3A_845, %eq3A_846 : i32
          %jit3A_848 = arith.constant 1 : i32
          %select_n3A_849 = arith.select %eq3A_847, %jit3A_848, %jit3A_845 : i32
          %rem3A_850 = arith.remsi %select_n3A_841, %select_n3A_849 : i32
          %ne3A_851 = arith.constant 0 : i32
          %ne3A_852 = arith.cmpi ne, %rem3A_850, %ne3A_851 : i32
          %lt3A_853 = arith.constant 0 : i32
          %lt3A_854 = arith.cmpi slt, %rem3A_850, %lt3A_853 : i32
          %lt3A_855 = arith.constant 0 : i32
          %lt3A_856 = arith.cmpi slt, %select_n3A_849, %lt3A_855 : i32
          %ne3A_857 = arith.xori %lt3A_854, %lt3A_856 : i1
          %and3A_858 = arith.andi %ne3A_857, %ne3A_852 : i1
          %add3A_859 = arith.addi %rem3A_850, %select_n3A_849 : i32
          %select_n3A_860 = arith.select %and3A_858, %add3A_859, %rem3A_850 : i32
          %dma_wait3A_861 = arith.constant 0 : i32
          %dma_wait3A_862 = arith.constant 0 : i32
          %dma_wait3A_863 = tpu.memref_slice %arg16[%select_n3A_860, %dma_wait3A_861, %dma_wait3A_862] : memref<3x10x50xi32, #tpu.memory_space<vmem>> -> memref<1x10x50xi32, #tpu.memory_space<vmem>>
          %dma_wait3A_864 = tpu.memref_squeeze %dma_wait3A_863 : memref<1x10x50xi32, #tpu.memory_space<vmem>> -> memref<10x50xi32, #tpu.memory_space<vmem>>
          %dma_wait3A_865 = arith.constant 0 : i32
          %dma_wait3A_866 = tpu.memref_slice %arg6[%add3A_844, %dma_wait3A_865] : memref<6400x50xi32, #tpu.memory_space<hbm>> -> memref<10x50xi32, #tpu.memory_space<hbm>>
          %dma_wait3A_867 = arith.constant 0 : i32
          %dma_wait3A_868 = arith.constant 0 : i32
          %dma_wait3A_869 = tpu.memref_slice %arg16[%select_n3A_860, %dma_wait3A_867, %dma_wait3A_868] : memref<3x10x50xi32, #tpu.memory_space<vmem>> -> memref<1x10x50xi32, #tpu.memory_space<vmem>>
          %dma_wait3A_870 = tpu.memref_squeeze %dma_wait3A_869 : memref<1x10x50xi32, #tpu.memory_space<vmem>> -> memref<10x50xi32, #tpu.memory_space<vmem>>
          %dma_wait3A_871 = arith.constant 0 : i32
          %dma_wait3A_872 = tpu.memref_slice %arg6[%add3A_844, %dma_wait3A_871] : memref<6400x50xi32, #tpu.memory_space<hbm>> -> memref<10x50xi32, #tpu.memory_space<hbm>>
          tpu.wait_dma2 semaphore(%arg35 : memref<!tpu.dma_semaphore, #tpu.memory_space<semaphore_mem>>) src(%dma_wait3A_872 : memref<10x50xi32, #tpu.memory_space<hbm>>) dst(%dma_wait3A_870 : memref<10x50xi32, #tpu.memory_space<vmem>>)
          %dma_wait3A_873 = arith.constant 0 : i32
          %dma_wait3A_874 = arith.constant 0 : i32
          %dma_wait3A_875 = tpu.memref_slice %arg17[%select_n3A_860, %dma_wait3A_873, %dma_wait3A_874] : memref<3x10x50xi32, #tpu.memory_space<vmem>> -> memref<1x10x50xi32, #tpu.memory_space<vmem>>
          %dma_wait3A_876 = tpu.memref_squeeze %dma_wait3A_875 : memref<1x10x50xi32, #tpu.memory_space<vmem>> -> memref<10x50xi32, #tpu.memory_space<vmem>>
          %dma_wait3A_877 = arith.constant 0 : i32
          %dma_wait3A_878 = tpu.memref_slice %arg7[%add3A_844, %dma_wait3A_877] : memref<6400x50xi32, #tpu.memory_space<hbm>> -> memref<10x50xi32, #tpu.memory_space<hbm>>
          %dma_wait3A_879 = arith.constant 0 : i32
          %dma_wait3A_880 = arith.constant 0 : i32
          %dma_wait3A_881 = tpu.memref_slice %arg17[%select_n3A_860, %dma_wait3A_879, %dma_wait3A_880] : memref<3x10x50xi32, #tpu.memory_space<vmem>> -> memref<1x10x50xi32, #tpu.memory_space<vmem>>
          %dma_wait3A_882 = tpu.memref_squeeze %dma_wait3A_881 : memref<1x10x50xi32, #tpu.memory_space<vmem>> -> memref<10x50xi32, #tpu.memory_space<vmem>>
          %dma_wait3A_883 = arith.constant 0 : i32
          %dma_wait3A_884 = tpu.memref_slice %arg7[%add3A_844, %dma_wait3A_883] : memref<6400x50xi32, #tpu.memory_space<hbm>> -> memref<10x50xi32, #tpu.memory_space<hbm>>
          tpu.wait_dma2 semaphore(%arg35 : memref<!tpu.dma_semaphore, #tpu.memory_space<semaphore_mem>>) src(%dma_wait3A_884 : memref<10x50xi32, #tpu.memory_space<hbm>>) dst(%dma_wait3A_882 : memref<10x50xi32, #tpu.memory_space<vmem>>)
        } else {
        }
        %rem3A_212 = arith.constant 10 : i32
        %rem3A_213 = arith.remsi %mul3A_200, %rem3A_212 : i32
        %eq3A_214 = arith.constant 0 : i32
        %eq3A_215 = arith.cmpi eq, %rem3A_213, %eq3A_214 : i32
        %add3A_216 = arith.constant 10 : i32
        %add3A_217 = arith.addi %mul3A_200, %add3A_216 : i32
        %lt3A_218 = arith.constant 400 : i32
        %lt3A_219 = arith.cmpi slt, %add3A_217, %lt3A_218 : i32
        %and3A_220 = arith.andi %eq3A_215, %lt3A_219 : i1
        %convert_element_type3A_221 = arith.extui %and3A_220 : i1 to i32
        %cond3A_222 = arith.constant 0 : i32
        %cond3A_223 = arith.cmpi ne, %convert_element_type3A_221, %cond3A_222 : i32
        scf.if %cond3A_223 {
          %jit3A_816 = arith.constant 10 : i32
          %div3A_817 = arith.divsi %mul3A_200, %jit3A_816 : i32
          %sign3A_818 = arith.constant 0 : i32
          %sign3A_819 = arith.cmpi sgt, %mul3A_200, %sign3A_818 : i32
          %sign3A_820 = arith.extui %sign3A_819 : i1 to i32
          %sign3A_821 = arith.constant 0 : i32
          %sign3A_822 = arith.cmpi slt, %mul3A_200, %sign3A_821 : i32
          %sign3A_823 = arith.extui %sign3A_822 : i1 to i32
          %sign3A_824 = arith.subi %sign3A_820, %sign3A_823 : i32
          %sign3A_825 = arith.constant 0 : i32
          %sign3A_826 = arith.cmpi sgt, %jit3A_816, %sign3A_825 : i32
          %sign3A_827 = arith.extui %sign3A_826 : i1 to i32
          %sign3A_828 = arith.constant 0 : i32
          %sign3A_829 = arith.cmpi slt, %jit3A_816, %sign3A_828 : i32
          %sign3A_830 = arith.extui %sign3A_829 : i1 to i32
          %sign3A_831 = arith.subi %sign3A_827, %sign3A_830 : i32
          %ne3A_832 = arith.cmpi ne, %sign3A_824, %sign3A_831 : i32
          %rem3A_833 = arith.remsi %mul3A_200, %jit3A_816 : i32
          %ne3A_834 = arith.constant 0 : i32
          %ne3A_835 = arith.cmpi ne, %rem3A_833, %ne3A_834 : i32
          %and3A_836 = arith.andi %ne3A_832, %ne3A_835 : i1
          %sub3A_837 = arith.constant 1 : i32
          %sub3A_838 = arith.subi %div3A_817, %sub3A_837 : i32
          %select_n3A_839 = arith.select %and3A_836, %sub3A_838, %div3A_817 : i32
          %add3A_840 = arith.constant 1 : i32
          %add3A_841 = arith.addi %select_n3A_839, %add3A_840 : i32
          %mul3A_842 = arith.constant 10 : i32
          %mul3A_843 = arith.muli %add3A_841, %mul3A_842 : i32
          %add3A_844 = arith.addi %mul3A_21, %mul3A_843 : i32
          %jit3A_845 = arith.constant 3 : i32
          %eq3A_846 = arith.constant 0 : i32
          %eq3A_847 = arith.cmpi eq, %jit3A_845, %eq3A_846 : i32
          %jit3A_848 = arith.constant 1 : i32
          %select_n3A_849 = arith.select %eq3A_847, %jit3A_848, %jit3A_845 : i32
          %rem3A_850 = arith.remsi %add3A_841, %select_n3A_849 : i32
          %ne3A_851 = arith.constant 0 : i32
          %ne3A_852 = arith.cmpi ne, %rem3A_850, %ne3A_851 : i32
          %lt3A_853 = arith.constant 0 : i32
          %lt3A_854 = arith.cmpi slt, %rem3A_850, %lt3A_853 : i32
          %lt3A_855 = arith.constant 0 : i32
          %lt3A_856 = arith.cmpi slt, %select_n3A_849, %lt3A_855 : i32
          %ne3A_857 = arith.xori %lt3A_854, %lt3A_856 : i1
          %and3A_858 = arith.andi %ne3A_857, %ne3A_852 : i1
          %add3A_859 = arith.addi %rem3A_850, %select_n3A_849 : i32
          %select_n3A_860 = arith.select %and3A_858, %add3A_859, %rem3A_850 : i32
          %dma_start3A_861 = arith.constant 0 : i32
          %dma_start3A_862 = arith.constant 0 : i32
          %dma_start3A_863 = tpu.memref_slice %arg16[%select_n3A_860, %dma_start3A_861, %dma_start3A_862] : memref<3x10x50xi32, #tpu.memory_space<vmem>> -> memref<1x10x50xi32, #tpu.memory_space<vmem>>
          %dma_start3A_864 = tpu.memref_squeeze %dma_start3A_863 : memref<1x10x50xi32, #tpu.memory_space<vmem>> -> memref<10x50xi32, #tpu.memory_space<vmem>>
          %dma_start3A_865 = arith.constant 0 : i32
          %dma_start3A_866 = tpu.memref_slice %arg6[%add3A_844, %dma_start3A_865] : memref<6400x50xi32, #tpu.memory_space<hbm>> -> memref<10x50xi32, #tpu.memory_space<hbm>>
          %dma_start3A_867 = arith.constant 0 : i32
          %dma_start3A_868 = arith.constant 0 : i32
          %dma_start3A_869 = tpu.memref_slice %arg16[%select_n3A_860, %dma_start3A_867, %dma_start3A_868] : memref<3x10x50xi32, #tpu.memory_space<vmem>> -> memref<1x10x50xi32, #tpu.memory_space<vmem>>
          %dma_start3A_870 = tpu.memref_squeeze %dma_start3A_869 : memref<1x10x50xi32, #tpu.memory_space<vmem>> -> memref<10x50xi32, #tpu.memory_space<vmem>>
          %dma_start3A_871 = arith.constant 0 : i32
          %dma_start3A_872 = tpu.memref_slice %arg6[%add3A_844, %dma_start3A_871] : memref<6400x50xi32, #tpu.memory_space<hbm>> -> memref<10x50xi32, #tpu.memory_space<hbm>>
          tpu.enqueue_dma source(%dma_start3A_872 : memref<10x50xi32, #tpu.memory_space<hbm>>) target(%dma_start3A_870 : memref<10x50xi32, #tpu.memory_space<vmem>>) target_semaphore(%arg35 : memref<!tpu.dma_semaphore, #tpu.memory_space<semaphore_mem>>)
          %dma_start3A_873 = arith.constant 0 : i32
          %dma_start3A_874 = arith.constant 0 : i32
          %dma_start3A_875 = tpu.memref_slice %arg17[%select_n3A_860, %dma_start3A_873, %dma_start3A_874] : memref<3x10x50xi32, #tpu.memory_space<vmem>> -> memref<1x10x50xi32, #tpu.memory_space<vmem>>
          %dma_start3A_876 = tpu.memref_squeeze %dma_start3A_875 : memref<1x10x50xi32, #tpu.memory_space<vmem>> -> memref<10x50xi32, #tpu.memory_space<vmem>>
          %dma_start3A_877 = arith.constant 0 : i32
          %dma_start3A_878 = tpu.memref_slice %arg7[%add3A_844, %dma_start3A_877] : memref<6400x50xi32, #tpu.memory_space<hbm>> -> memref<10x50xi32, #tpu.memory_space<hbm>>
          %dma_start3A_879 = arith.constant 0 : i32
          %dma_start3A_880 = arith.constant 0 : i32
          %dma_start3A_881 = tpu.memref_slice %arg17[%select_n3A_860, %dma_start3A_879, %dma_start3A_880] : memref<3x10x50xi32, #tpu.memory_space<vmem>> -> memref<1x10x50xi32, #tpu.memory_space<vmem>>
          %dma_start3A_882 = tpu.memref_squeeze %dma_start3A_881 : memref<1x10x50xi32, #tpu.memory_space<vmem>> -> memref<10x50xi32, #tpu.memory_space<vmem>>
          %dma_start3A_883 = arith.constant 0 : i32
          %dma_start3A_884 = tpu.memref_slice %arg7[%add3A_844, %dma_start3A_883] : memref<6400x50xi32, #tpu.memory_space<hbm>> -> memref<10x50xi32, #tpu.memory_space<hbm>>
          tpu.enqueue_dma source(%dma_start3A_884 : memref<10x50xi32, #tpu.memory_space<hbm>>) target(%dma_start3A_882 : memref<10x50xi32, #tpu.memory_space<vmem>>) target_semaphore(%arg35 : memref<!tpu.dma_semaphore, #tpu.memory_space<semaphore_mem>>)
        } else {
        }
        %ge3A = arith.constant 1 : i32
        %ge3A_224 = arith.cmpi sge, %scan3A_197, %ge3A : i32
        %convert_element_type3A_225 = arith.extui %ge3A_224 : i1 to i32
        %cond3A_226 = arith.constant 0 : i32
        %cond3A_227 = arith.cmpi ne, %convert_element_type3A_225, %cond3A_226 : i32
        scf.if %cond3A_227 {
          %sub3A_816 = arith.constant 2 : i32
          %sub3A_817 = arith.subi %mul3A_200, %sub3A_816 : i32
          %mul3A_818 = arith.constant 20000 : i32
          %mul3A_819 = arith.muli %arg1, %mul3A_818 : i32
          %mul3A_820 = arith.constant 50 : i32
          %mul3A_821 = arith.muli %sub3A_817, %mul3A_820 : i32
          %add3A_822 = arith.addi %mul3A_819, %mul3A_821 : i32
          %jit3A_823 = arith.constant 10 : i32
          %div3A_824 = arith.divsi %sub3A_817, %jit3A_823 : i32
          %sign3A_825 = arith.constant 0 : i32
          %sign3A_826 = arith.cmpi sgt, %sub3A_817, %sign3A_825 : i32
          %sign3A_827 = arith.extui %sign3A_826 : i1 to i32
          %sign3A_828 = arith.constant 0 : i32
          %sign3A_829 = arith.cmpi slt, %sub3A_817, %sign3A_828 : i32
          %sign3A_830 = arith.extui %sign3A_829 : i1 to i32
          %sign3A_831 = arith.subi %sign3A_827, %sign3A_830 : i32
          %sign3A_832 = arith.constant 0 : i32
          %sign3A_833 = arith.cmpi sgt, %jit3A_823, %sign3A_832 : i32
          %sign3A_834 = arith.extui %sign3A_833 : i1 to i32
          %sign3A_835 = arith.constant 0 : i32
          %sign3A_836 = arith.cmpi slt, %jit3A_823, %sign3A_835 : i32
          %sign3A_837 = arith.extui %sign3A_836 : i1 to i32
          %sign3A_838 = arith.subi %sign3A_834, %sign3A_837 : i32
          %ne3A_839 = arith.cmpi ne, %sign3A_831, %sign3A_838 : i32
          %rem3A_840 = arith.remsi %sub3A_817, %jit3A_823 : i32
          %ne3A_841 = arith.constant 0 : i32
          %ne3A_842 = arith.cmpi ne, %rem3A_840, %ne3A_841 : i32
          %and3A_843 = arith.andi %ne3A_839, %ne3A_842 : i1
          %sub3A_844 = arith.constant 1 : i32
          %sub3A_845 = arith.subi %div3A_824, %sub3A_844 : i32
          %select_n3A_846 = arith.select %and3A_843, %sub3A_845, %div3A_824 : i32
          %jit3A_847 = arith.constant 3 : i32
          %eq3A_848 = arith.constant 0 : i32
          %eq3A_849 = arith.cmpi eq, %jit3A_847, %eq3A_848 : i32
          %jit3A_850 = arith.constant 1 : i32
          %select_n3A_851 = arith.select %eq3A_849, %jit3A_850, %jit3A_847 : i32
          %rem3A_852 = arith.remsi %select_n3A_846, %select_n3A_851 : i32
          %ne3A_853 = arith.constant 0 : i32
          %ne3A_854 = arith.cmpi ne, %rem3A_852, %ne3A_853 : i32
          %lt3A_855 = arith.constant 0 : i32
          %lt3A_856 = arith.cmpi slt, %rem3A_852, %lt3A_855 : i32
          %lt3A_857 = arith.constant 0 : i32
          %lt3A_858 = arith.cmpi slt, %select_n3A_851, %lt3A_857 : i32
          %ne3A_859 = arith.xori %lt3A_856, %lt3A_858 : i1
          %and3A_860 = arith.andi %ne3A_859, %ne3A_854 : i1
          %add3A_861 = arith.addi %rem3A_852, %select_n3A_851 : i32
          %select_n3A_862 = arith.select %and3A_860, %add3A_861, %rem3A_852 : i32
          %jit3A_863 = arith.constant 10 : i32
          %eq3A_864 = arith.constant 0 : i32
          %eq3A_865 = arith.cmpi eq, %jit3A_863, %eq3A_864 : i32
          %jit3A_866 = arith.constant 1 : i32
          %select_n3A_867 = arith.select %eq3A_865, %jit3A_866, %jit3A_863 : i32
          %rem3A_868 = arith.remsi %sub3A_817, %select_n3A_867 : i32
          %ne3A_869 = arith.constant 0 : i32
          %ne3A_870 = arith.cmpi ne, %rem3A_868, %ne3A_869 : i32
          %lt3A_871 = arith.constant 0 : i32
          %lt3A_872 = arith.cmpi slt, %rem3A_868, %lt3A_871 : i32
          %lt3A_873 = arith.constant 0 : i32
          %lt3A_874 = arith.cmpi slt, %select_n3A_867, %lt3A_873 : i32
          %ne3A_875 = arith.xori %lt3A_872, %lt3A_874 : i1
          %and3A_876 = arith.andi %ne3A_875, %ne3A_870 : i1
          %add3A_877 = arith.addi %rem3A_868, %select_n3A_867 : i32
          %select_n3A_878 = arith.select %and3A_876, %add3A_877, %rem3A_868 : i32
          %dma_wait3A_879 = arith.constant 0 : i32
          %dma_wait3A_880 = arith.constant 0 : i32
          %dma_wait3A_881 = arith.constant 0 : i32
          %dma_wait3A_882 = tpu.memref_slice %arg25[%dma_wait3A_879, %dma_wait3A_880, %dma_wait3A_881] : memref<2x50x64xf32, #tpu.memory_space<vmem>> -> memref<1x50x64xf32, #tpu.memory_space<vmem>>
          %dma_wait3A_883 = tpu.memref_squeeze %dma_wait3A_882 : memref<1x50x64xf32, #tpu.memory_space<vmem>> -> memref<50x64xf32, #tpu.memory_space<vmem>>
          %dma_wait3A_884 = arith.constant 64 : i32
          %dma_wait3A_885 = tpu.memref_slice %arg13[%add3A_822, %dma_wait3A_884] : memref<320000x128xf32, #tpu.memory_space<hbm>> -> memref<50x64xf32, #tpu.memory_space<hbm>>
          %dma_wait3A_886 = arith.constant 64 : i32
          %dma_wait3A_887 = tpu.memref_slice %arg13[%add3A_822, %dma_wait3A_886] : memref<320000x128xf32, #tpu.memory_space<hbm>> -> memref<50x64xf32, #tpu.memory_space<hbm>>
          %dma_wait3A_888 = arith.constant 0 : i32
          %dma_wait3A_889 = arith.constant 0 : i32
          %dma_wait3A_890 = tpu.memref_slice %arg25[%dma_wait3A_879, %dma_wait3A_888, %dma_wait3A_889] : memref<2x50x64xf32, #tpu.memory_space<vmem>> -> memref<1x50x64xf32, #tpu.memory_space<vmem>>
          %dma_wait3A_891 = tpu.memref_squeeze %dma_wait3A_890 : memref<1x50x64xf32, #tpu.memory_space<vmem>> -> memref<50x64xf32, #tpu.memory_space<vmem>>
          tpu.wait_dma2 semaphore(%arg31 : memref<!tpu.dma_semaphore, #tpu.memory_space<semaphore_mem>>) src(%dma_wait3A_891 : memref<50x64xf32, #tpu.memory_space<vmem>>) dst(%dma_wait3A_887 : memref<50x64xf32, #tpu.memory_space<hbm>>)
          %dma_wait3A_892 = arith.constant 0 : i32
          %dma_wait3A_893 = arith.constant 0 : i32
          %dma_wait3A_894 = arith.constant 0 : i32
          %dma_wait3A_895 = tpu.memref_slice %arg24[%dma_wait3A_892, %dma_wait3A_893, %dma_wait3A_894] : memref<2x50x64xf32, #tpu.memory_space<vmem>> -> memref<1x50x64xf32, #tpu.memory_space<vmem>>
          %dma_wait3A_896 = tpu.memref_squeeze %dma_wait3A_895 : memref<1x50x64xf32, #tpu.memory_space<vmem>> -> memref<50x64xf32, #tpu.memory_space<vmem>>
          %dma_wait3A_897 = arith.constant 0 : i32
          %dma_wait3A_898 = tpu.memref_slice %arg17[%select_n3A_862, %select_n3A_878, %dma_wait3A_897] : memref<3x10x50xi32, #tpu.memory_space<vmem>> -> memref<1x1x50xi32, #tpu.memory_space<vmem>>
          %dma_wait3A_899 = tpu.memref_squeeze %dma_wait3A_898 : memref<1x1x50xi32, #tpu.memory_space<vmem>> -> memref<50xi32, #tpu.memory_space<vmem>>
          %dma_wait3A_900 = arith.constant 0 : i32
          %dma_wait3A_901 = arith.constant 0 : i32
          %dma_wait3A_902 = tpu.memref_slice %arg26[%dma_wait3A_900, %dma_wait3A_901] : memref<20000x64xf32, #tpu.memory_space<vmem_shared>> -> memref<20000x64xf32, #tpu.memory_space<vmem_shared>>
          tpu.wait_indirect_dma semaphore(%arg33 : memref<!tpu.dma_semaphore, #tpu.memory_space<semaphore_mem>>) src(%dma_wait3A_896 : memref<50x64xf32, #tpu.memory_space<vmem>>) dst(%dma_wait3A_902 : memref<20000x64xf32, #tpu.memory_space<vmem_shared>>)
        } else {
        }
        %mul3A_228 = arith.constant 20000 : i32
        %mul3A_229 = arith.muli %arg1, %mul3A_228 : i32
        %mul3A_230 = arith.constant 50 : i32
        %mul3A_231 = arith.muli %add3A_202, %mul3A_230 : i32
        %add3A_232 = arith.addi %mul3A_229, %mul3A_231 : i32
        %jit3A = arith.constant 10 : i32
        %div3A = arith.divsi %add3A_202, %jit3A : i32
        %sign3A = arith.constant 0 : i32
        %sign3A_233 = arith.cmpi sgt, %add3A_202, %sign3A : i32
        %sign3A_234 = arith.extui %sign3A_233 : i1 to i32
        %sign3A_235 = arith.constant 0 : i32
        %sign3A_236 = arith.cmpi slt, %add3A_202, %sign3A_235 : i32
        %sign3A_237 = arith.extui %sign3A_236 : i1 to i32
        %sign3A_238 = arith.subi %sign3A_234, %sign3A_237 : i32
        %sign3A_239 = arith.constant 0 : i32
        %sign3A_240 = arith.cmpi sgt, %jit3A, %sign3A_239 : i32
        %sign3A_241 = arith.extui %sign3A_240 : i1 to i32
        %sign3A_242 = arith.constant 0 : i32
        %sign3A_243 = arith.cmpi slt, %jit3A, %sign3A_242 : i32
        %sign3A_244 = arith.extui %sign3A_243 : i1 to i32
        %sign3A_245 = arith.subi %sign3A_241, %sign3A_244 : i32
        %ne3A = arith.cmpi ne, %sign3A_238, %sign3A_245 : i32
        %rem3A_246 = arith.remsi %add3A_202, %jit3A : i32
        %ne3A_247 = arith.constant 0 : i32
        %ne3A_248 = arith.cmpi ne, %rem3A_246, %ne3A_247 : i32
        %and3A_249 = arith.andi %ne3A, %ne3A_248 : i1
        %sub3A = arith.constant 1 : i32
        %sub3A_250 = arith.subi %div3A, %sub3A : i32
        %select_n3A = arith.select %and3A_249, %sub3A_250, %div3A : i32
        %jit3A_251 = arith.constant 3 : i32
        %eq3A_252 = arith.constant 0 : i32
        %eq3A_253 = arith.cmpi eq, %jit3A_251, %eq3A_252 : i32
        %jit3A_254 = arith.constant 1 : i32
        %select_n3A_255 = arith.select %eq3A_253, %jit3A_254, %jit3A_251 : i32
        %rem3A_256 = arith.remsi %select_n3A, %select_n3A_255 : i32
        %ne3A_257 = arith.constant 0 : i32
        %ne3A_258 = arith.cmpi ne, %rem3A_256, %ne3A_257 : i32
        %lt3A_259 = arith.constant 0 : i32
        %lt3A_260 = arith.cmpi slt, %rem3A_256, %lt3A_259 : i32
        %lt3A_261 = arith.constant 0 : i32
        %lt3A_262 = arith.cmpi slt, %select_n3A_255, %lt3A_261 : i32
        %ne3A_263 = arith.xori %lt3A_260, %lt3A_262 : i1
        %and3A_264 = arith.andi %ne3A_263, %ne3A_258 : i1
        %add3A_265 = arith.addi %rem3A_256, %select_n3A_255 : i32
        %select_n3A_266 = arith.select %and3A_264, %add3A_265, %rem3A_256 : i32
        %jit3A_267 = arith.constant 10 : i32
        %eq3A_268 = arith.constant 0 : i32
        %eq3A_269 = arith.cmpi eq, %jit3A_267, %eq3A_268 : i32
        %jit3A_270 = arith.constant 1 : i32
        %select_n3A_271 = arith.select %eq3A_269, %jit3A_270, %jit3A_267 : i32
        %rem3A_272 = arith.remsi %add3A_202, %select_n3A_271 : i32
        %ne3A_273 = arith.constant 0 : i32
        %ne3A_274 = arith.cmpi ne, %rem3A_272, %ne3A_273 : i32
        %lt3A_275 = arith.constant 0 : i32
        %lt3A_276 = arith.cmpi slt, %rem3A_272, %lt3A_275 : i32
        %lt3A_277 = arith.constant 0 : i32
        %lt3A_278 = arith.cmpi slt, %select_n3A_271, %lt3A_277 : i32
        %ne3A_279 = arith.xori %lt3A_276, %lt3A_278 : i1
        %and3A_280 = arith.andi %ne3A_279, %ne3A_274 : i1
        %add3A_281 = arith.addi %rem3A_272, %select_n3A_271 : i32
        %select_n3A_282 = arith.select %and3A_280, %add3A_281, %rem3A_272 : i32
        %dma_start3A_283 = arith.constant 1 : i32
        %dma_start3A_284 = arith.constant 0 : i32
        %dma_start3A_285 = arith.constant 0 : i32
        %dma_start3A_286 = tpu.memref_slice %arg18[%dma_start3A_283, %dma_start3A_284, %dma_start3A_285] : memref<2x50x64xf32, #tpu.memory_space<vmem>> -> memref<1x50x64xf32, #tpu.memory_space<vmem>>
        %dma_start3A_287 = tpu.memref_squeeze %dma_start3A_286 : memref<1x50x64xf32, #tpu.memory_space<vmem>> -> memref<50x64xf32, #tpu.memory_space<vmem>>
        %dma_start3A_288 = arith.constant 0 : i32
        %dma_start3A_289 = tpu.memref_slice %arg16[%select_n3A_266, %select_n3A_282, %dma_start3A_288] : memref<3x10x50xi32, #tpu.memory_space<vmem>> -> memref<1x1x50xi32, #tpu.memory_space<vmem>>
        %dma_start3A_290 = tpu.memref_squeeze %dma_start3A_289 : memref<1x1x50xi32, #tpu.memory_space<vmem>> -> memref<50xi32, #tpu.memory_space<vmem>>
        %dma_start3A_291 = arith.constant 0 : i32
        %dma_start3A_292 = arith.constant 0 : i32
        %dma_start3A_293 = tpu.memref_slice %arg3[%dma_start3A_291, %dma_start3A_292] : memref<20000x64xf32, #tpu.memory_space<hbm>> -> memref<20000x64xf32, #tpu.memory_space<hbm>>
        tpu.enqueue_indirect_dma source(%dma_start3A_293 : memref<20000x64xf32, #tpu.memory_space<hbm>>) target(%dma_start3A_287 : memref<50x64xf32, #tpu.memory_space<vmem>>) offsets(%dma_start3A_290 : memref<50xi32, #tpu.memory_space<vmem>>) semaphore(%arg28 : memref<!tpu.dma_semaphore, #tpu.memory_space<semaphore_mem>>)
        %dma_start3A_294 = arith.constant 1 : i32
        %dma_start3A_295 = arith.constant 0 : i32
        %dma_start3A_296 = arith.constant 0 : i32
        %dma_start3A_297 = tpu.memref_slice %arg19[%dma_start3A_294, %dma_start3A_295, %dma_start3A_296] : memref<2x50x64xf32, #tpu.memory_space<vmem>> -> memref<1x50x64xf32, #tpu.memory_space<vmem>>
        %dma_start3A_298 = tpu.memref_squeeze %dma_start3A_297 : memref<1x50x64xf32, #tpu.memory_space<vmem>> -> memref<50x64xf32, #tpu.memory_space<vmem>>
        %dma_start3A_299 = arith.constant 0 : i32
        %dma_start3A_300 = tpu.memref_slice %arg17[%select_n3A_266, %select_n3A_282, %dma_start3A_299] : memref<3x10x50xi32, #tpu.memory_space<vmem>> -> memref<1x1x50xi32, #tpu.memory_space<vmem>>
        %dma_start3A_301 = tpu.memref_squeeze %dma_start3A_300 : memref<1x1x50xi32, #tpu.memory_space<vmem>> -> memref<50xi32, #tpu.memory_space<vmem>>
        %dma_start3A_302 = arith.constant 0 : i32
        %dma_start3A_303 = arith.constant 0 : i32
        %dma_start3A_304 = tpu.memref_slice %arg5[%dma_start3A_302, %dma_start3A_303] : memref<20000x64xf32, #tpu.memory_space<hbm>> -> memref<20000x64xf32, #tpu.memory_space<hbm>>
        tpu.enqueue_indirect_dma source(%dma_start3A_304 : memref<20000x64xf32, #tpu.memory_space<hbm>>) target(%dma_start3A_298 : memref<50x64xf32, #tpu.memory_space<vmem>>) offsets(%dma_start3A_301 : memref<50xi32, #tpu.memory_space<vmem>>) semaphore(%arg28 : memref<!tpu.dma_semaphore, #tpu.memory_space<semaphore_mem>>)
        %dma_start3A_305 = arith.constant 1 : i32
        %dma_start3A_306 = arith.constant 0 : i32
        %dma_start3A_307 = arith.constant 0 : i32
        %dma_start3A_308 = tpu.memref_slice %arg22[%dma_start3A_305, %dma_start3A_306, %dma_start3A_307] : memref<2x50x16xf32, #tpu.memory_space<vmem>> -> memref<1x50x16xf32, #tpu.memory_space<vmem>>
        %dma_start3A_309 = tpu.memref_squeeze %dma_start3A_308 : memref<1x50x16xf32, #tpu.memory_space<vmem>> -> memref<50x16xf32, #tpu.memory_space<vmem>>
        %dma_start3A_310 = arith.constant 0 : i32
        %dma_start3A_311 = tpu.memref_slice %arg16[%select_n3A_266, %select_n3A_282, %dma_start3A_310] : memref<3x10x50xi32, #tpu.memory_space<vmem>> -> memref<1x1x50xi32, #tpu.memory_space<vmem>>
        %dma_start3A_312 = tpu.memref_squeeze %dma_start3A_311 : memref<1x1x50xi32, #tpu.memory_space<vmem>> -> memref<50xi32, #tpu.memory_space<vmem>>
        %dma_start3A_313 = arith.constant 0 : i32
        %dma_start3A_314 = arith.constant 0 : i32
        %dma_start3A_315 = tpu.memref_slice %arg10[%dma_start3A_313, %dma_start3A_314] : memref<20000x16xf32, #tpu.memory_space<hbm>> -> memref<20000x16xf32, #tpu.memory_space<hbm>>
        tpu.enqueue_indirect_dma source(%dma_start3A_315 : memref<20000x16xf32, #tpu.memory_space<hbm>>) target(%dma_start3A_309 : memref<50x16xf32, #tpu.memory_space<vmem>>) offsets(%dma_start3A_312 : memref<50xi32, #tpu.memory_space<vmem>>) semaphore(%arg28 : memref<!tpu.dma_semaphore, #tpu.memory_space<semaphore_mem>>)
        %dma_start3A_316 = arith.constant 1 : i32
        %dma_start3A_317 = arith.constant 0 : i32
        %dma_start3A_318 = arith.constant 0 : i32
        %dma_start3A_319 = tpu.memref_slice %arg20[%dma_start3A_316, %dma_start3A_317, %dma_start3A_318] : memref<2x50x64xf32, #tpu.memory_space<vmem>> -> memref<1x50x64xf32, #tpu.memory_space<vmem>>
        %dma_start3A_320 = tpu.memref_squeeze %dma_start3A_319 : memref<1x50x64xf32, #tpu.memory_space<vmem>> -> memref<50x64xf32, #tpu.memory_space<vmem>>
        %dma_start3A_321 = arith.constant 64 : i32
        %dma_start3A_322 = tpu.memref_slice %arg8[%add3A_232, %dma_start3A_321] : memref<320000x128xf32, #tpu.memory_space<hbm>> -> memref<50x64xf32, #tpu.memory_space<hbm>>
        %dma_start3A_323 = arith.constant 0 : i32
        %dma_start3A_324 = arith.constant 0 : i32
        %dma_start3A_325 = tpu.memref_slice %arg20[%dma_start3A_316, %dma_start3A_323, %dma_start3A_324] : memref<2x50x64xf32, #tpu.memory_space<vmem>> -> memref<1x50x64xf32, #tpu.memory_space<vmem>>
        %dma_start3A_326 = tpu.memref_squeeze %dma_start3A_325 : memref<1x50x64xf32, #tpu.memory_space<vmem>> -> memref<50x64xf32, #tpu.memory_space<vmem>>
        %dma_start3A_327 = arith.constant 64 : i32
        %dma_start3A_328 = tpu.memref_slice %arg8[%add3A_232, %dma_start3A_327] : memref<320000x128xf32, #tpu.memory_space<hbm>> -> memref<50x64xf32, #tpu.memory_space<hbm>>
        tpu.enqueue_dma source(%dma_start3A_328 : memref<50x64xf32, #tpu.memory_space<hbm>>) target(%dma_start3A_326 : memref<50x64xf32, #tpu.memory_space<vmem>>) target_semaphore(%arg30 : memref<!tpu.dma_semaphore, #tpu.memory_space<semaphore_mem>>)
        %dma_start3A_329 = arith.constant 1 : i32
        %dma_start3A_330 = arith.constant 0 : i32
        %dma_start3A_331 = arith.constant 0 : i32
        %dma_start3A_332 = tpu.memref_slice %arg21[%dma_start3A_329, %dma_start3A_330, %dma_start3A_331] : memref<2x50x64xf32, #tpu.memory_space<vmem>> -> memref<1x50x64xf32, #tpu.memory_space<vmem>>
        %dma_start3A_333 = tpu.memref_squeeze %dma_start3A_332 : memref<1x50x64xf32, #tpu.memory_space<vmem>> -> memref<50x64xf32, #tpu.memory_space<vmem>>
        %dma_start3A_334 = arith.constant 64 : i32
        %dma_start3A_335 = tpu.memref_slice %arg9[%add3A_232, %dma_start3A_334] : memref<320000x128xf32, #tpu.memory_space<hbm>> -> memref<50x64xf32, #tpu.memory_space<hbm>>
        %dma_start3A_336 = arith.constant 0 : i32
        %dma_start3A_337 = arith.constant 0 : i32
        %dma_start3A_338 = tpu.memref_slice %arg21[%dma_start3A_329, %dma_start3A_336, %dma_start3A_337] : memref<2x50x64xf32, #tpu.memory_space<vmem>> -> memref<1x50x64xf32, #tpu.memory_space<vmem>>
        %dma_start3A_339 = tpu.memref_squeeze %dma_start3A_338 : memref<1x50x64xf32, #tpu.memory_space<vmem>> -> memref<50x64xf32, #tpu.memory_space<vmem>>
        %dma_start3A_340 = arith.constant 64 : i32
        %dma_start3A_341 = tpu.memref_slice %arg9[%add3A_232, %dma_start3A_340] : memref<320000x128xf32, #tpu.memory_space<hbm>> -> memref<50x64xf32, #tpu.memory_space<hbm>>
        tpu.enqueue_dma source(%dma_start3A_341 : memref<50x64xf32, #tpu.memory_space<hbm>>) target(%dma_start3A_339 : memref<50x64xf32, #tpu.memory_space<vmem>>) target_semaphore(%arg30 : memref<!tpu.dma_semaphore, #tpu.memory_space<semaphore_mem>>)
        %dma_start3A_342 = arith.constant 1 : i32
        %dma_start3A_343 = arith.constant 0 : i32
        %dma_start3A_344 = arith.constant 0 : i32
        %dma_start3A_345 = tpu.memref_slice %arg23[%dma_start3A_342, %dma_start3A_343, %dma_start3A_344] : memref<2x50x64xf32, #tpu.memory_space<vmem>> -> memref<1x50x64xf32, #tpu.memory_space<vmem>>
        %dma_start3A_346 = tpu.memref_squeeze %dma_start3A_345 : memref<1x50x64xf32, #tpu.memory_space<vmem>> -> memref<50x64xf32, #tpu.memory_space<vmem>>
        %dma_start3A_347 = arith.constant 64 : i32
        %dma_start3A_348 = tpu.memref_slice %arg11[%add3A_232, %dma_start3A_347] : memref<320000x128xf32, #tpu.memory_space<hbm>> -> memref<50x64xf32, #tpu.memory_space<hbm>>
        %dma_start3A_349 = arith.constant 0 : i32
        %dma_start3A_350 = arith.constant 0 : i32
        %dma_start3A_351 = tpu.memref_slice %arg23[%dma_start3A_342, %dma_start3A_349, %dma_start3A_350] : memref<2x50x64xf32, #tpu.memory_space<vmem>> -> memref<1x50x64xf32, #tpu.memory_space<vmem>>
        %dma_start3A_352 = tpu.memref_squeeze %dma_start3A_351 : memref<1x50x64xf32, #tpu.memory_space<vmem>> -> memref<50x64xf32, #tpu.memory_space<vmem>>
        %dma_start3A_353 = arith.constant 64 : i32
        %dma_start3A_354 = tpu.memref_slice %arg11[%add3A_232, %dma_start3A_353] : memref<320000x128xf32, #tpu.memory_space<hbm>> -> memref<50x64xf32, #tpu.memory_space<hbm>>
        tpu.enqueue_dma source(%dma_start3A_354 : memref<50x64xf32, #tpu.memory_space<hbm>>) target(%dma_start3A_352 : memref<50x64xf32, #tpu.memory_space<vmem>>) target_semaphore(%arg30 : memref<!tpu.dma_semaphore, #tpu.memory_space<semaphore_mem>>)
        %mul3A_355 = arith.constant 20000 : i32
        %mul3A_356 = arith.muli %arg1, %mul3A_355 : i32
        %mul3A_357 = arith.constant 50 : i32
        %mul3A_358 = arith.muli %mul3A_200, %mul3A_357 : i32
        %add3A_359 = arith.addi %mul3A_356, %mul3A_358 : i32
        %jit3A_360 = arith.constant 10 : i32
        %div3A_361 = arith.divsi %mul3A_200, %jit3A_360 : i32
        %sign3A_362 = arith.constant 0 : i32
        %sign3A_363 = arith.cmpi sgt, %mul3A_200, %sign3A_362 : i32
        %sign3A_364 = arith.extui %sign3A_363 : i1 to i32
        %sign3A_365 = arith.constant 0 : i32
        %sign3A_366 = arith.cmpi slt, %mul3A_200, %sign3A_365 : i32
        %sign3A_367 = arith.extui %sign3A_366 : i1 to i32
        %sign3A_368 = arith.subi %sign3A_364, %sign3A_367 : i32
        %sign3A_369 = arith.constant 0 : i32
        %sign3A_370 = arith.cmpi sgt, %jit3A_360, %sign3A_369 : i32
        %sign3A_371 = arith.extui %sign3A_370 : i1 to i32
        %sign3A_372 = arith.constant 0 : i32
        %sign3A_373 = arith.cmpi slt, %jit3A_360, %sign3A_372 : i32
        %sign3A_374 = arith.extui %sign3A_373 : i1 to i32
        %sign3A_375 = arith.subi %sign3A_371, %sign3A_374 : i32
        %ne3A_376 = arith.cmpi ne, %sign3A_368, %sign3A_375 : i32
        %rem3A_377 = arith.remsi %mul3A_200, %jit3A_360 : i32
        %ne3A_378 = arith.constant 0 : i32
        %ne3A_379 = arith.cmpi ne, %rem3A_377, %ne3A_378 : i32
        %and3A_380 = arith.andi %ne3A_376, %ne3A_379 : i1
        %sub3A_381 = arith.constant 1 : i32
        %sub3A_382 = arith.subi %div3A_361, %sub3A_381 : i32
        %select_n3A_383 = arith.select %and3A_380, %sub3A_382, %div3A_361 : i32
        %jit3A_384 = arith.constant 3 : i32
        %eq3A_385 = arith.constant 0 : i32
        %eq3A_386 = arith.cmpi eq, %jit3A_384, %eq3A_385 : i32
        %jit3A_387 = arith.constant 1 : i32
        %select_n3A_388 = arith.select %eq3A_386, %jit3A_387, %jit3A_384 : i32
        %rem3A_389 = arith.remsi %select_n3A_383, %select_n3A_388 : i32
        %ne3A_390 = arith.constant 0 : i32
        %ne3A_391 = arith.cmpi ne, %rem3A_389, %ne3A_390 : i32
        %lt3A_392 = arith.constant 0 : i32
        %lt3A_393 = arith.cmpi slt, %rem3A_389, %lt3A_392 : i32
        %lt3A_394 = arith.constant 0 : i32
        %lt3A_395 = arith.cmpi slt, %select_n3A_388, %lt3A_394 : i32
        %ne3A_396 = arith.xori %lt3A_393, %lt3A_395 : i1
        %and3A_397 = arith.andi %ne3A_396, %ne3A_391 : i1
        %add3A_398 = arith.addi %rem3A_389, %select_n3A_388 : i32
        %select_n3A_399 = arith.select %and3A_397, %add3A_398, %rem3A_389 : i32
        %jit3A_400 = arith.constant 10 : i32
        %eq3A_401 = arith.constant 0 : i32
        %eq3A_402 = arith.cmpi eq, %jit3A_400, %eq3A_401 : i32
        %jit3A_403 = arith.constant 1 : i32
        %select_n3A_404 = arith.select %eq3A_402, %jit3A_403, %jit3A_400 : i32
        %rem3A_405 = arith.remsi %mul3A_200, %select_n3A_404 : i32
        %ne3A_406 = arith.constant 0 : i32
        %ne3A_407 = arith.cmpi ne, %rem3A_405, %ne3A_406 : i32
        %lt3A_408 = arith.constant 0 : i32
        %lt3A_409 = arith.cmpi slt, %rem3A_405, %lt3A_408 : i32
        %lt3A_410 = arith.constant 0 : i32
        %lt3A_411 = arith.cmpi slt, %select_n3A_404, %lt3A_410 : i32
        %ne3A_412 = arith.xori %lt3A_409, %lt3A_411 : i1
        %and3A_413 = arith.andi %ne3A_412, %ne3A_407 : i1
        %add3A_414 = arith.addi %rem3A_405, %select_n3A_404 : i32
        %select_n3A_415 = arith.select %and3A_413, %add3A_414, %rem3A_405 : i32
        %dma_wait3A_416 = arith.constant 0 : i32
        %dma_wait3A_417 = arith.constant 0 : i32
        %dma_wait3A_418 = arith.constant 0 : i32
        %dma_wait3A_419 = tpu.memref_slice %arg18[%dma_wait3A_416, %dma_wait3A_417, %dma_wait3A_418] : memref<2x50x64xf32, #tpu.memory_space<vmem>> -> memref<1x50x64xf32, #tpu.memory_space<vmem>>
        %dma_wait3A_420 = tpu.memref_squeeze %dma_wait3A_419 : memref<1x50x64xf32, #tpu.memory_space<vmem>> -> memref<50x64xf32, #tpu.memory_space<vmem>>
        %dma_wait3A_421 = arith.constant 0 : i32
        %dma_wait3A_422 = tpu.memref_slice %arg16[%select_n3A_399, %select_n3A_415, %dma_wait3A_421] : memref<3x10x50xi32, #tpu.memory_space<vmem>> -> memref<1x1x50xi32, #tpu.memory_space<vmem>>
        %dma_wait3A_423 = tpu.memref_squeeze %dma_wait3A_422 : memref<1x1x50xi32, #tpu.memory_space<vmem>> -> memref<50xi32, #tpu.memory_space<vmem>>
        %dma_wait3A_424 = arith.constant 0 : i32
        %dma_wait3A_425 = arith.constant 0 : i32
        %dma_wait3A_426 = tpu.memref_slice %arg3[%dma_wait3A_424, %dma_wait3A_425] : memref<20000x64xf32, #tpu.memory_space<hbm>> -> memref<20000x64xf32, #tpu.memory_space<hbm>>
        tpu.wait_indirect_dma semaphore(%arg27 : memref<!tpu.dma_semaphore, #tpu.memory_space<semaphore_mem>>) src(%dma_wait3A_426 : memref<20000x64xf32, #tpu.memory_space<hbm>>) dst(%dma_wait3A_420 : memref<50x64xf32, #tpu.memory_space<vmem>>)
        %dma_wait3A_427 = arith.constant 0 : i32
        %dma_wait3A_428 = arith.constant 0 : i32
        %dma_wait3A_429 = arith.constant 0 : i32
        %dma_wait3A_430 = tpu.memref_slice %arg19[%dma_wait3A_427, %dma_wait3A_428, %dma_wait3A_429] : memref<2x50x64xf32, #tpu.memory_space<vmem>> -> memref<1x50x64xf32, #tpu.memory_space<vmem>>
        %dma_wait3A_431 = tpu.memref_squeeze %dma_wait3A_430 : memref<1x50x64xf32, #tpu.memory_space<vmem>> -> memref<50x64xf32, #tpu.memory_space<vmem>>
        %dma_wait3A_432 = arith.constant 0 : i32
        %dma_wait3A_433 = tpu.memref_slice %arg17[%select_n3A_399, %select_n3A_415, %dma_wait3A_432] : memref<3x10x50xi32, #tpu.memory_space<vmem>> -> memref<1x1x50xi32, #tpu.memory_space<vmem>>
        %dma_wait3A_434 = tpu.memref_squeeze %dma_wait3A_433 : memref<1x1x50xi32, #tpu.memory_space<vmem>> -> memref<50xi32, #tpu.memory_space<vmem>>
        %dma_wait3A_435 = arith.constant 0 : i32
        %dma_wait3A_436 = arith.constant 0 : i32
        %dma_wait3A_437 = tpu.memref_slice %arg5[%dma_wait3A_435, %dma_wait3A_436] : memref<20000x64xf32, #tpu.memory_space<hbm>> -> memref<20000x64xf32, #tpu.memory_space<hbm>>
        tpu.wait_indirect_dma semaphore(%arg27 : memref<!tpu.dma_semaphore, #tpu.memory_space<semaphore_mem>>) src(%dma_wait3A_437 : memref<20000x64xf32, #tpu.memory_space<hbm>>) dst(%dma_wait3A_431 : memref<50x64xf32, #tpu.memory_space<vmem>>)
        %dma_wait3A_438 = arith.constant 0 : i32
        %dma_wait3A_439 = arith.constant 0 : i32
        %dma_wait3A_440 = arith.constant 0 : i32
        %dma_wait3A_441 = tpu.memref_slice %arg22[%dma_wait3A_438, %dma_wait3A_439, %dma_wait3A_440] : memref<2x50x16xf32, #tpu.memory_space<vmem>> -> memref<1x50x16xf32, #tpu.memory_space<vmem>>
        %dma_wait3A_442 = tpu.memref_squeeze %dma_wait3A_441 : memref<1x50x16xf32, #tpu.memory_space<vmem>> -> memref<50x16xf32, #tpu.memory_space<vmem>>
        %dma_wait3A_443 = arith.constant 0 : i32
        %dma_wait3A_444 = tpu.memref_slice %arg16[%select_n3A_399, %select_n3A_415, %dma_wait3A_443] : memref<3x10x50xi32, #tpu.memory_space<vmem>> -> memref<1x1x50xi32, #tpu.memory_space<vmem>>
        %dma_wait3A_445 = tpu.memref_squeeze %dma_wait3A_444 : memref<1x1x50xi32, #tpu.memory_space<vmem>> -> memref<50xi32, #tpu.memory_space<vmem>>
        %dma_wait3A_446 = arith.constant 0 : i32
        %dma_wait3A_447 = arith.constant 0 : i32
        %dma_wait3A_448 = tpu.memref_slice %arg10[%dma_wait3A_446, %dma_wait3A_447] : memref<20000x16xf32, #tpu.memory_space<hbm>> -> memref<20000x16xf32, #tpu.memory_space<hbm>>
        tpu.wait_indirect_dma semaphore(%arg27 : memref<!tpu.dma_semaphore, #tpu.memory_space<semaphore_mem>>) src(%dma_wait3A_448 : memref<20000x16xf32, #tpu.memory_space<hbm>>) dst(%dma_wait3A_442 : memref<50x16xf32, #tpu.memory_space<vmem>>)
        %dma_wait3A_449 = arith.constant 0 : i32
        %dma_wait3A_450 = arith.constant 0 : i32
        %dma_wait3A_451 = arith.constant 0 : i32
        %dma_wait3A_452 = tpu.memref_slice %arg20[%dma_wait3A_449, %dma_wait3A_450, %dma_wait3A_451] : memref<2x50x64xf32, #tpu.memory_space<vmem>> -> memref<1x50x64xf32, #tpu.memory_space<vmem>>
        %dma_wait3A_453 = tpu.memref_squeeze %dma_wait3A_452 : memref<1x50x64xf32, #tpu.memory_space<vmem>> -> memref<50x64xf32, #tpu.memory_space<vmem>>
        %dma_wait3A_454 = arith.constant 64 : i32
        %dma_wait3A_455 = tpu.memref_slice %arg8[%add3A_359, %dma_wait3A_454] : memref<320000x128xf32, #tpu.memory_space<hbm>> -> memref<50x64xf32, #tpu.memory_space<hbm>>
        %dma_wait3A_456 = arith.constant 0 : i32
        %dma_wait3A_457 = arith.constant 0 : i32
        %dma_wait3A_458 = tpu.memref_slice %arg20[%dma_wait3A_449, %dma_wait3A_456, %dma_wait3A_457] : memref<2x50x64xf32, #tpu.memory_space<vmem>> -> memref<1x50x64xf32, #tpu.memory_space<vmem>>
        %dma_wait3A_459 = tpu.memref_squeeze %dma_wait3A_458 : memref<1x50x64xf32, #tpu.memory_space<vmem>> -> memref<50x64xf32, #tpu.memory_space<vmem>>
        %dma_wait3A_460 = arith.constant 64 : i32
        %dma_wait3A_461 = tpu.memref_slice %arg8[%add3A_359, %dma_wait3A_460] : memref<320000x128xf32, #tpu.memory_space<hbm>> -> memref<50x64xf32, #tpu.memory_space<hbm>>
        tpu.wait_dma2 semaphore(%arg29 : memref<!tpu.dma_semaphore, #tpu.memory_space<semaphore_mem>>) src(%dma_wait3A_461 : memref<50x64xf32, #tpu.memory_space<hbm>>) dst(%dma_wait3A_459 : memref<50x64xf32, #tpu.memory_space<vmem>>)
        %dma_wait3A_462 = arith.constant 0 : i32
        %dma_wait3A_463 = arith.constant 0 : i32
        %dma_wait3A_464 = arith.constant 0 : i32
        %dma_wait3A_465 = tpu.memref_slice %arg21[%dma_wait3A_462, %dma_wait3A_463, %dma_wait3A_464] : memref<2x50x64xf32, #tpu.memory_space<vmem>> -> memref<1x50x64xf32, #tpu.memory_space<vmem>>
        %dma_wait3A_466 = tpu.memref_squeeze %dma_wait3A_465 : memref<1x50x64xf32, #tpu.memory_space<vmem>> -> memref<50x64xf32, #tpu.memory_space<vmem>>
        %dma_wait3A_467 = arith.constant 64 : i32
        %dma_wait3A_468 = tpu.memref_slice %arg9[%add3A_359, %dma_wait3A_467] : memref<320000x128xf32, #tpu.memory_space<hbm>> -> memref<50x64xf32, #tpu.memory_space<hbm>>
        %dma_wait3A_469 = arith.constant 0 : i32
        %dma_wait3A_470 = arith.constant 0 : i32
        %dma_wait3A_471 = tpu.memref_slice %arg21[%dma_wait3A_462, %dma_wait3A_469, %dma_wait3A_470] : memref<2x50x64xf32, #tpu.memory_space<vmem>> -> memref<1x50x64xf32, #tpu.memory_space<vmem>>
        %dma_wait3A_472 = tpu.memref_squeeze %dma_wait3A_471 : memref<1x50x64xf32, #tpu.memory_space<vmem>> -> memref<50x64xf32, #tpu.memory_space<vmem>>
        %dma_wait3A_473 = arith.constant 64 : i32
        %dma_wait3A_474 = tpu.memref_slice %arg9[%add3A_359, %dma_wait3A_473] : memref<320000x128xf32, #tpu.memory_space<hbm>> -> memref<50x64xf32, #tpu.memory_space<hbm>>
        tpu.wait_dma2 semaphore(%arg29 : memref<!tpu.dma_semaphore, #tpu.memory_space<semaphore_mem>>) src(%dma_wait3A_474 : memref<50x64xf32, #tpu.memory_space<hbm>>) dst(%dma_wait3A_472 : memref<50x64xf32, #tpu.memory_space<vmem>>)
        %dma_wait3A_475 = arith.constant 0 : i32
        %dma_wait3A_476 = arith.constant 0 : i32
        %dma_wait3A_477 = arith.constant 0 : i32
        %dma_wait3A_478 = tpu.memref_slice %arg23[%dma_wait3A_475, %dma_wait3A_476, %dma_wait3A_477] : memref<2x50x64xf32, #tpu.memory_space<vmem>> -> memref<1x50x64xf32, #tpu.memory_space<vmem>>
        %dma_wait3A_479 = tpu.memref_squeeze %dma_wait3A_478 : memref<1x50x64xf32, #tpu.memory_space<vmem>> -> memref<50x64xf32, #tpu.memory_space<vmem>>
        %dma_wait3A_480 = arith.constant 64 : i32
        %dma_wait3A_481 = tpu.memref_slice %arg11[%add3A_359, %dma_wait3A_480] : memref<320000x128xf32, #tpu.memory_space<hbm>> -> memref<50x64xf32, #tpu.memory_space<hbm>>
        %dma_wait3A_482 = arith.constant 0 : i32
        %dma_wait3A_483 = arith.constant 0 : i32
        %dma_wait3A_484 = tpu.memref_slice %arg23[%dma_wait3A_475, %dma_wait3A_482, %dma_wait3A_483] : memref<2x50x64xf32, #tpu.memory_space<vmem>> -> memref<1x50x64xf32, #tpu.memory_space<vmem>>
        %dma_wait3A_485 = tpu.memref_squeeze %dma_wait3A_484 : memref<1x50x64xf32, #tpu.memory_space<vmem>> -> memref<50x64xf32, #tpu.memory_space<vmem>>
        %dma_wait3A_486 = arith.constant 64 : i32
        %dma_wait3A_487 = tpu.memref_slice %arg11[%add3A_359, %dma_wait3A_486] : memref<320000x128xf32, #tpu.memory_space<hbm>> -> memref<50x64xf32, #tpu.memory_space<hbm>>
        tpu.wait_dma2 semaphore(%arg29 : memref<!tpu.dma_semaphore, #tpu.memory_space<semaphore_mem>>) src(%dma_wait3A_487 : memref<50x64xf32, #tpu.memory_space<hbm>>) dst(%dma_wait3A_485 : memref<50x64xf32, #tpu.memory_space<vmem>>)
        %scan3A_488 = arith.constant 0 : i32
        %scan3A_489 = arith.constant 0 : i32
        %scan3A_490 = arith.constant 50 : i32
        %scan3A_491 = arith.addi %scan3A_489, %scan3A_490 : i32
        %scan3A_492 = arith.constant 1 : i32
        %scan3A_493 = scf.for %scan3A_816 = %scan3A_489 to %scan3A_491 step %scan3A_492 iter_args(%scan3A_817 = %scan3A_488) -> (i32)  : i32 {
          %get3A = arith.constant 0 : i32
          %get3A_818 = arith.index_cast %get3A : i32 to index
          %get3A_819 = arith.index_cast %scan3A_816 : i32 to index
          %get3A_820 = arith.constant 0 : index
          %get3A_821 = tpu.vector_load %arg22[%get3A_818, %get3A_819, %get3A_820] {strides = array<i32>} : memref<2x50x16xf32, #tpu.memory_space<vmem>>, vector<1x1x16xf32>,
          %get3A_822 = vector.shape_cast %get3A_821 : vector<1x1x16xf32> to vector<16xf32>
          %gt3A = arith.constant 5.000000e-01 : f32
          %gt3A_823 = vector.broadcast %gt3A : f32 to vector<16xf32>
          %gt3A_824 = arith.cmpf ogt, %get3A_822, %gt3A_823 : vector<16xf32>
          %get3A_825 = arith.constant 0 : i32
          %get3A_826 = arith.index_cast %get3A_825 : i32 to index
          %get3A_827 = arith.index_cast %scan3A_816 : i32 to index
          %get3A_828 = arith.constant 0 : index
          %get3A_829 = tpu.vector_load %arg20[%get3A_826, %get3A_827, %get3A_828] {strides = array<i32>} : memref<2x50x64xf32, #tpu.memory_space<vmem>>, vector<1x1x16xf32>,
          %get3A_830 = vector.shape_cast %get3A_829 : vector<1x1x16xf32> to vector<16xf32>
          %get3A_831 = arith.constant 0 : i32
          %get3A_832 = arith.index_cast %get3A_831 : i32 to index
          %get3A_833 = arith.index_cast %scan3A_816 : i32 to index
          %get3A_834 = arith.constant 0 : index
          %get3A_835 = tpu.vector_load %arg21[%get3A_832, %get3A_833, %get3A_834] {strides = array<i32>} : memref<2x50x64xf32, #tpu.memory_space<vmem>>, vector<1x1x16xf32>,
          %get3A_836 = vector.shape_cast %get3A_835 : vector<1x1x16xf32> to vector<16xf32>
          %select_n3A_837 = arith.select %gt3A_824, %get3A_830, %get3A_836 : vector<16xi1>, vector<16xf32>
          %get3A_838 = arith.constant 0 : i32
          %get3A_839 = arith.index_cast %get3A_838 : i32 to index
          %get3A_840 = arith.index_cast %scan3A_816 : i32 to index
          %get3A_841 = arith.constant 0 : index
          %get3A_842 = tpu.vector_load %arg18[%get3A_839, %get3A_840, %get3A_841] {strides = array<i32>} : memref<2x50x64xf32, #tpu.memory_space<vmem>>, vector<1x1x16xf32>,
          %get3A_843 = vector.shape_cast %get3A_842 : vector<1x1x16xf32> to vector<16xf32>
          %add3A_844 = arith.addf %select_n3A_837, %get3A_843 : vector<16xf32>
          %get3A_845 = arith.constant 0 : i32
          %get3A_846 = arith.index_cast %get3A_845 : i32 to index
          %get3A_847 = arith.index_cast %scan3A_816 : i32 to index
          %get3A_848 = arith.constant 0 : index
          %get3A_849 = tpu.vector_load %arg19[%get3A_846, %get3A_847, %get3A_848] {strides = array<i32>} : memref<2x50x64xf32, #tpu.memory_space<vmem>>, vector<1x1x16xf32>,
          %get3A_850 = vector.shape_cast %get3A_849 : vector<1x1x16xf32> to vector<16xf32>
          %add3A_851 = arith.addf %add3A_844, %get3A_850 : vector<16xf32>
          %swap3A = arith.constant 0 : i32
          %swap3A_852 = arith.index_cast %swap3A : i32 to index
          %swap3A_853 = arith.index_cast %scan3A_816 : i32 to index
          %swap3A_854 = arith.constant 0 : index
          %swap3A_855 = tpu.vector_load %arg24[%swap3A_852, %swap3A_853, %swap3A_854] {strides = array<i32>} : memref<2x50x64xf32, #tpu.memory_space<vmem>>, vector<1x1x16xf32>,
          %swap3A_856 = vector.shape_cast %swap3A_855 : vector<1x1x16xf32> to vector<16xf32>
          %swap3A_857 = vector.shape_cast %add3A_851 : vector<16xf32> to vector<1x1x16xf32>
          tpu.vector_store %arg24[%swap3A_852, %swap3A_853, %swap3A_854], %swap3A_857 {strides = array<i32>} : memref<2x50x64xf32, #tpu.memory_space<vmem>>, vector<1x1x16xf32>,
          %get3A_858 = arith.constant 0 : i32
          %get3A_859 = arith.index_cast %get3A_858 : i32 to index
          %get3A_860 = arith.index_cast %scan3A_816 : i32 to index
          %get3A_861 = arith.constant 0 : index
          %get3A_862 = tpu.vector_load %arg23[%get3A_859, %get3A_860, %get3A_861] {strides = array<i32>} : memref<2x50x64xf32, #tpu.memory_space<vmem>>, vector<1x1x16xf32>,
          %get3A_863 = vector.shape_cast %get3A_862 : vector<1x1x16xf32> to vector<16xf32>
          %add3A_864 = arith.addf %add3A_851, %get3A_863 : vector<16xf32>
          %swap3A_865 = arith.constant 0 : i32
          %swap3A_866 = arith.index_cast %swap3A_865 : i32 to index
          %swap3A_867 = arith.index_cast %scan3A_816 : i32 to index
          %swap3A_868 = arith.constant 0 : index
          %swap3A_869 = tpu.vector_load %arg25[%swap3A_866, %swap3A_867, %swap3A_868] {strides = array<i32>} : memref<2x50x64xf32, #tpu.memory_space<vmem>>, vector<1x1x16xf32>,
          %swap3A_870 = vector.shape_cast %swap3A_869 : vector<1x1x16xf32> to vector<16xf32>
          %swap3A_871 = vector.shape_cast %add3A_864 : vector<16xf32> to vector<1x1x16xf32>
          tpu.vector_store %arg25[%swap3A_866, %swap3A_867, %swap3A_868], %swap3A_871 {strides = array<i32>} : memref<2x50x64xf32, #tpu.memory_space<vmem>>, vector<1x1x16xf32>,
          %get3A_872 = arith.constant 0 : i32
          %get3A_873 = arith.index_cast %get3A_872 : i32 to index
          %get3A_874 = arith.index_cast %scan3A_816 : i32 to index
          %get3A_875 = arith.constant 16 : index
          %get3A_876 = tpu.vector_load %arg20[%get3A_873, %get3A_874, %get3A_875] {strides = array<i32>} : memref<2x50x64xf32, #tpu.memory_space<vmem>>, vector<1x1x16xf32>,
          %get3A_877 = vector.shape_cast %get3A_876 : vector<1x1x16xf32> to vector<16xf32>
          %get3A_878 = arith.constant 0 : i32
          %get3A_879 = arith.index_cast %get3A_878 : i32 to index
          %get3A_880 = arith.index_cast %scan3A_816 : i32 to index
          %get3A_881 = arith.constant 16 : index
          %get3A_882 = tpu.vector_load %arg21[%get3A_879, %get3A_880, %get3A_881] {strides = array<i32>} : memref<2x50x64xf32, #tpu.memory_space<vmem>>, vector<1x1x16xf32>,
          %get3A_883 = vector.shape_cast %get3A_882 : vector<1x1x16xf32> to vector<16xf32>
          %select_n3A_884 = arith.select %gt3A_824, %get3A_877, %get3A_883 : vector<16xi1>, vector<16xf32>
          %get3A_885 = arith.constant 0 : i32
          %get3A_886 = arith.index_cast %get3A_885 : i32 to index
          %get3A_887 = arith.index_cast %scan3A_816 : i32 to index
          %get3A_888 = arith.constant 16 : index
          %get3A_889 = tpu.vector_load %arg18[%get3A_886, %get3A_887, %get3A_888] {strides = array<i32>} : memref<2x50x64xf32, #tpu.memory_space<vmem>>, vector<1x1x16xf32>,
          %get3A_890 = vector.shape_cast %get3A_889 : vector<1x1x16xf32> to vector<16xf32>
          %add3A_891 = arith.addf %select_n3A_884, %get3A_890 : vector<16xf32>
          %get3A_892 = arith.constant 0 : i32
          %get3A_893 = arith.index_cast %get3A_892 : i32 to index
          %get3A_894 = arith.index_cast %scan3A_816 : i32 to index
          %get3A_895 = arith.constant 16 : index
          %get3A_896 = tpu.vector_load %arg19[%get3A_893, %get3A_894, %get3A_895] {strides = array<i32>} : memref<2x50x64xf32, #tpu.memory_space<vmem>>, vector<1x1x16xf32>,
          %get3A_897 = vector.shape_cast %get3A_896 : vector<1x1x16xf32> to vector<16xf32>
          %add3A_898 = arith.addf %add3A_891, %get3A_897 : vector<16xf32>
          %swap3A_899 = arith.constant 0 : i32
          %swap3A_900 = arith.index_cast %swap3A_899 : i32 to index
          %swap3A_901 = arith.index_cast %scan3A_816 : i32 to index
          %swap3A_902 = arith.constant 16 : index
          %swap3A_903 = tpu.vector_load %arg24[%swap3A_900, %swap3A_901, %swap3A_902] {strides = array<i32>} : memref<2x50x64xf32, #tpu.memory_space<vmem>>, vector<1x1x16xf32>,
          %swap3A_904 = vector.shape_cast %swap3A_903 : vector<1x1x16xf32> to vector<16xf32>
          %swap3A_905 = vector.shape_cast %add3A_898 : vector<16xf32> to vector<1x1x16xf32>
          tpu.vector_store %arg24[%swap3A_900, %swap3A_901, %swap3A_902], %swap3A_905 {strides = array<i32>} : memref<2x50x64xf32, #tpu.memory_space<vmem>>, vector<1x1x16xf32>,
          %get3A_906 = arith.constant 0 : i32
          %get3A_907 = arith.index_cast %get3A_906 : i32 to index
          %get3A_908 = arith.index_cast %scan3A_816 : i32 to index
          %get3A_909 = arith.constant 16 : index
          %get3A_910 = tpu.vector_load %arg23[%get3A_907, %get3A_908, %get3A_909] {strides = array<i32>} : memref<2x50x64xf32, #tpu.memory_space<vmem>>, vector<1x1x16xf32>,
          %get3A_911 = vector.shape_cast %get3A_910 : vector<1x1x16xf32> to vector<16xf32>
          %add3A_912 = arith.addf %add3A_898, %get3A_911 : vector<16xf32>
          %swap3A_913 = arith.constant 0 : i32
          %swap3A_914 = arith.index_cast %swap3A_913 : i32 to index
          %swap3A_915 = arith.index_cast %scan3A_816 : i32 to index
          %swap3A_916 = arith.constant 16 : index
          %swap3A_917 = tpu.vector_load %arg25[%swap3A_914, %swap3A_915, %swap3A_916] {strides = array<i32>} : memref<2x50x64xf32, #tpu.memory_space<vmem>>, vector<1x1x16xf32>,
          %swap3A_918 = vector.shape_cast %swap3A_917 : vector<1x1x16xf32> to vector<16xf32>
          %swap3A_919 = vector.shape_cast %add3A_912 : vector<16xf32> to vector<1x1x16xf32>
          tpu.vector_store %arg25[%swap3A_914, %swap3A_915, %swap3A_916], %swap3A_919 {strides = array<i32>} : memref<2x50x64xf32, #tpu.memory_space<vmem>>, vector<1x1x16xf32>,
          %get3A_920 = arith.constant 0 : i32
          %get3A_921 = arith.index_cast %get3A_920 : i32 to index
          %get3A_922 = arith.index_cast %scan3A_816 : i32 to index
          %get3A_923 = arith.constant 32 : index
          %get3A_924 = tpu.vector_load %arg20[%get3A_921, %get3A_922, %get3A_923] {strides = array<i32>} : memref<2x50x64xf32, #tpu.memory_space<vmem>>, vector<1x1x16xf32>,
          %get3A_925 = vector.shape_cast %get3A_924 : vector<1x1x16xf32> to vector<16xf32>
          %get3A_926 = arith.constant 0 : i32
          %get3A_927 = arith.index_cast %get3A_926 : i32 to index
          %get3A_928 = arith.index_cast %scan3A_816 : i32 to index
          %get3A_929 = arith.constant 32 : index
          %get3A_930 = tpu.vector_load %arg21[%get3A_927, %get3A_928, %get3A_929] {strides = array<i32>} : memref<2x50x64xf32, #tpu.memory_space<vmem>>, vector<1x1x16xf32>,
          %get3A_931 = vector.shape_cast %get3A_930 : vector<1x1x16xf32> to vector<16xf32>
          %select_n3A_932 = arith.select %gt3A_824, %get3A_925, %get3A_931 : vector<16xi1>, vector<16xf32>
          %get3A_933 = arith.constant 0 : i32
          %get3A_934 = arith.index_cast %get3A_933 : i32 to index
          %get3A_935 = arith.index_cast %scan3A_816 : i32 to index
          %get3A_936 = arith.constant 32 : index
          %get3A_937 = tpu.vector_load %arg18[%get3A_934, %get3A_935, %get3A_936] {strides = array<i32>} : memref<2x50x64xf32, #tpu.memory_space<vmem>>, vector<1x1x16xf32>,
          %get3A_938 = vector.shape_cast %get3A_937 : vector<1x1x16xf32> to vector<16xf32>
          %add3A_939 = arith.addf %select_n3A_932, %get3A_938 : vector<16xf32>
          %get3A_940 = arith.constant 0 : i32
          %get3A_941 = arith.index_cast %get3A_940 : i32 to index
          %get3A_942 = arith.index_cast %scan3A_816 : i32 to index
          %get3A_943 = arith.constant 32 : index
          %get3A_944 = tpu.vector_load %arg19[%get3A_941, %get3A_942, %get3A_943] {strides = array<i32>} : memref<2x50x64xf32, #tpu.memory_space<vmem>>, vector<1x1x16xf32>,
          %get3A_945 = vector.shape_cast %get3A_944 : vector<1x1x16xf32> to vector<16xf32>
          %add3A_946 = arith.addf %add3A_939, %get3A_945 : vector<16xf32>
          %swap3A_947 = arith.constant 0 : i32
          %swap3A_948 = arith.index_cast %swap3A_947 : i32 to index
          %swap3A_949 = arith.index_cast %scan3A_816 : i32 to index
          %swap3A_950 = arith.constant 32 : index
          %swap3A_951 = tpu.vector_load %arg24[%swap3A_948, %swap3A_949, %swap3A_950] {strides = array<i32>} : memref<2x50x64xf32, #tpu.memory_space<vmem>>, vector<1x1x16xf32>,
          %swap3A_952 = vector.shape_cast %swap3A_951 : vector<1x1x16xf32> to vector<16xf32>
          %swap3A_953 = vector.shape_cast %add3A_946 : vector<16xf32> to vector<1x1x16xf32>
          tpu.vector_store %arg24[%swap3A_948, %swap3A_949, %swap3A_950], %swap3A_953 {strides = array<i32>} : memref<2x50x64xf32, #tpu.memory_space<vmem>>, vector<1x1x16xf32>,
          %get3A_954 = arith.constant 0 : i32
          %get3A_955 = arith.index_cast %get3A_954 : i32 to index
          %get3A_956 = arith.index_cast %scan3A_816 : i32 to index
          %get3A_957 = arith.constant 32 : index
          %get3A_958 = tpu.vector_load %arg23[%get3A_955, %get3A_956, %get3A_957] {strides = array<i32>} : memref<2x50x64xf32, #tpu.memory_space<vmem>>, vector<1x1x16xf32>,
          %get3A_959 = vector.shape_cast %get3A_958 : vector<1x1x16xf32> to vector<16xf32>
          %add3A_960 = arith.addf %add3A_946, %get3A_959 : vector<16xf32>
          %swap3A_961 = arith.constant 0 : i32
          %swap3A_962 = arith.index_cast %swap3A_961 : i32 to index
          %swap3A_963 = arith.index_cast %scan3A_816 : i32 to index
          %swap3A_964 = arith.constant 32 : index
          %swap3A_965 = tpu.vector_load %arg25[%swap3A_962, %swap3A_963, %swap3A_964] {strides = array<i32>} : memref<2x50x64xf32, #tpu.memory_space<vmem>>, vector<1x1x16xf32>,
          %swap3A_966 = vector.shape_cast %swap3A_965 : vector<1x1x16xf32> to vector<16xf32>
          %swap3A_967 = vector.shape_cast %add3A_960 : vector<16xf32> to vector<1x1x16xf32>
          tpu.vector_store %arg25[%swap3A_962, %swap3A_963, %swap3A_964], %swap3A_967 {strides = array<i32>} : memref<2x50x64xf32, #tpu.memory_space<vmem>>, vector<1x1x16xf32>,
          %get3A_968 = arith.constant 0 : i32
          %get3A_969 = arith.index_cast %get3A_968 : i32 to index
          %get3A_970 = arith.index_cast %scan3A_816 : i32 to index
          %get3A_971 = arith.constant 48 : index
          %get3A_972 = tpu.vector_load %arg20[%get3A_969, %get3A_970, %get3A_971] {strides = array<i32>} : memref<2x50x64xf32, #tpu.memory_space<vmem>>, vector<1x1x16xf32>,
          %get3A_973 = vector.shape_cast %get3A_972 : vector<1x1x16xf32> to vector<16xf32>
          %get3A_974 = arith.constant 0 : i32
          %get3A_975 = arith.index_cast %get3A_974 : i32 to index
          %get3A_976 = arith.index_cast %scan3A_816 : i32 to index
          %get3A_977 = arith.constant 48 : index
          %get3A_978 = tpu.vector_load %arg21[%get3A_975, %get3A_976, %get3A_977] {strides = array<i32>} : memref<2x50x64xf32, #tpu.memory_space<vmem>>, vector<1x1x16xf32>,
          %get3A_979 = vector.shape_cast %get3A_978 : vector<1x1x16xf32> to vector<16xf32>
          %select_n3A_980 = arith.select %gt3A_824, %get3A_973, %get3A_979 : vector<16xi1>, vector<16xf32>
          %get3A_981 = arith.constant 0 : i32
          %get3A_982 = arith.index_cast %get3A_981 : i32 to index
          %get3A_983 = arith.index_cast %scan3A_816 : i32 to index
          %get3A_984 = arith.constant 48 : index
          %get3A_985 = tpu.vector_load %arg18[%get3A_982, %get3A_983, %get3A_984] {strides = array<i32>} : memref<2x50x64xf32, #tpu.memory_space<vmem>>, vector<1x1x16xf32>,
          %get3A_986 = vector.shape_cast %get3A_985 : vector<1x1x16xf32> to vector<16xf32>
          %add3A_987 = arith.addf %select_n3A_980, %get3A_986 : vector<16xf32>
          %get3A_988 = arith.constant 0 : i32
          %get3A_989 = arith.index_cast %get3A_988 : i32 to index
          %get3A_990 = arith.index_cast %scan3A_816 : i32 to index
          %get3A_991 = arith.constant 48 : index
          %get3A_992 = tpu.vector_load %arg19[%get3A_989, %get3A_990, %get3A_991] {strides = array<i32>} : memref<2x50x64xf32, #tpu.memory_space<vmem>>, vector<1x1x16xf32>,
          %get3A_993 = vector.shape_cast %get3A_992 : vector<1x1x16xf32> to vector<16xf32>
          %add3A_994 = arith.addf %add3A_987, %get3A_993 : vector<16xf32>
          %swap3A_995 = arith.constant 0 : i32
          %swap3A_996 = arith.index_cast %swap3A_995 : i32 to index
          %swap3A_997 = arith.index_cast %scan3A_816 : i32 to index
          %swap3A_998 = arith.constant 48 : index
          %swap3A_999 = tpu.vector_load %arg24[%swap3A_996, %swap3A_997, %swap3A_998] {strides = array<i32>} : memref<2x50x64xf32, #tpu.memory_space<vmem>>, vector<1x1x16xf32>,
          %swap3A_1000 = vector.shape_cast %swap3A_999 : vector<1x1x16xf32> to vector<16xf32>
          %swap3A_1001 = vector.shape_cast %add3A_994 : vector<16xf32> to vector<1x1x16xf32>
          tpu.vector_store %arg24[%swap3A_996, %swap3A_997, %swap3A_998], %swap3A_1001 {strides = array<i32>} : memref<2x50x64xf32, #tpu.memory_space<vmem>>, vector<1x1x16xf32>,
          %get3A_1002 = arith.constant 0 : i32
          %get3A_1003 = arith.index_cast %get3A_1002 : i32 to index
          %get3A_1004 = arith.index_cast %scan3A_816 : i32 to index
          %get3A_1005 = arith.constant 48 : index
          %get3A_1006 = tpu.vector_load %arg23[%get3A_1003, %get3A_1004, %get3A_1005] {strides = array<i32>} : memref<2x50x64xf32, #tpu.memory_space<vmem>>, vector<1x1x16xf32>,
          %get3A_1007 = vector.shape_cast %get3A_1006 : vector<1x1x16xf32> to vector<16xf32>
          %add3A_1008 = arith.addf %add3A_994, %get3A_1007 : vector<16xf32>
          %swap3A_1009 = arith.constant 0 : i32
          %swap3A_1010 = arith.index_cast %swap3A_1009 : i32 to index
          %swap3A_1011 = arith.index_cast %scan3A_816 : i32 to index
          %swap3A_1012 = arith.constant 48 : index
          %swap3A_1013 = tpu.vector_load %arg25[%swap3A_1010, %swap3A_1011, %swap3A_1012] {strides = array<i32>} : memref<2x50x64xf32, #tpu.memory_space<vmem>>, vector<1x1x16xf32>,
          %swap3A_1014 = vector.shape_cast %swap3A_1013 : vector<1x1x16xf32> to vector<16xf32>
          %swap3A_1015 = vector.shape_cast %add3A_1008 : vector<16xf32> to vector<1x1x16xf32>
          tpu.vector_store %arg25[%swap3A_1010, %swap3A_1011, %swap3A_1012], %swap3A_1015 {strides = array<i32>} : memref<2x50x64xf32, #tpu.memory_space<vmem>>, vector<1x1x16xf32>,
          %scan3A_1016 = arith.constant 0 : i32
          scf.yield %scan3A_1016 : i32
        }
        %scan3A_494 = arith.constant 50 : i32
        %mul3A_495 = arith.constant 20000 : i32
        %mul3A_496 = arith.muli %arg1, %mul3A_495 : i32
        %mul3A_497 = arith.constant 50 : i32
        %mul3A_498 = arith.muli %mul3A_200, %mul3A_497 : i32
        %add3A_499 = arith.addi %mul3A_496, %mul3A_498 : i32
        %jit3A_500 = arith.constant 10 : i32
        %div3A_501 = arith.divsi %mul3A_200, %jit3A_500 : i32
        %sign3A_502 = arith.constant 0 : i32
        %sign3A_503 = arith.cmpi sgt, %mul3A_200, %sign3A_502 : i32
        %sign3A_504 = arith.extui %sign3A_503 : i1 to i32
        %sign3A_505 = arith.constant 0 : i32
        %sign3A_506 = arith.cmpi slt, %mul3A_200, %sign3A_505 : i32
        %sign3A_507 = arith.extui %sign3A_506 : i1 to i32
        %sign3A_508 = arith.subi %sign3A_504, %sign3A_507 : i32
        %sign3A_509 = arith.constant 0 : i32
        %sign3A_510 = arith.cmpi sgt, %jit3A_500, %sign3A_509 : i32
        %sign3A_511 = arith.extui %sign3A_510 : i1 to i32
        %sign3A_512 = arith.constant 0 : i32
        %sign3A_513 = arith.cmpi slt, %jit3A_500, %sign3A_512 : i32
        %sign3A_514 = arith.extui %sign3A_513 : i1 to i32
        %sign3A_515 = arith.subi %sign3A_511, %sign3A_514 : i32
        %ne3A_516 = arith.cmpi ne, %sign3A_508, %sign3A_515 : i32
        %rem3A_517 = arith.remsi %mul3A_200, %jit3A_500 : i32
        %ne3A_518 = arith.constant 0 : i32
        %ne3A_519 = arith.cmpi ne, %rem3A_517, %ne3A_518 : i32
        %and3A_520 = arith.andi %ne3A_516, %ne3A_519 : i1
        %sub3A_521 = arith.constant 1 : i32
        %sub3A_522 = arith.subi %div3A_501, %sub3A_521 : i32
        %select_n3A_523 = arith.select %and3A_520, %sub3A_522, %div3A_501 : i32
        %jit3A_524 = arith.constant 3 : i32
        %eq3A_525 = arith.constant 0 : i32
        %eq3A_526 = arith.cmpi eq, %jit3A_524, %eq3A_525 : i32
        %jit3A_527 = arith.constant 1 : i32
        %select_n3A_528 = arith.select %eq3A_526, %jit3A_527, %jit3A_524 : i32
        %rem3A_529 = arith.remsi %select_n3A_523, %select_n3A_528 : i32
        %ne3A_530 = arith.constant 0 : i32
        %ne3A_531 = arith.cmpi ne, %rem3A_529, %ne3A_530 : i32
        %lt3A_532 = arith.constant 0 : i32
        %lt3A_533 = arith.cmpi slt, %rem3A_529, %lt3A_532 : i32
        %lt3A_534 = arith.constant 0 : i32
        %lt3A_535 = arith.cmpi slt, %select_n3A_528, %lt3A_534 : i32
        %ne3A_536 = arith.xori %lt3A_533, %lt3A_535 : i1
        %and3A_537 = arith.andi %ne3A_536, %ne3A_531 : i1
        %add3A_538 = arith.addi %rem3A_529, %select_n3A_528 : i32
        %select_n3A_539 = arith.select %and3A_537, %add3A_538, %rem3A_529 : i32
        %jit3A_540 = arith.constant 10 : i32
        %eq3A_541 = arith.constant 0 : i32
        %eq3A_542 = arith.cmpi eq, %jit3A_540, %eq3A_541 : i32
        %jit3A_543 = arith.constant 1 : i32
        %select_n3A_544 = arith.select %eq3A_542, %jit3A_543, %jit3A_540 : i32
        %rem3A_545 = arith.remsi %mul3A_200, %select_n3A_544 : i32
        %ne3A_546 = arith.constant 0 : i32
        %ne3A_547 = arith.cmpi ne, %rem3A_545, %ne3A_546 : i32
        %lt3A_548 = arith.constant 0 : i32
        %lt3A_549 = arith.cmpi slt, %rem3A_545, %lt3A_548 : i32
        %lt3A_550 = arith.constant 0 : i32
        %lt3A_551 = arith.cmpi slt, %select_n3A_544, %lt3A_550 : i32
        %ne3A_552 = arith.xori %lt3A_549, %lt3A_551 : i1
        %and3A_553 = arith.andi %ne3A_552, %ne3A_547 : i1
        %add3A_554 = arith.addi %rem3A_545, %select_n3A_544 : i32
        %select_n3A_555 = arith.select %and3A_553, %add3A_554, %rem3A_545 : i32
        %dma_start3A_556 = arith.constant 0 : i32
        %dma_start3A_557 = arith.constant 0 : i32
        %dma_start3A_558 = arith.constant 0 : i32
        %dma_start3A_559 = tpu.memref_slice %arg25[%dma_start3A_556, %dma_start3A_557, %dma_start3A_558] : memref<2x50x64xf32, #tpu.memory_space<vmem>> -> memref<1x50x64xf32, #tpu.memory_space<vmem>>
        %dma_start3A_560 = tpu.memref_squeeze %dma_start3A_559 : memref<1x50x64xf32, #tpu.memory_space<vmem>> -> memref<50x64xf32, #tpu.memory_space<vmem>>
        %dma_start3A_561 = arith.constant 64 : i32
        %dma_start3A_562 = tpu.memref_slice %arg13[%add3A_499, %dma_start3A_561] : memref<320000x128xf32, #tpu.memory_space<hbm>> -> memref<50x64xf32, #tpu.memory_space<hbm>>
        %dma_start3A_563 = arith.constant 64 : i32
        %dma_start3A_564 = tpu.memref_slice %arg13[%add3A_499, %dma_start3A_563] : memref<320000x128xf32, #tpu.memory_space<hbm>> -> memref<50x64xf32, #tpu.memory_space<hbm>>
        %dma_start3A_565 = arith.constant 0 : i32
        %dma_start3A_566 = arith.constant 0 : i32
        %dma_start3A_567 = tpu.memref_slice %arg25[%dma_start3A_556, %dma_start3A_565, %dma_start3A_566] : memref<2x50x64xf32, #tpu.memory_space<vmem>> -> memref<1x50x64xf32, #tpu.memory_space<vmem>>
        %dma_start3A_568 = tpu.memref_squeeze %dma_start3A_567 : memref<1x50x64xf32, #tpu.memory_space<vmem>> -> memref<50x64xf32, #tpu.memory_space<vmem>>
        tpu.enqueue_dma source(%dma_start3A_568 : memref<50x64xf32, #tpu.memory_space<vmem>>) target(%dma_start3A_564 : memref<50x64xf32, #tpu.memory_space<hbm>>) target_semaphore(%arg31 : memref<!tpu.dma_semaphore, #tpu.memory_space<semaphore_mem>>)
        %dma_start3A_569 = arith.constant 0 : i32
        %dma_start3A_570 = arith.constant 0 : i32
        %dma_start3A_571 = arith.constant 0 : i32
        %dma_start3A_572 = tpu.memref_slice %arg24[%dma_start3A_569, %dma_start3A_570, %dma_start3A_571] : memref<2x50x64xf32, #tpu.memory_space<vmem>> -> memref<1x50x64xf32, #tpu.memory_space<vmem>>
        %dma_start3A_573 = tpu.memref_squeeze %dma_start3A_572 : memref<1x50x64xf32, #tpu.memory_space<vmem>> -> memref<50x64xf32, #tpu.memory_space<vmem>>
        %dma_start3A_574 = arith.constant 0 : i32
        %dma_start3A_575 = tpu.memref_slice %arg17[%select_n3A_539, %select_n3A_555, %dma_start3A_574] : memref<3x10x50xi32, #tpu.memory_space<vmem>> -> memref<1x1x50xi32, #tpu.memory_space<vmem>>
        %dma_start3A_576 = tpu.memref_squeeze %dma_start3A_575 : memref<1x1x50xi32, #tpu.memory_space<vmem>> -> memref<50xi32, #tpu.memory_space<vmem>>
        %dma_start3A_577 = arith.constant 0 : i32
        %dma_start3A_578 = arith.constant 0 : i32
        %dma_start3A_579 = tpu.memref_slice %arg26[%dma_start3A_577, %dma_start3A_578] : memref<20000x64xf32, #tpu.memory_space<vmem_shared>> -> memref<20000x64xf32, #tpu.memory_space<vmem_shared>>
        tpu.enqueue_indirect_dma source(%dma_start3A_573 : memref<50x64xf32, #tpu.memory_space<vmem>>) target(%dma_start3A_579 : memref<20000x64xf32, #tpu.memory_space<vmem_shared>>) offsets(%dma_start3A_576 : memref<50xi32, #tpu.memory_space<vmem>>) semaphore(%arg33 : memref<!tpu.dma_semaphore, #tpu.memory_space<semaphore_mem>>) {add = true}
        %ge3A_580 = arith.constant 1 : i32
        %ge3A_581 = arith.cmpi sge, %scan3A_197, %ge3A_580 : i32
        %convert_element_type3A_582 = arith.extui %ge3A_581 : i1 to i32
        %cond3A_583 = arith.constant 0 : i32
        %cond3A_584 = arith.cmpi ne, %convert_element_type3A_582, %cond3A_583 : i32
        scf.if %cond3A_584 {
          %sub3A_816 = arith.constant 2 : i32
          %sub3A_817 = arith.subi %add3A_202, %sub3A_816 : i32
          %mul3A_818 = arith.constant 20000 : i32
          %mul3A_819 = arith.muli %arg1, %mul3A_818 : i32
          %mul3A_820 = arith.constant 50 : i32
          %mul3A_821 = arith.muli %sub3A_817, %mul3A_820 : i32
          %add3A_822 = arith.addi %mul3A_819, %mul3A_821 : i32
          %jit3A_823 = arith.constant 10 : i32
          %div3A_824 = arith.divsi %sub3A_817, %jit3A_823 : i32
          %sign3A_825 = arith.constant 0 : i32
          %sign3A_826 = arith.cmpi sgt, %sub3A_817, %sign3A_825 : i32
          %sign3A_827 = arith.extui %sign3A_826 : i1 to i32
          %sign3A_828 = arith.constant 0 : i32
          %sign3A_829 = arith.cmpi slt, %sub3A_817, %sign3A_828 : i32
          %sign3A_830 = arith.extui %sign3A_829 : i1 to i32
          %sign3A_831 = arith.subi %sign3A_827, %sign3A_830 : i32
          %sign3A_832 = arith.constant 0 : i32
          %sign3A_833 = arith.cmpi sgt, %jit3A_823, %sign3A_832 : i32
          %sign3A_834 = arith.extui %sign3A_833 : i1 to i32
          %sign3A_835 = arith.constant 0 : i32
          %sign3A_836 = arith.cmpi slt, %jit3A_823, %sign3A_835 : i32
          %sign3A_837 = arith.extui %sign3A_836 : i1 to i32
          %sign3A_838 = arith.subi %sign3A_834, %sign3A_837 : i32
          %ne3A_839 = arith.cmpi ne, %sign3A_831, %sign3A_838 : i32
          %rem3A_840 = arith.remsi %sub3A_817, %jit3A_823 : i32
          %ne3A_841 = arith.constant 0 : i32
          %ne3A_842 = arith.cmpi ne, %rem3A_840, %ne3A_841 : i32
          %and3A_843 = arith.andi %ne3A_839, %ne3A_842 : i1
          %sub3A_844 = arith.constant 1 : i32
          %sub3A_845 = arith.subi %div3A_824, %sub3A_844 : i32
          %select_n3A_846 = arith.select %and3A_843, %sub3A_845, %div3A_824 : i32
          %jit3A_847 = arith.constant 3 : i32
          %eq3A_848 = arith.constant 0 : i32
          %eq3A_849 = arith.cmpi eq, %jit3A_847, %eq3A_848 : i32
          %jit3A_850 = arith.constant 1 : i32
          %select_n3A_851 = arith.select %eq3A_849, %jit3A_850, %jit3A_847 : i32
          %rem3A_852 = arith.remsi %select_n3A_846, %select_n3A_851 : i32
          %ne3A_853 = arith.constant 0 : i32
          %ne3A_854 = arith.cmpi ne, %rem3A_852, %ne3A_853 : i32
          %lt3A_855 = arith.constant 0 : i32
          %lt3A_856 = arith.cmpi slt, %rem3A_852, %lt3A_855 : i32
          %lt3A_857 = arith.constant 0 : i32
          %lt3A_858 = arith.cmpi slt, %select_n3A_851, %lt3A_857 : i32
          %ne3A_859 = arith.xori %lt3A_856, %lt3A_858 : i1
          %and3A_860 = arith.andi %ne3A_859, %ne3A_854 : i1
          %add3A_861 = arith.addi %rem3A_852, %select_n3A_851 : i32
          %select_n3A_862 = arith.select %and3A_860, %add3A_861, %rem3A_852 : i32
          %jit3A_863 = arith.constant 10 : i32
          %eq3A_864 = arith.constant 0 : i32
          %eq3A_865 = arith.cmpi eq, %jit3A_863, %eq3A_864 : i32
          %jit3A_866 = arith.constant 1 : i32
          %select_n3A_867 = arith.select %eq3A_865, %jit3A_866, %jit3A_863 : i32
          %rem3A_868 = arith.remsi %sub3A_817, %select_n3A_867 : i32
          %ne3A_869 = arith.constant 0 : i32
          %ne3A_870 = arith.cmpi ne, %rem3A_868, %ne3A_869 : i32
          %lt3A_871 = arith.constant 0 : i32
          %lt3A_872 = arith.cmpi slt, %rem3A_868, %lt3A_871 : i32
          %lt3A_873 = arith.constant 0 : i32
          %lt3A_874 = arith.cmpi slt, %select_n3A_867, %lt3A_873 : i32
          %ne3A_875 = arith.xori %lt3A_872, %lt3A_874 : i1
          %and3A_876 = arith.andi %ne3A_875, %ne3A_870 : i1
          %add3A_877 = arith.addi %rem3A_868, %select_n3A_867 : i32
          %select_n3A_878 = arith.select %and3A_876, %add3A_877, %rem3A_868 : i32
          %dma_wait3A_879 = arith.constant 1 : i32
          %dma_wait3A_880 = arith.constant 0 : i32
          %dma_wait3A_881 = arith.constant 0 : i32
          %dma_wait3A_882 = tpu.memref_slice %arg25[%dma_wait3A_879, %dma_wait3A_880, %dma_wait3A_881] : memref<2x50x64xf32, #tpu.memory_space<vmem>> -> memref<1x50x64xf32, #tpu.memory_space<vmem>>
          %dma_wait3A_883 = tpu.memref_squeeze %dma_wait3A_882 : memref<1x50x64xf32, #tpu.memory_space<vmem>> -> memref<50x64xf32, #tpu.memory_space<vmem>>
          %dma_wait3A_884 = arith.constant 64 : i32
          %dma_wait3A_885 = tpu.memref_slice %arg13[%add3A_822, %dma_wait3A_884] : memref<320000x128xf32, #tpu.memory_space<hbm>> -> memref<50x64xf32, #tpu.memory_space<hbm>>
          %dma_wait3A_886 = arith.constant 64 : i32
          %dma_wait3A_887 = tpu.memref_slice %arg13[%add3A_822, %dma_wait3A_886] : memref<320000x128xf32, #tpu.memory_space<hbm>> -> memref<50x64xf32, #tpu.memory_space<hbm>>
          %dma_wait3A_888 = arith.constant 0 : i32
          %dma_wait3A_889 = arith.constant 0 : i32
          %dma_wait3A_890 = tpu.memref_slice %arg25[%dma_wait3A_879, %dma_wait3A_888, %dma_wait3A_889] : memref<2x50x64xf32, #tpu.memory_space<vmem>> -> memref<1x50x64xf32, #tpu.memory_space<vmem>>
          %dma_wait3A_891 = tpu.memref_squeeze %dma_wait3A_890 : memref<1x50x64xf32, #tpu.memory_space<vmem>> -> memref<50x64xf32, #tpu.memory_space<vmem>>
          tpu.wait_dma2 semaphore(%arg32 : memref<!tpu.dma_semaphore, #tpu.memory_space<semaphore_mem>>) src(%dma_wait3A_891 : memref<50x64xf32, #tpu.memory_space<vmem>>) dst(%dma_wait3A_887 : memref<50x64xf32, #tpu.memory_space<hbm>>)
          %dma_wait3A_892 = arith.constant 1 : i32
          %dma_wait3A_893 = arith.constant 0 : i32
          %dma_wait3A_894 = arith.constant 0 : i32
          %dma_wait3A_895 = tpu.memref_slice %arg24[%dma_wait3A_892, %dma_wait3A_893, %dma_wait3A_894] : memref<2x50x64xf32, #tpu.memory_space<vmem>> -> memref<1x50x64xf32, #tpu.memory_space<vmem>>
          %dma_wait3A_896 = tpu.memref_squeeze %dma_wait3A_895 : memref<1x50x64xf32, #tpu.memory_space<vmem>> -> memref<50x64xf32, #tpu.memory_space<vmem>>
          %dma_wait3A_897 = arith.constant 0 : i32
          %dma_wait3A_898 = tpu.memref_slice %arg17[%select_n3A_862, %select_n3A_878, %dma_wait3A_897] : memref<3x10x50xi32, #tpu.memory_space<vmem>> -> memref<1x1x50xi32, #tpu.memory_space<vmem>>
          %dma_wait3A_899 = tpu.memref_squeeze %dma_wait3A_898 : memref<1x1x50xi32, #tpu.memory_space<vmem>> -> memref<50xi32, #tpu.memory_space<vmem>>
          %dma_wait3A_900 = arith.constant 0 : i32
          %dma_wait3A_901 = arith.constant 0 : i32
          %dma_wait3A_902 = tpu.memref_slice %arg26[%dma_wait3A_900, %dma_wait3A_901] : memref<20000x64xf32, #tpu.memory_space<vmem_shared>> -> memref<20000x64xf32, #tpu.memory_space<vmem_shared>>
          tpu.wait_indirect_dma semaphore(%arg34 : memref<!tpu.dma_semaphore, #tpu.memory_space<semaphore_mem>>) src(%dma_wait3A_896 : memref<50x64xf32, #tpu.memory_space<vmem>>) dst(%dma_wait3A_902 : memref<20000x64xf32, #tpu.memory_space<vmem_shared>>)
        } else {
        }
        %lt3A_585 = arith.constant 199 : i32
        %lt3A_586 = arith.cmpi slt, %scan3A_197, %lt3A_585 : i32
        %convert_element_type3A_587 = arith.extui %lt3A_586 : i1 to i32
        %cond3A_588 = arith.constant 0 : i32
        %cond3A_589 = arith.cmpi ne, %convert_element_type3A_587, %cond3A_588 : i32
        scf.if %cond3A_589 {
          %add3A_816 = arith.constant 1 : i32
          %add3A_817 = arith.addi %add3A_202, %add3A_816 : i32
          %mul3A_818 = arith.constant 20000 : i32
          %mul3A_819 = arith.muli %arg1, %mul3A_818 : i32
          %mul3A_820 = arith.constant 50 : i32
          %mul3A_821 = arith.muli %add3A_817, %mul3A_820 : i32
          %add3A_822 = arith.addi %mul3A_819, %mul3A_821 : i32
          %jit3A_823 = arith.constant 10 : i32
          %div3A_824 = arith.divsi %add3A_817, %jit3A_823 : i32
          %sign3A_825 = arith.constant 0 : i32
          %sign3A_826 = arith.cmpi sgt, %add3A_817, %sign3A_825 : i32
          %sign3A_827 = arith.extui %sign3A_826 : i1 to i32
          %sign3A_828 = arith.constant 0 : i32
          %sign3A_829 = arith.cmpi slt, %add3A_817, %sign3A_828 : i32
          %sign3A_830 = arith.extui %sign3A_829 : i1 to i32
          %sign3A_831 = arith.subi %sign3A_827, %sign3A_830 : i32
          %sign3A_832 = arith.constant 0 : i32
          %sign3A_833 = arith.cmpi sgt, %jit3A_823, %sign3A_832 : i32
          %sign3A_834 = arith.extui %sign3A_833 : i1 to i32
          %sign3A_835 = arith.constant 0 : i32
          %sign3A_836 = arith.cmpi slt, %jit3A_823, %sign3A_835 : i32
          %sign3A_837 = arith.extui %sign3A_836 : i1 to i32
          %sign3A_838 = arith.subi %sign3A_834, %sign3A_837 : i32
          %ne3A_839 = arith.cmpi ne, %sign3A_831, %sign3A_838 : i32
          %rem3A_840 = arith.remsi %add3A_817, %jit3A_823 : i32
          %ne3A_841 = arith.constant 0 : i32
          %ne3A_842 = arith.cmpi ne, %rem3A_840, %ne3A_841 : i32
          %and3A_843 = arith.andi %ne3A_839, %ne3A_842 : i1
          %sub3A_844 = arith.constant 1 : i32
          %sub3A_845 = arith.subi %div3A_824, %sub3A_844 : i32
          %select_n3A_846 = arith.select %and3A_843, %sub3A_845, %div3A_824 : i32
          %jit3A_847 = arith.constant 3 : i32
          %eq3A_848 = arith.constant 0 : i32
          %eq3A_849 = arith.cmpi eq, %jit3A_847, %eq3A_848 : i32
          %jit3A_850 = arith.constant 1 : i32
          %select_n3A_851 = arith.select %eq3A_849, %jit3A_850, %jit3A_847 : i32
          %rem3A_852 = arith.remsi %select_n3A_846, %select_n3A_851 : i32
          %ne3A_853 = arith.constant 0 : i32
          %ne3A_854 = arith.cmpi ne, %rem3A_852, %ne3A_853 : i32
          %lt3A_855 = arith.constant 0 : i32
          %lt3A_856 = arith.cmpi slt, %rem3A_852, %lt3A_855 : i32
          %lt3A_857 = arith.constant 0 : i32
          %lt3A_858 = arith.cmpi slt, %select_n3A_851, %lt3A_857 : i32
          %ne3A_859 = arith.xori %lt3A_856, %lt3A_858 : i1
          %and3A_860 = arith.andi %ne3A_859, %ne3A_854 : i1
          %add3A_861 = arith.addi %rem3A_852, %select_n3A_851 : i32
          %select_n3A_862 = arith.select %and3A_860, %add3A_861, %rem3A_852 : i32
          %jit3A_863 = arith.constant 10 : i32
          %eq3A_864 = arith.constant 0 : i32
          %eq3A_865 = arith.cmpi eq, %jit3A_863, %eq3A_864 : i32
          %jit3A_866 = arith.constant 1 : i32
          %select_n3A_867 = arith.select %eq3A_865, %jit3A_866, %jit3A_863 : i32
          %rem3A_868 = arith.remsi %add3A_817, %select_n3A_867 : i32
          %ne3A_869 = arith.constant 0 : i32
          %ne3A_870 = arith.cmpi ne, %rem3A_868, %ne3A_869 : i32
          %lt3A_871 = arith.constant 0 : i32
          %lt3A_872 = arith.cmpi slt, %rem3A_868, %lt3A_871 : i32
          %lt3A_873 = arith.constant 0 : i32
          %lt3A_874 = arith.cmpi slt, %select_n3A_867, %lt3A_873 : i32
          %ne3A_875 = arith.xori %lt3A_872, %lt3A_874 : i1
          %and3A_876 = arith.andi %ne3A_875, %ne3A_870 : i1
          %add3A_877 = arith.addi %rem3A_868, %select_n3A_867 : i32
          %select_n3A_878 = arith.select %and3A_876, %add3A_877, %rem3A_868 : i32
          %dma_start3A_879 = arith.constant 0 : i32
          %dma_start3A_880 = arith.constant 0 : i32
          %dma_start3A_881 = arith.constant 0 : i32
          %dma_start3A_882 = tpu.memref_slice %arg18[%dma_start3A_879, %dma_start3A_880, %dma_start3A_881] : memref<2x50x64xf32, #tpu.memory_space<vmem>> -> memref<1x50x64xf32, #tpu.memory_space<vmem>>
          %dma_start3A_883 = tpu.memref_squeeze %dma_start3A_882 : memref<1x50x64xf32, #tpu.memory_space<vmem>> -> memref<50x64xf32, #tpu.memory_space<vmem>>
          %dma_start3A_884 = arith.constant 0 : i32
          %dma_start3A_885 = tpu.memref_slice %arg16[%select_n3A_862, %select_n3A_878, %dma_start3A_884] : memref<3x10x50xi32, #tpu.memory_space<vmem>> -> memref<1x1x50xi32, #tpu.memory_space<vmem>>
          %dma_start3A_886 = tpu.memref_squeeze %dma_start3A_885 : memref<1x1x50xi32, #tpu.memory_space<vmem>> -> memref<50xi32, #tpu.memory_space<vmem>>
          %dma_start3A_887 = arith.constant 0 : i32
          %dma_start3A_888 = arith.constant 0 : i32
          %dma_start3A_889 = tpu.memref_slice %arg3[%dma_start3A_887, %dma_start3A_888] : memref<20000x64xf32, #tpu.memory_space<hbm>> -> memref<20000x64xf32, #tpu.memory_space<hbm>>
          tpu.enqueue_indirect_dma source(%dma_start3A_889 : memref<20000x64xf32, #tpu.memory_space<hbm>>) target(%dma_start3A_883 : memref<50x64xf32, #tpu.memory_space<vmem>>) offsets(%dma_start3A_886 : memref<50xi32, #tpu.memory_space<vmem>>) semaphore(%arg27 : memref<!tpu.dma_semaphore, #tpu.memory_space<semaphore_mem>>)
          %dma_start3A_890 = arith.constant 0 : i32
          %dma_start3A_891 = arith.constant 0 : i32
          %dma_start3A_892 = arith.constant 0 : i32
          %dma_start3A_893 = tpu.memref_slice %arg19[%dma_start3A_890, %dma_start3A_891, %dma_start3A_892] : memref<2x50x64xf32, #tpu.memory_space<vmem>> -> memref<1x50x64xf32, #tpu.memory_space<vmem>>
          %dma_start3A_894 = tpu.memref_squeeze %dma_start3A_893 : memref<1x50x64xf32, #tpu.memory_space<vmem>> -> memref<50x64xf32, #tpu.memory_space<vmem>>
          %dma_start3A_895 = arith.constant 0 : i32
          %dma_start3A_896 = tpu.memref_slice %arg17[%select_n3A_862, %select_n3A_878, %dma_start3A_895] : memref<3x10x50xi32, #tpu.memory_space<vmem>> -> memref<1x1x50xi32, #tpu.memory_space<vmem>>
          %dma_start3A_897 = tpu.memref_squeeze %dma_start3A_896 : memref<1x1x50xi32, #tpu.memory_space<vmem>> -> memref<50xi32, #tpu.memory_space<vmem>>
          %dma_start3A_898 = arith.constant 0 : i32
          %dma_start3A_899 = arith.constant 0 : i32
          %dma_start3A_900 = tpu.memref_slice %arg5[%dma_start3A_898, %dma_start3A_899] : memref<20000x64xf32, #tpu.memory_space<hbm>> -> memref<20000x64xf32, #tpu.memory_space<hbm>>
          tpu.enqueue_indirect_dma source(%dma_start3A_900 : memref<20000x64xf32, #tpu.memory_space<hbm>>) target(%dma_start3A_894 : memref<50x64xf32, #tpu.memory_space<vmem>>) offsets(%dma_start3A_897 : memref<50xi32, #tpu.memory_space<vmem>>) semaphore(%arg27 : memref<!tpu.dma_semaphore, #tpu.memory_space<semaphore_mem>>)
          %dma_start3A_901 = arith.constant 0 : i32
          %dma_start3A_902 = arith.constant 0 : i32
          %dma_start3A_903 = arith.constant 0 : i32
          %dma_start3A_904 = tpu.memref_slice %arg22[%dma_start3A_901, %dma_start3A_902, %dma_start3A_903] : memref<2x50x16xf32, #tpu.memory_space<vmem>> -> memref<1x50x16xf32, #tpu.memory_space<vmem>>
          %dma_start3A_905 = tpu.memref_squeeze %dma_start3A_904 : memref<1x50x16xf32, #tpu.memory_space<vmem>> -> memref<50x16xf32, #tpu.memory_space<vmem>>
          %dma_start3A_906 = arith.constant 0 : i32
          %dma_start3A_907 = tpu.memref_slice %arg16[%select_n3A_862, %select_n3A_878, %dma_start3A_906] : memref<3x10x50xi32, #tpu.memory_space<vmem>> -> memref<1x1x50xi32, #tpu.memory_space<vmem>>
          %dma_start3A_908 = tpu.memref_squeeze %dma_start3A_907 : memref<1x1x50xi32, #tpu.memory_space<vmem>> -> memref<50xi32, #tpu.memory_space<vmem>>
          %dma_start3A_909 = arith.constant 0 : i32
          %dma_start3A_910 = arith.constant 0 : i32
          %dma_start3A_911 = tpu.memref_slice %arg10[%dma_start3A_909, %dma_start3A_910] : memref<20000x16xf32, #tpu.memory_space<hbm>> -> memref<20000x16xf32, #tpu.memory_space<hbm>>
          tpu.enqueue_indirect_dma source(%dma_start3A_911 : memref<20000x16xf32, #tpu.memory_space<hbm>>) target(%dma_start3A_905 : memref<50x16xf32, #tpu.memory_space<vmem>>) offsets(%dma_start3A_908 : memref<50xi32, #tpu.memory_space<vmem>>) semaphore(%arg27 : memref<!tpu.dma_semaphore, #tpu.memory_space<semaphore_mem>>)
          %dma_start3A_912 = arith.constant 0 : i32
          %dma_start3A_913 = arith.constant 0 : i32
          %dma_start3A_914 = arith.constant 0 : i32
          %dma_start3A_915 = tpu.memref_slice %arg20[%dma_start3A_912, %dma_start3A_913, %dma_start3A_914] : memref<2x50x64xf32, #tpu.memory_space<vmem>> -> memref<1x50x64xf32, #tpu.memory_space<vmem>>
          %dma_start3A_916 = tpu.memref_squeeze %dma_start3A_915 : memref<1x50x64xf32, #tpu.memory_space<vmem>> -> memref<50x64xf32, #tpu.memory_space<vmem>>
          %dma_start3A_917 = arith.constant 64 : i32
          %dma_start3A_918 = tpu.memref_slice %arg8[%add3A_822, %dma_start3A_917] : memref<320000x128xf32, #tpu.memory_space<hbm>> -> memref<50x64xf32, #tpu.memory_space<hbm>>
          %dma_start3A_919 = arith.constant 0 : i32
          %dma_start3A_920 = arith.constant 0 : i32
          %dma_start3A_921 = tpu.memref_slice %arg20[%dma_start3A_912, %dma_start3A_919, %dma_start3A_920] : memref<2x50x64xf32, #tpu.memory_space<vmem>> -> memref<1x50x64xf32, #tpu.memory_space<vmem>>
          %dma_start3A_922 = tpu.memref_squeeze %dma_start3A_921 : memref<1x50x64xf32, #tpu.memory_space<vmem>> -> memref<50x64xf32, #tpu.memory_space<vmem>>
          %dma_start3A_923 = arith.constant 64 : i32
          %dma_start3A_924 = tpu.memref_slice %arg8[%add3A_822, %dma_start3A_923] : memref<320000x128xf32, #tpu.memory_space<hbm>> -> memref<50x64xf32, #tpu.memory_space<hbm>>
          tpu.enqueue_dma source(%dma_start3A_924 : memref<50x64xf32, #tpu.memory_space<hbm>>) target(%dma_start3A_922 : memref<50x64xf32, #tpu.memory_space<vmem>>) target_semaphore(%arg29 : memref<!tpu.dma_semaphore, #tpu.memory_space<semaphore_mem>>)
          %dma_start3A_925 = arith.constant 0 : i32
          %dma_start3A_926 = arith.constant 0 : i32
          %dma_start3A_927 = arith.constant 0 : i32
          %dma_start3A_928 = tpu.memref_slice %arg21[%dma_start3A_925, %dma_start3A_926, %dma_start3A_927] : memref<2x50x64xf32, #tpu.memory_space<vmem>> -> memref<1x50x64xf32, #tpu.memory_space<vmem>>
          %dma_start3A_929 = tpu.memref_squeeze %dma_start3A_928 : memref<1x50x64xf32, #tpu.memory_space<vmem>> -> memref<50x64xf32, #tpu.memory_space<vmem>>
          %dma_start3A_930 = arith.constant 64 : i32
          %dma_start3A_931 = tpu.memref_slice %arg9[%add3A_822, %dma_start3A_930] : memref<320000x128xf32, #tpu.memory_space<hbm>> -> memref<50x64xf32, #tpu.memory_space<hbm>>
          %dma_start3A_932 = arith.constant 0 : i32
          %dma_start3A_933 = arith.constant 0 : i32
          %dma_start3A_934 = tpu.memref_slice %arg21[%dma_start3A_925, %dma_start3A_932, %dma_start3A_933] : memref<2x50x64xf32, #tpu.memory_space<vmem>> -> memref<1x50x64xf32, #tpu.memory_space<vmem>>
          %dma_start3A_935 = tpu.memref_squeeze %dma_start3A_934 : memref<1x50x64xf32, #tpu.memory_space<vmem>> -> memref<50x64xf32, #tpu.memory_space<vmem>>
          %dma_start3A_936 = arith.constant 64 : i32
          %dma_start3A_937 = tpu.memref_slice %arg9[%add3A_822, %dma_start3A_936] : memref<320000x128xf32, #tpu.memory_space<hbm>> -> memref<50x64xf32, #tpu.memory_space<hbm>>
          tpu.enqueue_dma source(%dma_start3A_937 : memref<50x64xf32, #tpu.memory_space<hbm>>) target(%dma_start3A_935 : memref<50x64xf32, #tpu.memory_space<vmem>>) target_semaphore(%arg29 : memref<!tpu.dma_semaphore, #tpu.memory_space<semaphore_mem>>)
          %dma_start3A_938 = arith.constant 0 : i32
          %dma_start3A_939 = arith.constant 0 : i32
          %dma_start3A_940 = arith.constant 0 : i32
          %dma_start3A_941 = tpu.memref_slice %arg23[%dma_start3A_938, %dma_start3A_939, %dma_start3A_940] : memref<2x50x64xf32, #tpu.memory_space<vmem>> -> memref<1x50x64xf32, #tpu.memory_space<vmem>>
          %dma_start3A_942 = tpu.memref_squeeze %dma_start3A_941 : memref<1x50x64xf32, #tpu.memory_space<vmem>> -> memref<50x64xf32, #tpu.memory_space<vmem>>
          %dma_start3A_943 = arith.constant 64 : i32
          %dma_start3A_944 = tpu.memref_slice %arg11[%add3A_822, %dma_start3A_943] : memref<320000x128xf32, #tpu.memory_space<hbm>> -> memref<50x64xf32, #tpu.memory_space<hbm>>
          %dma_start3A_945 = arith.constant 0 : i32
          %dma_start3A_946 = arith.constant 0 : i32
          %dma_start3A_947 = tpu.memref_slice %arg23[%dma_start3A_938, %dma_start3A_945, %dma_start3A_946] : memref<2x50x64xf32, #tpu.memory_space<vmem>> -> memref<1x50x64xf32, #tpu.memory_space<vmem>>
          %dma_start3A_948 = tpu.memref_squeeze %dma_start3A_947 : memref<1x50x64xf32, #tpu.memory_space<vmem>> -> memref<50x64xf32, #tpu.memory_space<vmem>>
          %dma_start3A_949 = arith.constant 64 : i32
          %dma_start3A_950 = tpu.memref_slice %arg11[%add3A_822, %dma_start3A_949] : memref<320000x128xf32, #tpu.memory_space<hbm>> -> memref<50x64xf32, #tpu.memory_space<hbm>>
          tpu.enqueue_dma source(%dma_start3A_950 : memref<50x64xf32, #tpu.memory_space<hbm>>) target(%dma_start3A_948 : memref<50x64xf32, #tpu.memory_space<vmem>>) target_semaphore(%arg29 : memref<!tpu.dma_semaphore, #tpu.memory_space<semaphore_mem>>)
        } else {
        }
        %mul3A_590 = arith.constant 20000 : i32
        %mul3A_591 = arith.muli %arg1, %mul3A_590 : i32
        %mul3A_592 = arith.constant 50 : i32
        %mul3A_593 = arith.muli %add3A_202, %mul3A_592 : i32
        %add3A_594 = arith.addi %mul3A_591, %mul3A_593 : i32
        %jit3A_595 = arith.constant 10 : i32
        %div3A_596 = arith.divsi %add3A_202, %jit3A_595 : i32
        %sign3A_597 = arith.constant 0 : i32
        %sign3A_598 = arith.cmpi sgt, %add3A_202, %sign3A_597 : i32
        %sign3A_599 = arith.extui %sign3A_598 : i1 to i32
        %sign3A_600 = arith.constant 0 : i32
        %sign3A_601 = arith.cmpi slt, %add3A_202, %sign3A_600 : i32
        %sign3A_602 = arith.extui %sign3A_601 : i1 to i32
        %sign3A_603 = arith.subi %sign3A_599, %sign3A_602 : i32
        %sign3A_604 = arith.constant 0 : i32
        %sign3A_605 = arith.cmpi sgt, %jit3A_595, %sign3A_604 : i32
        %sign3A_606 = arith.extui %sign3A_605 : i1 to i32
        %sign3A_607 = arith.constant 0 : i32
        %sign3A_608 = arith.cmpi slt, %jit3A_595, %sign3A_607 : i32
        %sign3A_609 = arith.extui %sign3A_608 : i1 to i32
        %sign3A_610 = arith.subi %sign3A_606, %sign3A_609 : i32
        %ne3A_611 = arith.cmpi ne, %sign3A_603, %sign3A_610 : i32
        %rem3A_612 = arith.remsi %add3A_202, %jit3A_595 : i32
        %ne3A_613 = arith.constant 0 : i32
        %ne3A_614 = arith.cmpi ne, %rem3A_612, %ne3A_613 : i32
        %and3A_615 = arith.andi %ne3A_611, %ne3A_614 : i1
        %sub3A_616 = arith.constant 1 : i32
        %sub3A_617 = arith.subi %div3A_596, %sub3A_616 : i32
        %select_n3A_618 = arith.select %and3A_615, %sub3A_617, %div3A_596 : i32
        %jit3A_619 = arith.constant 3 : i32
        %eq3A_620 = arith.constant 0 : i32
        %eq3A_621 = arith.cmpi eq, %jit3A_619, %eq3A_620 : i32
        %jit3A_622 = arith.constant 1 : i32
        %select_n3A_623 = arith.select %eq3A_621, %jit3A_622, %jit3A_619 : i32
        %rem3A_624 = arith.remsi %select_n3A_618, %select_n3A_623 : i32
        %ne3A_625 = arith.constant 0 : i32
        %ne3A_626 = arith.cmpi ne, %rem3A_624, %ne3A_625 : i32
        %lt3A_627 = arith.constant 0 : i32
        %lt3A_628 = arith.cmpi slt, %rem3A_624, %lt3A_627 : i32
        %lt3A_629 = arith.constant 0 : i32
        %lt3A_630 = arith.cmpi slt, %select_n3A_623, %lt3A_629 : i32
        %ne3A_631 = arith.xori %lt3A_628, %lt3A_630 : i1
        %and3A_632 = arith.andi %ne3A_631, %ne3A_626 : i1
        %add3A_633 = arith.addi %rem3A_624, %select_n3A_623 : i32
        %select_n3A_634 = arith.select %and3A_632, %add3A_633, %rem3A_624 : i32
        %jit3A_635 = arith.constant 10 : i32
        %eq3A_636 = arith.constant 0 : i32
        %eq3A_637 = arith.cmpi eq, %jit3A_635, %eq3A_636 : i32
        %jit3A_638 = arith.constant 1 : i32
        %select_n3A_639 = arith.select %eq3A_637, %jit3A_638, %jit3A_635 : i32
        %rem3A_640 = arith.remsi %add3A_202, %select_n3A_639 : i32
        %ne3A_641 = arith.constant 0 : i32
        %ne3A_642 = arith.cmpi ne, %rem3A_640, %ne3A_641 : i32
        %lt3A_643 = arith.constant 0 : i32
        %lt3A_644 = arith.cmpi slt, %rem3A_640, %lt3A_643 : i32
        %lt3A_645 = arith.constant 0 : i32
        %lt3A_646 = arith.cmpi slt, %select_n3A_639, %lt3A_645 : i32
        %ne3A_647 = arith.xori %lt3A_644, %lt3A_646 : i1
        %and3A_648 = arith.andi %ne3A_647, %ne3A_642 : i1
        %add3A_649 = arith.addi %rem3A_640, %select_n3A_639 : i32
        %select_n3A_650 = arith.select %and3A_648, %add3A_649, %rem3A_640 : i32
        %dma_wait3A_651 = arith.constant 1 : i32
        %dma_wait3A_652 = arith.constant 0 : i32
        %dma_wait3A_653 = arith.constant 0 : i32
        %dma_wait3A_654 = tpu.memref_slice %arg18[%dma_wait3A_651, %dma_wait3A_652, %dma_wait3A_653] : memref<2x50x64xf32, #tpu.memory_space<vmem>> -> memref<1x50x64xf32, #tpu.memory_space<vmem>>
        %dma_wait3A_655 = tpu.memref_squeeze %dma_wait3A_654 : memref<1x50x64xf32, #tpu.memory_space<vmem>> -> memref<50x64xf32, #tpu.memory_space<vmem>>
        %dma_wait3A_656 = arith.constant 0 : i32
        %dma_wait3A_657 = tpu.memref_slice %arg16[%select_n3A_634, %select_n3A_650, %dma_wait3A_656] : memref<3x10x50xi32, #tpu.memory_space<vmem>> -> memref<1x1x50xi32, #tpu.memory_space<vmem>>
        %dma_wait3A_658 = tpu.memref_squeeze %dma_wait3A_657 : memref<1x1x50xi32, #tpu.memory_space<vmem>> -> memref<50xi32, #tpu.memory_space<vmem>>
        %dma_wait3A_659 = arith.constant 0 : i32
        %dma_wait3A_660 = arith.constant 0 : i32
        %dma_wait3A_661 = tpu.memref_slice %arg3[%dma_wait3A_659, %dma_wait3A_660] : memref<20000x64xf32, #tpu.memory_space<hbm>> -> memref<20000x64xf32, #tpu.memory_space<hbm>>
        tpu.wait_indirect_dma semaphore(%arg28 : memref<!tpu.dma_semaphore, #tpu.memory_space<semaphore_mem>>) src(%dma_wait3A_661 : memref<20000x64xf32, #tpu.memory_space<hbm>>) dst(%dma_wait3A_655 : memref<50x64xf32, #tpu.memory_space<vmem>>)
        %dma_wait3A_662 = arith.constant 1 : i32
        %dma_wait3A_663 = arith.constant 0 : i32
        %dma_wait3A_664 = arith.constant 0 : i32
        %dma_wait3A_665 = tpu.memref_slice %arg19[%dma_wait3A_662, %dma_wait3A_663, %dma_wait3A_664] : memref<2x50x64xf32, #tpu.memory_space<vmem>> -> memref<1x50x64xf32, #tpu.memory_space<vmem>>
        %dma_wait3A_666 = tpu.memref_squeeze %dma_wait3A_665 : memref<1x50x64xf32, #tpu.memory_space<vmem>> -> memref<50x64xf32, #tpu.memory_space<vmem>>
        %dma_wait3A_667 = arith.constant 0 : i32
        %dma_wait3A_668 = tpu.memref_slice %arg17[%select_n3A_634, %select_n3A_650, %dma_wait3A_667] : memref<3x10x50xi32, #tpu.memory_space<vmem>> -> memref<1x1x50xi32, #tpu.memory_space<vmem>>
        %dma_wait3A_669 = tpu.memref_squeeze %dma_wait3A_668 : memref<1x1x50xi32, #tpu.memory_space<vmem>> -> memref<50xi32, #tpu.memory_space<vmem>>
        %dma_wait3A_670 = arith.constant 0 : i32
        %dma_wait3A_671 = arith.constant 0 : i32
        %dma_wait3A_672 = tpu.memref_slice %arg5[%dma_wait3A_670, %dma_wait3A_671] : memref<20000x64xf32, #tpu.memory_space<hbm>> -> memref<20000x64xf32, #tpu.memory_space<hbm>>
        tpu.wait_indirect_dma semaphore(%arg28 : memref<!tpu.dma_semaphore, #tpu.memory_space<semaphore_mem>>) src(%dma_wait3A_672 : memref<20000x64xf32, #tpu.memory_space<hbm>>) dst(%dma_wait3A_666 : memref<50x64xf32, #tpu.memory_space<vmem>>)
        %dma_wait3A_673 = arith.constant 1 : i32
        %dma_wait3A_674 = arith.constant 0 : i32
        %dma_wait3A_675 = arith.constant 0 : i32
        %dma_wait3A_676 = tpu.memref_slice %arg22[%dma_wait3A_673, %dma_wait3A_674, %dma_wait3A_675] : memref<2x50x16xf32, #tpu.memory_space<vmem>> -> memref<1x50x16xf32, #tpu.memory_space<vmem>>
        %dma_wait3A_677 = tpu.memref_squeeze %dma_wait3A_676 : memref<1x50x16xf32, #tpu.memory_space<vmem>> -> memref<50x16xf32, #tpu.memory_space<vmem>>
        %dma_wait3A_678 = arith.constant 0 : i32
        %dma_wait3A_679 = tpu.memref_slice %arg16[%select_n3A_634, %select_n3A_650, %dma_wait3A_678] : memref<3x10x50xi32, #tpu.memory_space<vmem>> -> memref<1x1x50xi32, #tpu.memory_space<vmem>>
        %dma_wait3A_680 = tpu.memref_squeeze %dma_wait3A_679 : memref<1x1x50xi32, #tpu.memory_space<vmem>> -> memref<50xi32, #tpu.memory_space<vmem>>
        %dma_wait3A_681 = arith.constant 0 : i32
        %dma_wait3A_682 = arith.constant 0 : i32
        %dma_wait3A_683 = tpu.memref_slice %arg10[%dma_wait3A_681, %dma_wait3A_682] : memref<20000x16xf32, #tpu.memory_space<hbm>> -> memref<20000x16xf32, #tpu.memory_space<hbm>>
        tpu.wait_indirect_dma semaphore(%arg28 : memref<!tpu.dma_semaphore, #tpu.memory_space<semaphore_mem>>) src(%dma_wait3A_683 : memref<20000x16xf32, #tpu.memory_space<hbm>>) dst(%dma_wait3A_677 : memref<50x16xf32, #tpu.memory_space<vmem>>)
        %dma_wait3A_684 = arith.constant 1 : i32
        %dma_wait3A_685 = arith.constant 0 : i32
        %dma_wait3A_686 = arith.constant 0 : i32
        %dma_wait3A_687 = tpu.memref_slice %arg20[%dma_wait3A_684, %dma_wait3A_685, %dma_wait3A_686] : memref<2x50x64xf32, #tpu.memory_space<vmem>> -> memref<1x50x64xf32, #tpu.memory_space<vmem>>
        %dma_wait3A_688 = tpu.memref_squeeze %dma_wait3A_687 : memref<1x50x64xf32, #tpu.memory_space<vmem>> -> memref<50x64xf32, #tpu.memory_space<vmem>>
        %dma_wait3A_689 = arith.constant 64 : i32
        %dma_wait3A_690 = tpu.memref_slice %arg8[%add3A_594, %dma_wait3A_689] : memref<320000x128xf32, #tpu.memory_space<hbm>> -> memref<50x64xf32, #tpu.memory_space<hbm>>
        %dma_wait3A_691 = arith.constant 0 : i32
        %dma_wait3A_692 = arith.constant 0 : i32
        %dma_wait3A_693 = tpu.memref_slice %arg20[%dma_wait3A_684, %dma_wait3A_691, %dma_wait3A_692] : memref<2x50x64xf32, #tpu.memory_space<vmem>> -> memref<1x50x64xf32, #tpu.memory_space<vmem>>
        %dma_wait3A_694 = tpu.memref_squeeze %dma_wait3A_693 : memref<1x50x64xf32, #tpu.memory_space<vmem>> -> memref<50x64xf32, #tpu.memory_space<vmem>>
        %dma_wait3A_695 = arith.constant 64 : i32
        %dma_wait3A_696 = tpu.memref_slice %arg8[%add3A_594, %dma_wait3A_695] : memref<320000x128xf32, #tpu.memory_space<hbm>> -> memref<50x64xf32, #tpu.memory_space<hbm>>
        tpu.wait_dma2 semaphore(%arg30 : memref<!tpu.dma_semaphore, #tpu.memory_space<semaphore_mem>>) src(%dma_wait3A_696 : memref<50x64xf32, #tpu.memory_space<hbm>>) dst(%dma_wait3A_694 : memref<50x64xf32, #tpu.memory_space<vmem>>)
        %dma_wait3A_697 = arith.constant 1 : i32
        %dma_wait3A_698 = arith.constant 0 : i32
        %dma_wait3A_699 = arith.constant 0 : i32
        %dma_wait3A_700 = tpu.memref_slice %arg21[%dma_wait3A_697, %dma_wait3A_698, %dma_wait3A_699] : memref<2x50x64xf32, #tpu.memory_space<vmem>> -> memref<1x50x64xf32, #tpu.memory_space<vmem>>
        %dma_wait3A_701 = tpu.memref_squeeze %dma_wait3A_700 : memref<1x50x64xf32, #tpu.memory_space<vmem>> -> memref<50x64xf32, #tpu.memory_space<vmem>>
        %dma_wait3A_702 = arith.constant 64 : i32
        %dma_wait3A_703 = tpu.memref_slice %arg9[%add3A_594, %dma_wait3A_702] : memref<320000x128xf32, #tpu.memory_space<hbm>> -> memref<50x64xf32, #tpu.memory_space<hbm>>
        %dma_wait3A_704 = arith.constant 0 : i32
        %dma_wait3A_705 = arith.constant 0 : i32
        %dma_wait3A_706 = tpu.memref_slice %arg21[%dma_wait3A_697, %dma_wait3A_704, %dma_wait3A_705] : memref<2x50x64xf32, #tpu.memory_space<vmem>> -> memref<1x50x64xf32, #tpu.memory_space<vmem>>
        %dma_wait3A_707 = tpu.memref_squeeze %dma_wait3A_706 : memref<1x50x64xf32, #tpu.memory_space<vmem>> -> memref<50x64xf32, #tpu.memory_space<vmem>>
        %dma_wait3A_708 = arith.constant 64 : i32
        %dma_wait3A_709 = tpu.memref_slice %arg9[%add3A_594, %dma_wait3A_708] : memref<320000x128xf32, #tpu.memory_space<hbm>> -> memref<50x64xf32, #tpu.memory_space<hbm>>
        tpu.wait_dma2 semaphore(%arg30 : memref<!tpu.dma_semaphore, #tpu.memory_space<semaphore_mem>>) src(%dma_wait3A_709 : memref<50x64xf32, #tpu.memory_space<hbm>>) dst(%dma_wait3A_707 : memref<50x64xf32, #tpu.memory_space<vmem>>)
        %dma_wait3A_710 = arith.constant 1 : i32
        %dma_wait3A_711 = arith.constant 0 : i32
        %dma_wait3A_712 = arith.constant 0 : i32
        %dma_wait3A_713 = tpu.memref_slice %arg23[%dma_wait3A_710, %dma_wait3A_711, %dma_wait3A_712] : memref<2x50x64xf32, #tpu.memory_space<vmem>> -> memref<1x50x64xf32, #tpu.memory_space<vmem>>
        %dma_wait3A_714 = tpu.memref_squeeze %dma_wait3A_713 : memref<1x50x64xf32, #tpu.memory_space<vmem>> -> memref<50x64xf32, #tpu.memory_space<vmem>>
        %dma_wait3A_715 = arith.constant 64 : i32
        %dma_wait3A_716 = tpu.memref_slice %arg11[%add3A_594, %dma_wait3A_715] : memref<320000x128xf32, #tpu.memory_space<hbm>> -> memref<50x64xf32, #tpu.memory_space<hbm>>
        %dma_wait3A_717 = arith.constant 0 : i32
        %dma_wait3A_718 = arith.constant 0 : i32
        %dma_wait3A_719 = tpu.memref_slice %arg23[%dma_wait3A_710, %dma_wait3A_717, %dma_wait3A_718] : memref<2x50x64xf32, #tpu.memory_space<vmem>> -> memref<1x50x64xf32, #tpu.memory_space<vmem>>
        %dma_wait3A_720 = tpu.memref_squeeze %dma_wait3A_719 : memref<1x50x64xf32, #tpu.memory_space<vmem>> -> memref<50x64xf32, #tpu.memory_space<vmem>>
        %dma_wait3A_721 = arith.constant 64 : i32
        %dma_wait3A_722 = tpu.memref_slice %arg11[%add3A_594, %dma_wait3A_721] : memref<320000x128xf32, #tpu.memory_space<hbm>> -> memref<50x64xf32, #tpu.memory_space<hbm>>
        tpu.wait_dma2 semaphore(%arg30 : memref<!tpu.dma_semaphore, #tpu.memory_space<semaphore_mem>>) src(%dma_wait3A_722 : memref<50x64xf32, #tpu.memory_space<hbm>>) dst(%dma_wait3A_720 : memref<50x64xf32, #tpu.memory_space<vmem>>)
        %scan3A_723 = arith.constant 0 : i32
        %scan3A_724 = arith.constant 0 : i32
        %scan3A_725 = arith.constant 50 : i32
        %scan3A_726 = arith.addi %scan3A_724, %scan3A_725 : i32
        %scan3A_727 = arith.constant 1 : i32
        %scan3A_728 = scf.for %scan3A_816 = %scan3A_724 to %scan3A_726 step %scan3A_727 iter_args(%scan3A_817 = %scan3A_723) -> (i32)  : i32 {
          %get3A = arith.constant 1 : i32
          %get3A_818 = arith.index_cast %get3A : i32 to index
          %get3A_819 = arith.index_cast %scan3A_816 : i32 to index
          %get3A_820 = arith.constant 0 : index
          %get3A_821 = tpu.vector_load %arg22[%get3A_818, %get3A_819, %get3A_820] {strides = array<i32>} : memref<2x50x16xf32, #tpu.memory_space<vmem>>, vector<1x1x16xf32>,
          %get3A_822 = vector.shape_cast %get3A_821 : vector<1x1x16xf32> to vector<16xf32>
          %gt3A = arith.constant 5.000000e-01 : f32
          %gt3A_823 = vector.broadcast %gt3A : f32 to vector<16xf32>
          %gt3A_824 = arith.cmpf ogt, %get3A_822, %gt3A_823 : vector<16xf32>
          %get3A_825 = arith.constant 1 : i32
          %get3A_826 = arith.index_cast %get3A_825 : i32 to index
          %get3A_827 = arith.index_cast %scan3A_816 : i32 to index
          %get3A_828 = arith.constant 0 : index
          %get3A_829 = tpu.vector_load %arg20[%get3A_826, %get3A_827, %get3A_828] {strides = array<i32>} : memref<2x50x64xf32, #tpu.memory_space<vmem>>, vector<1x1x16xf32>,
          %get3A_830 = vector.shape_cast %get3A_829 : vector<1x1x16xf32> to vector<16xf32>
          %get3A_831 = arith.constant 1 : i32
          %get3A_832 = arith.index_cast %get3A_831 : i32 to index
          %get3A_833 = arith.index_cast %scan3A_816 : i32 to index
          %get3A_834 = arith.constant 0 : index
          %get3A_835 = tpu.vector_load %arg21[%get3A_832, %get3A_833, %get3A_834] {strides = array<i32>} : memref<2x50x64xf32, #tpu.memory_space<vmem>>, vector<1x1x16xf32>,
          %get3A_836 = vector.shape_cast %get3A_835 : vector<1x1x16xf32> to vector<16xf32>
          %select_n3A_837 = arith.select %gt3A_824, %get3A_830, %get3A_836 : vector<16xi1>, vector<16xf32>
          %get3A_838 = arith.constant 1 : i32
          %get3A_839 = arith.index_cast %get3A_838 : i32 to index
          %get3A_840 = arith.index_cast %scan3A_816 : i32 to index
          %get3A_841 = arith.constant 0 : index
          %get3A_842 = tpu.vector_load %arg18[%get3A_839, %get3A_840, %get3A_841] {strides = array<i32>} : memref<2x50x64xf32, #tpu.memory_space<vmem>>, vector<1x1x16xf32>,
          %get3A_843 = vector.shape_cast %get3A_842 : vector<1x1x16xf32> to vector<16xf32>
          %add3A_844 = arith.addf %select_n3A_837, %get3A_843 : vector<16xf32>
          %get3A_845 = arith.constant 1 : i32
          %get3A_846 = arith.index_cast %get3A_845 : i32 to index
          %get3A_847 = arith.index_cast %scan3A_816 : i32 to index
          %get3A_848 = arith.constant 0 : index
          %get3A_849 = tpu.vector_load %arg19[%get3A_846, %get3A_847, %get3A_848] {strides = array<i32>} : memref<2x50x64xf32, #tpu.memory_space<vmem>>, vector<1x1x16xf32>,
          %get3A_850 = vector.shape_cast %get3A_849 : vector<1x1x16xf32> to vector<16xf32>
          %add3A_851 = arith.addf %add3A_844, %get3A_850 : vector<16xf32>
          %swap3A = arith.constant 1 : i32
          %swap3A_852 = arith.index_cast %swap3A : i32 to index
          %swap3A_853 = arith.index_cast %scan3A_816 : i32 to index
          %swap3A_854 = arith.constant 0 : index
          %swap3A_855 = tpu.vector_load %arg24[%swap3A_852, %swap3A_853, %swap3A_854] {strides = array<i32>} : memref<2x50x64xf32, #tpu.memory_space<vmem>>, vector<1x1x16xf32>,
          %swap3A_856 = vector.shape_cast %swap3A_855 : vector<1x1x16xf32> to vector<16xf32>
          %swap3A_857 = vector.shape_cast %add3A_851 : vector<16xf32> to vector<1x1x16xf32>
          tpu.vector_store %arg24[%swap3A_852, %swap3A_853, %swap3A_854], %swap3A_857 {strides = array<i32>} : memref<2x50x64xf32, #tpu.memory_space<vmem>>, vector<1x1x16xf32>,
          %get3A_858 = arith.constant 1 : i32
          %get3A_859 = arith.index_cast %get3A_858 : i32 to index
          %get3A_860 = arith.index_cast %scan3A_816 : i32 to index
          %get3A_861 = arith.constant 0 : index
          %get3A_862 = tpu.vector_load %arg23[%get3A_859, %get3A_860, %get3A_861] {strides = array<i32>} : memref<2x50x64xf32, #tpu.memory_space<vmem>>, vector<1x1x16xf32>,
          %get3A_863 = vector.shape_cast %get3A_862 : vector<1x1x16xf32> to vector<16xf32>
          %add3A_864 = arith.addf %add3A_851, %get3A_863 : vector<16xf32>
          %swap3A_865 = arith.constant 1 : i32
          %swap3A_866 = arith.index_cast %swap3A_865 : i32 to index
          %swap3A_867 = arith.index_cast %scan3A_816 : i32 to index
          %swap3A_868 = arith.constant 0 : index
          %swap3A_869 = tpu.vector_load %arg25[%swap3A_866, %swap3A_867, %swap3A_868] {strides = array<i32>} : memref<2x50x64xf32, #tpu.memory_space<vmem>>, vector<1x1x16xf32>,
          %swap3A_870 = vector.shape_cast %swap3A_869 : vector<1x1x16xf32> to vector<16xf32>
          %swap3A_871 = vector.shape_cast %add3A_864 : vector<16xf32> to vector<1x1x16xf32>
          tpu.vector_store %arg25[%swap3A_866, %swap3A_867, %swap3A_868], %swap3A_871 {strides = array<i32>} : memref<2x50x64xf32, #tpu.memory_space<vmem>>, vector<1x1x16xf32>,
          %get3A_872 = arith.constant 1 : i32
          %get3A_873 = arith.index_cast %get3A_872 : i32 to index
          %get3A_874 = arith.index_cast %scan3A_816 : i32 to index
          %get3A_875 = arith.constant 16 : index
          %get3A_876 = tpu.vector_load %arg20[%get3A_873, %get3A_874, %get3A_875] {strides = array<i32>} : memref<2x50x64xf32, #tpu.memory_space<vmem>>, vector<1x1x16xf32>,
          %get3A_877 = vector.shape_cast %get3A_876 : vector<1x1x16xf32> to vector<16xf32>
          %get3A_878 = arith.constant 1 : i32
          %get3A_879 = arith.index_cast %get3A_878 : i32 to index
          %get3A_880 = arith.index_cast %scan3A_816 : i32 to index
          %get3A_881 = arith.constant 16 : index
          %get3A_882 = tpu.vector_load %arg21[%get3A_879, %get3A_880, %get3A_881] {strides = array<i32>} : memref<2x50x64xf32, #tpu.memory_space<vmem>>, vector<1x1x16xf32>,
          %get3A_883 = vector.shape_cast %get3A_882 : vector<1x1x16xf32> to vector<16xf32>
          %select_n3A_884 = arith.select %gt3A_824, %get3A_877, %get3A_883 : vector<16xi1>, vector<16xf32>
          %get3A_885 = arith.constant 1 : i32
          %get3A_886 = arith.index_cast %get3A_885 : i32 to index
          %get3A_887 = arith.index_cast %scan3A_816 : i32 to index
          %get3A_888 = arith.constant 16 : index
          %get3A_889 = tpu.vector_load %arg18[%get3A_886, %get3A_887, %get3A_888] {strides = array<i32>} : memref<2x50x64xf32, #tpu.memory_space<vmem>>, vector<1x1x16xf32>,
          %get3A_890 = vector.shape_cast %get3A_889 : vector<1x1x16xf32> to vector<16xf32>
          %add3A_891 = arith.addf %select_n3A_884, %get3A_890 : vector<16xf32>
          %get3A_892 = arith.constant 1 : i32
          %get3A_893 = arith.index_cast %get3A_892 : i32 to index
          %get3A_894 = arith.index_cast %scan3A_816 : i32 to index
          %get3A_895 = arith.constant 16 : index
          %get3A_896 = tpu.vector_load %arg19[%get3A_893, %get3A_894, %get3A_895] {strides = array<i32>} : memref<2x50x64xf32, #tpu.memory_space<vmem>>, vector<1x1x16xf32>,
          %get3A_897 = vector.shape_cast %get3A_896 : vector<1x1x16xf32> to vector<16xf32>
          %add3A_898 = arith.addf %add3A_891, %get3A_897 : vector<16xf32>
          %swap3A_899 = arith.constant 1 : i32
          %swap3A_900 = arith.index_cast %swap3A_899 : i32 to index
          %swap3A_901 = arith.index_cast %scan3A_816 : i32 to index
          %swap3A_902 = arith.constant 16 : index
          %swap3A_903 = tpu.vector_load %arg24[%swap3A_900, %swap3A_901, %swap3A_902] {strides = array<i32>} : memref<2x50x64xf32, #tpu.memory_space<vmem>>, vector<1x1x16xf32>,
          %swap3A_904 = vector.shape_cast %swap3A_903 : vector<1x1x16xf32> to vector<16xf32>
          %swap3A_905 = vector.shape_cast %add3A_898 : vector<16xf32> to vector<1x1x16xf32>
          tpu.vector_store %arg24[%swap3A_900, %swap3A_901, %swap3A_902], %swap3A_905 {strides = array<i32>} : memref<2x50x64xf32, #tpu.memory_space<vmem>>, vector<1x1x16xf32>,
          %get3A_906 = arith.constant 1 : i32
          %get3A_907 = arith.index_cast %get3A_906 : i32 to index
          %get3A_908 = arith.index_cast %scan3A_816 : i32 to index
          %get3A_909 = arith.constant 16 : index
          %get3A_910 = tpu.vector_load %arg23[%get3A_907, %get3A_908, %get3A_909] {strides = array<i32>} : memref<2x50x64xf32, #tpu.memory_space<vmem>>, vector<1x1x16xf32>,
          %get3A_911 = vector.shape_cast %get3A_910 : vector<1x1x16xf32> to vector<16xf32>
          %add3A_912 = arith.addf %add3A_898, %get3A_911 : vector<16xf32>
          %swap3A_913 = arith.constant 1 : i32
          %swap3A_914 = arith.index_cast %swap3A_913 : i32 to index
          %swap3A_915 = arith.index_cast %scan3A_816 : i32 to index
          %swap3A_916 = arith.constant 16 : index
          %swap3A_917 = tpu.vector_load %arg25[%swap3A_914, %swap3A_915, %swap3A_916] {strides = array<i32>} : memref<2x50x64xf32, #tpu.memory_space<vmem>>, vector<1x1x16xf32>,
          %swap3A_918 = vector.shape_cast %swap3A_917 : vector<1x1x16xf32> to vector<16xf32>
          %swap3A_919 = vector.shape_cast %add3A_912 : vector<16xf32> to vector<1x1x16xf32>
          tpu.vector_store %arg25[%swap3A_914, %swap3A_915, %swap3A_916], %swap3A_919 {strides = array<i32>} : memref<2x50x64xf32, #tpu.memory_space<vmem>>, vector<1x1x16xf32>,
          %get3A_920 = arith.constant 1 : i32
          %get3A_921 = arith.index_cast %get3A_920 : i32 to index
          %get3A_922 = arith.index_cast %scan3A_816 : i32 to index
          %get3A_923 = arith.constant 32 : index
          %get3A_924 = tpu.vector_load %arg20[%get3A_921, %get3A_922, %get3A_923] {strides = array<i32>} : memref<2x50x64xf32, #tpu.memory_space<vmem>>, vector<1x1x16xf32>,
          %get3A_925 = vector.shape_cast %get3A_924 : vector<1x1x16xf32> to vector<16xf32>
          %get3A_926 = arith.constant 1 : i32
          %get3A_927 = arith.index_cast %get3A_926 : i32 to index
          %get3A_928 = arith.index_cast %scan3A_816 : i32 to index
          %get3A_929 = arith.constant 32 : index
          %get3A_930 = tpu.vector_load %arg21[%get3A_927, %get3A_928, %get3A_929] {strides = array<i32>} : memref<2x50x64xf32, #tpu.memory_space<vmem>>, vector<1x1x16xf32>,
          %get3A_931 = vector.shape_cast %get3A_930 : vector<1x1x16xf32> to vector<16xf32>
          %select_n3A_932 = arith.select %gt3A_824, %get3A_925, %get3A_931 : vector<16xi1>, vector<16xf32>
          %get3A_933 = arith.constant 1 : i32
          %get3A_934 = arith.index_cast %get3A_933 : i32 to index
          %get3A_935 = arith.index_cast %scan3A_816 : i32 to index
          %get3A_936 = arith.constant 32 : index
          %get3A_937 = tpu.vector_load %arg18[%get3A_934, %get3A_935, %get3A_936] {strides = array<i32>} : memref<2x50x64xf32, #tpu.memory_space<vmem>>, vector<1x1x16xf32>,
          %get3A_938 = vector.shape_cast %get3A_937 : vector<1x1x16xf32> to vector<16xf32>
          %add3A_939 = arith.addf %select_n3A_932, %get3A_938 : vector<16xf32>
          %get3A_940 = arith.constant 1 : i32
          %get3A_941 = arith.index_cast %get3A_940 : i32 to index
          %get3A_942 = arith.index_cast %scan3A_816 : i32 to index
          %get3A_943 = arith.constant 32 : index
          %get3A_944 = tpu.vector_load %arg19[%get3A_941, %get3A_942, %get3A_943] {strides = array<i32>} : memref<2x50x64xf32, #tpu.memory_space<vmem>>, vector<1x1x16xf32>,
          %get3A_945 = vector.shape_cast %get3A_944 : vector<1x1x16xf32> to vector<16xf32>
          %add3A_946 = arith.addf %add3A_939, %get3A_945 : vector<16xf32>
          %swap3A_947 = arith.constant 1 : i32
          %swap3A_948 = arith.index_cast %swap3A_947 : i32 to index
          %swap3A_949 = arith.index_cast %scan3A_816 : i32 to index
          %swap3A_950 = arith.constant 32 : index
          %swap3A_951 = tpu.vector_load %arg24[%swap3A_948, %swap3A_949, %swap3A_950] {strides = array<i32>} : memref<2x50x64xf32, #tpu.memory_space<vmem>>, vector<1x1x16xf32>,
          %swap3A_952 = vector.shape_cast %swap3A_951 : vector<1x1x16xf32> to vector<16xf32>
          %swap3A_953 = vector.shape_cast %add3A_946 : vector<16xf32> to vector<1x1x16xf32>
          tpu.vector_store %arg24[%swap3A_948, %swap3A_949, %swap3A_950], %swap3A_953 {strides = array<i32>} : memref<2x50x64xf32, #tpu.memory_space<vmem>>, vector<1x1x16xf32>,
          %get3A_954 = arith.constant 1 : i32
          %get3A_955 = arith.index_cast %get3A_954 : i32 to index
          %get3A_956 = arith.index_cast %scan3A_816 : i32 to index
          %get3A_957 = arith.constant 32 : index
          %get3A_958 = tpu.vector_load %arg23[%get3A_955, %get3A_956, %get3A_957] {strides = array<i32>} : memref<2x50x64xf32, #tpu.memory_space<vmem>>, vector<1x1x16xf32>,
          %get3A_959 = vector.shape_cast %get3A_958 : vector<1x1x16xf32> to vector<16xf32>
          %add3A_960 = arith.addf %add3A_946, %get3A_959 : vector<16xf32>
          %swap3A_961 = arith.constant 1 : i32
          %swap3A_962 = arith.index_cast %swap3A_961 : i32 to index
          %swap3A_963 = arith.index_cast %scan3A_816 : i32 to index
          %swap3A_964 = arith.constant 32 : index
          %swap3A_965 = tpu.vector_load %arg25[%swap3A_962, %swap3A_963, %swap3A_964] {strides = array<i32>} : memref<2x50x64xf32, #tpu.memory_space<vmem>>, vector<1x1x16xf32>,
          %swap3A_966 = vector.shape_cast %swap3A_965 : vector<1x1x16xf32> to vector<16xf32>
          %swap3A_967 = vector.shape_cast %add3A_960 : vector<16xf32> to vector<1x1x16xf32>
          tpu.vector_store %arg25[%swap3A_962, %swap3A_963, %swap3A_964], %swap3A_967 {strides = array<i32>} : memref<2x50x64xf32, #tpu.memory_space<vmem>>, vector<1x1x16xf32>,
          %get3A_968 = arith.constant 1 : i32
          %get3A_969 = arith.index_cast %get3A_968 : i32 to index
          %get3A_970 = arith.index_cast %scan3A_816 : i32 to index
          %get3A_971 = arith.constant 48 : index
          %get3A_972 = tpu.vector_load %arg20[%get3A_969, %get3A_970, %get3A_971] {strides = array<i32>} : memref<2x50x64xf32, #tpu.memory_space<vmem>>, vector<1x1x16xf32>,
          %get3A_973 = vector.shape_cast %get3A_972 : vector<1x1x16xf32> to vector<16xf32>
          %get3A_974 = arith.constant 1 : i32
          %get3A_975 = arith.index_cast %get3A_974 : i32 to index
          %get3A_976 = arith.index_cast %scan3A_816 : i32 to index
          %get3A_977 = arith.constant 48 : index
          %get3A_978 = tpu.vector_load %arg21[%get3A_975, %get3A_976, %get3A_977] {strides = array<i32>} : memref<2x50x64xf32, #tpu.memory_space<vmem>>, vector<1x1x16xf32>,
          %get3A_979 = vector.shape_cast %get3A_978 : vector<1x1x16xf32> to vector<16xf32>
          %select_n3A_980 = arith.select %gt3A_824, %get3A_973, %get3A_979 : vector<16xi1>, vector<16xf32>
          %get3A_981 = arith.constant 1 : i32
          %get3A_982 = arith.index_cast %get3A_981 : i32 to index
          %get3A_983 = arith.index_cast %scan3A_816 : i32 to index
          %get3A_984 = arith.constant 48 : index
          %get3A_985 = tpu.vector_load %arg18[%get3A_982, %get3A_983, %get3A_984] {strides = array<i32>} : memref<2x50x64xf32, #tpu.memory_space<vmem>>, vector<1x1x16xf32>,
          %get3A_986 = vector.shape_cast %get3A_985 : vector<1x1x16xf32> to vector<16xf32>
          %add3A_987 = arith.addf %select_n3A_980, %get3A_986 : vector<16xf32>
          %get3A_988 = arith.constant 1 : i32
          %get3A_989 = arith.index_cast %get3A_988 : i32 to index
          %get3A_990 = arith.index_cast %scan3A_816 : i32 to index
          %get3A_991 = arith.constant 48 : index
          %get3A_992 = tpu.vector_load %arg19[%get3A_989, %get3A_990, %get3A_991] {strides = array<i32>} : memref<2x50x64xf32, #tpu.memory_space<vmem>>, vector<1x1x16xf32>,
          %get3A_993 = vector.shape_cast %get3A_992 : vector<1x1x16xf32> to vector<16xf32>
          %add3A_994 = arith.addf %add3A_987, %get3A_993 : vector<16xf32>
          %swap3A_995 = arith.constant 1 : i32
          %swap3A_996 = arith.index_cast %swap3A_995 : i32 to index
          %swap3A_997 = arith.index_cast %scan3A_816 : i32 to index
          %swap3A_998 = arith.constant 48 : index
          %swap3A_999 = tpu.vector_load %arg24[%swap3A_996, %swap3A_997, %swap3A_998] {strides = array<i32>} : memref<2x50x64xf32, #tpu.memory_space<vmem>>, vector<1x1x16xf32>,
          %swap3A_1000 = vector.shape_cast %swap3A_999 : vector<1x1x16xf32> to vector<16xf32>
          %swap3A_1001 = vector.shape_cast %add3A_994 : vector<16xf32> to vector<1x1x16xf32>
          tpu.vector_store %arg24[%swap3A_996, %swap3A_997, %swap3A_998], %swap3A_1001 {strides = array<i32>} : memref<2x50x64xf32, #tpu.memory_space<vmem>>, vector<1x1x16xf32>,
          %get3A_1002 = arith.constant 1 : i32
          %get3A_1003 = arith.index_cast %get3A_1002 : i32 to index
          %get3A_1004 = arith.index_cast %scan3A_816 : i32 to index
          %get3A_1005 = arith.constant 48 : index
          %get3A_1006 = tpu.vector_load %arg23[%get3A_1003, %get3A_1004, %get3A_1005] {strides = array<i32>} : memref<2x50x64xf32, #tpu.memory_space<vmem>>, vector<1x1x16xf32>,
          %get3A_1007 = vector.shape_cast %get3A_1006 : vector<1x1x16xf32> to vector<16xf32>
          %add3A_1008 = arith.addf %add3A_994, %get3A_1007 : vector<16xf32>
          %swap3A_1009 = arith.constant 1 : i32
          %swap3A_1010 = arith.index_cast %swap3A_1009 : i32 to index
          %swap3A_1011 = arith.index_cast %scan3A_816 : i32 to index
          %swap3A_1012 = arith.constant 48 : index
          %swap3A_1013 = tpu.vector_load %arg25[%swap3A_1010, %swap3A_1011, %swap3A_1012] {strides = array<i32>} : memref<2x50x64xf32, #tpu.memory_space<vmem>>, vector<1x1x16xf32>,
          %swap3A_1014 = vector.shape_cast %swap3A_1013 : vector<1x1x16xf32> to vector<16xf32>
          %swap3A_1015 = vector.shape_cast %add3A_1008 : vector<16xf32> to vector<1x1x16xf32>
          tpu.vector_store %arg25[%swap3A_1010, %swap3A_1011, %swap3A_1012], %swap3A_1015 {strides = array<i32>} : memref<2x50x64xf32, #tpu.memory_space<vmem>>, vector<1x1x16xf32>,
          %scan3A_1016 = arith.constant 0 : i32
          scf.yield %scan3A_1016 : i32
        }
        %scan3A_729 = arith.constant 50 : i32
        %mul3A_730 = arith.constant 20000 : i32
        %mul3A_731 = arith.muli %arg1, %mul3A_730 : i32
        %mul3A_732 = arith.constant 50 : i32
        %mul3A_733 = arith.muli %add3A_202, %mul3A_732 : i32
        %add3A_734 = arith.addi %mul3A_731, %mul3A_733 : i32
        %jit3A_735 = arith.constant 10 : i32
        %div3A_736 = arith.divsi %add3A_202, %jit3A_735 : i32
        %sign3A_737 = arith.constant 0 : i32
        %sign3A_738 = arith.cmpi sgt, %add3A_202, %sign3A_737 : i32
        %sign3A_739 = arith.extui %sign3A_738 : i1 to i32
        %sign3A_740 = arith.constant 0 : i32
        %sign3A_741 = arith.cmpi slt, %add3A_202, %sign3A_740 : i32
        %sign3A_742 = arith.extui %sign3A_741 : i1 to i32
        %sign3A_743 = arith.subi %sign3A_739, %sign3A_742 : i32
        %sign3A_744 = arith.constant 0 : i32
        %sign3A_745 = arith.cmpi sgt, %jit3A_735, %sign3A_744 : i32
        %sign3A_746 = arith.extui %sign3A_745 : i1 to i32
        %sign3A_747 = arith.constant 0 : i32
        %sign3A_748 = arith.cmpi slt, %jit3A_735, %sign3A_747 : i32
        %sign3A_749 = arith.extui %sign3A_748 : i1 to i32
        %sign3A_750 = arith.subi %sign3A_746, %sign3A_749 : i32
        %ne3A_751 = arith.cmpi ne, %sign3A_743, %sign3A_750 : i32
        %rem3A_752 = arith.remsi %add3A_202, %jit3A_735 : i32
        %ne3A_753 = arith.constant 0 : i32
        %ne3A_754 = arith.cmpi ne, %rem3A_752, %ne3A_753 : i32
        %and3A_755 = arith.andi %ne3A_751, %ne3A_754 : i1
        %sub3A_756 = arith.constant 1 : i32
        %sub3A_757 = arith.subi %div3A_736, %sub3A_756 : i32
        %select_n3A_758 = arith.select %and3A_755, %sub3A_757, %div3A_736 : i32
        %jit3A_759 = arith.constant 3 : i32
        %eq3A_760 = arith.constant 0 : i32
        %eq3A_761 = arith.cmpi eq, %jit3A_759, %eq3A_760 : i32
        %jit3A_762 = arith.constant 1 : i32
        %select_n3A_763 = arith.select %eq3A_761, %jit3A_762, %jit3A_759 : i32
        %rem3A_764 = arith.remsi %select_n3A_758, %select_n3A_763 : i32
        %ne3A_765 = arith.constant 0 : i32
        %ne3A_766 = arith.cmpi ne, %rem3A_764, %ne3A_765 : i32
        %lt3A_767 = arith.constant 0 : i32
        %lt3A_768 = arith.cmpi slt, %rem3A_764, %lt3A_767 : i32
        %lt3A_769 = arith.constant 0 : i32
        %lt3A_770 = arith.cmpi slt, %select_n3A_763, %lt3A_769 : i32
        %ne3A_771 = arith.xori %lt3A_768, %lt3A_770 : i1
        %and3A_772 = arith.andi %ne3A_771, %ne3A_766 : i1
        %add3A_773 = arith.addi %rem3A_764, %select_n3A_763 : i32
        %select_n3A_774 = arith.select %and3A_772, %add3A_773, %rem3A_764 : i32
        %jit3A_775 = arith.constant 10 : i32
        %eq3A_776 = arith.constant 0 : i32
        %eq3A_777 = arith.cmpi eq, %jit3A_775, %eq3A_776 : i32
        %jit3A_778 = arith.constant 1 : i32
        %select_n3A_779 = arith.select %eq3A_777, %jit3A_778, %jit3A_775 : i32
        %rem3A_780 = arith.remsi %add3A_202, %select_n3A_779 : i32
        %ne3A_781 = arith.constant 0 : i32
        %ne3A_782 = arith.cmpi ne, %rem3A_780, %ne3A_781 : i32
        %lt3A_783 = arith.constant 0 : i32
        %lt3A_784 = arith.cmpi slt, %rem3A_780, %lt3A_783 : i32
        %lt3A_785 = arith.constant 0 : i32
        %lt3A_786 = arith.cmpi slt, %select_n3A_779, %lt3A_785 : i32
        %ne3A_787 = arith.xori %lt3A_784, %lt3A_786 : i1
        %and3A_788 = arith.andi %ne3A_787, %ne3A_782 : i1
        %add3A_789 = arith.addi %rem3A_780, %select_n3A_779 : i32
        %select_n3A_790 = arith.select %and3A_788, %add3A_789, %rem3A_780 : i32
        %dma_start3A_791 = arith.constant 1 : i32
        %dma_start3A_792 = arith.constant 0 : i32
        %dma_start3A_793 = arith.constant 0 : i32
        %dma_start3A_794 = tpu.memref_slice %arg25[%dma_start3A_791, %dma_start3A_792, %dma_start3A_793] : memref<2x50x64xf32, #tpu.memory_space<vmem>> -> memref<1x50x64xf32, #tpu.memory_space<vmem>>
        %dma_start3A_795 = tpu.memref_squeeze %dma_start3A_794 : memref<1x50x64xf32, #tpu.memory_space<vmem>> -> memref<50x64xf32, #tpu.memory_space<vmem>>
        %dma_start3A_796 = arith.constant 64 : i32
        %dma_start3A_797 = tpu.memref_slice %arg13[%add3A_734, %dma_start3A_796] : memref<320000x128xf32, #tpu.memory_space<hbm>> -> memref<50x64xf32, #tpu.memory_space<hbm>>
        %dma_start3A_798 = arith.constant 64 : i32
        %dma_start3A_799 = tpu.memref_slice %arg13[%add3A_734, %dma_start3A_798] : memref<320000x128xf32, #tpu.memory_space<hbm>> -> memref<50x64xf32, #tpu.memory_space<hbm>>
        %dma_start3A_800 = arith.constant 0 : i32
        %dma_start3A_801 = arith.constant 0 : i32
        %dma_start3A_802 = tpu.memref_slice %arg25[%dma_start3A_791, %dma_start3A_800, %dma_start3A_801] : memref<2x50x64xf32, #tpu.memory_space<vmem>> -> memref<1x50x64xf32, #tpu.memory_space<vmem>>
        %dma_start3A_803 = tpu.memref_squeeze %dma_start3A_802 : memref<1x50x64xf32, #tpu.memory_space<vmem>> -> memref<50x64xf32, #tpu.memory_space<vmem>>
        tpu.enqueue_dma source(%dma_start3A_803 : memref<50x64xf32, #tpu.memory_space<vmem>>) target(%dma_start3A_799 : memref<50x64xf32, #tpu.memory_space<hbm>>) target_semaphore(%arg32 : memref<!tpu.dma_semaphore, #tpu.memory_space<semaphore_mem>>)
        %dma_start3A_804 = arith.constant 1 : i32
        %dma_start3A_805 = arith.constant 0 : i32
        %dma_start3A_806 = arith.constant 0 : i32
        %dma_start3A_807 = tpu.memref_slice %arg24[%dma_start3A_804, %dma_start3A_805, %dma_start3A_806] : memref<2x50x64xf32, #tpu.memory_space<vmem>> -> memref<1x50x64xf32, #tpu.memory_space<vmem>>
        %dma_start3A_808 = tpu.memref_squeeze %dma_start3A_807 : memref<1x50x64xf32, #tpu.memory_space<vmem>> -> memref<50x64xf32, #tpu.memory_space<vmem>>
        %dma_start3A_809 = arith.constant 0 : i32
        %dma_start3A_810 = tpu.memref_slice %arg17[%select_n3A_774, %select_n3A_790, %dma_start3A_809] : memref<3x10x50xi32, #tpu.memory_space<vmem>> -> memref<1x1x50xi32, #tpu.memory_space<vmem>>
        %dma_start3A_811 = tpu.memref_squeeze %dma_start3A_810 : memref<1x1x50xi32, #tpu.memory_space<vmem>> -> memref<50xi32, #tpu.memory_space<vmem>>
        %dma_start3A_812 = arith.constant 0 : i32
        %dma_start3A_813 = arith.constant 0 : i32
        %dma_start3A_814 = tpu.memref_slice %arg26[%dma_start3A_812, %dma_start3A_813] : memref<20000x64xf32, #tpu.memory_space<vmem_shared>> -> memref<20000x64xf32, #tpu.memory_space<vmem_shared>>
        tpu.enqueue_indirect_dma source(%dma_start3A_808 : memref<50x64xf32, #tpu.memory_space<vmem>>) target(%dma_start3A_814 : memref<20000x64xf32, #tpu.memory_space<vmem_shared>>) offsets(%dma_start3A_811 : memref<50xi32, #tpu.memory_space<vmem>>) semaphore(%arg34 : memref<!tpu.dma_semaphore, #tpu.memory_space<semaphore_mem>>) {add = true}
        %scan3A_815 = arith.constant 0 : i32
        scf.yield %scan3A_815 : i32
      }
      %scan3A_137 = arith.constant 200 : i32
      %mul3A_138 = arith.constant 20000 : i32
      %mul3A_139 = arith.muli %arg1, %mul3A_138 : i32
      %add3A_140 = arith.constant 19900 : i32
      %add3A_141 = arith.addi %mul3A_139, %add3A_140 : i32
      %dma_wait3A = arith.constant 0 : i32
      %dma_wait3A_142 = arith.constant 0 : i32
      %dma_wait3A_143 = arith.constant 0 : i32
      %dma_wait3A_144 = tpu.memref_slice %arg25[%dma_wait3A, %dma_wait3A_142, %dma_wait3A_143] : memref<2x50x64xf32, #tpu.memory_space<vmem>> -> memref<1x50x64xf32, #tpu.memory_space<vmem>>
      %dma_wait3A_145 = tpu.memref_squeeze %dma_wait3A_144 : memref<1x50x64xf32, #tpu.memory_space<vmem>> -> memref<50x64xf32, #tpu.memory_space<vmem>>
      %dma_wait3A_146 = arith.constant 64 : i32
      %dma_wait3A_147 = tpu.memref_slice %arg13[%add3A_141, %dma_wait3A_146] : memref<320000x128xf32, #tpu.memory_space<hbm>> -> memref<50x64xf32, #tpu.memory_space<hbm>>
      %dma_wait3A_148 = arith.constant 64 : i32
      %dma_wait3A_149 = tpu.memref_slice %arg13[%add3A_141, %dma_wait3A_148] : memref<320000x128xf32, #tpu.memory_space<hbm>> -> memref<50x64xf32, #tpu.memory_space<hbm>>
      %dma_wait3A_150 = arith.constant 0 : i32
      %dma_wait3A_151 = arith.constant 0 : i32
      %dma_wait3A_152 = tpu.memref_slice %arg25[%dma_wait3A, %dma_wait3A_150, %dma_wait3A_151] : memref<2x50x64xf32, #tpu.memory_space<vmem>> -> memref<1x50x64xf32, #tpu.memory_space<vmem>>
      %dma_wait3A_153 = tpu.memref_squeeze %dma_wait3A_152 : memref<1x50x64xf32, #tpu.memory_space<vmem>> -> memref<50x64xf32, #tpu.memory_space<vmem>>
      tpu.wait_dma2 semaphore(%arg31 : memref<!tpu.dma_semaphore, #tpu.memory_space<semaphore_mem>>) src(%dma_wait3A_153 : memref<50x64xf32, #tpu.memory_space<vmem>>) dst(%dma_wait3A_149 : memref<50x64xf32, #tpu.memory_space<hbm>>)
      %dma_wait3A_154 = arith.constant 0 : i32
      %dma_wait3A_155 = arith.constant 0 : i32
      %dma_wait3A_156 = arith.constant 8 : i32
      %dma_wait3A_157 = arith.constant 0 : i32
      %dma_wait3A_158 = arith.constant 0 : i32
      %dma_wait3A_159 = tpu.memref_slice %arg24[%dma_wait3A_154, %dma_wait3A_157, %dma_wait3A_158] : memref<2x50x64xf32, #tpu.memory_space<vmem>> -> memref<1x50x64xf32, #tpu.memory_space<vmem>>
      %dma_wait3A_160 = tpu.memref_squeeze %dma_wait3A_159 : memref<1x50x64xf32, #tpu.memory_space<vmem>> -> memref<50x64xf32, #tpu.memory_space<vmem>>
      %dma_wait3A_161 = arith.constant 0 : i32
      %dma_wait3A_162 = tpu.memref_slice %arg17[%dma_wait3A_155, %dma_wait3A_156, %dma_wait3A_161] : memref<3x10x50xi32, #tpu.memory_space<vmem>> -> memref<1x1x50xi32, #tpu.memory_space<vmem>>
      %dma_wait3A_163 = tpu.memref_squeeze %dma_wait3A_162 : memref<1x1x50xi32, #tpu.memory_space<vmem>> -> memref<50xi32, #tpu.memory_space<vmem>>
      %dma_wait3A_164 = arith.constant 0 : i32
      %dma_wait3A_165 = arith.constant 0 : i32
      %dma_wait3A_166 = tpu.memref_slice %arg26[%dma_wait3A_164, %dma_wait3A_165] : memref<20000x64xf32, #tpu.memory_space<vmem_shared>> -> memref<20000x64xf32, #tpu.memory_space<vmem_shared>>
      tpu.wait_indirect_dma semaphore(%arg33 : memref<!tpu.dma_semaphore, #tpu.memory_space<semaphore_mem>>) src(%dma_wait3A_160 : memref<50x64xf32, #tpu.memory_space<vmem>>) dst(%dma_wait3A_166 : memref<20000x64xf32, #tpu.memory_space<vmem_shared>>)
      %mul3A_167 = arith.constant 20000 : i32
      %mul3A_168 = arith.muli %arg1, %mul3A_167 : i32
      %add3A_169 = arith.constant 19950 : i32
      %add3A_170 = arith.addi %mul3A_168, %add3A_169 : i32
      %dma_wait3A_171 = arith.constant 1 : i32
      %dma_wait3A_172 = arith.constant 0 : i32
      %dma_wait3A_173 = arith.constant 0 : i32
      %dma_wait3A_174 = tpu.memref_slice %arg25[%dma_wait3A_171, %dma_wait3A_172, %dma_wait3A_173] : memref<2x50x64xf32, #tpu.memory_space<vmem>> -> memref<1x50x64xf32, #tpu.memory_space<vmem>>
      %dma_wait3A_175 = tpu.memref_squeeze %dma_wait3A_174 : memref<1x50x64xf32, #tpu.memory_space<vmem>> -> memref<50x64xf32, #tpu.memory_space<vmem>>
      %dma_wait3A_176 = arith.constant 64 : i32
      %dma_wait3A_177 = tpu.memref_slice %arg13[%add3A_170, %dma_wait3A_176] : memref<320000x128xf32, #tpu.memory_space<hbm>> -> memref<50x64xf32, #tpu.memory_space<hbm>>
      %dma_wait3A_178 = arith.constant 64 : i32
      %dma_wait3A_179 = tpu.memref_slice %arg13[%add3A_170, %dma_wait3A_178] : memref<320000x128xf32, #tpu.memory_space<hbm>> -> memref<50x64xf32, #tpu.memory_space<hbm>>
      %dma_wait3A_180 = arith.constant 0 : i32
      %dma_wait3A_181 = arith.constant 0 : i32
      %dma_wait3A_182 = tpu.memref_slice %arg25[%dma_wait3A_171, %dma_wait3A_180, %dma_wait3A_181] : memref<2x50x64xf32, #tpu.memory_space<vmem>> -> memref<1x50x64xf32, #tpu.memory_space<vmem>>
      %dma_wait3A_183 = tpu.memref_squeeze %dma_wait3A_182 : memref<1x50x64xf32, #tpu.memory_space<vmem>> -> memref<50x64xf32, #tpu.memory_space<vmem>>
      tpu.wait_dma2 semaphore(%arg32 : memref<!tpu.dma_semaphore, #tpu.memory_space<semaphore_mem>>) src(%dma_wait3A_183 : memref<50x64xf32, #tpu.memory_space<vmem>>) dst(%dma_wait3A_179 : memref<50x64xf32, #tpu.memory_space<hbm>>)
      %dma_wait3A_184 = arith.constant 1 : i32
      %dma_wait3A_185 = arith.constant 0 : i32
      %dma_wait3A_186 = arith.constant 9 : i32
      %dma_wait3A_187 = arith.constant 0 : i32
      %dma_wait3A_188 = arith.constant 0 : i32
      %dma_wait3A_189 = tpu.memref_slice %arg24[%dma_wait3A_184, %dma_wait3A_187, %dma_wait3A_188] : memref<2x50x64xf32, #tpu.memory_space<vmem>> -> memref<1x50x64xf32, #tpu.memory_space<vmem>>
      %dma_wait3A_190 = tpu.memref_squeeze %dma_wait3A_189 : memref<1x50x64xf32, #tpu.memory_space<vmem>> -> memref<50x64xf32, #tpu.memory_space<vmem>>
      %dma_wait3A_191 = arith.constant 0 : i32
      %dma_wait3A_192 = tpu.memref_slice %arg17[%dma_wait3A_185, %dma_wait3A_186, %dma_wait3A_191] : memref<3x10x50xi32, #tpu.memory_space<vmem>> -> memref<1x1x50xi32, #tpu.memory_space<vmem>>
      %dma_wait3A_193 = tpu.memref_squeeze %dma_wait3A_192 : memref<1x1x50xi32, #tpu.memory_space<vmem>> -> memref<50xi32, #tpu.memory_space<vmem>>
      %dma_wait3A_194 = arith.constant 0 : i32
      %dma_wait3A_195 = arith.constant 0 : i32
      %dma_wait3A_196 = tpu.memref_slice %arg26[%dma_wait3A_194, %dma_wait3A_195] : memref<20000x64xf32, #tpu.memory_space<vmem_shared>> -> memref<20000x64xf32, #tpu.memory_space<vmem_shared>>
      tpu.wait_indirect_dma semaphore(%arg34 : memref<!tpu.dma_semaphore, #tpu.memory_space<semaphore_mem>>) src(%dma_wait3A_190 : memref<50x64xf32, #tpu.memory_space<vmem>>) dst(%dma_wait3A_196 : memref<20000x64xf32, #tpu.memory_space<vmem_shared>>)
    } else {
    }
    %barrier3A_13 = arith.constant 0 : index
    tpu.barrier barrier_id(%barrier3A_13)
    %scan3A_14 = arith.constant 0 : i32
    %scan3A_15 = arith.constant 0 : i32
    %scan3A_16 = arith.constant 7 : i32
    %scan3A_17 = arith.addi %scan3A_15, %scan3A_16 : i32
    %scan3A_18 = arith.constant 1 : i32
    %scan3A_19 = scf.for %scan3A_21 = %scan3A_15 to %scan3A_17 step %scan3A_18 iter_args(%scan3A_22 = %scan3A_14) -> (i32)  : i32 {
      %mul3A = arith.constant 16 : i32
      %mul3A_23 = arith.muli %scan3A_21, %mul3A : i32
      %add3A = arith.addi %arg1, %mul3A_23 : i32
      %lt3A = arith.constant 100 : i32
      %lt3A_24 = arith.cmpi slt, %add3A, %lt3A : i32
      %convert_element_type3A_25 = arith.extui %lt3A_24 : i1 to i32
      %cond3A_26 = arith.constant 0 : i32
      %cond3A_27 = arith.cmpi ne, %convert_element_type3A_25, %cond3A_26 : i32
      scf.if %cond3A_27 {
        %mul3A_29 = arith.constant 200 : i32
        %mul3A_30 = arith.muli %add3A, %mul3A_29 : i32
        %eq3A_31 = arith.constant 0 : i32
        %eq3A_32 = arith.cmpi eq, %arg0, %eq3A_31 : i32
        %convert_element_type3A_33 = arith.extui %eq3A_32 : i1 to i32
        %cond3A_34 = arith.constant 0 : i32
        %cond3A_35 = arith.cmpi ne, %convert_element_type3A_33, %cond3A_34 : i32
        scf.if %cond3A_35 {
          "tpu.region"() ({
            %run_scoped3A = tpu.sem_alloc : memref<!tpu.dma_semaphore, #tpu.memory_space<semaphore_mem>>
            %dma_start3A = arith.constant 0 : i32
            %dma_start3A_41 = tpu.memref_slice %arg14[%mul3A_30, %dma_start3A] : memref<20000x64xf32, #tpu.memory_space<hbm>> -> memref<200x64xf32, #tpu.memory_space<hbm>>
            %dma_start3A_42 = arith.constant 0 : i32
            %dma_start3A_43 = tpu.memref_slice %arg26[%mul3A_30, %dma_start3A_42] : memref<20000x64xf32, #tpu.memory_space<vmem_shared>> -> memref<200x64xf32, #tpu.memory_space<vmem_shared>>
            tpu.enqueue_dma source(%dma_start3A_43 : memref<200x64xf32, #tpu.memory_space<vmem_shared>>) target(%dma_start3A_41 : memref<200x64xf32, #tpu.memory_space<hbm>>) target_semaphore(%run_scoped3A : memref<!tpu.dma_semaphore, #tpu.memory_space<semaphore_mem>>)
            %dma_wait3A = arith.constant 0 : i32
            %dma_wait3A_44 = tpu.memref_slice %arg14[%mul3A_30, %dma_wait3A] : memref<20000x64xf32, #tpu.memory_space<hbm>> -> memref<200x64xf32, #tpu.memory_space<hbm>>
            %dma_wait3A_45 = arith.constant 0 : i32
            %dma_wait3A_46 = tpu.memref_slice %arg26[%mul3A_30, %dma_wait3A_45] : memref<20000x64xf32, #tpu.memory_space<vmem_shared>> -> memref<200x64xf32, #tpu.memory_space<vmem_shared>>
            tpu.wait_dma2 semaphore(%run_scoped3A : memref<!tpu.dma_semaphore, #tpu.memory_space<semaphore_mem>>) src(%dma_wait3A_46 : memref<200x64xf32, #tpu.memory_space<vmem_shared>>) dst(%dma_wait3A_44 : memref<200x64xf32, #tpu.memory_space<hbm>>)
            tpu.yield
          }) : () -> ()
        } else {
        }
        %eq3A_36 = arith.constant 1 : i32
        %eq3A_37 = arith.cmpi eq, %arg0, %eq3A_36 : i32
        %convert_element_type3A_38 = arith.extui %eq3A_37 : i1 to i32
        %cond3A_39 = arith.constant 0 : i32
        %cond3A_40 = arith.cmpi ne, %convert_element_type3A_38, %cond3A_39 : i32
        scf.if %cond3A_40 {
          "tpu.region"() ({
            %run_scoped3A = tpu.sem_alloc : memref<!tpu.dma_semaphore, #tpu.memory_space<semaphore_mem>>
            %dma_start3A = arith.constant 0 : i32
            %dma_start3A_41 = tpu.memref_slice %arg15[%mul3A_30, %dma_start3A] : memref<20000x64xf32, #tpu.memory_space<hbm>> -> memref<200x64xf32, #tpu.memory_space<hbm>>
            %dma_start3A_42 = arith.constant 0 : i32
            %dma_start3A_43 = tpu.memref_slice %arg26[%mul3A_30, %dma_start3A_42] : memref<20000x64xf32, #tpu.memory_space<vmem_shared>> -> memref<200x64xf32, #tpu.memory_space<vmem_shared>>
            tpu.enqueue_dma source(%dma_start3A_43 : memref<200x64xf32, #tpu.memory_space<vmem_shared>>) target(%dma_start3A_41 : memref<200x64xf32, #tpu.memory_space<hbm>>) target_semaphore(%run_scoped3A : memref<!tpu.dma_semaphore, #tpu.memory_space<semaphore_mem>>)
            %dma_wait3A = arith.constant 0 : i32
            %dma_wait3A_44 = tpu.memref_slice %arg15[%mul3A_30, %dma_wait3A] : memref<20000x64xf32, #tpu.memory_space<hbm>> -> memref<200x64xf32, #tpu.memory_space<hbm>>
            %dma_wait3A_45 = arith.constant 0 : i32
            %dma_wait3A_46 = tpu.memref_slice %arg26[%mul3A_30, %dma_wait3A_45] : memref<20000x64xf32, #tpu.memory_space<vmem_shared>> -> memref<200x64xf32, #tpu.memory_space<vmem_shared>>
            tpu.wait_dma2 semaphore(%run_scoped3A : memref<!tpu.dma_semaphore, #tpu.memory_space<semaphore_mem>>) src(%dma_wait3A_46 : memref<200x64xf32, #tpu.memory_space<vmem_shared>>) dst(%dma_wait3A_44 : memref<200x64xf32, #tpu.memory_space<hbm>>)
            tpu.yield
          }) : () -> ()
        } else {
        }
      } else {
      }
      %scan3A_28 = arith.constant 0 : i32
      scf.yield %scan3A_28 : i32
    }
    %scan3A_20 = arith.constant 7 : i32
    return
  }
}

module attributes {stable_mosaic.version = 14 : i64} {
  func.func @_tables_body(%arg0: i32, %arg1: i32, %arg2: memref<1000x128xf32, #tpu.memory_space<vmem>>, %arg3: memref<1x128x128xf32, #tpu.memory_space<vmem>>, %arg4: memref<1x128x128xf32, #tpu.memory_space<vmem>>, %arg5: memref<1000x64xf32, #tpu.memory_space<vmem>>, %arg6: memref<1000x64xf32, #tpu.memory_space<vmem>>, %arg7: memref<1000x64xf32, #tpu.memory_space<vmem>>, %arg8: memref<1000x64xf32, #tpu.memory_space<vmem>>) attributes {dimension_semantics = [#tpu.dimension_semantics<arbitrary>, #tpu.dimension_semantics<arbitrary>], iteration_bounds = array<i64: 2, 10>, scalar_prefetch = 0 : i64, scratch_operands = 0 : i64, tpu.core_type = #tpu.core_type<tc>, window_params = [{transform_indices = @transform_0, window_bounds = array<i64: 1000, 128>}, {transform_indices = @transform_1, window_bounds = array<i64: 1, 128, 128>}, {transform_indices = @transform_2, window_bounds = array<i64: 1, 128, 128>}, {transform_indices = @transform_3, window_bounds = array<i64: 1000, 64>}, {transform_indices = @transform_4, window_bounds = array<i64: 1000, 64>}, {transform_indices = @transform_5, window_bounds = array<i64: 1000, 64>}, {transform_indices = @transform_6, window_bounds = array<i64: 1000, 64>}]} {
    %get3A = arith.constant 0 : index
    %get3A_0 = arith.constant 0 : index
    %get3A_1 = vector.load %arg2[%get3A, %get3A_0] : memref<1000x128xf32, #tpu.memory_space<vmem>>, vector<1000x128xf32>
    %convert_element_type3A = arith.truncf %get3A_1 : vector<1000x128xf32> to vector<1000x128xbf16>
    %get3A_2 = arith.constant 0 : index
    %get3A_3 = arith.constant 0 : index
    %get3A_4 = arith.constant 0 : index
    %get3A_5 = vector.load %arg3[%get3A_2, %get3A_3, %get3A_4] : memref<1x128x128xf32, #tpu.memory_space<vmem>>, vector<1x128x128xf32>
    %get3A_6 = vector.shape_cast %get3A_5 : vector<1x128x128xf32> to vector<128x128xf32>
    %convert_element_type3A_7 = arith.truncf %get3A_6 : vector<128x128xf32> to vector<128x128xbf16>
    %dot_general3A = arith.constant dense<0.000000e+00> : vector<1000x128xf32>
    %dot_general3A_8 = tpu.matmul %convert_element_type3A, %convert_element_type3A_7, %dot_general3A {dimension_numbers = #tpu.dot_dimension_numbers<[1], [0], [0], [1], [0, 0, 1, 1], [], []>, transpose_lhs_hint = false} : vector<1000x128xbf16>, vector<128x128xbf16>, vector<1000x128xf32> -> vector<1000x128xf32>
    %get3A_9 = arith.constant 0 : index
    %get3A_10 = arith.constant 0 : index
    %get3A_11 = arith.constant 0 : index
    %get3A_12 = vector.load %arg4[%get3A_9, %get3A_10, %get3A_11] : memref<1x128x128xf32, #tpu.memory_space<vmem>>, vector<1x128x128xf32>
    %get3A_13 = vector.shape_cast %get3A_12 : vector<1x128x128xf32> to vector<128x128xf32>
    %convert_element_type3A_14 = arith.truncf %get3A_13 : vector<128x128xf32> to vector<128x128xbf16>
    %dot_general3A_15 = arith.constant dense<0.000000e+00> : vector<1000x128xf32>
    %dot_general3A_16 = tpu.matmul %convert_element_type3A, %convert_element_type3A_14, %dot_general3A_15 {dimension_numbers = #tpu.dot_dimension_numbers<[1], [0], [0], [1], [0, 0, 1, 1], [], []>, transpose_lhs_hint = false} : vector<1000x128xbf16>, vector<128x128xbf16>, vector<1000x128xf32> -> vector<1000x128xf32>
    %slice3A = vector.extract_strided_slice %dot_general3A_8 {offsets = [0, 0], sizes = [1000, 64], strides = [1, 1]} : vector<1000x128xf32> to vector<1000x64xf32>
    %swap3A = arith.constant 0 : index
    %swap3A_17 = arith.constant 0 : index
    %swap3A_18 = vector.load %arg5[%swap3A, %swap3A_17] : memref<1000x64xf32, #tpu.memory_space<vmem>>, vector<1000x64xf32>
    tpu.vector_store %arg5[%swap3A, %swap3A_17], %slice3A {strides = array<i32>} : memref<1000x64xf32, #tpu.memory_space<vmem>>, vector<1000x64xf32>,
    %slice3A_19 = vector.extract_strided_slice %dot_general3A_8 {offsets = [0, 64], sizes = [1000, 64], strides = [1, 1]} : vector<1000x128xf32> to vector<1000x64xf32>
    %swap3A_20 = arith.constant 0 : index
    %swap3A_21 = arith.constant 0 : index
    %swap3A_22 = vector.load %arg6[%swap3A_20, %swap3A_21] : memref<1000x64xf32, #tpu.memory_space<vmem>>, vector<1000x64xf32>
    tpu.vector_store %arg6[%swap3A_20, %swap3A_21], %slice3A_19 {strides = array<i32>} : memref<1000x64xf32, #tpu.memory_space<vmem>>, vector<1000x64xf32>,
    %slice3A_23 = vector.extract_strided_slice %dot_general3A_16 {offsets = [0, 0], sizes = [1000, 64], strides = [1, 1]} : vector<1000x128xf32> to vector<1000x64xf32>
    %swap3A_24 = arith.constant 0 : index
    %swap3A_25 = arith.constant 0 : index
    %swap3A_26 = vector.load %arg7[%swap3A_24, %swap3A_25] : memref<1000x64xf32, #tpu.memory_space<vmem>>, vector<1000x64xf32>
    tpu.vector_store %arg7[%swap3A_24, %swap3A_25], %slice3A_23 {strides = array<i32>} : memref<1000x64xf32, #tpu.memory_space<vmem>>, vector<1000x64xf32>,
    %slice3A_27 = vector.extract_strided_slice %dot_general3A_16 {offsets = [0, 64], sizes = [1000, 64], strides = [1, 1]} : vector<1000x128xf32> to vector<1000x64xf32>
    %swap3A_28 = arith.constant 0 : index
    %swap3A_29 = arith.constant 0 : index
    %swap3A_30 = vector.load %arg8[%swap3A_28, %swap3A_29] : memref<1000x64xf32, #tpu.memory_space<vmem>>, vector<1000x64xf32>
    tpu.vector_store %arg8[%swap3A_28, %swap3A_29], %slice3A_27 {strides = array<i32>} : memref<1000x64xf32, #tpu.memory_space<vmem>>, vector<1000x64xf32>,
    return
  }
  func.func @transform_0(%arg0: i32, %arg1: i32) -> (i32, i32) {
    %c0_i32 = arith.constant 0 : i32
    %c0_i32_0 = arith.constant 0 : i32
    return %arg1, %c0_i32 : i32, i32
  }
  func.func @transform_1(%arg0: i32, %arg1: i32) -> (i32, i32, i32) {
    %c0_i32 = arith.constant 0 : i32
    %c0_i32_0 = arith.constant 0 : i32
    %c0_i32_1 = arith.constant 0 : i32
    return %arg0, %c0_i32, %c0_i32_0 : i32, i32, i32
  }
  func.func @transform_2(%arg0: i32, %arg1: i32) -> (i32, i32, i32) {
    %c0_i32 = arith.constant 0 : i32
    %c0_i32_0 = arith.constant 0 : i32
    %c0_i32_1 = arith.constant 0 : i32
    return %arg0, %c0_i32, %c0_i32_0 : i32, i32, i32
  }
  func.func @transform_3(%arg0: i32, %arg1: i32) -> (i32, i32) {
    %mul3A = arith.constant 10 : i32
    %mul3A_0 = arith.muli %arg0, %mul3A : i32
    %add3A = arith.addi %mul3A_0, %arg1 : i32
    %c0_i32 = arith.constant 0 : i32
    %c0_i32_1 = arith.constant 0 : i32
    return %add3A, %c0_i32 : i32, i32
  }
  func.func @transform_4(%arg0: i32, %arg1: i32) -> (i32, i32) {
    %mul3A = arith.constant 10 : i32
    %mul3A_0 = arith.muli %arg0, %mul3A : i32
    %add3A = arith.addi %mul3A_0, %arg1 : i32
    %c0_i32 = arith.constant 0 : i32
    %c0_i32_1 = arith.constant 0 : i32
    return %add3A, %c0_i32 : i32, i32
  }
  func.func @transform_5(%arg0: i32, %arg1: i32) -> (i32, i32) {
    %mul3A = arith.constant 10 : i32
    %mul3A_0 = arith.muli %arg0, %mul3A : i32
    %add3A = arith.addi %mul3A_0, %arg1 : i32
    %c0_i32 = arith.constant 0 : i32
    %c0_i32_1 = arith.constant 0 : i32
    return %add3A, %c0_i32 : i32, i32
  }
  func.func @transform_6(%arg0: i32, %arg1: i32) -> (i32, i32) {
    %mul3A = arith.constant 10 : i32
    %mul3A_0 = arith.muli %arg0, %mul3A : i32
    %add3A = arith.addi %mul3A_0, %arg1 : i32
    %c0_i32 = arith.constant 0 : i32
    %c0_i32_1 = arith.constant 0 : i32
    return %add3A, %c0_i32 : i32, i32
  }
}

module attributes {stable_mosaic.version = 14 : i64} {
  func.func @_edge_body(%arg0: i32, %arg1: memref<3200x128xf32, #tpu.memory_space<vmem>>, %arg2: memref<2x128x128xf32, #tpu.memory_space<vmem>>, %arg3: memref<2x1x128xf32, #tpu.memory_space<vmem>>, %arg4: memref<3200x128xf32, #tpu.memory_space<vmem>>, %arg5: memref<3200x128xf32, #tpu.memory_space<vmem>>) attributes {dimension_semantics = [#tpu.dimension_semantics<arbitrary>], iteration_bounds = array<i64: 100>, scalar_prefetch = 0 : i64, scratch_operands = 0 : i64, tpu.core_type = #tpu.core_type<tc>, window_params = [{transform_indices = @transform_0, window_bounds = array<i64: 3200, 128>}, {pipeline_mode = #tpu.pipeline_mode<synchronous>, transform_indices = @transform_1, window_bounds = array<i64: 2, 128, 128>}, {pipeline_mode = #tpu.pipeline_mode<synchronous>, transform_indices = @transform_2, window_bounds = array<i64: 2, 1, 128>}, {transform_indices = @transform_3, window_bounds = array<i64: 3200, 128>}, {transform_indices = @transform_4, window_bounds = array<i64: 3200, 128>}]} {
    %get3A = arith.constant 0 : index
    %get3A_0 = arith.constant 0 : index
    %get3A_1 = vector.load %arg1[%get3A, %get3A_0] : memref<3200x128xf32, #tpu.memory_space<vmem>>, vector<3200x128xf32>
    %convert_element_type3A = arith.truncf %get3A_1 : vector<3200x128xf32> to vector<3200x128xbf16>
    %get3A_2 = arith.constant 0 : index
    %get3A_3 = arith.constant 0 : index
    %get3A_4 = arith.constant 0 : index
    %get3A_5 = vector.load %arg2[%get3A_2, %get3A_3, %get3A_4] : memref<2x128x128xf32, #tpu.memory_space<vmem>>, vector<1x128x128xf32>
    %get3A_6 = vector.shape_cast %get3A_5 : vector<1x128x128xf32> to vector<128x128xf32>
    %convert_element_type3A_7 = arith.truncf %get3A_6 : vector<128x128xf32> to vector<128x128xbf16>
    %dot_general3A = arith.constant dense<0.000000e+00> : vector<3200x128xf32>
    %dot_general3A_8 = tpu.matmul %convert_element_type3A, %convert_element_type3A_7, %dot_general3A {dimension_numbers = #tpu.dot_dimension_numbers<[1], [0], [0], [1], [0, 0, 1, 1], [], []>, transpose_lhs_hint = false} : vector<3200x128xbf16>, vector<128x128xbf16>, vector<3200x128xf32> -> vector<3200x128xf32>
    %get3A_9 = arith.constant 0 : index
    %get3A_10 = arith.constant 0 : index
    %get3A_11 = arith.constant 0 : index
    %get3A_12 = vector.load %arg3[%get3A_9, %get3A_10, %get3A_11] : memref<2x1x128xf32, #tpu.memory_space<vmem>>, vector<1x1x128xf32>
    %get3A_13 = vector.shape_cast %get3A_12 : vector<1x1x128xf32> to vector<1x128xf32>
    %add3A = vector.broadcast %get3A_13 : vector<1x128xf32> to vector<3200x128xf32>
    %add3A_14 = arith.addf %dot_general3A_8, %add3A : vector<3200x128xf32>
    %swap3A = arith.constant 0 : index
    %swap3A_15 = arith.constant 0 : index
    %swap3A_16 = vector.load %arg4[%swap3A, %swap3A_15] : memref<3200x128xf32, #tpu.memory_space<vmem>>, vector<3200x128xf32>
    tpu.vector_store %arg4[%swap3A, %swap3A_15], %add3A_14 {strides = array<i32>} : memref<3200x128xf32, #tpu.memory_space<vmem>>, vector<3200x128xf32>,
    %get3A_17 = arith.constant 1 : index
    %get3A_18 = arith.constant 0 : index
    %get3A_19 = arith.constant 0 : index
    %get3A_20 = vector.load %arg2[%get3A_17, %get3A_18, %get3A_19] : memref<2x128x128xf32, #tpu.memory_space<vmem>>, vector<1x128x128xf32>
    %get3A_21 = vector.shape_cast %get3A_20 : vector<1x128x128xf32> to vector<128x128xf32>
    %convert_element_type3A_22 = arith.truncf %get3A_21 : vector<128x128xf32> to vector<128x128xbf16>
    %dot_general3A_23 = arith.constant dense<0.000000e+00> : vector<3200x128xf32>
    %dot_general3A_24 = tpu.matmul %convert_element_type3A, %convert_element_type3A_22, %dot_general3A_23 {dimension_numbers = #tpu.dot_dimension_numbers<[1], [0], [0], [1], [0, 0, 1, 1], [], []>, transpose_lhs_hint = false} : vector<3200x128xbf16>, vector<128x128xbf16>, vector<3200x128xf32> -> vector<3200x128xf32>
    %get3A_25 = arith.constant 1 : index
    %get3A_26 = arith.constant 0 : index
    %get3A_27 = arith.constant 0 : index
    %get3A_28 = vector.load %arg3[%get3A_25, %get3A_26, %get3A_27] : memref<2x1x128xf32, #tpu.memory_space<vmem>>, vector<1x1x128xf32>
    %get3A_29 = vector.shape_cast %get3A_28 : vector<1x1x128xf32> to vector<1x128xf32>
    %add3A_30 = vector.broadcast %get3A_29 : vector<1x128xf32> to vector<3200x128xf32>
    %add3A_31 = arith.addf %dot_general3A_24, %add3A_30 : vector<3200x128xf32>
    %swap3A_32 = arith.constant 0 : index
    %swap3A_33 = arith.constant 0 : index
    %swap3A_34 = vector.load %arg5[%swap3A_32, %swap3A_33] : memref<3200x128xf32, #tpu.memory_space<vmem>>, vector<3200x128xf32>
    tpu.vector_store %arg5[%swap3A_32, %swap3A_33], %add3A_31 {strides = array<i32>} : memref<3200x128xf32, #tpu.memory_space<vmem>>, vector<3200x128xf32>,
    return
  }
  func.func @transform_0(%arg0: i32) -> (i32, i32) {
    %c0_i32 = arith.constant 0 : i32
    %c0_i32_0 = arith.constant 0 : i32
    return %arg0, %c0_i32 : i32, i32
  }
  func.func @transform_1(%arg0: i32) -> (i32, i32, i32) {
    %c0_i32 = arith.constant 0 : i32
    %c0_i32_0 = arith.constant 0 : i32
    %c0_i32_1 = arith.constant 0 : i32
    %c0_i32_2 = arith.constant 0 : i32
    return %c0_i32, %c0_i32_0, %c0_i32_1 : i32, i32, i32
  }
  func.func @transform_2(%arg0: i32) -> (i32, i32, i32) {
    %c0_i32 = arith.constant 0 : i32
    %c0_i32_0 = arith.constant 0 : i32
    %c0_i32_1 = arith.constant 0 : i32
    %c0_i32_2 = arith.constant 0 : i32
    return %c0_i32, %c0_i32_0, %c0_i32_1 : i32, i32, i32
  }
  func.func @transform_3(%arg0: i32) -> (i32, i32) {
    %c0_i32 = arith.constant 0 : i32
    %c0_i32_0 = arith.constant 0 : i32
    return %arg0, %c0_i32 : i32, i32
  }
  func.func @transform_4(%arg0: i32) -> (i32, i32) {
    %c0_i32 = arith.constant 0 : i32
    %c0_i32_0 = arith.constant 0 : i32
    return %arg0, %c0_i32 : i32, i32
  }
}

module attributes {stable_mosaic.version = 14 : i64} {
  func.func @_node_body(%arg0: i32, %arg1: memref<2000x128xf32, #tpu.memory_space<vmem>>, %arg2: memref<2000x64xf32, #tpu.memory_space<vmem>>, %arg3: memref<2000x64xf32, #tpu.memory_space<vmem>>, %arg4: memref<2000x64xf32, #tpu.memory_space<vmem>>, %arg5: memref<2000x64xf32, #tpu.memory_space<vmem>>, %arg6: memref<384x128xf32, #tpu.memory_space<vmem>>, %arg7: memref<384x128xf32, #tpu.memory_space<vmem>>, %arg8: memref<1x128xf32, #tpu.memory_space<vmem>>, %arg9: memref<1x128xf32, #tpu.memory_space<vmem>>, %arg10: memref<2000x1xf32, #tpu.memory_space<vmem>>, %arg11: memref<2000x128xf32, #tpu.memory_space<vmem>>) attributes {dimension_semantics = [#tpu.dimension_semantics<arbitrary>], iteration_bounds = array<i64: 5>, scalar_prefetch = 0 : i64, scratch_operands = 0 : i64, tpu.core_type = #tpu.core_type<tc>, window_params = [{transform_indices = @transform_0, window_bounds = array<i64: 2000, 128>}, {transform_indices = @transform_1, window_bounds = array<i64: 2000, 64>}, {transform_indices = @transform_2, window_bounds = array<i64: 2000, 64>}, {transform_indices = @transform_3, window_bounds = array<i64: 2000, 64>}, {transform_indices = @transform_4, window_bounds = array<i64: 2000, 64>}, {pipeline_mode = #tpu.pipeline_mode<synchronous>, transform_indices = @transform_5, window_bounds = array<i64: 384, 128>}, {pipeline_mode = #tpu.pipeline_mode<synchronous>, transform_indices = @transform_6, window_bounds = array<i64: 384, 128>}, {pipeline_mode = #tpu.pipeline_mode<synchronous>, transform_indices = @transform_7, window_bounds = array<i64: 1, 128>}, {pipeline_mode = #tpu.pipeline_mode<synchronous>, transform_indices = @transform_8, window_bounds = array<i64: 1, 128>}, {transform_indices = @transform_9, window_bounds = array<i64: 2000, 1>}, {transform_indices = @transform_10, window_bounds = array<i64: 2000, 128>}]} {
    %get3A = arith.constant 0 : index
    %get3A_0 = arith.constant 0 : index
    %get3A_1 = vector.load %arg1[%get3A, %get3A_0] : memref<2000x128xf32, #tpu.memory_space<vmem>>, vector<2000x128xf32>
    %get3A_2 = arith.constant 0 : index
    %get3A_3 = arith.constant 0 : index
    %get3A_4 = vector.load %arg2[%get3A_2, %get3A_3] : memref<2000x64xf32, #tpu.memory_space<vmem>>, vector<2000x64xf32>
    %get3A_5 = arith.constant 0 : index
    %get3A_6 = arith.constant 0 : index
    %get3A_7 = vector.load %arg3[%get3A_5, %get3A_6] : memref<2000x64xf32, #tpu.memory_space<vmem>>, vector<2000x64xf32>
    %get3A_8 = arith.constant 0 : index
    %get3A_9 = arith.constant 0 : index
    %get3A_10 = vector.load %arg4[%get3A_8, %get3A_9] : memref<2000x64xf32, #tpu.memory_space<vmem>>, vector<2000x64xf32>
    %get3A_11 = arith.constant 0 : index
    %get3A_12 = arith.constant 0 : index
    %get3A_13 = vector.load %arg5[%get3A_11, %get3A_12] : memref<2000x64xf32, #tpu.memory_space<vmem>>, vector<2000x64xf32>
    %concatenate3A = tpu.concatenate %get3A_1, %get3A_4, %get3A_7, %get3A_10, %get3A_13 in 1 : vector<2000x128xf32>, vector<2000x64xf32>, vector<2000x64xf32>, vector<2000x64xf32>, vector<2000x64xf32> -> vector<2000x384xf32>
    %convert_element_type3A = arith.truncf %concatenate3A : vector<2000x384xf32> to vector<2000x384xbf16>
    %get3A_14 = arith.constant 0 : index
    %get3A_15 = arith.constant 0 : index
    %get3A_16 = vector.load %arg6[%get3A_14, %get3A_15] : memref<384x128xf32, #tpu.memory_space<vmem>>, vector<384x128xf32>
    %convert_element_type3A_17 = arith.truncf %get3A_16 : vector<384x128xf32> to vector<384x128xbf16>
    %dot_general3A = arith.constant dense<0.000000e+00> : vector<2000x128xf32>
    %dot_general3A_18 = tpu.matmul %convert_element_type3A, %convert_element_type3A_17, %dot_general3A {dimension_numbers = #tpu.dot_dimension_numbers<[1], [0], [0], [1], [0, 0, 1, 1], [], []>, transpose_lhs_hint = false} : vector<2000x384xbf16>, vector<384x128xbf16>, vector<2000x128xf32> -> vector<2000x128xf32>
    %get3A_19 = arith.constant 0 : index
    %get3A_20 = arith.constant 0 : index
    %get3A_21 = vector.load %arg8[%get3A_19, %get3A_20] : memref<1x128xf32, #tpu.memory_space<vmem>>, vector<1x128xf32>
    %add3A = vector.broadcast %get3A_21 : vector<1x128xf32> to vector<2000x128xf32>
    %add3A_22 = arith.addf %dot_general3A_18, %add3A : vector<2000x128xf32>
    %get3A_23 = arith.constant 0 : index
    %get3A_24 = arith.constant 0 : index
    %get3A_25 = vector.load %arg7[%get3A_23, %get3A_24] : memref<384x128xf32, #tpu.memory_space<vmem>>, vector<384x128xf32>
    %convert_element_type3A_26 = arith.truncf %get3A_25 : vector<384x128xf32> to vector<384x128xbf16>
    %dot_general3A_27 = arith.constant dense<0.000000e+00> : vector<2000x128xf32>
    %dot_general3A_28 = tpu.matmul %convert_element_type3A, %convert_element_type3A_26, %dot_general3A_27 {dimension_numbers = #tpu.dot_dimension_numbers<[1], [0], [0], [1], [0, 0, 1, 1], [], []>, transpose_lhs_hint = false} : vector<2000x384xbf16>, vector<384x128xbf16>, vector<2000x128xf32> -> vector<2000x128xf32>
    %get3A_29 = arith.constant 0 : index
    %get3A_30 = arith.constant 0 : index
    %get3A_31 = vector.load %arg9[%get3A_29, %get3A_30] : memref<1x128xf32, #tpu.memory_space<vmem>>, vector<1x128xf32>
    %add3A_32 = vector.broadcast %get3A_31 : vector<1x128xf32> to vector<2000x128xf32>
    %add3A_33 = arith.addf %dot_general3A_28, %add3A_32 : vector<2000x128xf32>
    %get3A_34 = arith.constant 0 : index
    %get3A_35 = arith.constant 0 : index
    %get3A_36 = vector.load %arg10[%get3A_34, %get3A_35] : memref<2000x1xf32, #tpu.memory_space<vmem>>, vector<2000x1xf32>
    %mul3A = vector.broadcast %get3A_36 : vector<2000x1xf32> to vector<2000x128xf32>
    %mul3A_37 = arith.mulf %mul3A, %add3A_22 : vector<2000x128xf32>
    %sub3A = arith.constant 1.000000e+00 : f32
    %sub3A_38 = vector.broadcast %sub3A : f32 to vector<2000x1xf32>
    %sub3A_39 = arith.subf %sub3A_38, %get3A_36 : vector<2000x1xf32>
    %mul3A_40 = vector.broadcast %sub3A_39 : vector<2000x1xf32> to vector<2000x128xf32>
    %mul3A_41 = arith.mulf %mul3A_40, %add3A_33 : vector<2000x128xf32>
    %add3A_42 = arith.addf %mul3A_37, %mul3A_41 : vector<2000x128xf32>
    %get3A_43 = arith.constant 0 : index
    %get3A_44 = arith.constant 0 : index
    %get3A_45 = vector.load %arg1[%get3A_43, %get3A_44] : memref<2000x128xf32, #tpu.memory_space<vmem>>, vector<2000x128xf32>
    %add3A_46 = arith.addf %add3A_42, %get3A_45 : vector<2000x128xf32>
    %swap3A = arith.constant 0 : index
    %swap3A_47 = arith.constant 0 : index
    %swap3A_48 = vector.load %arg11[%swap3A, %swap3A_47] : memref<2000x128xf32, #tpu.memory_space<vmem>>, vector<2000x128xf32>
    tpu.vector_store %arg11[%swap3A, %swap3A_47], %add3A_46 {strides = array<i32>} : memref<2000x128xf32, #tpu.memory_space<vmem>>, vector<2000x128xf32>,
    return
  }
  func.func @transform_0(%arg0: i32) -> (i32, i32) {
    %c0_i32 = arith.constant 0 : i32
    %c0_i32_0 = arith.constant 0 : i32
    return %arg0, %c0_i32 : i32, i32
  }
  func.func @transform_1(%arg0: i32) -> (i32, i32) {
    %c0_i32 = arith.constant 0 : i32
    %c0_i32_0 = arith.constant 0 : i32
    return %arg0, %c0_i32 : i32, i32
  }
  func.func @transform_2(%arg0: i32) -> (i32, i32) {
    %c0_i32 = arith.constant 0 : i32
    %c0_i32_0 = arith.constant 0 : i32
    return %arg0, %c0_i32 : i32, i32
  }
  func.func @transform_3(%arg0: i32) -> (i32, i32) {
    %add3A = arith.constant 5 : i32
    %add3A_0 = arith.addi %arg0, %add3A : i32
    %c0_i32 = arith.constant 0 : i32
    %c0_i32_1 = arith.constant 0 : i32
    return %add3A_0, %c0_i32 : i32, i32
  }
  func.func @transform_4(%arg0: i32) -> (i32, i32) {
    %add3A = arith.constant 5 : i32
    %add3A_0 = arith.addi %arg0, %add3A : i32
    %c0_i32 = arith.constant 0 : i32
    %c0_i32_1 = arith.constant 0 : i32
    return %add3A_0, %c0_i32 : i32, i32
  }
  func.func @transform_5(%arg0: i32) -> (i32, i32) {
    %c0_i32 = arith.constant 0 : i32
    %c0_i32_0 = arith.constant 0 : i32
    %c0_i32_1 = arith.constant 0 : i32
    return %c0_i32, %c0_i32_0 : i32, i32
  }
  func.func @transform_6(%arg0: i32) -> (i32, i32) {
    %c0_i32 = arith.constant 0 : i32
    %c0_i32_0 = arith.constant 0 : i32
    %c0_i32_1 = arith.constant 0 : i32
    return %c0_i32, %c0_i32_0 : i32, i32
  }
  func.func @transform_7(%arg0: i32) -> (i32, i32) {
    %c0_i32 = arith.constant 0 : i32
    %c0_i32_0 = arith.constant 0 : i32
    %c0_i32_1 = arith.constant 0 : i32
    return %c0_i32, %c0_i32_0 : i32, i32
  }
  func.func @transform_8(%arg0: i32) -> (i32, i32) {
    %c0_i32 = arith.constant 0 : i32
    %c0_i32_0 = arith.constant 0 : i32
    %c0_i32_1 = arith.constant 0 : i32
    return %c0_i32, %c0_i32_0 : i32, i32
  }
  func.func @transform_9(%arg0: i32) -> (i32, i32) {
    %c0_i32 = arith.constant 0 : i32
    %c0_i32_0 = arith.constant 0 : i32
    return %arg0, %c0_i32 : i32, i32
  }
  func.func @transform_10(%arg0: i32) -> (i32, i32) {
    %c0_i32 = arith.constant 0 : i32
    %c0_i32_0 = arith.constant 0 : i32
    return %arg0, %c0_i32 : i32, i32
  }
}

</mosaic_0001>

<sc_bundles>
// kernel: kernel.6.cloned.1.call-start
scs
__scs_entry_jumppad:
0x0: {  	(pc) =	sbr.rel $0x88, $3  }
0x1: {  	(tag) =	ssettag $0x0;
	lr =	simm.s32 $0x1  }
0x2: {  	[smem:$0x3F94] =	sst lr;
	_ =	strace $0xD0000000  }
0x3: {  	_ = 	snop  }
0x4: {  	_ = 	snop  }
0x5: {  	_ = 	snop  }
0x6: {  	_ = 	snop  }
0x7: {  	_ = 	snop  }
__scs_overlays_trampoline_lowered:
0x8: {  	[smem:$0x3FA3] =	sst s0  }
0x9: {  	[smem:$0x3FA4] =	sst s1  }
0xa: {  	[smem:$0x3FA5] =	sst s2  }
0xb: {  	[smem:$0x3FA6] =	sst s3  }
0xc: {  	[smem:$0x3FA7] =	sst s4  }
0xd: {  	[smem:$0x3FA8] =	sst s5  }
0xe: {  	[smem:$0x3FA9] =	sst s6  }
0xf: {  	[smem:$0x3FAA] =	sst s7  }
0x10: {  	[smem:$0x3FAB] =	sst s8  }
0x11: {  	[smem:$0x3FAC] =	sst s9;
	s0 =	simm.s32 @!p0 $0x0  }
0x12: {  	s1 =	sld [smem:$0x3F92];
	s0 =	simm.s32 @p0 $0x1  }
0x13: {  	[smem:$0x3FAD] =	sst s0;
	s0 =	simm.s32 @!p1 $0x0  }
0x14: {  	s2 =	sld [smem:$0x3F91];
	s0 =	simm.s32 @p1 $0x1  }
0x15: {  	[smem:$0x3FAE] =	sst s0;
	s0 =	simm.s32 @!p2 $0x0  }
0x16: {  	s3 =	sld [smem:$0x3FDB];
	s0 =	simm.s32 @p2 $0x1  }
0x17: {  	s4 =	simm.s32 $0x1BF5;
	[smem:$0x3FB0] =	sst s0  }
0x18: {  	s0 =	sld [smem:$0x3F93];
	_ =	swait.ge [sflag:s4], $0x0  }
0x19: {  	s7 =	sld [smem:$0x3F94]  }
0x1a: {  	s8 =	sadd.s32 $0xFFFFE003, lr  }
0x1b: {  	s9 =	sadd.s32 $0xFFFFFEF7, lr;
	s5 =	simm.s32 $0xFFFFFFFF;
	p2 =	slt.u32 s8, $0xFFFFF086  }
0x1c: {  	p1 =	slt.u32 s9, $0xF7A;
	s5 =	simm.s32 @!p2 $0x0  }
0x1d: {  	s5 =	simm.s32 @p1 $0x1;
	p0 =	seq.s32 s7, s2  }
0x1e: {  	s7 =	smul.u32 @!p0 $0xF7A, s2;
	p2 =	seq.s32 @!p0 s5, $0x0  }
0x1f: {  	s9 =	smul.u32 $0xF7A, s1;
	s8 =	simm.s32 @!p0 $0x1BF5;
	p2 =	por !p2, p0  }
0x20: {  	[sflag:s8] =	ssyncset.s32 @!p0 $0xFFFFF086;
	s6 =	sadd.s32 @!p0 s3, s7;
	s7 =	simm.s32 @!p0 $0x108  }
0x21: {  	s3 =	sadd.s32 s3, s9;
	s6 =	sadd.s32 @!p0 $0x88, s6;
	s7 =	simm.s32 @p2 $0x1082  }
0x22: {  	[simem:s7], [sflag:s8] =	dma.local @!p0 [hbm:s6], $0xF7A  }
0x23: {  	s9 =	sor.u32 $0xD0000000, s2;
	s6 =	simm.s32 $0x108;
	_ =	swait.ge @!p0 [sflag:s8], $0x0  }
0x24: {  	s3 =	sadd.s32 $0x88, s3;
	s6 =	simm.s32 @!p1 $0x1082;
	[sflag:s4] =	ssyncset.s32 $0xFFFFF086  }
0x25: {  	[simem:s6], [sflag:s4] =	dma.local [hbm:s3], $0xF7A  }
0x26: {  	[smem:$0x3F94] =	sst s1;
	(tag) =	ssettag s2;
	_ =	strace s9  }
0x27: {  	s1 =	sld [smem:$0x3FA4]  }
0x28: {  	s2 =	sld [smem:$0x3FA5]  }
0x29: {  	s4 =	sld [smem:$0x3FA7]  }
0x2a: {  	p0 =	seq.s32 s5, $0x0;
	s5 =	sld [smem:$0x3FA8]  }
0x2b: {  	s6 =	sld [smem:$0x3FA9]  }
0x2c: {  	s7 =	sld [smem:$0x3FAA]  }
0x2d: {  	s3 =	simm.s32 $0x108;
	s8 =	sld [smem:$0x3FAB]  }
0x2e: {  	s3 =	simm.s32 @!p0 $0x1082;
	s9 =	sld [smem:$0x3FAC]  }
0x2f: {  	lr =	sadd.s32 s0, s3;
	s0 =	sld [smem:$0x3FA3]  }
0x30: {  	s3 =	sld [smem:$0x3FA6]  }
0x31: {  	[smem:$0x3FAF] =	sst s10  }
0x32: {  	s10 =	sld [smem:$0x3FAD];
	_ =	sdelay $0x3  }
0x33: {  	p0 =	seq.s32 s10, $0x1;
	s10 =	sld [smem:$0x3FAF];
	_ =	sdelay $0x3  }
0x34: {  	[smem:$0x3FAF] =	sst s10  }
0x35: {  	s10 =	sld [smem:$0x3FAE];
	_ =	sdelay $0x3  }
0x36: {  	p1 =	seq.s32 s10, $0x1;
	s10 =	sld [smem:$0x3FAF];
	_ =	sdelay $0x3  }
0x37: {  	[smem:$0x3FAF] =	sst s10  }
0x38: {  	s10 =	sld [smem:$0x3FB0]  }
0x39: {  	_ = 	snop;
	(pc) =	sbr.ind lr, $3  }
0x3a: {  	_ = 	snop  }
0x3b: {  	_ = 	snop  }
0x3c: {  	p2 =	seq.s32 s10, $0x1;
	s10 =	sld [smem:$0x3FAF]  }
0x3d: {  	_ =	shalt  }
0x3e: {  	_ =	shalt  }
0x3f: {  	_ =	shalt  }
0x40: {  	_ =	shalt  }
0x41: {  	_ =	shalt  }
0x42: {  	_ =	shalt  }
0x43: {  	_ =	shalt  }
0x44: {  	_ =	shalt  }
0x45: {  	_ =	shalt  }
0x46: {  	_ =	shalt  }
0x47: {  	_ =	shalt  }
0x48: {  	_ =	shalt  }
0x49: {  	_ =	shalt  }
0x4a: {  	_ =	shalt  }
0x4b: {  	_ =	shalt  }
0x4c: {  	_ =	shalt  }
0x4d: {  	_ =	shalt  }
0x4e: {  	_ =	shalt  }
0x4f: {  	_ =	shalt  }
0x50: {  	_ =	shalt  }
0x51: {  	_ =	shalt  }
0x52: {  	_ =	shalt  }
0x53: {  	_ =	shalt  }
0x54: {  	_ =	shalt  }
0x55: {  	_ =	shalt  }
0x56: {  	_ =	shalt  }
0x57: {  	_ =	shalt  }
0x58: {  	_ =	shalt  }
0x59: {  	_ =	shalt  }
0x5a: {  	_ =	shalt  }
0x5b: {  	_ =	shalt  }
0x5c: {  	_ =	shalt  }
0x5d: {  	_ =	shalt  }
0x5e: {  	_ =	shalt  }
0x5f: {  	_ =	shalt  }
0x60: {  	_ =	shalt  }
0x61: {  	_ =	shalt  }
0x62: {  	_ =	shalt  }
0x63: {  	_ =	shalt  }
0x64: {  	_ =	shalt  }
0x65: {  	_ =	shalt  }
0x66: {  	_ =	shalt  }
0x67: {  	_ =	shalt  }
0x68: {  	_ =	shalt  }
0x69: {  	_ =	shalt  }
0x6a: {  	_ =	shalt  }
0x6b: {  	_ =	shalt  }
0x6c: {  	_ =	shalt  }
0x6d: {  	_ =	shalt  }
0x6e: {  	_ =	shalt  }
0x6f: {  	_ =	shalt  }
0x70: {  	_ =	shalt  }
0x71: {  	_ =	shalt  }
0x72: {  	_ =	shalt  }
0x73: {  	_ =	shalt  }
0x74: {  	_ =	shalt  }
0x75: {  	_ =	shalt  }
0x76: {  	_ =	shalt  }
0x77: {  	_ =	shalt  }
0x78: {  	_ =	shalt  }
0x79: {  	_ =	shalt  }
0x7a: {  	_ =	shalt  }
0x7b: {  	_ =	shalt  }
0x7c: {  	_ =	shalt  }
0x7d: {  	_ =	shalt  }
0x7e: {  	_ =	shalt  }
0x7f: {  	_ =	shalt  }
0x80: {  	_ =	shalt  }
0x81: {  	_ =	shalt  }
0x82: {  	_ =	shalt  }
0x83: {  	_ =	shalt  }
0x84: {  	_ =	shalt  }
0x85: {  	_ =	shalt  }
0x86: {  	_ =	shalt  }
0x87: {  	_ =	shalt  }
.Lfunc_end0:
.L_simem_size_0:
called_computation_lowered:
.L_overlay_start_0:
0x88: {  	s2 =	sld [smem:$0x3FD9]  }
0x89: {  	s3 =	sld [smem:$0x3FFE];
	_ =	sdelay $0x1  }
0x8a: {  	s1 =	srdreg.scid  }
0x8b: {  	s0 =	sand.u32 $0x1, s1  }
0x8c: {  	s14 =	sshll.u32 s0, $0xA;
	s2 =	sadd.s32 s3, s2  }
0x8d: {  	s2 =	sadd.s32 s2, s14  }
0x8e: {  	[smem:$0x3FBB] =	sst s2  }
0x8f: {  	_ = 	snop  }
0x90: {  	s2 =	sld [smem:$0x3FD0];
	_ =	sdelay $0x2  }
0x91: {  	s4 =	simm.s32 $0xA;
	s5 =	simm.s32 $0x10;
	s15 =	sld [smem:$0x3FC8]  }
0x92: {  	[smem:s5], [sflag:s4] =	dma.local [hbm:s2], $0x1  }
0x93: {  	_ =	swait.eq [sflag:s4], $0x1  }
0x94: {  	[sflag:s4] =	ssyncset.done $0x0  }
0x95: {  	s16 =	sld [smem:$0x10];
	[sflag:s4] =	ssyncadd.s32 $0xFFFFFFFF  }
0x96: {  	s17 =	sld [smem:$0x11];
	(tm) =	ssettm $0x1  }
0x97: {  	s18 =	sld [smem:$0x3FFB];
	_ =	sdelay $0x3  }
0x98: {  	_ =	strace s18  }
0x99: {  	s5 =	sld [smem:$0x3FFC];
	_ =	sdelay $0x3  }
0x9a: {  	_ =	strace s5  }
0x9b: {  	s5 =	sld [smem:$0x3FFD];
	_ =	sdelay $0x3  }
0x9c: {  	_ =	strace s5  }
0x9d: {  	_ =	strace $0x8FFFFFFF  }
0x9e: {  	s19 =	sld [smem:$0x3FDB];
	_ =	sdelay $0x1  }
0x9f: {  	s6 =	simm.s32 $_scs_section_size  }
0xa0: {  	s7 =	simm.s32 $_size__tile_overlayer_lowered;
	s8 =	simm.s32 $_tile_overlayer_lowered  }
0xa1: {  	s22 =	simm.s32 $0x1BFF;
	s21 =	sshll.u32 s8, $0x1;
	s5 =	sadd.s32 s6, s19  }
0xa2: {  	s9 =	simm.s32 $0x0;
	s20 =	sshll.u32 s7, $0x1;
	s7 =	sadd.s32 s21, s5  }
0xa3: {  	[timem:s9], [sflag:s22] =	dma.local [hbm:s7], s20  }
0xa4: {  	_ =	swait.ge [sflag:s22], s20  }
0xa5: {  	s6 =	ssub.s32 $0x0, s20;
	[sflag:s22] =	ssyncset.done $0x0  }
0xa6: {  	[sflag:s22] =	ssyncadd.s32 s6;
	_ =	sdelay $0x1  }
0xa7: {  	s23 =	simm.s32 $0x1B8B  }
0xa8: {  	_ =	swait.ge [sflag:s23], $0x1  }
0xa9: {  	[sflag:s23] =	ssyncset.done $0x0  }
0xaa: {  	s25 =	simm.s32 $0x1B8E;
	s24 =	sld [smem:$0x3FFE];
	[sflag:s23] =	ssyncadd.s32 $0xFFFFFFFF  }
0xab: {  	s26 =	simm.s32 $execute0_lowered;
	[smem:$0x3FD2] =	sst s25  }
0xac: {  	s7 =	sshll.u32 s26, $0x1;
	_ =	strace $0x80000046;
	[dreg:$0x1] =	wrdreg $0xFFFFFFFF  }
0xad: {  	s28 =	simm.s32 $_size_execute0_lowered;
	s5 =	sadd.s32 s5, s7;
	[dreg:$0x0] =	wrdreg $0x0  }
0xae: {  	s7 =	sshll.u32 s28, $0x1;
	[dreg:$0x2] =	wrdreg s5  }
0xaf: {  	[dreg:$0x3] =	wrdreg s7  }
0xb0: {  	[dreg:$0x4] =	wrdreg $0xC0  }
0xb1: {  	_ =	task [dreg:s9], $0x5FFFF  }
0xb2: {  	[dreg:$0x1] =	wrdreg $0xFFFFFFFF  }
0xb3: {  	[dreg:$0x0] =	wrdreg $0x60  }
0xb4: {  	[dreg:$0x2] =	wrdreg s16  }
0xb5: {  	[dreg:$0x3] =	wrdreg s24  }
0xb6: {  	[dreg:$0x4] =	wrdreg s15  }
0xb7: {  	[dreg:$0x5] =	wrdreg s17  }
0xb8: {  	[dreg:$0x6] =	wrdreg $0xC2600  }
0xb9: {  	[dreg:$0x7] =	wrdreg $0x9  }
0xba: {  	_ =	task.clear_ibuf [dreg:s9], $0x8FFFF;
	_ =	strace $0x90000046  }
0xbb: {  	s29 =	simm.s32 $0x9;
	_ =	strace $0x80000048  }
0xbc: {  	_ =	swait.ge [sflag:s29], $0x1  }
0xbd: {  	[sflag:s29] =	ssyncadd.s32 $0xFFFFFFFF  }
0xbe: {  	_ =	strace $0x90000048  }
0xbf: {  	_ =	sfence  }
0xc0: {  	s30 =	sld [smem:$0x0];
	_ =	sdelay $0x2  }
0xc1: {  	s31 =	sshll.u32 s1, $0xD;
	s1 =	sshrl.u32 s1, $0x2  }
0xc2: {  	s3 =	sand.u32 $0x4000, s31;
	s1 =	sadd.s32 s1, s30  }
0xc3: {  	s0 =	sor.u32 s3, s0;
	s1 =	sshll.u32 s1, $0x11  }
0xc4: {  	s0 =	sor.u32 s1, s0  }
0xc5: {  	s0 =	sadd.s32 $0x8F2B, s0  }
0xc6: {  	[sflag:s0] =	ssyncadd.remote.s32 $0x1  }
0xc7: {  	_ =	sfence.sel $0xFFFF  }
0xc8: {  	[dreg:$0x0] =	wrdreg $0xFFFFFFFF;
	(pc) =	sbr.abs _section_cstart, $3  }
0xc9: {  	[dreg:$0x1] =	wrdreg $0xFFFFFFFF  }
0xca: {  	_ =	task.clear_ibuf [dreg:s9], $0x2FFFF;
	_ =	strace $0x9FFFFFFF  }
0xcb: {  	(tm) =	ssettm $0x7FFFFFFF  }
tec
execute0_lowered:
.L_overlay_start_1:
0x0: {  	(tag) =	ssettag $0x1  }
0x1: {  	s0 =	rddreg [dreg:$0x1]  }
0x2: {  	s2 =	rddreg [dreg:$0x2]  }
0x3: {  	s3 =	rddreg [dreg:$0x3]  }
0x4: {  	s4 =	rddreg [dreg:$0x4];
	s1 =	simm.s32 $0x0  }
0x5: {  	s24 =	srdreg.scid;
	s17 =	stileid.u32;
	s29 =	simm.s32 $0x32  }
0x6: {  	s30 =	simm.s32 $0x1;
	[smem:$0x7FF] =	sst s1;
	s6 =	sadd.s32 $0x2A800, s0  }
0x7: {  	s7 =	sadd.s32 $0x3600, s0;
	s8 =	sadd.s32 $0x9FA00, s0;
	s15 =	sadd.s32 $0x5CA00, s0  }
0x8: {  	s16 =	sadd.s32 $0x51A00, s0;
	s12 =	sadd.s32 $0xC6C00, s0;
	s13 =	sadd.s32 $0x5A8C00, s0  }
0x9: {  	s14 =	sadd.s32 $0x67A00, s0;
	s5 =	sadd.s32 $0x71800, s0;
	s9 =	smul.u32 $0x5780, s17  }
0xa: {  	s10 =	sadd.s32 $0xA8AC00, s0;
	_ =	strace $0x80000047;
	[dreg:$0x8] =	wrdreg s5  }
0xb: {  	s11 =	smul.u32 $0xAF0, s17;
	s0 =	sadd.s32 $0x72000, s0;
	[dreg:$0x9] =	wrdreg s10  }
0xc: {  	s1 =	sand.u32 $0x1, s24;
	s19 =	smul.u32 $0x4E200, s17;
	[dreg:$0xa] =	wrdreg s0  }
0xd: {  	s21 =	smul.u32 $0xC800, s17;
	s25 =	ssub.s32 $0x2, s1;
	[dreg:$0x6] =	wrdreg s15  }
0xe: {  	[dreg:$0x7] =	wrdreg s16;
	p1 =	sne.s32 s1, $0x0;
	s26 =	sshrl.u32 s25, $0x1  }
0xf: {  	s28 =	sshrl.u32 s9, $0x3;
	s10 =	sadd.s32 s15, s11;
	s11 =	sadd.s32 s16, s11  }
0x10: {  	s20 =	sor.u32 $0x8, s19;
	s9 =	sadd.s32 s2, s19;
	[dreg:$0xb] =	wrdreg s10  }
0x11: {  	s0 =	ssub.s32 s25, s26;
	[dreg:$0xc] =	wrdreg s11;
	s5 =	sadd.s32 $0x46, s28  }
0x12: {  	s10 =	sor.u32 $0x60, s17;
	s22 =	sadd.s32 s12, s20;
	[dreg:$0x14] =	wrdreg s9  }
0x13: {  	s23 =	sadd.s32 s13, s20;
	s25 =	sadd.s32 s12, s19;
	[dreg:$0xf] =	wrdreg s22  }
0x14: {  	s26 =	smul.u32 $0x3200, s17;
	s28 =	sadd.s32 s13, s19;
	[dreg:$0x10] =	wrdreg s23  }
0x15: {  	s18 =	sadd.s32 s15, s5;
	s5 =	sadd.s32 s16, s5;
	[dreg:$0x12] =	wrdreg s25  }
0x16: {  	p0 =	sgt.u32 s10, $0x63;
	s24 =	smul.u32 $0xC800, s10;
	[dreg:$0x13] =	wrdreg s28  }
0x17: {  	s0 =	smax.u32 s0, $0x1;
	s10 =	smul.u32 $0x3200, s10;
	[dreg:$0xd] =	wrdreg s18  }
0x18: {  	[dreg:$0xe] =	wrdreg s5;
	p2 =	sne.s32 @!p0 s1, $0x0;
	s1 =	sadd.s32 s2, s20  }
0x19: {  	[dreg:$0x15] =	wrdreg s0;
	s5 =	sshrl.u32 s21, $0x2;
	s11 =	sadd.s32 $0x32000, s26  }
0x1a: {  	s18 =	sadd.s32 $0x64000, s26;
	s19 =	sadd.s32 $0x96000, s26;
	s22 =	sshrl.u32 s26, $0x3  }
0x1b: {  	s23 =	sadd.s32 s26, s4;
	[dreg:$0x11] =	wrdreg s1;
	s9 =	sshrl.u32 s24, $0x2  }
0x1c: {  	s16 =	sadd.s32 s5, s4;
	s15 =	sshrl.u32 s11, $0x3;
	[dreg:$0x1b] =	wrdreg s22  }
0x1d: {  	s5 =	sadd.s32 s11, s4;
	s20 =	sshrl.u32 s18, $0x3;
	[dreg:$0x1c] =	wrdreg s23  }
0x1e: {  	s21 =	sshrl.u32 s19, $0x3;
	s24 =	sadd.s32 $0xC8000, s26;
	[dreg:$0x17] =	wrdreg s15  }
0x1f: {  	s1 =	sadd.s32 $0xFA000, s26;
	s2 =	sshrl.u32 s10, $0x3;
	[dreg:$0x18] =	wrdreg s20  }
0x20: {  	s10 =	sadd.s32 s10, s4;
	p2 =	por !p2, p0;
	[dreg:$0x1a] =	wrdreg s21  }
0x21: {  	s0 =	sadd.s32 s9, s4;
	s9 =	sadd.s32 s18, s4;
	[smem:$0x7F1] =	sst s2  }
0x22: {  	s25 =	sshrl.u32 s24, $0x3;
	s11 =	sadd.s32 s24, s4;
	[dreg:$0x16] =	wrdreg s16  }
0x23: {  	s26 =	sshrl.u32 s1, $0x3;
	s1 =	sadd.s32 s1, s4;
	[dreg:$0x19] =	wrdreg s9  }
0x24: {  	s28 =	sadd.s32 $0x32000, s16;
	s18 =	sadd.s32 $0x64000, s16;
	[dreg:$0x1d] =	wrdreg s25  }
0x25: {  	s20 =	sadd.s32 $0xC8000, s16;
	s22 =	sadd.s32 $0xFA000, s16;
	[dreg:$0x1e] =	wrdreg s11  }
0x26: {  	s23 =	sshrl.u32 s5, $0x3;
	s15 =	simm.s32 $0x690;
	[dreg:$0x1f] =	wrdreg s26  }
0x27: {  	s5 =	simm.s32 $0x40;
	s11 =	sshrl.u32 s28, $0x3;
	[smem:$0x7F8] =	sst s23  }
0x28: {  	s2 =	simm.s32 $0x0;
	s21 =	sshrl.u32 s20, $0x3;
	[smem:$0x7F2] =	sst s11  }
0x29: {  	s9 =	sadd.s32 s19, s4;
	s0 =	sshrl.u32 @!p0 s0, $0x3;
	[smem:$0x7F5] =	sst s21  }
0x2a: {  	s19 =	sadd.s32 $0x96000, s16;
	s25 =	sshrl.u32 s1, $0x3;
	[smem:$0x7F7] =	sst s0  }
0x2b: {  	s20 =	smul.u32 $0x190, s17;
	s28 =	sadd.s32 $0x8, s3;
	[smem:$0x7FA] =	sst s25  }
0x2c: {  	s26 =	sshll.u32 s17, $0x6;
	s11 =	sshrl.u32 s18, $0x3;
	[smem:$0x7FC] =	sst s28  }
0x2d: {  	s24 =	sshrl.u32 s9, $0x3;
	s18 =	smul.u32 $0x4E20, s17;
	[smem:$0x7FD] =	sst s26  }
.Ltmp0:
0x2e: {  	s0 =	sshrl.u32 @!p0 s10, $0x3;
	[smem:$0x7F3] =	sst s11;
	(pc) =	sbr.rel .LBB2_1-.Ltmp0, $4  }
0x2f: {  	s31 =	sor.u32 $0x1C0A, s26;
	s26 =	simm.s32 $0x9;
	[smem:$0x7F9] =	sst s24  }
0x30: {  	s9 =	simm.s32 $0x2;
	s11 =	sshrl.u32 s19, $0x3;
	[smem:$0x7FB] =	sst s0  }
0x31: {  	s10 =	simm.s32 $0x4;
	[smem:$0x7F4] =	sst s11;
	s11 =	sshrl.u32 s22, $0x3  }
0x32: {  	s0 =	simm.s32 $0x80;
	s22 =	simm.s32 $0x3;
	[smem:$0x7F6] =	sst s11  }
.LBB2_20:
0x33: {  	s1 =	simm.s32 $0x5  }
0x34: {  	_ =	swait.ge [sflag:s1], $0xC80  }
0x35: {  	[sflag:s1] =	ssyncset.done $0x0  }
0x36: {  	s19 =	simm.s32 $0x7;
	[sflag:s1] =	ssyncadd.s32 $0xFFFFF380  }
0x37: {  	_ =	swait.ge [sflag:s19], $0xC80  }
0x38: {  	[sflag:s19] =	ssyncset.done $0x0  }
0x39: {  	s21 =	simm.s32 $0x6;
	[sflag:s19] =	ssyncadd.s32 $0xFFFFF380  }
0x3a: {  	_ =	swait.ge [sflag:s21], $0xC80  }
0x3b: {  	[sflag:s21] =	ssyncset.done $0x0  }
0x3c: {  	s23 =	simm.s32 $0x8;
	[sflag:s21] =	ssyncadd.s32 $0xFFFFF380  }
0x3d: {  	_ =	swait.ge [sflag:s23], $0xC80  }
0x3e: {  	[sflag:s23] =	ssyncset.done $0x0  }
0x3f: {  	[sflag:s23] =	ssyncadd.s32 $0xFFFFF380  }
0x40: {  	[bflag:$0x0] =	sbarrier.arrive $0xFFFF  }
0x41: {  	s25 =	rddreg [dreg:$0xa]  }
0x42: {  	s15 =	rddreg [dreg:$0x1b]  }
0x43: {  	s16 =	rddreg [dreg:$0x1c]  }
0x44: {  	s1 =	sadd.s32 @p1 s25, s15;
	s11 =	sshrl.u32 @p1 s16, $0x3  }
0x45: {  	[hbm:s1], [sflag:s31] =	dma.local @p1 [spmem:s11], $0x640  }
0x46: {  	s1 =	simm.s32 @p1 $0xA  }
0x47: {  	s2 =	stileid.u32;
	s16 =	sshrl.u32 @!p1 s16, $0x3;
	_ =	swait.ge @p1 [sflag:s1], $0x640  }
0x48: {  	s11 =	sshll.u32 @!p1 s2, $0x6;
	[sflag:s1] =	ssyncset.done @p1 $0x0;
	s28 =	rddreg [dreg:$0x9]  }
0x49: {  	s11 =	sor.u32 @!p1 $0x1C0B, s11;
	[sflag:s1] =	ssyncadd.s32 @p1 $0xFFFFF9C0;
	s15 =	sadd.s32 @!p1 s28, s15  }
0x4a: {  	[hbm:s15], [sflag:s11] =	dma.local @!p1 [spmem:s16], $0x640  }
0x4b: {  	s15 =	simm.s32 @!p1 $0xB  }
0x4c: {  	_ =	swait.ge @!p1 [sflag:s15], $0x640  }
0x4d: {  	s24 =	sld [smem:$0x7FD]  }
0x4e: {  	s17 =	smov.u32 s28;
	s16 =	simm.s32 @!p1 $0xB  }
0x4f: {  	s17 =	smov.u32 @p1 s25;
	s16 =	simm.s32 @p1 $0xA;
	s2 =	sld [smem:$0x7F8]  }
0x50: {  	[sflag:s15] =	ssyncset.done @!p1 $0x0;
	s21 =	rddreg [dreg:$0x17];
	s19 =	sadd.s32 s16, s24  }
0x51: {  	[sflag:s15] =	ssyncadd.s32 @!p1 $0xFFFFF9C0;
	s21 =	sadd.s32 s17, s21;
	s19 =	sadd.s32 $0x1C00, s19  }
0x52: {  	[hbm:s21], [sflag:s19] =	dma.local [spmem:s2], $0x640  }
0x53: {  	s24 =	smov.u32 s20;
	s2 =	smov.u32 s4  }
0x54: {  	s4 =	smov.u32 s8;
	s8 =	smov.u32 s7;
	_ =	swait.ge [sflag:s16], $0x640  }
0x55: {  	s7 =	smov.u32 s6;
	s6 =	smov.u32 s3;
	s20 =	rddreg [dreg:$0x18]  }
0x56: {  	s3 =	smov.u32 s31;
	[sflag:s16] =	ssyncset.done $0x0;
	s31 =	rddreg [dreg:$0x19]  }
0x57: {  	[sflag:s16] =	ssyncadd.s32 $0xFFFFF9C0;
	s21 =	sadd.s32 @p1 s25, s20;
	s23 =	sshrl.u32 @p1 s31, $0x3  }
0x58: {  	[hbm:s21], [sflag:s3] =	dma.local @p1 [spmem:s23], $0x640  }
0x59: {  	_ =	swait.ge @p1 [sflag:s1], $0x640  }
0x5a: {  	[sflag:s1] =	ssyncset.done @p1 $0x0  }
0x5b: {  	s21 =	sadd.s32 @!p1 s28, s20;
	s23 =	sshrl.u32 @!p1 s31, $0x3;
	[sflag:s1] =	ssyncadd.s32 @p1 $0xFFFFF9C0  }
0x5c: {  	[hbm:s21], [sflag:s11] =	dma.local @!p1 [spmem:s23], $0x640  }
0x5d: {  	_ =	swait.ge @!p1 [sflag:s15], $0x640  }
0x5e: {  	s23 =	rddreg [dreg:$0x1a]  }
0x5f: {  	s20 =	sadd.s32 s17, s23;
	s23 =	sld [smem:$0x7F9]  }
0x60: {  	[sflag:s15] =	ssyncset.done @!p1 $0x0  }
0x61: {  	[sflag:s15] =	ssyncadd.s32 @!p1 $0xFFFFF9C0  }
0x62: {  	[hbm:s20], [sflag:s19] =	dma.local [spmem:s23], $0x640  }
0x63: {  	_ =	swait.ge [sflag:s16], $0x640  }
0x64: {  	s20 =	rddreg [dreg:$0x1d]  }
0x65: {  	[sflag:s16] =	ssyncset.done $0x0;
	s31 =	rddreg [dreg:$0x1e]  }
0x66: {  	[sflag:s16] =	ssyncadd.s32 $0xFFFFF9C0;
	s21 =	sadd.s32 @p1 s25, s20;
	s23 =	sshrl.u32 @p1 s31, $0x3  }
0x67: {  	[hbm:s21], [sflag:s3] =	dma.local @p1 [spmem:s23], $0x640  }
0x68: {  	_ =	swait.ge @p1 [sflag:s1], $0x640  }
0x69: {  	[sflag:s1] =	ssyncset.done @p1 $0x0  }
0x6a: {  	s21 =	sshrl.u32 @!p1 s31, $0x3;
	[sflag:s1] =	ssyncadd.s32 @p1 $0xFFFFF9C0;
	s1 =	sadd.s32 @!p1 s28, s20  }
0x6b: {  	[hbm:s1], [sflag:s11] =	dma.local @!p1 [spmem:s21], $0x640  }
0x6c: {  	_ =	swait.ge @!p1 [sflag:s15], $0x640  }
0x6d: {  	s20 =	smov.u32 s24;
	s24 =	sld [smem:$0x7FA]  }
0x6e: {  	[sflag:s15] =	ssyncset.done @!p1 $0x0;
	s23 =	rddreg [dreg:$0x1f]  }
0x6f: {  	[sflag:s15] =	ssyncadd.s32 @!p1 $0xFFFFF9C0;
	s1 =	sadd.s32 s17, s23  }
0x70: {  	[hbm:s1], [sflag:s19] =	dma.local [spmem:s24], $0x640  }
0x71: {  	s31 =	smov.u32 s3;
	_ =	swait.ge [sflag:s16], $0x640  }
0x72: {  	s3 =	smov.u32 s6;
	s6 =	smov.u32 s7;
	[sflag:s16] =	ssyncset.done $0x0  }
0x73: {  	s7 =	smov.u32 s8;
	[sflag:s16] =	ssyncadd.s32 $0xFFFFF9C0;
	s16 =	sld [smem:$0x7F1]  }
0x74: {  	s8 =	smov.u32 s4;
	s4 =	smov.u32 s2;
	s2 =	stileid.u32  }
0x75: {  	s25 =	smov.u32 @p2 s28;
	s15 =	sshll.u32 @!p0 s2, $0x6;
	s1 =	simm.s32 @!p0 $0xA  }
0x76: {  	s1 =	simm.s32 @p2 $0xB;
	s11 =	sadd.s32 @!p0 s25, s16;
	s16 =	sld [smem:$0x7FB]  }
0x77: {  	s15 =	sadd.s32 @!p0 s1, s15  }
0x78: {  	s15 =	sadd.s32 @!p0 $0x1C00, s15  }
0x79: {  	[hbm:s11], [sflag:s15] =	dma.local @!p0 [spmem:s16], $0x640  }
0x7a: {  	_ =	swait.ge @!p0 [sflag:s1], $0x640  }
0x7b: {  	s25 =	sld [smem:$0x7F0];
	_ =	sdelay $0x2  }
0x7c: {  	s28 =	rddreg [dreg:$0x15];
	s2 =	sadd.s32 $0x1, s25  }
0x7d: {  	p3 =	sne.s32 s2, s28  }
.Ltmp1:
0x7e: {  	_ = 	snop;
	(pc) =	sbr.rel @!p3 .LBB2_21-.Ltmp1, $3  }
0x7f: {  	_ =	sdelay $0x1  }
0x80: {  	[sflag:s1] =	ssyncset.done @!p0 $0x0  }
0x81: {  	s17 =	stileid.u32;
	s15 =	simm.s32 $0x690;
	[sflag:s1] =	ssyncadd.s32 @!p0 $0xFFFFF9C0  }
.LBB2_1:
0x82: {  	[smem:$0x7F0] =	sst s2  }
0x83: {  	s1 =	rddreg [dreg:$0x16]  }
0x84: {  	s11 =	rddreg [dreg:$0x8];
	s2 =	simm.s32 $0xA;
	s1 =	sshrl.u32 s1, $0x3  }
0x85: {  	[spmem:s1], [sflag:s31] =	dma.local [hbm:s11], $0x640  }
0x86: {  	_ =	swait.ge [sflag:s2], $0x640  }
0x87: {  	s23 =	sld [smem:$0x7F2]  }
0x88: {  	[sflag:s2] =	ssyncset.done $0x0  }
0x89: {  	[sflag:s2] =	ssyncadd.s32 $0xFFFFF9C0  }
0x8a: {  	[spmem:s23], [sflag:s31] =	dma.local [hbm:s11], $0x640  }
0x8b: {  	_ =	swait.ge [sflag:s2], $0x640  }
0x8c: {  	s24 =	sld [smem:$0x7F3]  }
0x8d: {  	[sflag:s2] =	ssyncset.done $0x0  }
0x8e: {  	[sflag:s2] =	ssyncadd.s32 $0xFFFFF9C0  }
0x8f: {  	[spmem:s24], [sflag:s31] =	dma.local [hbm:s11], $0x640  }
0x90: {  	_ =	swait.ge [sflag:s2], $0x640  }
0x91: {  	s25 =	sld [smem:$0x7F4]  }
0x92: {  	[sflag:s2] =	ssyncset.done $0x0  }
0x93: {  	[sflag:s2] =	ssyncadd.s32 $0xFFFFF9C0  }
0x94: {  	[spmem:s25], [sflag:s31] =	dma.local [hbm:s11], $0x640  }
0x95: {  	_ =	swait.ge [sflag:s2], $0x640  }
0x96: {  	s28 =	sld [smem:$0x7F5]  }
0x97: {  	[sflag:s2] =	ssyncset.done $0x0  }
0x98: {  	[sflag:s2] =	ssyncadd.s32 $0xFFFFF9C0  }
0x99: {  	[spmem:s28], [sflag:s31] =	dma.local [hbm:s11], $0x640  }
0x9a: {  	_ =	swait.ge [sflag:s2], $0x640  }
0x9b: {  	s16 =	sld [smem:$0x7F6]  }
0x9c: {  	[sflag:s2] =	ssyncset.done $0x0  }
0x9d: {  	[sflag:s2] =	ssyncadd.s32 $0xFFFFF9C0  }
0x9e: {  	[spmem:s16], [sflag:s31] =	dma.local [hbm:s11], $0x640  }
0x9f: {  	_ =	swait.ge [sflag:s2], $0x640  }
0xa0: {  	s1 =	sld [smem:$0x7F7]  }
0xa1: {  	[sflag:s2] =	ssyncset.done $0x0  }
0xa2: {  	[sflag:s2] =	ssyncadd.s32 $0xFFFFF9C0  }
0xa3: {  	[spmem:s1], [sflag:s31] =	dma.local @!p0 [hbm:s11], $0x640  }
0xa4: {  	s1 =	simm.s32 @!p0 $0xA  }
0xa5: {  	_ =	swait.ge @!p0 [sflag:s1], $0x640  }
0xa6: {  	[sflag:s1] =	ssyncset.done @!p0 $0x0  }
0xa7: {  	[sflag:s1] =	ssyncadd.s32 @!p0 $0xFFFFF9C0  }
0xa8: {  	[bflag:$0x0] =	sbarrier.arrive $0xFFFF  }
0xa9: {  	s17 =	simm.s32 $0x0;
	s19 =	rddreg [dreg:$0xb]  }
0xaa: {  	[tilespmem:s17], [sflag:$0xA] =	stream.linear.gather [hbm4b:s19+s17], $0x230, $0x38;
	[tilespmem:$0x1FAE0] =	vst v63  }
0xab: {  	_ =	swait.ge [sflag:s2], $0x230  }
0xac: {  	[sflag:s2] =	ssyncset.done $0x0  }
0xad: {  	s21 =	rddreg [dreg:$0xc];
	[sflag:s2] =	ssyncadd.s32 $0xFFFFFDD0  }
0xae: {  	[tilespmem:s15], [sflag:$0xA] =	stream.linear.gather [hbm4b:s21+s17], $0x230, $0x38;
	[tilespmem:$0x1FAE0] =	vst v63  }
0xaf: {  	_ =	swait.ge [sflag:s2], $0x230  }
.Ltmp2:
0xb0: {  	[sflag:s2] =	ssyncset.done $0x0;
	(pc) =	sbr.rel @p1 .LBB2_11-.Ltmp2, $4  }
0xb1: {  	s24 =	simm.s32 $0x230;
	s23 =	rddreg [dreg:$0xd];
	[sflag:s2] =	ssyncadd.s32 $0xFFFFFDD0  }
0xb2: {  	[tilespmem:s24], [sflag:$0x9] =	stream.linear.gather [hbm4b:s23+s17], $0x230, $0x38;
	[tilespmem:$0x1FAE0] =	vst v63  }
0xb3: {  	s28 =	simm.s32 $0x8C0;
	s1 =	simm.s32 $0x0;
	s25 =	rddreg [dreg:$0xe]  }
0xb4: {  	[tilespmem:s28], [sflag:$0x9] =	stream.linear.gather [hbm4b:s25+s17], $0x230, $0x38;
	[tilespmem:$0x1FAE0] =	vst v63  }
0xb5: {  	s11 =	rddreg [dreg:$0x0];
	s2 =	simm.s32 $0xD20  }
0xb6: {  	[tilespmem:s2], [sflag:$0x1] =	stream.indirect.gather [hbm4b:s11+s29], $0x40, s1, s29, $0xb8;
	[tilespmem:$0x1FAE0] =	vst v63  }
0xb7: {  	s16 =	simm.s32 $0x2620  }
0xb8: {  	[tilespmem:s16], [sflag:$0x1] =	stream.indirect.gather [hbm4b:s7+s29], $0x40, s15, s29, $0xb8;
	[tilespmem:$0x1FAE0] =	vst v63  }
0xb9: {  	s17 =	simm.s32 $0x7120;
	s19 =	rddreg [dreg:$0x12]  }
0xba: {  	[tilespmem:s17], [sflag:$0x1] =	stream.indirect.gather [hbm4b:s14+s29], $0x10, s1, s29, $0xb8;
	[tilespmem:$0x1FAE0] =	vst v63  }
0xbb: {  	s21 =	simm.s32 $0x3F20;
	s23 =	rddreg [dreg:$0x13]  }
0xbc: {  	[tilespmem:s21], [sflag:$0x3] =	stream.strided.gather [hbm4b:s19+s5], $0xC80, s0, s5, $0x38;
	[tilespmem:$0x1FAE0] =	vst v63  }
0xbd: {  	s24 =	simm.s32 $0x5820;
	s25 =	rddreg [dreg:$0x14]  }
0xbe: {  	[tilespmem:s24], [sflag:$0x3] =	stream.strided.gather [hbm4b:s23+s5], $0xC80, s0, s5, $0x38;
	[tilespmem:$0x1FAE0] =	vst v63  }
0xbf: {  	s28 =	simm.s32 $0x7760;
	s2 =	rddreg [dreg:$0x2]  }
0xc0: {  	[tilespmem:s28], [sflag:$0x3] =	stream.strided.gather [hbm4b:s25+s5], $0xC80, s0, s5, $0x38;
	[tilespmem:$0x1FAE0] =	vst v63  }
.LBB2_3:
0xc1: {  	s11 =	smul.u32 $0x1999A, s1;
	_ =	sdelay $0x1  }
0xc2: {  	s11 =	sshrl.u32 s11, $0x13  }
0xc3: {  	s11 =	smul.u32 $0xA, s11  }
0xc4: {  	s17 =	sshll.u32 s1, $0x1  }
0xc5: {  	p3 =	seq.s32 s1, $0xC7;
	s28 =	ssub.s32 s17, s11  }
0xc6: {  	s11 =	sand.u32 @!p3 $0xFFFF, s28  }
0xc7: {  	p4 =	sne.s32 @!p3 s11, $0x8  }
0xc8: {  	p3 =	por p3, p4  }
.Ltmp3:
0xc9: {  	_ = 	snop;
	(pc) =	sbr.rel @p3 .LBB2_5-.Ltmp3, $1  }
0xca: {  	_ =	sdelay $0x3  }
0xcb: {  	_ =	swait.ge [sflag:s26], $0x230  }
.Ltmp4:
0xcc: {  	[sflag:s26] =	ssyncset.done $0x0;
	(pc) =	sbr.rel .LBB2_6-.Ltmp4, $4  }
0xcd: {  	[sflag:s26] =	ssyncadd.s32 $0xFFFFFDD0  }
0xce: {  	_ =	swait.ge [sflag:s26], $0x230  }
0xcf: {  	[sflag:s26] =	ssyncset.done $0x0  }
0xd0: {  	[sflag:s26] =	ssyncadd.s32 $0xFFFFFDD0  }
.LBB2_5:
0xd1: {  	p3 =	sgt.u32 s1, $0xC2  }
0xd2: {  	s11 =	sand.u32 @!p3 $0xFFFF, s28  }
0xd3: {  	p4 =	sne.s32 @!p3 s11, $0x0  }
0xd4: {  	p3 =	por p4, p3  }
0xd5: {  	s11 =	smul.u32 @!p3 $0xCD, s1;
	_ =	sdelay $0x1  }
0xd6: {  	s11 =	sshrl.u32 @!p3 s11, $0xA  }
0xd7: {  	s11 =	sand.u32 @!p3 $0x3F, s11  }
0xd8: {  	s11 =	sadd.s32 @!p3 $0x1, s11  }
0xd9: {  	s15 =	smul.u32 @!p3 $0x56, s11;
	_ =	sdelay $0x1  }
0xda: {  	s16 =	smul.u32 @!p3 $0xA, s11;
	s15 =	sshrl.u32 @!p3 s15, $0x8  }
0xdb: {  	s15 =	smul.u32 @!p3 $0x3, s15;
	_ =	sdelay $0x1  }
0xdc: {  	s16 =	sadd.s32 @!p3 s20, s16;
	s11 =	ssub.s32 @!p3 s11, s15  }
0xdd: {  	s15 =	smul.u32 @!p3 $0x7, s16;
	s11 =	sand.u32 @!p3 $0xFF, s11  }
0xde: {  	s16 =	rddreg [dreg:$0x6];
	s11 =	smul.u32 @!p3 $0x230, s11  }
0xdf: {  	s19 =	simm.s32 @!p3 $0x0;
	s16 =	sadd.s32 @!p3 s16, s15  }
0xe0: {  	[tilespmem:s11], [sflag:$0x9] =	stream.linear.gather @!p3 [hbm4b:s16+s19], $0x230, $0x38;
	[tilespmem:$0x1FAE0] =	vst v63  }
0xe1: {  	s16 =	rddreg [dreg:$0x7]  }
0xe2: {  	s11 =	sadd.s32 @!p3 $0x690, s11;
	s15 =	sadd.s32 @!p3 s16, s15  }
0xe3: {  	[tilespmem:s11], [sflag:$0x9] =	stream.linear.gather @!p3 [hbm4b:s15+s19], $0x230, $0x38;
	[tilespmem:$0x1FAE0] =	vst v63  }
.LBB2_6:
0xe4: {  	s11 =	smul.u32 $0xCD, s1;
	_ =	sdelay $0x1  }
0xe5: {  	s15 =	sshllo.u32 s1, $0x1;
	s11 =	sshrl.u32 s11, $0xA  }
0xe6: {  	s16 =	smul.u32 $0xCCCD, s15;
	s11 =	sand.u32 $0x3F, s11  }
0xe7: {  	p3 =	seq.s32 s1, $0x0;
	s19 =	smul.u32 $0x56, s11  }
0xe8: {  	s21 =	simm.s32 @!p3 $0x5;
	s16 =	sshrl.u32 s16, $0x13  }
0xe9: {  	_ =	swait.ge @!p3 [sflag:s21], $0xC80;
	s16 =	smul.u32 $0xA, s16;
	s19 =	sshrl.u32 s19, $0x8  }
0xea: {  	[sflag:s21] =	ssyncset.done @!p3 $0x0;
	s19 =	smul.u32 $0x3, s19  }
0xeb: {  	[sflag:s21] =	ssyncadd.s32 @!p3 $0xFFFFF380  }
0xec: {  	s25 =	ssub.s32 s15, s16;
	s11 =	ssub.s32 s11, s19;
	s19 =	simm.s32 @!p3 $0x7  }
0xed: {  	s21 =	smul.u32 $0x38, s25;
	s16 =	sand.u32 $0xFF, s11;
	_ =	swait.ge @!p3 [sflag:s19], $0xC80  }
0xee: {  	s23 =	smul.u32 $0x230, s16;
	[sflag:s19] =	ssyncset.done @!p3 $0x0  }
0xef: {  	s24 =	simm.s32 $0x19A0;
	s11 =	sand.u32 $0xFFF8, s21;
	[sflag:s19] =	ssyncadd.s32 @!p3 $0xFFFFF380  }
0xf0: {  	s15 =	smul.u32 $0x32, s15;
	s11 =	sadd.s32 s11, s23;
	s19 =	rddreg [dreg:$0x0]  }
0xf1: {  	[tilespmem:s24], [sflag:$0x2] =	stream.indirect.gather [hbm4b:s19+s29], $0x40, s11, s29, $0xb8;
	[tilespmem:$0x1FAE0] =	vst v63  }
0xf2: {  	s25 =	simm.s32 $0x32A0;
	s21 =	sadd.s32 $0x690, s11;
	s24 =	sadd.s32 s18, s15  }
0xf3: {  	[tilespmem:s25], [sflag:$0x2] =	stream.indirect.gather [hbm4b:s7+s29], $0x40, s21, s29, $0xb8;
	[tilespmem:$0x1FAE0] =	vst v63  }
0xf4: {  	s23 =	simm.s32 $0x7440;
	s19 =	sshll.u32 s24, $0x4  }
0xf5: {  	[tilespmem:s23], [sflag:$0x2] =	stream.indirect.gather [hbm4b:s14+s29], $0x10, s11, s29, $0xb8;
	[tilespmem:$0x1FAE0] =	vst v63  }
0xf6: {  	s25 =	simm.s32 $0x4BA0;
	s11 =	sadd.s32 s12, s19  }
0xf7: {  	[tilespmem:s25], [sflag:$0x4] =	stream.strided.gather [hbm4b:s11+s5], $0xC80, s0, s5, $0x38;
	[tilespmem:$0x1FAE0] =	vst v63  }
0xf8: {  	s15 =	sadd.s32 s13, s19;
	s23 =	simm.s32 $0x64A0  }
0xf9: {  	[tilespmem:s23], [sflag:$0x4] =	stream.strided.gather [hbm4b:s15+s5], $0xC80, s0, s5, $0x38;
	[tilespmem:$0x1FAE0] =	vst v63  }
0xfa: {  	s24 =	sadd.s32 s2, s19;
	s25 =	simm.s32 $0x83E0  }
0xfb: {  	[tilespmem:s25], [sflag:$0x4] =	stream.strided.gather [hbm4b:s24+s5], $0xC80, s0, s5, $0x38;
	[tilespmem:$0x1FAE0] =	vst v63  }
0xfc: {  	_ =	swait.ge [sflag:s30], $0xC80  }
0xfd: {  	[sflag:s30] =	ssyncset.done $0x0  }
0xfe: {  	[sflag:s30] =	ssyncadd.s32 $0xFFFFF380  }
0xff: {  	_ =	swait.ge [sflag:s30], $0xC80  }
0x100: {  	[sflag:s30] =	ssyncset.done $0x0  }
0x101: {  	[sflag:s30] =	ssyncadd.s32 $0xFFFFF380  }
0x102: {  	_ =	swait.ge [sflag:s30], $0x320  }
0x103: {  	[sflag:s30] =	ssyncset.done $0x0  }
0x104: {  	[sflag:s30] =	ssyncadd.s32 $0xFFFFFCE0  }
0x105: {  	_ =	swait.ge [sflag:s22], $0xC80  }
0x106: {  	[sflag:s22] =	ssyncset.done $0x0  }
0x107: {  	[sflag:s22] =	ssyncadd.s32 $0xFFFFF380  }
0x108: {  	_ =	swait.ge [sflag:s22], $0xC80  }
0x109: {  	[sflag:s22] =	ssyncset.done $0x0  }
0x10a: {  	[sflag:s22] =	ssyncadd.s32 $0xFFFFF380  }
0x10b: {  	_ =	swait.ge [sflag:s22], $0xC80  }
0x10c: {  	[sflag:s22] =	ssyncset.done $0x0  }
0x10d: {  	s15 =	simm.s32 $0x0;
	[sflag:s22] =	ssyncadd.s32 $0xFFFFF380  }
0x10e: {  	v0 =	vld [tilespmem:s15+$0x7760]  }
0x10f: {  	v2 =	vld [tilespmem:s15+$0x7770]  }
0x110: {  	v1 =	vld [tilespmem:s15+$0x2620]  }
0x111: {  	v3 =	vld [tilespmem:s15+$0x2630]  }
0x112: {  	v5 =	vld [tilespmem:s15+$0xD20]  }
0x113: {  	v6 =	vld [tilespmem:s15+$0xD30]  }
0x114: {  	v4 =	vld [tilespmem:s15+$0xD40]  }
0x115: {  	v7 =	vld [tilespmem:s15+$0x3F20]  }
0x116: {  	v8 =	vld [tilespmem:s15+$0x5820]  }
0x117: {  	v9 =	vld [tilespmem:s15+$0x3F30]  }
0x118: {  	v10 =	vld [tilespmem:s15+$0x5830]  }
0x119: {  	v11 =	vld [tilespmem:s15+$0x3F40]  }
0x11a: {  	s23 =	simm.s32 $0x7120;
	v12 =	vld [tilespmem:s15+$0x5840]  }
0x11b: {  	s17 =	sadd.s32 $0x2, s17;
	s11 =	simm.s32 $0x100;
	v13 =	vld [tilespmem:s23+$0x0]  }
.LBB2_7:
0x11c: {  	p4 =	sne.s32 s11, $0x3100;
	v14 =	vld [tilespmem:s15+$0x3F50]  }
0x11d: {  	v15 =	vld [tilespmem:s15+$0x5850]  }
0x11e: {  	v16 =	vld [tilespmem:s15+$0xD50]  }
0x11f: {  	v17 =	vld [tilespmem:s15+$0x2640]  }
0x120: {  	vm0 =	vgt.f32 v13, $5.000000000e-01;
	v13 =	vld [tilespmem:s15+$0x2650]  }
0x121: {  	v7 =	vsel vm0, v7, v8;
	v8 =	vsel vm0, v9, v10;
	v9 =	vsel vm0, v11, v12;
	v10 =	vld [tilespmem:s15+$0x7780]  }
0x122: {  	s24 =	sshra.s32 s11, $0x2;
	v5 =	vadd.f32 v5, v7;
	v6 =	vadd.f32 v6, v8;
	v7 =	vsel vm0, v14, v15;
	v8 =	vld [tilespmem:s15+$0x7790]  }
0x123: {  	v4 =	vadd.f32 v4, v9;
	v11 =	vld [tilespmem:s24+$0x7760];
	v7 =	vadd.f32 v16, v7  }
0x124: {  	v9 =	vld [tilespmem:s24+$0x7770];
	v5 =	vadd.f32 v1, v5;
	v6 =	vadd.f32 v3, v6  }
0x125: {  	v12 =	vadd.f32 v17, v4;
	v1 =	vld [tilespmem:s24+$0x2620];
	v13 =	vadd.f32 v13, v7  }
0x126: {  	v3 =	vld [tilespmem:s24+$0x2630];
	[tilespmem:s15+$0x9060] =	vst v5;
	v4 =	vadd.f32 v0, v5;
	v7 =	vadd.f32 v2, v6  }
0x127: {  	v10 =	vadd.f32 v10, v12;
	v5 =	vld [tilespmem:s24+$0xD20];
	[tilespmem:s15+$0x9070] =	vst v6;
	v14 =	vadd.f32 v8, v13  }
0x128: {  	v6 =	vld [tilespmem:s24+$0xD30];
	[tilespmem:s15+$0xA960] =	vst v4;
	v0 =	vmov v11  }
0x129: {  	v4 =	vld [tilespmem:s24+$0xD40];
	[tilespmem:s15+$0xA970] =	vst v7;
	v2 =	vmov v9  }
0x12a: {  	v7 =	vld [tilespmem:s24+$0x3F20];
	[tilespmem:s15+$0xA980] =	vst v10  }
0x12b: {  	v8 =	vld [tilespmem:s24+$0x5820];
	[tilespmem:s15+$0xA990] =	vst v14  }
.Ltmp5:
0x12c: {  	v9 =	vld [tilespmem:s24+$0x3F30];
	[tilespmem:s15+$0x9080] =	vst v12;
	(pc) =	sbr.rel @p4 .LBB2_7-.Ltmp5, $4  }
0x12d: {  	v10 =	vld [tilespmem:s24+$0x5830];
	[tilespmem:s15+$0x9090] =	vst v13;
	s15 =	smov.u32 s24  }
0x12e: {  	v11 =	vld [tilespmem:s15+$0x3F40]  }
0x12f: {  	s23 =	sadd.s32 $0x10, s23;
	v12 =	vld [tilespmem:s15+$0x5840]  }
0x130: {  	s11 =	sadd.s32 $0x100, s11;
	v13 =	vld [tilespmem:s23+$0x0]  }
0x131: {  	_ =	sdelay $0x2  }
0x132: {  	v14 =	vld [tilespmem:s15+$0x3F50]  }
0x133: {  	v15 =	vld [tilespmem:s15+$0x5850];
	vm0 =	vgt.f32 v13, $5.000000000e-01  }
0x134: {  	v13 =	vld [tilespmem:s15+$0x2640];
	v7 =	vsel vm0, v7, v8  }
0x135: {  	v16 =	vld [tilespmem:s15+$0xD50];
	v9 =	vsel vm0, v9, v10;
	v5 =	vadd.f32 v5, v7  }
0x136: {  	v7 =	vsel vm0, v11, v12;
	v6 =	vadd.f32 v6, v9  }
0x137: {  	v8 =	vld [tilespmem:s15+$0x2650];
	v4 =	vadd.f32 v4, v7;
	v1 =	vadd.f32 v1, v5  }
0x138: {  	v10 =	vld [tilespmem:s15+$0x7780];
	v3 =	vadd.f32 v3, v6  }
0x139: {  	v9 =	vsel vm0, v14, v15;
	v11 =	vld [tilespmem:s15+$0x7790];
	v4 =	vadd.f32 v13, v4;
	[tilespmem:s15+$0x9060] =	vst v1  }
0x13a: {  	v5 =	vadd.f32 v16, v9;
	v0 =	vadd.f32 v0, v1;
	[tilespmem:s15+$0x9070] =	vst v3  }
0x13b: {  	v2 =	vadd.f32 v2, v3;
	[tilespmem:s15+$0x9080] =	vst v4  }
0x13c: {  	s11 =	smul.u32 $0x64, s1;
	v1 =	vadd.f32 v8, v5;
	[tilespmem:s15+$0xA960] =	vst v0  }
0x13d: {  	v3 =	vadd.f32 v10, v4;
	[tilespmem:s15+$0xA970] =	vst v2  }
0x13e: {  	s11 =	sadd.s32 s18, s11;
	v0 =	vadd.f32 v11, v1;
	[tilespmem:s15+$0x9090] =	vst v1  }
0x13f: {  	s24 =	smul.u32 $0xE0, s28;
	s11 =	sshll.u32 s11, $0x4;
	[tilespmem:s15+$0xA980] =	vst v3  }
0x140: {  	s23 =	simm.s32 $0xA960;
	s25 =	smul.u32 $0x8C0, s16;
	s11 =	sadd.s32 s3, s11;
	[tilespmem:s15+$0xA990] =	vst v0  }
0x141: {  	[hbm4b:s11+s5] =	stream.strided.scatter [tilespmem:s23], [sflag:$0x5], $0xC80, s0, s5, $0x38;
	[tilespmem:$0x1FAE0] =	vst v63  }
0x142: {  	s11 =	sand.u32 $0xFFE0, s24  }
0x143: {  	s15 =	sshrl.u32 s25, $0x2;
	s11 =	sshrl.u32 s11, $0x2  }
0x144: {  	s11 =	sadd.s32 s11, s15  }
0x145: {  	s28 =	simm.s32 $0x9060;
	s11 =	sadd.s32 $0x690, s11  }
0x146: {  	[spmem:s4] =	stream.indirect.scatter.add.f32 [tilespmem:s28], [sflag:$0x7], $0x40, s11, s29, $0xb8;
	[tilespmem:$0x1FAE0] =	vst v63  }
0x147: {  	s11 =	simm.s32 @!p3 $0x6  }
0x148: {  	_ =	swait.ge @!p3 [sflag:s11], $0xC80  }
0x149: {  	[sflag:s11] =	ssyncset.done @!p3 $0x0  }
0x14a: {  	[sflag:s11] =	ssyncadd.s32 @!p3 $0xFFFFF380;
	s11 =	simm.s32 @!p3 $0x8  }
0x14b: {  	p4 =	seq.s32 @!p3 s1, $0xC7;
	_ =	swait.ge @!p3 [sflag:s11], $0xC80  }
0x14c: {  	p4 =	por p3, !p4;
	[sflag:s11] =	ssyncset.done @!p3 $0x0  }
0x14d: {  	[sflag:s11] =	ssyncadd.s32 @!p3 $0xFFFFF380;
	s11 =	smulhi.u32 @p4 $0x66666667, s17;
	_ =	sdelay $0x1  }
0x14e: {  	s11 =	sshrl.u32 @p4 s11, $0x2  }
0x14f: {  	s15 =	smulhi.u32 @p4 $0x55555556, s11;
	_ =	sdelay $0x1  }
0x150: {  	s15 =	smul.u32 @p4 $0x3, s15  }
0x151: {  	s16 =	smul.u32 @p4 $0xA, s11  }
0x152: {  	s11 =	ssub.s32 @p4 s11, s15  }
0x153: {  	s15 =	ssub.s32 @p4 s17, s16;
	s11 =	smul.u32 @p4 $0x230, s11  }
0x154: {  	s15 =	smul.u32 @p4 $0x38, s15;
	_ =	sdelay $0x1  }
0x155: {  	s16 =	simm.s32 @p4 $0xD20;
	s11 =	sadd.s32 @p4 s15, s11;
	s15 =	rddreg @p4 [dreg:$0x0]  }
0x156: {  	[tilespmem:s16], [sflag:$0x1] =	stream.indirect.gather @p4 [hbm4b:s15+s29], $0x40, s11, s29, $0xb8;
	[tilespmem:$0x1FAE0] =	vst v63  }
0x157: {  	s15 =	sadd.s32 @p4 $0x690, s11;
	s16 =	simm.s32 @p4 $0x2620  }
0x158: {  	[tilespmem:s16], [sflag:$0x1] =	stream.indirect.gather @p4 [hbm4b:s7+s29], $0x40, s15, s29, $0xb8;
	[tilespmem:$0x1FAE0] =	vst v63  }
0x159: {  	s15 =	smul.u32 @p4 $0x32, s17;
	s16 =	simm.s32 @p4 $0x7120  }
0x15a: {  	[tilespmem:s16], [sflag:$0x1] =	stream.indirect.gather @p4 [hbm4b:s14+s29], $0x10, s11, s29, $0xb8;
	[tilespmem:$0x1FAE0] =	vst v63  }
0x15b: {  	s11 =	sadd.s32 @p4 s18, s15  }
0x15c: {  	s11 =	sshll.u32 @p4 s11, $0x4  }
0x15d: {  	s16 =	simm.s32 @p4 $0x3F20;
	s15 =	sadd.s32 @p4 s12, s11  }
0x15e: {  	[tilespmem:s16], [sflag:$0x3] =	stream.strided.gather @p4 [hbm4b:s15+s5], $0xC80, s0, s5, $0x38;
	[tilespmem:$0x1FAE0] =	vst v63  }
0x15f: {  	s15 =	sadd.s32 @p4 s13, s11;
	s16 =	simm.s32 @p4 $0x5820  }
0x160: {  	[tilespmem:s16], [sflag:$0x3] =	stream.strided.gather @p4 [hbm4b:s15+s5], $0xC80, s0, s5, $0x38;
	[tilespmem:$0x1FAE0] =	vst v63  }
0x161: {  	s11 =	sadd.s32 @p4 s2, s11;
	s15 =	simm.s32 @p4 $0x7760  }
0x162: {  	[tilespmem:s15], [sflag:$0x3] =	stream.strided.gather @p4 [hbm4b:s11+s5], $0xC80, s0, s5, $0x38;
	[tilespmem:$0x1FAE0] =	vst v63  }
0x163: {  	_ =	swait.ge [sflag:s9], $0xC80  }
0x164: {  	[sflag:s9] =	ssyncset.done $0x0  }
0x165: {  	[sflag:s9] =	ssyncadd.s32 $0xFFFFF380  }
0x166: {  	_ =	swait.ge [sflag:s9], $0xC80  }
0x167: {  	[sflag:s9] =	ssyncset.done $0x0  }
0x168: {  	[sflag:s9] =	ssyncadd.s32 $0xFFFFF380  }
0x169: {  	_ =	swait.ge [sflag:s9], $0x320  }
0x16a: {  	[sflag:s9] =	ssyncset.done $0x0  }
0x16b: {  	[sflag:s9] =	ssyncadd.s32 $0xFFFFFCE0  }
0x16c: {  	_ =	swait.ge [sflag:s10], $0xC80  }
0x16d: {  	[sflag:s10] =	ssyncset.done $0x0  }
0x16e: {  	[sflag:s10] =	ssyncadd.s32 $0xFFFFF380  }
0x16f: {  	_ =	swait.ge [sflag:s10], $0xC80  }
0x170: {  	[sflag:s10] =	ssyncset.done $0x0  }
0x171: {  	[sflag:s10] =	ssyncadd.s32 $0xFFFFF380  }
0x172: {  	_ =	swait.ge [sflag:s10], $0xC80  }
0x173: {  	[sflag:s10] =	ssyncset.done $0x0  }
0x174: {  	s15 =	simm.s32 $0x0;
	[sflag:s10] =	ssyncadd.s32 $0xFFFFF380  }
0x175: {  	v0 =	vld [tilespmem:s15+$0x83E0]  }
0x176: {  	v2 =	vld [tilespmem:s15+$0x83F0]  }
0x177: {  	v1 =	vld [tilespmem:s15+$0x32A0]  }
0x178: {  	v3 =	vld [tilespmem:s15+$0x32B0]  }
0x179: {  	v5 =	vld [tilespmem:s15+$0x19A0]  }
0x17a: {  	v6 =	vld [tilespmem:s15+$0x19B0]  }
0x17b: {  	v4 =	vld [tilespmem:s15+$0x19C0]  }
0x17c: {  	v7 =	vld [tilespmem:s15+$0x4BA0]  }
0x17d: {  	v8 =	vld [tilespmem:s15+$0x64A0]  }
0x17e: {  	v9 =	vld [tilespmem:s15+$0x4BB0]  }
0x17f: {  	v10 =	vld [tilespmem:s15+$0x64B0]  }
0x180: {  	v11 =	vld [tilespmem:s15+$0x4BC0]  }
0x181: {  	s16 =	simm.s32 $0x7440;
	v12 =	vld [tilespmem:s15+$0x64C0]  }
0x182: {  	s11 =	simm.s32 $0x100;
	v13 =	vld [tilespmem:s16+$0x0]  }
.LBB2_9:
0x183: {  	p3 =	sne.s32 s11, $0x3100;
	v14 =	vld [tilespmem:s15+$0x4BD0]  }
0x184: {  	v15 =	vld [tilespmem:s15+$0x64D0]  }
0x185: {  	v16 =	vld [tilespmem:s15+$0x19D0]  }
0x186: {  	v17 =	vld [tilespmem:s15+$0x32C0]  }
0x187: {  	vm0 =	vgt.f32 v13, $5.000000000e-01;
	v13 =	vld [tilespmem:s15+$0x32D0]  }
0x188: {  	v7 =	vsel vm0, v7, v8;
	v8 =	vsel vm0, v9, v10;
	v9 =	vsel vm0, v11, v12;
	v10 =	vld [tilespmem:s15+$0x8400]  }
0x189: {  	s17 =	sshra.s32 s11, $0x2;
	v5 =	vadd.f32 v5, v7;
	v6 =	vadd.f32 v6, v8;
	v7 =	vsel vm0, v14, v15;
	v8 =	vld [tilespmem:s15+$0x8410]  }
0x18a: {  	v4 =	vadd.f32 v4, v9;
	v11 =	vld [tilespmem:s17+$0x83E0];
	v7 =	vadd.f32 v16, v7  }
0x18b: {  	v9 =	vld [tilespmem:s17+$0x83F0];
	v5 =	vadd.f32 v1, v5;
	v6 =	vadd.f32 v3, v6  }
0x18c: {  	v12 =	vadd.f32 v17, v4;
	v1 =	vld [tilespmem:s17+$0x32A0];
	v13 =	vadd.f32 v13, v7  }
0x18d: {  	v3 =	vld [tilespmem:s17+$0x32B0];
	[tilespmem:s15+$0x9CE0] =	vst v5;
	v4 =	vadd.f32 v0, v5;
	v7 =	vadd.f32 v2, v6  }
0x18e: {  	v10 =	vadd.f32 v10, v12;
	v5 =	vld [tilespmem:s17+$0x19A0];
	[tilespmem:s15+$0x9CF0] =	vst v6;
	v14 =	vadd.f32 v8, v13  }
0x18f: {  	v6 =	vld [tilespmem:s17+$0x19B0];
	[tilespmem:s15+$0xB5E0] =	vst v4;
	v0 =	vmov v11  }
0x190: {  	v4 =	vld [tilespmem:s17+$0x19C0];
	[tilespmem:s15+$0xB5F0] =	vst v7;
	v2 =	vmov v9  }
0x191: {  	v7 =	vld [tilespmem:s17+$0x4BA0];
	[tilespmem:s15+$0xB600] =	vst v10  }
0x192: {  	v8 =	vld [tilespmem:s17+$0x64A0];
	[tilespmem:s15+$0xB610] =	vst v14  }
.Ltmp6:
0x193: {  	v9 =	vld [tilespmem:s17+$0x4BB0];
	[tilespmem:s15+$0x9D00] =	vst v12;
	(pc) =	sbr.rel @p3 .LBB2_9-.Ltmp6, $4  }
0x194: {  	v10 =	vld [tilespmem:s17+$0x64B0];
	[tilespmem:s15+$0x9D10] =	vst v13;
	s15 =	smov.u32 s17  }
0x195: {  	v11 =	vld [tilespmem:s15+$0x4BC0]  }
0x196: {  	s16 =	sadd.s32 $0x10, s16;
	v12 =	vld [tilespmem:s15+$0x64C0]  }
0x197: {  	s11 =	sadd.s32 $0x100, s11;
	v13 =	vld [tilespmem:s16+$0x0]  }
0x198: {  	_ =	sdelay $0x1  }
0x199: {  	v14 =	vld [tilespmem:s15+$0x4BD0]  }
0x19a: {  	v15 =	vld [tilespmem:s15+$0x64D0]  }
0x19b: {  	v16 =	vld [tilespmem:s15+$0x19D0];
	vm0 =	vgt.f32 v13, $5.000000000e-01  }
0x19c: {  	v54 =	vld [tilespmem:s15+$0x32C0];
	v7 =	vsel vm0, v7, v8  }
0x19d: {  	v55 =	vld [tilespmem:s15+$0x32D0];
	v9 =	vsel vm0, v9, v10;
	v5 =	vadd.f32 v5, v7  }
0x19e: {  	v56 =	vsel vm0, v11, v12;
	v6 =	vadd.f32 v6, v9  }
0x19f: {  	v58 =	vsel vm0, v14, v15;
	v4 =	vadd.f32 v4, v56;
	v1 =	vadd.f32 v1, v5  }
0x1a0: {  	v57 =	vld [tilespmem:s15+$0x8400];
	v60 =	vadd.f32 v16, v58;
	v3 =	vadd.f32 v3, v6  }
0x1a1: {  	v59 =	vld [tilespmem:s15+$0x8410];
	v4 =	vadd.f32 v54, v4;
	[tilespmem:s15+$0x9CE0] =	vst v1  }
0x1a2: {  	v61 =	vadd.f32 v55, v60;
	[tilespmem:s15+$0x9CF0] =	vst v3  }
0x1a3: {  	v0 =	vadd.f32 v0, v1;
	[tilespmem:s15+$0x9D00] =	vst v4  }
0x1a4: {  	v2 =	vadd.f32 v2, v3;
	[tilespmem:s15+$0x9D10] =	vst v61  }
0x1a5: {  	s1 =	sadd.s32 $0x1, s1;
	v62 =	vadd.f32 v57, v4;
	[tilespmem:s15+$0xB5E0] =	vst v0  }
0x1a6: {  	p3 =	seq.s32 s1, $0xC8;
	v63 =	vadd.f32 v59, v61;
	[tilespmem:s15+$0xB5F0] =	vst v2  }
.Ltmp7:
0x1a7: {  	[tilespmem:s15+$0xB600] =	vst v62;
	(pc) =	sbr.rel @!p3 .LBB2_3-.Ltmp7, $4  }
.Ltmp8:
0x1a8: {  	s11 =	sadd.s32 s3, s19;
	s25 =	simm.s32 $0xB5E0;
	[tilespmem:s15+$0xB610] =	vst v63;
	(pc) =	sbr.rel @p3 .LBB2_20-.Ltmp8, $4  }
0x1a9: {  	[hbm4b:s11+s5] =	stream.strided.scatter [tilespmem:s25], [sflag:$0x6], $0xC80, s0, s5, $0x38;
	[tilespmem:$0x1FAE0] =	vst v63  }
0x1aa: {  	s28 =	simm.s32 $0x9CE0  }
0x1ab: {  	[spmem:s4] =	stream.indirect.scatter.add.f32 [tilespmem:s28], [sflag:$0x8], $0x40, s21, s29, $0xb8;
	[tilespmem:$0x1FAE0] =	vst v63  }
0x1ac: {  	_ = 	snop  }
.LBB2_11:
0x1ad: {  	s2 =	simm.s32 $0xD20  }
0x1ae: {  	[tilespmem:s2], [sflag:$0x1] =	stream.indirect.gather [hbm4b:s6+s29], $0x40, s1, s29, $0xb8;
	[tilespmem:$0x1FAE0] =	vst v63  }
0x1af: {  	s17 =	simm.s32 $0x2620  }
0x1b0: {  	[tilespmem:s17], [sflag:$0x1] =	stream.indirect.gather [hbm4b:s8+s29], $0x40, s15, s29, $0xb8;
	[tilespmem:$0x1FAE0] =	vst v63  }
0x1b1: {  	s19 =	simm.s32 $0x7120;
	s11 =	rddreg [dreg:$0xf]  }
0x1b2: {  	[tilespmem:s19], [sflag:$0x1] =	stream.indirect.gather [hbm4b:s14+s29], $0x10, s1, s29, $0xb8;
	[tilespmem:$0x1FAE0] =	vst v63  }
0x1b3: {  	s21 =	simm.s32 $0x3F20;
	s23 =	rddreg [dreg:$0x10]  }
0x1b4: {  	[tilespmem:s21], [sflag:$0x3] =	stream.strided.gather [hbm4b:s11+s5], $0xC80, s0, s5, $0x38;
	[tilespmem:$0x1FAE0] =	vst v63  }
0x1b5: {  	s24 =	simm.s32 $0x5820;
	s25 =	rddreg [dreg:$0x11]  }
0x1b6: {  	[tilespmem:s24], [sflag:$0x3] =	stream.strided.gather [hbm4b:s23+s5], $0xC80, s0, s5, $0x38;
	[tilespmem:$0x1FAE0] =	vst v63  }
0x1b7: {  	s28 =	simm.s32 $0x7760;
	s2 =	rddreg [dreg:$0x2]  }
0x1b8: {  	[tilespmem:s28], [sflag:$0x3] =	stream.strided.gather [hbm4b:s25+s5], $0xC80, s0, s5, $0x38;
	[tilespmem:$0x1FAE0] =	vst v63  }
0x1b9: {  	s25 =	sld [smem:$0x7FC]  }
.LBB2_12:
0x1ba: {  	s11 =	smul.u32 $0x1999A, s1;
	_ =	sdelay $0x1  }
0x1bb: {  	s11 =	sshrl.u32 s11, $0x13  }
0x1bc: {  	s11 =	smul.u32 $0xA, s11  }
0x1bd: {  	s17 =	sshll.u32 s1, $0x1  }
0x1be: {  	p3 =	seq.s32 s1, $0xC7;
	s28 =	ssub.s32 s17, s11  }
0x1bf: {  	s11 =	sand.u32 @!p3 $0xFFFF, s28  }
0x1c0: {  	p4 =	sne.s32 @!p3 s11, $0x8  }
0x1c1: {  	p3 =	por p3, p4  }
.Ltmp9:
0x1c2: {  	_ = 	snop;
	(pc) =	sbr.rel @p3 .LBB2_14-.Ltmp9, $1  }
0x1c3: {  	_ =	sdelay $0x3  }
0x1c4: {  	_ =	swait.ge [sflag:s26], $0x230  }
.Ltmp10:
0x1c5: {  	[sflag:s26] =	ssyncset.done $0x0;
	(pc) =	sbr.rel .LBB2_15-.Ltmp10, $4  }
0x1c6: {  	[sflag:s26] =	ssyncadd.s32 $0xFFFFFDD0  }
0x1c7: {  	_ =	swait.ge [sflag:s26], $0x230  }
0x1c8: {  	[sflag:s26] =	ssyncset.done $0x0  }
0x1c9: {  	[sflag:s26] =	ssyncadd.s32 $0xFFFFFDD0  }
.LBB2_14:
0x1ca: {  	p3 =	sgt.u32 s1, $0xC2  }
0x1cb: {  	s11 =	sand.u32 @!p3 $0xFFFF, s28  }
0x1cc: {  	p4 =	sne.s32 @!p3 s11, $0x0  }
0x1cd: {  	p3 =	por p4, p3  }
0x1ce: {  	s11 =	smul.u32 @!p3 $0xCD, s1;
	_ =	sdelay $0x1  }
0x1cf: {  	s11 =	sshrl.u32 @!p3 s11, $0xA  }
0x1d0: {  	s11 =	sand.u32 @!p3 $0x3F, s11  }
0x1d1: {  	s11 =	sadd.s32 @!p3 $0x1, s11  }
0x1d2: {  	s15 =	smul.u32 @!p3 $0x56, s11;
	_ =	sdelay $0x1  }
0x1d3: {  	s16 =	smul.u32 @!p3 $0xA, s11;
	s15 =	sshrl.u32 @!p3 s15, $0x8  }
0x1d4: {  	s15 =	smul.u32 @!p3 $0x3, s15;
	_ =	sdelay $0x1  }
0x1d5: {  	s16 =	sadd.s32 @!p3 s20, s16;
	s11 =	ssub.s32 @!p3 s11, s15  }
0x1d6: {  	s15 =	smul.u32 @!p3 $0x7, s16;
	s11 =	sand.u32 @!p3 $0xFF, s11  }
0x1d7: {  	s16 =	rddreg [dreg:$0x6];
	s11 =	smul.u32 @!p3 $0x230, s11  }
0x1d8: {  	s19 =	simm.s32 @!p3 $0x0;
	s16 =	sadd.s32 @!p3 s16, s15  }
0x1d9: {  	[tilespmem:s11], [sflag:$0x9] =	stream.linear.gather @!p3 [hbm4b:s16+s19], $0x230, $0x38;
	[tilespmem:$0x1FAE0] =	vst v63  }
0x1da: {  	s16 =	rddreg [dreg:$0x7]  }
0x1db: {  	s11 =	sadd.s32 @!p3 $0x690, s11;
	s15 =	sadd.s32 @!p3 s16, s15  }
0x1dc: {  	[tilespmem:s11], [sflag:$0x9] =	stream.linear.gather @!p3 [hbm4b:s15+s19], $0x230, $0x38;
	[tilespmem:$0x1FAE0] =	vst v63  }
.LBB2_15:
0x1dd: {  	s11 =	smul.u32 $0xCD, s1;
	_ =	sdelay $0x1  }
0x1de: {  	s15 =	sshllo.u32 s1, $0x1;
	s11 =	sshrl.u32 s11, $0xA  }
0x1df: {  	s16 =	smul.u32 $0xCCCD, s15;
	s11 =	sand.u32 $0x3F, s11  }
0x1e0: {  	s19 =	smul.u32 $0x56, s11  }
0x1e1: {  	p3 =	seq.s32 s1, $0x0;
	s16 =	sshrl.u32 s16, $0x13  }
0x1e2: {  	s21 =	simm.s32 @!p3 $0x5;
	s16 =	smul.u32 $0xA, s16;
	s19 =	sshrl.u32 s19, $0x8  }
0x1e3: {  	_ =	swait.ge @!p3 [sflag:s21], $0xC80;
	s19 =	smul.u32 $0x3, s19  }
0x1e4: {  	[sflag:s21] =	ssyncset.done @!p3 $0x0  }
0x1e5: {  	[sflag:s21] =	ssyncadd.s32 @!p3 $0xFFFFF380;
	s24 =	ssub.s32 s15, s16;
	s11 =	ssub.s32 s11, s19  }
0x1e6: {  	s23 =	smul.u32 $0x38, s24;
	s19 =	simm.s32 @!p3 $0x7;
	s16 =	sand.u32 $0xFF, s11  }
0x1e7: {  	_ =	swait.ge @!p3 [sflag:s19], $0xC80;
	s24 =	smul.u32 $0x230, s16  }
0x1e8: {  	s11 =	sand.u32 $0xFFF8, s23;
	[sflag:s19] =	ssyncset.done @!p3 $0x0  }
0x1e9: {  	s21 =	simm.s32 $0x19A0;
	[sflag:s19] =	ssyncadd.s32 @!p3 $0xFFFFF380;
	s11 =	sadd.s32 s11, s24  }
0x1ea: {  	[tilespmem:s21], [sflag:$0x2] =	stream.indirect.gather [hbm4b:s6+s29], $0x40, s11, s29, $0xb8;
	[tilespmem:$0x1FAE0] =	vst v63  }
0x1eb: {  	s15 =	smul.u32 $0x32, s15;
	s23 =	simm.s32 $0x32A0;
	s21 =	sadd.s32 $0x690, s11  }
0x1ec: {  	[tilespmem:s23], [sflag:$0x2] =	stream.indirect.gather [hbm4b:s8+s29], $0x40, s21, s29, $0xb8;
	[tilespmem:$0x1FAE0] =	vst v63  }
0x1ed: {  	s24 =	simm.s32 $0x7440;
	s23 =	sadd.s32 s18, s15  }
0x1ee: {  	[tilespmem:s24], [sflag:$0x2] =	stream.indirect.gather [hbm4b:s14+s29], $0x10, s11, s29, $0xb8;
	[tilespmem:$0x1FAE0] =	vst v63  }
0x1ef: {  	s11 =	sshll.u32 s23, $0x4  }
0x1f0: {  	s19 =	sor.u32 $0x8, s11  }
0x1f1: {  	s24 =	simm.s32 $0x4BA0;
	s11 =	sadd.s32 s12, s19  }
0x1f2: {  	[tilespmem:s24], [sflag:$0x4] =	stream.strided.gather [hbm4b:s11+s5], $0xC80, s0, s5, $0x38;
	[tilespmem:$0x1FAE0] =	vst v63  }
0x1f3: {  	s23 =	sadd.s32 s13, s19;
	s24 =	simm.s32 $0x64A0  }
0x1f4: {  	[tilespmem:s24], [sflag:$0x4] =	stream.strided.gather [hbm4b:s23+s5], $0xC80, s0, s5, $0x38;
	[tilespmem:$0x1FAE0] =	vst v63  }
0x1f5: {  	s23 =	sadd.s32 s2, s19;
	s24 =	simm.s32 $0x83E0  }
0x1f6: {  	[tilespmem:s24], [sflag:$0x4] =	stream.strided.gather [hbm4b:s23+s5], $0xC80, s0, s5, $0x38;
	[tilespmem:$0x1FAE0] =	vst v63  }
0x1f7: {  	_ =	swait.ge [sflag:s30], $0xC80  }
0x1f8: {  	[sflag:s30] =	ssyncset.done $0x0  }
0x1f9: {  	[sflag:s30] =	ssyncadd.s32 $0xFFFFF380  }
0x1fa: {  	_ =	swait.ge [sflag:s30], $0xC80  }
0x1fb: {  	[sflag:s30] =	ssyncset.done $0x0  }
0x1fc: {  	[sflag:s30] =	ssyncadd.s32 $0xFFFFF380  }
0x1fd: {  	_ =	swait.ge [sflag:s30], $0x320  }
0x1fe: {  	[sflag:s30] =	ssyncset.done $0x0  }
0x1ff: {  	[sflag:s30] =	ssyncadd.s32 $0xFFFFFCE0  }
0x200: {  	_ =	swait.ge [sflag:s22], $0xC80  }
0x201: {  	[sflag:s22] =	ssyncset.done $0x0  }
0x202: {  	[sflag:s22] =	ssyncadd.s32 $0xFFFFF380  }
0x203: {  	_ =	swait.ge [sflag:s22], $0xC80  }
0x204: {  	[sflag:s22] =	ssyncset.done $0x0  }
0x205: {  	[sflag:s22] =	ssyncadd.s32 $0xFFFFF380  }
0x206: {  	_ =	swait.ge [sflag:s22], $0xC80  }
0x207: {  	[sflag:s22] =	ssyncset.done $0x0  }
0x208: {  	s15 =	simm.s32 $0x0;
	[sflag:s22] =	ssyncadd.s32 $0xFFFFF380  }
0x209: {  	v0 =	vld [tilespmem:s15+$0x7760]  }
0x20a: {  	v2 =	vld [tilespmem:s15+$0x7770]  }
0x20b: {  	v1 =	vld [tilespmem:s15+$0x2620]  }
0x20c: {  	v3 =	vld [tilespmem:s15+$0x2630]  }
0x20d: {  	v5 =	vld [tilespmem:s15+$0xD20]  }
0x20e: {  	v6 =	vld [tilespmem:s15+$0xD30]  }
0x20f: {  	v4 =	vld [tilespmem:s15+$0xD40]  }
0x210: {  	v7 =	vld [tilespmem:s15+$0x3F20]  }
0x211: {  	v8 =	vld [tilespmem:s15+$0x5820]  }
0x212: {  	v9 =	vld [tilespmem:s15+$0x3F30]  }
0x213: {  	v10 =	vld [tilespmem:s15+$0x5830]  }
0x214: {  	v11 =	vld [tilespmem:s15+$0x3F40]  }
0x215: {  	s23 =	simm.s32 $0x7120;
	v12 =	vld [tilespmem:s15+$0x5840]  }
0x216: {  	s17 =	sadd.s32 $0x2, s17;
	s11 =	simm.s32 $0x100;
	v13 =	vld [tilespmem:s23+$0x0]  }
.LBB2_16:
0x217: {  	p4 =	sne.s32 s11, $0x3100;
	v14 =	vld [tilespmem:s15+$0x3F50]  }
0x218: {  	v15 =	vld [tilespmem:s15+$0x5850]  }
0x219: {  	v16 =	vld [tilespmem:s15+$0xD50]  }
0x21a: {  	v17 =	vld [tilespmem:s15+$0x2640]  }
0x21b: {  	vm0 =	vgt.f32 v13, $5.000000000e-01;
	v13 =	vld [tilespmem:s15+$0x2650]  }
0x21c: {  	v7 =	vsel vm0, v7, v8;
	v8 =	vsel vm0, v9, v10;
	v9 =	vsel vm0, v11, v12;
	v10 =	vld [tilespmem:s15+$0x7780]  }
0x21d: {  	s24 =	sshra.s32 s11, $0x2;
	v5 =	vadd.f32 v5, v7;
	v6 =	vadd.f32 v6, v8;
	v7 =	vsel vm0, v14, v15;
	v8 =	vld [tilespmem:s15+$0x7790]  }
0x21e: {  	v4 =	vadd.f32 v4, v9;
	v11 =	vld [tilespmem:s24+$0x7760];
	v7 =	vadd.f32 v16, v7  }
0x21f: {  	v9 =	vld [tilespmem:s24+$0x7770];
	v5 =	vadd.f32 v1, v5;
	v6 =	vadd.f32 v3, v6  }
0x220: {  	v12 =	vadd.f32 v17, v4;
	v1 =	vld [tilespmem:s24+$0x2620];
	v13 =	vadd.f32 v13, v7  }
0x221: {  	v3 =	vld [tilespmem:s24+$0x2630];
	[tilespmem:s15+$0x9060] =	vst v5;
	v4 =	vadd.f32 v0, v5;
	v7 =	vadd.f32 v2, v6  }
0x222: {  	v10 =	vadd.f32 v10, v12;
	v5 =	vld [tilespmem:s24+$0xD20];
	[tilespmem:s15+$0x9070] =	vst v6;
	v14 =	vadd.f32 v8, v13  }
0x223: {  	v6 =	vld [tilespmem:s24+$0xD30];
	[tilespmem:s15+$0xA960] =	vst v4;
	v0 =	vmov v11  }
0x224: {  	v4 =	vld [tilespmem:s24+$0xD40];
	[tilespmem:s15+$0xA970] =	vst v7;
	v2 =	vmov v9  }
0x225: {  	v7 =	vld [tilespmem:s24+$0x3F20];
	[tilespmem:s15+$0xA980] =	vst v10  }
0x226: {  	v8 =	vld [tilespmem:s24+$0x5820];
	[tilespmem:s15+$0xA990] =	vst v14  }
.Ltmp11:
0x227: {  	v9 =	vld [tilespmem:s24+$0x3F30];
	[tilespmem:s15+$0x9080] =	vst v12;
	(pc) =	sbr.rel @p4 .LBB2_16-.Ltmp11, $4  }
0x228: {  	v10 =	vld [tilespmem:s24+$0x5830];
	[tilespmem:s15+$0x9090] =	vst v13;
	s15 =	smov.u32 s24  }
0x229: {  	v11 =	vld [tilespmem:s15+$0x3F40]  }
0x22a: {  	s23 =	sadd.s32 $0x10, s23;
	v12 =	vld [tilespmem:s15+$0x5840]  }
0x22b: {  	s11 =	sadd.s32 $0x100, s11;
	v13 =	vld [tilespmem:s23+$0x0]  }
0x22c: {  	_ =	sdelay $0x2  }
0x22d: {  	v14 =	vld [tilespmem:s15+$0x3F50]  }
0x22e: {  	v15 =	vld [tilespmem:s15+$0x5850];
	vm0 =	vgt.f32 v13, $5.000000000e-01  }
0x22f: {  	v13 =	vld [tilespmem:s15+$0x2640];
	v7 =	vsel vm0, v7, v8  }
0x230: {  	v16 =	vld [tilespmem:s15+$0xD50];
	v9 =	vsel vm0, v9, v10;
	v5 =	vadd.f32 v5, v7  }
0x231: {  	v7 =	vsel vm0, v11, v12;
	v6 =	vadd.f32 v6, v9  }
0x232: {  	v8 =	vld [tilespmem:s15+$0x2650];
	v4 =	vadd.f32 v4, v7;
	v1 =	vadd.f32 v1, v5  }
0x233: {  	v10 =	vld [tilespmem:s15+$0x7780];
	v3 =	vadd.f32 v3, v6  }
0x234: {  	v9 =	vsel vm0, v14, v15;
	v11 =	vld [tilespmem:s15+$0x7790];
	v4 =	vadd.f32 v13, v4;
	[tilespmem:s15+$0x9060] =	vst v1  }
0x235: {  	v5 =	vadd.f32 v16, v9;
	v0 =	vadd.f32 v0, v1;
	[tilespmem:s15+$0x9070] =	vst v3  }
0x236: {  	v2 =	vadd.f32 v2, v3;
	[tilespmem:s15+$0x9080] =	vst v4  }
0x237: {  	s11 =	smul.u32 $0x64, s1;
	v1 =	vadd.f32 v8, v5;
	[tilespmem:s15+$0xA960] =	vst v0  }
0x238: {  	v3 =	vadd.f32 v10, v4;
	[tilespmem:s15+$0xA970] =	vst v2  }
0x239: {  	s11 =	sadd.s32 s18, s11;
	v0 =	vadd.f32 v11, v1;
	[tilespmem:s15+$0x9090] =	vst v1  }
0x23a: {  	s11 =	sshll.u32 s11, $0x4;
	[tilespmem:s15+$0xA980] =	vst v3  }
0x23b: {  	s24 =	simm.s32 $0xA960;
	s23 =	smul.u32 $0xE0, s28;
	s11 =	sadd.s32 s11, s25;
	[tilespmem:s15+$0xA990] =	vst v0  }
0x23c: {  	[hbm4b:s11+s5] =	stream.strided.scatter [tilespmem:s24], [sflag:$0x5], $0xC80, s0, s5, $0x38;
	[tilespmem:$0x1FAE0] =	vst v63  }
0x23d: {  	s24 =	smul.u32 $0x8C0, s16  }
0x23e: {  	s11 =	sand.u32 $0xFFE0, s23  }
0x23f: {  	s11 =	sshrl.u32 s11, $0x2;
	s15 =	sshrl.u32 s24, $0x2  }
0x240: {  	s11 =	sadd.s32 s11, s15  }
0x241: {  	s28 =	simm.s32 $0x9060;
	s11 =	sadd.s32 $0x690, s11  }
0x242: {  	[spmem:s4] =	stream.indirect.scatter.add.f32 [tilespmem:s28], [sflag:$0x7], $0x40, s11, s29, $0xb8;
	[tilespmem:$0x1FAE0] =	vst v63  }
0x243: {  	s11 =	simm.s32 @!p3 $0x6  }
0x244: {  	_ =	swait.ge @!p3 [sflag:s11], $0xC80  }
0x245: {  	[sflag:s11] =	ssyncset.done @!p3 $0x0  }
0x246: {  	[sflag:s11] =	ssyncadd.s32 @!p3 $0xFFFFF380;
	s11 =	simm.s32 @!p3 $0x8  }
0x247: {  	p4 =	seq.s32 @!p3 s1, $0xC7;
	_ =	swait.ge @!p3 [sflag:s11], $0xC80  }
0x248: {  	p4 =	por p3, !p4;
	[sflag:s11] =	ssyncset.done @!p3 $0x0  }
0x249: {  	[sflag:s11] =	ssyncadd.s32 @!p3 $0xFFFFF380;
	s11 =	smulhi.u32 @p4 $0x66666667, s17;
	_ =	sdelay $0x1  }
0x24a: {  	s11 =	sshrl.u32 @p4 s11, $0x2  }
0x24b: {  	s15 =	smulhi.u32 @p4 $0x55555556, s11;
	_ =	sdelay $0x1  }
0x24c: {  	s15 =	smul.u32 @p4 $0x3, s15  }
0x24d: {  	s16 =	smul.u32 @p4 $0xA, s11  }
0x24e: {  	s11 =	ssub.s32 @p4 s11, s15  }
0x24f: {  	s15 =	ssub.s32 @p4 s17, s16;
	s11 =	smul.u32 @p4 $0x230, s11  }
0x250: {  	s15 =	smul.u32 @p4 $0x38, s15;
	_ =	sdelay $0x1  }
0x251: {  	s11 =	sadd.s32 @p4 s15, s11;
	s15 =	simm.s32 @p4 $0xD20  }
0x252: {  	[tilespmem:s15], [sflag:$0x1] =	stream.indirect.gather @p4 [hbm4b:s6+s29], $0x40, s11, s29, $0xb8;
	[tilespmem:$0x1FAE0] =	vst v63  }
0x253: {  	s16 =	simm.s32 @p4 $0x2620;
	s15 =	sadd.s32 @p4 $0x690, s11  }
0x254: {  	[tilespmem:s16], [sflag:$0x1] =	stream.indirect.gather @p4 [hbm4b:s8+s29], $0x40, s15, s29, $0xb8;
	[tilespmem:$0x1FAE0] =	vst v63  }
0x255: {  	s15 =	smul.u32 @p4 $0x32, s17;
	s16 =	simm.s32 @p4 $0x7120  }
0x256: {  	[tilespmem:s16], [sflag:$0x1] =	stream.indirect.gather @p4 [hbm4b:s14+s29], $0x10, s11, s29, $0xb8;
	[tilespmem:$0x1FAE0] =	vst v63  }
0x257: {  	s11 =	sadd.s32 @p4 s18, s15  }
0x258: {  	s11 =	sshll.u32 @p4 s11, $0x4  }
0x259: {  	s11 =	sor.u32 @p4 $0x8, s11  }
0x25a: {  	s16 =	simm.s32 @p4 $0x3F20;
	s15 =	sadd.s32 @p4 s12, s11  }
0x25b: {  	[tilespmem:s16], [sflag:$0x3] =	stream.strided.gather @p4 [hbm4b:s15+s5], $0xC80, s0, s5, $0x38;
	[tilespmem:$0x1FAE0] =	vst v63  }
0x25c: {  	s15 =	sadd.s32 @p4 s13, s11;
	s16 =	simm.s32 @p4 $0x5820  }
0x25d: {  	[tilespmem:s16], [sflag:$0x3] =	stream.strided.gather @p4 [hbm4b:s15+s5], $0xC80, s0, s5, $0x38;
	[tilespmem:$0x1FAE0] =	vst v63  }
0x25e: {  	s11 =	sadd.s32 @p4 s2, s11;
	s15 =	simm.s32 @p4 $0x7760  }
0x25f: {  	[tilespmem:s15], [sflag:$0x3] =	stream.strided.gather @p4 [hbm4b:s11+s5], $0xC80, s0, s5, $0x38;
	[tilespmem:$0x1FAE0] =	vst v63  }
0x260: {  	_ =	swait.ge [sflag:s9], $0xC80  }
0x261: {  	[sflag:s9] =	ssyncset.done $0x0  }
0x262: {  	[sflag:s9] =	ssyncadd.s32 $0xFFFFF380  }
0x263: {  	_ =	swait.ge [sflag:s9], $0xC80  }
0x264: {  	[sflag:s9] =	ssyncset.done $0x0  }
0x265: {  	[sflag:s9] =	ssyncadd.s32 $0xFFFFF380  }
0x266: {  	_ =	swait.ge [sflag:s9], $0x320  }
0x267: {  	[sflag:s9] =	ssyncset.done $0x0  }
0x268: {  	[sflag:s9] =	ssyncadd.s32 $0xFFFFFCE0  }
0x269: {  	_ =	swait.ge [sflag:s10], $0xC80  }
0x26a: {  	[sflag:s10] =	ssyncset.done $0x0  }
0x26b: {  	[sflag:s10] =	ssyncadd.s32 $0xFFFFF380  }
0x26c: {  	_ =	swait.ge [sflag:s10], $0xC80  }
0x26d: {  	[sflag:s10] =	ssyncset.done $0x0  }
0x26e: {  	[sflag:s10] =	ssyncadd.s32 $0xFFFFF380  }
0x26f: {  	_ =	swait.ge [sflag:s10], $0xC80  }
0x270: {  	[sflag:s10] =	ssyncset.done $0x0  }
0x271: {  	s15 =	simm.s32 $0x0;
	[sflag:s10] =	ssyncadd.s32 $0xFFFFF380  }
0x272: {  	v0 =	vld [tilespmem:s15+$0x83E0]  }
0x273: {  	v2 =	vld [tilespmem:s15+$0x83F0]  }
0x274: {  	v1 =	vld [tilespmem:s15+$0x32A0]  }
0x275: {  	v3 =	vld [tilespmem:s15+$0x32B0]  }
0x276: {  	v5 =	vld [tilespmem:s15+$0x19A0]  }
0x277: {  	v6 =	vld [tilespmem:s15+$0x19B0]  }
0x278: {  	v4 =	vld [tilespmem:s15+$0x19C0]  }
0x279: {  	v7 =	vld [tilespmem:s15+$0x4BA0]  }
0x27a: {  	v8 =	vld [tilespmem:s15+$0x64A0]  }
0x27b: {  	v9 =	vld [tilespmem:s15+$0x4BB0]  }
0x27c: {  	v10 =	vld [tilespmem:s15+$0x64B0]  }
0x27d: {  	v11 =	vld [tilespmem:s15+$0x4BC0]  }
0x27e: {  	s16 =	simm.s32 $0x7440;
	v12 =	vld [tilespmem:s15+$0x64C0]  }
0x27f: {  	s11 =	simm.s32 $0x100;
	v13 =	vld [tilespmem:s16+$0x0]  }
.LBB2_18:
0x280: {  	p3 =	sne.s32 s11, $0x3100;
	v14 =	vld [tilespmem:s15+$0x4BD0]  }
0x281: {  	v15 =	vld [tilespmem:s15+$0x64D0]  }
0x282: {  	v16 =	vld [tilespmem:s15+$0x19D0]  }
0x283: {  	v17 =	vld [tilespmem:s15+$0x32C0]  }
0x284: {  	vm0 =	vgt.f32 v13, $5.000000000e-01;
	v13 =	vld [tilespmem:s15+$0x32D0]  }
0x285: {  	v7 =	vsel vm0, v7, v8;
	v8 =	vsel vm0, v9, v10;
	v9 =	vsel vm0, v11, v12;
	v10 =	vld [tilespmem:s15+$0x8400]  }
0x286: {  	s17 =	sshra.s32 s11, $0x2;
	v5 =	vadd.f32 v5, v7;
	v6 =	vadd.f32 v6, v8;
	v7 =	vsel vm0, v14, v15;
	v8 =	vld [tilespmem:s15+$0x8410]  }
0x287: {  	v4 =	vadd.f32 v4, v9;
	v11 =	vld [tilespmem:s17+$0x83E0];
	v7 =	vadd.f32 v16, v7  }
0x288: {  	v9 =	vld [tilespmem:s17+$0x83F0];
	v5 =	vadd.f32 v1, v5;
	v6 =	vadd.f32 v3, v6  }
0x289: {  	v12 =	vadd.f32 v17, v4;
	v1 =	vld [tilespmem:s17+$0x32A0];
	v13 =	vadd.f32 v13, v7  }
0x28a: {  	v3 =	vld [tilespmem:s17+$0x32B0];
	[tilespmem:s15+$0x9CE0] =	vst v5;
	v4 =	vadd.f32 v0, v5;
	v7 =	vadd.f32 v2, v6  }
0x28b: {  	v10 =	vadd.f32 v10, v12;
	v5 =	vld [tilespmem:s17+$0x19A0];
	[tilespmem:s15+$0x9CF0] =	vst v6;
	v14 =	vadd.f32 v8, v13  }
0x28c: {  	v6 =	vld [tilespmem:s17+$0x19B0];
	[tilespmem:s15+$0xB5E0] =	vst v4;
	v0 =	vmov v11  }
0x28d: {  	v4 =	vld [tilespmem:s17+$0x19C0];
	[tilespmem:s15+$0xB5F0] =	vst v7;
	v2 =	vmov v9  }
0x28e: {  	v7 =	vld [tilespmem:s17+$0x4BA0];
	[tilespmem:s15+$0xB600] =	vst v10  }
0x28f: {  	v8 =	vld [tilespmem:s17+$0x64A0];
	[tilespmem:s15+$0xB610] =	vst v14  }
.Ltmp12:
0x290: {  	v9 =	vld [tilespmem:s17+$0x4BB0];
	[tilespmem:s15+$0x9D00] =	vst v12;
	(pc) =	sbr.rel @p3 .LBB2_18-.Ltmp12, $4  }
0x291: {  	v10 =	vld [tilespmem:s17+$0x64B0];
	[tilespmem:s15+$0x9D10] =	vst v13;
	s15 =	smov.u32 s17  }
0x292: {  	v11 =	vld [tilespmem:s15+$0x4BC0]  }
0x293: {  	s16 =	sadd.s32 $0x10, s16;
	v12 =	vld [tilespmem:s15+$0x64C0]  }
0x294: {  	s11 =	sadd.s32 $0x100, s11;
	v13 =	vld [tilespmem:s16+$0x0]  }
0x295: {  	_ =	sdelay $0x1  }
0x296: {  	v14 =	vld [tilespmem:s15+$0x4BD0]  }
0x297: {  	v15 =	vld [tilespmem:s15+$0x64D0]  }
0x298: {  	v16 =	vld [tilespmem:s15+$0x19D0];
	vm0 =	vgt.f32 v13, $5.000000000e-01  }
0x299: {  	v54 =	vld [tilespmem:s15+$0x32C0];
	v7 =	vsel vm0, v7, v8  }
0x29a: {  	v55 =	vld [tilespmem:s15+$0x32D0];
	v9 =	vsel vm0, v9, v10;
	v5 =	vadd.f32 v5, v7  }
0x29b: {  	v56 =	vsel vm0, v11, v12;
	v6 =	vadd.f32 v6, v9  }
0x29c: {  	v58 =	vsel vm0, v14, v15;
	v4 =	vadd.f32 v4, v56;
	v1 =	vadd.f32 v1, v5  }
0x29d: {  	v57 =	vld [tilespmem:s15+$0x8400];
	v60 =	vadd.f32 v16, v58;
	v3 =	vadd.f32 v3, v6  }
0x29e: {  	v59 =	vld [tilespmem:s15+$0x8410];
	v4 =	vadd.f32 v54, v4;
	[tilespmem:s15+$0x9CE0] =	vst v1  }
0x29f: {  	v61 =	vadd.f32 v55, v60;
	[tilespmem:s15+$0x9CF0] =	vst v3  }
0x2a0: {  	v0 =	vadd.f32 v0, v1;
	[tilespmem:s15+$0x9D00] =	vst v4  }
0x2a1: {  	v2 =	vadd.f32 v2, v3;
	[tilespmem:s15+$0x9D10] =	vst v61  }
0x2a2: {  	s1 =	sadd.s32 $0x1, s1;
	v62 =	vadd.f32 v57, v4;
	[tilespmem:s15+$0xB5E0] =	vst v0  }
0x2a3: {  	p3 =	sne.s32 s1, $0xC8;
	v63 =	vadd.f32 v59, v61;
	[tilespmem:s15+$0xB5F0] =	vst v2  }
.Ltmp13:
0x2a4: {  	[tilespmem:s15+$0xB600] =	vst v62;
	(pc) =	sbr.rel @p3 .LBB2_12-.Ltmp13, $4  }
.Ltmp14:
0x2a5: {  	s11 =	sadd.s32 s3, s19;
	s24 =	simm.s32 $0xB5E0;
	[tilespmem:s15+$0xB610] =	vst v63;
	(pc) =	sbr.rel @!p3 .LBB2_20-.Ltmp14, $4  }
0x2a6: {  	[hbm4b:s11+s5] =	stream.strided.scatter [tilespmem:s24], [sflag:$0x6], $0xC80, s0, s5, $0x38;
	[tilespmem:$0x1FAE0] =	vst v63  }
0x2a7: {  	s28 =	simm.s32 $0x9CE0  }
0x2a8: {  	[spmem:s4] =	stream.indirect.scatter.add.f32 [tilespmem:s28], [sflag:$0x8], $0x40, s21, s29, $0xb8;
	[tilespmem:$0x1FAE0] =	vst v63  }
0x2a9: {  	_ = 	snop  }
.LBB2_21:
0x2aa: {  	_ =	sfence.sel $0x180000  }
0x2ab: {  	[bflag:$0x0] =	sbarrier.arrive $0xFFFF  }
0x2ac: {  	_ =	strace $0x90000047  }
0x2ad: {  	[bflag:$0x2] =	sbarrier.arrive $0xFFFF  }
0x2ae: {  	p0 =	sne.s32 s17, $0x0;
	s0 =	rddreg [dreg:$0x5]  }
0x2af: {  	s0 =	sadd.s32 @!p0 $0x100000, s0  }
0x2b0: {  	[sflag:s0] =	ssyncadd.tile.s32 @!p0 $0x1;
	_ =	shalt  }
.Lfunc_end2:
_tile_overlayer_lowered:
.L_overlay_start_2:
0x2b1: {  	(tag) =	ssettag $0x2  }
0x2b2: {  	s0 =	rddreg [dreg:$0x0];
	s2 =	stileid.u32  }
0x2b3: {  	s1 =	rddreg [dreg:$0x1];
	p0 =	sne.s32 s2, $0x0  }
0x2b4: {  	s3 =	rddreg [dreg:$0x2];
	[bflag:$0x3] =	sbarrier.arrive $0xFFFF;
	s2 =	simm.s32 @!p0 $0x1C0A  }
0x2b5: {  	[timem:s3], [sflag:s2] =	dma.local @!p0 [hbm:s0], s1  }
0x2b6: {  	s0 =	simm.s32 @!p0 $0xA  }
0x2b7: {  	_ =	swait.ge @!p0 [sflag:s0], s1  }
0x2b8: {  	s1 =	ssub.s32 @!p0 $0x0, s1;
	[sflag:s0] =	ssyncset.done @!p0 $0x0  }
0x2b9: {  	[sflag:s0] =	ssyncadd.s32 @!p0 s1  }
0x2ba: {  	[bflag:$0x3] =	sbarrier.arrive $0xFFFF  }
0x2bb: {  	_ =	shalt  }

</sc_bundles>
